<compile_context>
chip_gen: v7x
topology: tpu7x:2x2x1
jax: 0.10.2.dev20260603
libtpu: 0.0.44.dev20260713+nightly
codegen_flags: <defaults>
</compile_context>

<pallas_src>
import functools

import jax
import jax.numpy as jnp
from jax import lax
from jax.experimental import pallas as pl
from jax.experimental.pallas import tpu as pltpu
from jax.experimental.pallas import tpu_sc as plsc

B = 128
N = 32768
KP = 1639
KB = 104896
NC = 2
NS = 16
NW = NC * NS
RPW = B // NW
RPS = B // NS
KEEP = 2048
CAND = 16384
IMIN = -2147483648
M31 = 0x7FFFFFFF

_i32 = jnp.int32
_f32 = jnp.float32


def _scal(v):
    return v[0] if getattr(v, "ndim", 0) else v


def _sortable(v):
    bits = lax.bitcast_convert_type(v, _i32)
    return bits ^ ((bits >> 31) & M31)


def _crossing(vec, k, lane):
    r = jnp.flip(vec, 0)
    cum = plsc.cumsum(r)
    m = cum >= k
    j0 = _scal(plsc.all_reduce_ffs(m))
    sel = lane == j0
    cum_at = jnp.sum(jnp.where(sel, cum, 0))
    r_at = jnp.sum(jnp.where(sel, r, 0))
    u = 15 - j0
    k_new = k - (cum_at - r_at)
    return u, k_new, r_at


def _analyze_hist(hist_v, k, lane, base=0):
    zero16 = jnp.zeros((16,), _i32)

    def chunk_body(cj, cv):
        def inner(j, acc):
            return acc + hist_v[pl.ds(base + cj * 256 + j * 16, 16)]
        acc = lax.fori_loop(0, 16, inner, zero16)
        return jnp.where(lane == cj, jnp.sum(acc), cv)

    chunkvec = lax.fori_loop(0, 16, chunk_body, zero16)
    cstar, kc, _ = _crossing(chunkvec, k, lane)

    def bin_body(j, bv):
        w = hist_v[pl.ds(base + cstar * 256 + j * 16, 16)]
        return jnp.where(lane == j, jnp.sum(w), bv)

    binvec = lax.fori_loop(0, 16, bin_body, zero16)
    b_in, k_new, _ = _crossing(binvec, kc, lane)

    def zbody(j, _):
        hist_v[pl.ds(base + j * 16, 16)] = zero16
        return 0

    lax.fori_loop(0, 256, zbody, 0)
    return cstar * 16 + b_in, k_new


def _pc(mask):
    return _scal(plsc.all_reduce_population_count(mask))


def _compact(dst_ref, y, mask, off_v):
    pos = plsc.cumsum(jnp.where(mask, 1, 0))
    plsc.store_scatter(dst_ref, [off_v + pos - 1], y, mask=mask)
    return off_v + plsc.all_reduce_population_count(mask)


def _k1_body(x_hbm, kept_hbm, t_hbm, xrow_v, y_v, hist_v, cand_v, keep_v, tb_v):
    c = lax.axis_index("c")
    s = lax.axis_index("s")
    wid = s * NC + c
    lane = lax.iota(_i32, 16)
    zero16 = jnp.zeros((16,), _i32)
    ones16 = jnp.ones((16,), _i32)
    fill16 = jnp.full((16,), IMIN, _i32)

    def zh(j, _):
        hist_v[pl.ds(j * 16, 16)] = zero16
        return 0

    lax.fori_loop(0, 512, zh, 0)

    def row_body(r, carry):
        t_vec, bg = carry
        row = wid * RPW + r
        pltpu.sync_copy(x_hbm.at[row], xrow_v)

        def zk(j, _):
            keep_v[pl.ds(j * 16, 16)] = fill16
            return 0

        lax.fori_loop(0, KEEP // 16, zk, 0)
        bg_v = zero16 + bg

        def s1(i, carry):
            ko, co = carry
            for u in range(4):
                off = (i * 4 + u) * 16
                y = _sortable(xrow_v[pl.ds(off, 16)])
                y_v[pl.ds(off, 16)] = y
                b = ((y >> 24) + 128) & 0xFF
                plsc.addupdate_scatter(hist_v, [b * 16 + lane], ones16)
                mk = (b > bg_v) & (ko < KEEP - 15)
                ko = _compact(keep_v, y, mk, ko)
                mc = (b == bg_v) & (co < CAND - 15)
                idx = 4096 + ((y >> 16) & 0xFF) * 16 + lane
                plsc.addupdate_scatter(hist_v, [idx], ones16, mask=mc)
                co = _compact(cand_v, y, mc, co)
            return ko, co

        ko_v, n_v = lax.fori_loop(0, N // 64, s1, (zero16, zero16))
        b0, k1r = _analyze_hist(hist_v, _i32(KP), lane)

        miss = (b0 != bg).astype(_i32)
        b0_v = zero16 + b0

        def zk2(j, _):
            keep_v[pl.ds(j * 16, 16)] = fill16
            return 0

        lax.fori_loop(0, miss * (KEEP // 16), zk2, 0)

        def zh2(j, _):
            hist_v[pl.ds(4096 + j * 16, 16)] = zero16
            return 0

        lax.fori_loop(0, miss * 256, zh2, 0)

        def s2(i, carry):
            ko, co = carry
            for u in range(4):
                off = (i * 4 + u) * 16
                y = y_v[pl.ds(off, 16)]
                b = ((y >> 24) + 128) & 0xFF
                mk = (b > b0_v) & (ko < KEEP - 15)
                ko = _compact(keep_v, y, mk, ko)
                mc = (b == b0_v) & (co < CAND - 15)
                idx = 4096 + ((y >> 16) & 0xFF) * 16 + lane
                plsc.addupdate_scatter(hist_v, [idx], ones16, mask=mc)
                co = _compact(cand_v, y, mc, co)
            return ko, co

        ko_r, n_r = lax.fori_loop(0, miss * (N // 64), s2, (zero16, zero16))
        ko_v = jnp.where(miss > 0, ko_r, ko_v)
        n_v = jnp.where(miss > 0, n_r, n_v)
        t_p = (b0 - 128) << 24

        def lvl(l, carry):
            ko, n_v, k_rem, t_p = carry
            sh = 24 - 8 * l
            b_l, k_new = _analyze_hist(hist_v, k_rem, lane, base=4096 * (l & 1))
            b_l_v = zero16 + b_l
            obase = 4096 * ((l + 1) & 1)

            def scn(i, cy):
                ko2, co2 = cy
                off = i * 16
                valid = (off + lane) < n_v
                y = cand_v[pl.ds(off, 16)]
                byt = (y >> sh) & 0xFF
                mk = valid & (byt > b_l_v) & (ko2 < KEEP - 15)
                ko2 = _compact(keep_v, y, mk, ko2)
                mc = valid & (byt == b_l_v)
                idx = obase + ((y >> (sh - 8)) & 0xFF) * 16 + lane
                plsc.addupdate_scatter(hist_v, [idx], ones16, mask=mc)
                co2 = _compact(cand_v, y, mc, co2)
                return ko2, co2

            ko, n2_v = lax.fori_loop(0, (n_v[0] + 15) >> 4, scn, (ko, zero16))
            t_p = t_p | (b_l << sh)
            return ko, n2_v, k_new, t_p

        ko_v, n3_v, k3, t_p = lax.fori_loop(1, 3, lvl, (ko_v, n_v, k1r, t_p))

        b3, _ = _analyze_hist(hist_v, k3, lane, base=4096)
        t_row = t_p | b3
        b3_v = zero16 + b3

        def fin(i, ko2):
            off = i * 16
            valid = (off + lane) < n3_v
            y = cand_v[pl.ds(off, 16)]
            mk = valid & ((y & 0xFF) >= b3_v) & (ko2 < KEEP - 15)
            return _compact(keep_v, y, mk, ko2)

        lax.fori_loop(0, (n3_v[0] + 15) >> 4, fin, ko_v)
        pltpu.sync_copy(keep_v, kept_hbm.at[row])
        return jnp.where(lane == r, t_row, t_vec), b0

    t_vec, _ = lax.fori_loop(0, RPW, row_body,
                             (jnp.zeros((16,), _i32), _i32(191)))
    tb_v[...] = t_vec
    pltpu.sync_copy(tb_v, t_hbm.at[pl.ds(wid * 16, 16)])


def _share_analyze(k, s, lane, hist_v, tmp_v, st_v, cnt_v, sh_hist, sh_cnt):
    zero16 = jnp.zeros((16,), _i32)
    pltpu.sync_copy(hist_v, sh_hist.at[s])

    def zh(j, _):
        hist_v[pl.ds(j * 16, 16)] = zero16
        return 0

    lax.fori_loop(0, 256, zh, 0)
    plsc.subcore_barrier()

    def wbody(w, accs):
        pltpu.sync_copy(sh_hist.at[w, pl.ds(s * 256, 256)], tmp_v)
        return tuple(accs[j] + tmp_v[pl.ds(j * 16, 16)] for j in range(16))

    accs = lax.fori_loop(0, 16, wbody, (zero16,) * 16)
    binvec = zero16
    for j in range(16):
        binvec = jnp.where(lane == j, jnp.sum(accs[j]), binvec)
    st_v[...] = binvec
    pltpu.sync_copy(st_v, sh_cnt.at[pl.ds(s * 16, 16)])
    plsc.subcore_barrier()
    pltpu.sync_copy(sh_cnt, cnt_v)

    def cb(cj, cv):
        return jnp.where(lane == cj, jnp.sum(cnt_v[pl.ds(cj * 16, 16)]), cv)

    chunkvec = lax.fori_loop(0, 16, cb, zero16)
    cstar, kc, _ = _crossing(chunkvec, k, lane)
    binvec2 = cnt_v[pl.ds(cstar * 16, 16)]
    b_in, k_new, _ = _crossing(binvec2, kc, lane)
    return cstar * 16 + b_in, k_new


def _k2_body(x_hbm, kept_hbm, t_hbm, out_hbm,
             kv_v, xrow_v, hist_v, cand_v, tmp_v, st_v, cnt_v, t16_v,
             sh_hist, sh_cnt):
    c = lax.axis_index("c")
    s = lax.axis_index("s")
    wid = s * NC + c
    lane = lax.iota(_i32, 16)
    zero16 = jnp.zeros((16,), _i32)
    ones16 = jnp.ones((16,), _i32)
    NKV = RPS * KEEP

    def zh(j, _):
        hist_v[pl.ds(j * 16, 16)] = zero16
        return 0

    lax.fori_loop(0, 256, zh, 0)
    pltpu.sync_copy(kept_hbm.at[pl.ds(s * NKV, NKV)], kv_v)

    def h0(i, _):
        for u in range(4):
            off = (i * 4 + u) * 16
            y = kv_v[pl.ds(off, 16)]
            b = ((y >> 24) + 128) & 0xFF
            plsc.addupdate_scatter(hist_v, [b * 16 + lane], ones16)
        return 0

    lax.fori_loop(0, NKV // 64, h0, 0)
    b0, k = _share_analyze(_i32(KB), s, lane, hist_v, tmp_v, st_v, cnt_v,
                           sh_hist, sh_cnt)

    b0_v = zero16 + b0

    def c0(i, co):
        for u in range(4):
            off = (i * 4 + u) * 16
            y = kv_v[pl.ds(off, 16)]
            b = ((y >> 24) + 128) & 0xFF
            mc = (b == b0_v) & (co < CAND - 15)
            idx = ((y >> 16) & 0xFF) * 16 + lane
            plsc.addupdate_scatter(hist_v, [idx], ones16, mask=mc)
            co = _compact(cand_v, y, mc, co)
        return co

    n_v = lax.fori_loop(0, NKV // 64, c0, zero16)
    T = (b0 - 128) << 24

    for l in (1, 2):
        sh = 24 - 8 * l
        b_l, k = _share_analyze(k, s, lane, hist_v, tmp_v, st_v, cnt_v,
                                sh_hist, sh_cnt)

        b_l_v = zero16 + b_l

        def cl(i, co, n_v=n_v, b_l_v=b_l_v, sh=sh):
            off = i * 16
            valid = (off + lane) < n_v
            y = cand_v[pl.ds(off, 16)]
            byt = (y >> sh) & 0xFF
            mc = valid & (byt == b_l_v) & (co < CAND - 15)
            idx = ((y >> (sh - 8)) & 0xFF) * 16 + lane
            plsc.addupdate_scatter(hist_v, [idx], ones16, mask=mc)
            return _compact(cand_v, y, mc, co)

        n_v = lax.fori_loop(0, (n_v[0] + 15) >> 4, cl, zero16)
        T = T | (b_l << sh)

    b3, k = _share_analyze(k, s, lane, hist_v, tmp_v, st_v, cnt_v,
                           sh_hist, sh_cnt)
    T = T | b3

    pltpu.sync_copy(t_hbm.at[pl.ds(wid * 16, 16)], t16_v)
    thr_vec = jnp.maximum(t16_v[...], T)

    def mrow(r, _):
        row = wid * RPW + r
        pltpu.sync_copy(x_hbm.at[row], xrow_v)
        thr = jnp.max(jnp.where(lane == r, thr_vec, IMIN))

        def mb(i, _):
            for u in range(4):
                off = (i * 4 + u) * 16
                v = xrow_v[pl.ds(off, 16)]
                keep = _sortable(v) >= thr
                xrow_v[pl.ds(off, 16)] = jnp.where(keep, v, _f32(0.0))
            return 0

        lax.fori_loop(0, N // 64, mb, 0)
        pltpu.sync_copy(xrow_v, out_hbm.at[row])
        return 0

    lax.fori_loop(0, RPW, mrow, 0)


@functools.cache
def _build():
    mesh = plsc.VectorSubcoreMesh(core_axis_name="c", subcore_axis_name="s")
    params = pltpu.CompilerParams(needs_layout_passes=False)
    k1 = pl.kernel(
        _k1_body,
        out_type=(
            jax.ShapeDtypeStruct((B, KEEP), _i32),
            jax.ShapeDtypeStruct((NW * 16,), _i32),
        ),
        mesh=mesh,
        scratch_types=[
            pltpu.VMEM((N,), _f32),
            pltpu.VMEM((N,), _i32),
            pltpu.VMEM((8192,), _i32),
            pltpu.VMEM((CAND,), _i32),
            pltpu.VMEM((KEEP,), _i32),
            pltpu.VMEM((16,), _i32),
        ],
        compiler_params=params,
    )
    k2 = pl.kernel(
        _k2_body,
        out_type=jax.ShapeDtypeStruct((B, N), _f32),
        mesh=mesh,
        scratch_types=[
            pltpu.VMEM((RPS * KEEP,), _i32),
            pltpu.VMEM((N,), _f32),
            pltpu.VMEM((4096,), _i32),
            pltpu.VMEM((CAND,), _i32),
            pltpu.VMEM((256,), _i32),
            pltpu.VMEM((16,), _i32),
            pltpu.VMEM((256,), _i32),
            pltpu.VMEM((16,), _i32),
            pltpu.VMEM_SHARED((16, 4096), _i32),
            pltpu.VMEM_SHARED((256,), _i32),
        ],
        compiler_params=params,
    )
    return k1, k2


def kernel(x):
    k1, k2 = _build()
    kept, t = k1(x)
    return k2(x, kept.reshape(-1), t)

# --- scband reference (transcript-rebuilt; emitter-appended) ---
"""Pipeline reference for scband-sparse-mlp-24910810317383 (READ-ONLY COPY).

The authoritative reference and input builder live on the scoring server;
editing this copy changes nothing except your own understanding.
"""

import jax, jax.numpy as jnp
import numpy as np
import math

K = 0.05
K_PERCENT = 0.5

def setup_inputs(seed: int = 0) -> dict:
    key = jax.random.key(seed)
    x = jax.random.normal(key, (128, 32768), dtype=jnp.float32)
    return {"x": x}

def reference(x):
    B, N = x.shape
    k_per_layer = math.ceil(K * N)
    k_batch = math.ceil(K_PERCENT * B * k_per_layer)
    # per-row top-k mask
    _, ind = jax.lax.top_k(x, k_per_layer)  # [B, k_per_layer]
    rows = jnp.broadcast_to(jnp.arange(B)[:, None], ind.shape)
    mask = jnp.zeros(x.shape, dtype=bool).at[rows.reshape(-1), ind.reshape(-1)].set(True)
    x = x * mask
    # zeros (masked-out entries) -> -inf so they never win the global top-k
    x = jnp.where(x == 0, -jnp.inf, x)
    # global top-k over flattened tensor
    _, flat_ind = jax.lax.top_k(x.reshape(-1), k_batch)
    r = flat_ind // N
    c = flat_ind % N
    mask2 = jnp.zeros(x.shape, dtype=bool).at[r, c].set(True)
    # nan_to_num(neginf=0)
    x = jnp.where(jnp.isneginf(x), 0.0, x)
    x = x * mask2
    return x

if __name__ == "__main__":
    import jax
    _d = setup_inputs()
    print(jax.jit(kernel)(*tuple(_d.values())))

</pallas_src>

<mosaic_0001>
#map = affine_map<(d0, d1) -> (0, 0)>
#map1 = affine_map<(d0, d1) -> (0)>
module attributes {stable_mosaic.version = 14 : i64} {
  func.func @_k1_body(%arg0: i32, %arg1: i32, %arg2: memref<128x32768xf32, #tpu.memory_space<hbm>>, %arg3: memref<128x2048xi32, #tpu.memory_space<hbm>>, %arg4: memref<512xi32, #tpu.memory_space<hbm>>, %arg5: memref<32768xf32, #tpu.memory_space<vmem>>, %arg6: memref<32768xi32, #tpu.memory_space<vmem>>, %arg7: memref<8192xi32, #tpu.memory_space<vmem>>, %arg8: memref<16384xi32, #tpu.memory_space<vmem>>, %arg9: memref<2048xi32, #tpu.memory_space<vmem>>, %arg10: memref<16xi32, #tpu.memory_space<vmem>>) attributes {dimension_semantics = [#tpu.dimension_semantics<core_parallel>, #tpu.dimension_semantics<subcore_parallel>], iteration_bounds = array<i64: 2, 16>, scalar_prefetch = 0 : i64, scratch_operands = 6 : i64, tpu.core_type = #tpu.core_type<sc_vector_subcore>, window_params = [{transform_indices = #map}, {transform_indices = #map}, {transform_indices = #map1}]} {
    %mul3A = arith.constant 2 : i32
    %mul3A_0 = arith.muli %arg1, %mul3A : i32
    %add3A = arith.addi %mul3A_0, %arg0 : i32
    %iota3A = tpu.iota {dimensions = array<i32: 0>} : vector<16xi32>
    %broadcast_in_dim3A = arith.constant 0 : i32
    %broadcast_in_dim3A_1 = vector.broadcast %broadcast_in_dim3A : i32 to vector<16xi32>
    %broadcast_in_dim3A_2 = arith.constant 1 : i32
    %broadcast_in_dim3A_3 = vector.broadcast %broadcast_in_dim3A_2 : i32 to vector<16xi32>
    %broadcast_in_dim3A_4 = arith.constant -2147483648 : i32
    %broadcast_in_dim3A_5 = vector.broadcast %broadcast_in_dim3A_4 : i32 to vector<16xi32>
    %scan3A = arith.constant 0 : i32
    %scan3A_6 = arith.constant 0 : i32
    %scan3A_7 = arith.constant 512 : i32
    %scan3A_8 = arith.addi %scan3A_6, %scan3A_7 : i32
    %scan3A_9 = arith.constant 1 : i32
    %scan3A_10 = scf.for %scan3A_24 = %scan3A_6 to %scan3A_8 step %scan3A_9 iter_args(%scan3A_25 = %scan3A) -> (i32)  : i32 {
      %mul3A_26 = arith.constant 16 : i32
      %mul3A_27 = arith.muli %scan3A_24, %mul3A_26 : i32
      %swap3A_28 = arith.index_cast %mul3A_27 : i32 to index
      %swap3A_29 = tpu.vector_load %arg7[%swap3A_28] {strides = array<i32>} : memref<8192xi32, #tpu.memory_space<vmem>>, vector<16xi32>,
      tpu.vector_store %arg7[%swap3A_28], %broadcast_in_dim3A_1 {strides = array<i32>} : memref<8192xi32, #tpu.memory_space<vmem>>, vector<16xi32>,
      %scan3A_30 = arith.constant 0 : i32
      scf.yield %scan3A_30 : i32
    }
    %scan3A_11 = arith.constant 512 : i32
    %broadcast_in_dim3A_12 = arith.constant 0 : i32
    %broadcast_in_dim3A_13 = vector.broadcast %broadcast_in_dim3A_12 : i32 to vector<16xi32>
    %scan3A_14 = arith.constant 191 : i32
    %scan3A_15 = arith.constant 0 : i32
    %scan3A_16 = arith.constant 4 : i32
    %scan3A_17 = arith.addi %scan3A_15, %scan3A_16 : i32
    %scan3A_18 = arith.constant 1 : i32
    %scan3A_19:2 = scf.for %scan3A_24 = %scan3A_15 to %scan3A_17 step %scan3A_18 iter_args(%scan3A_25 = %broadcast_in_dim3A_13, %scan3A_26 = %scan3A_14) -> (vector<16xi32>, i32)  : i32 {
      %mul3A_27 = arith.constant 4 : i32
      %mul3A_28 = arith.muli %add3A, %mul3A_27 : i32
      %add3A_29 = arith.addi %mul3A_28, %scan3A_24 : i32
      "tpu.region"() ({
        %run_scoped3A = tpu.sem_alloc : memref<!tpu.dma_semaphore, #tpu.memory_space<semaphore_mem>>
        %dma_start3A = arith.constant 0 : i32
        %dma_start3A_294 = tpu.memref_slice %arg2[%add3A_29, %dma_start3A] : memref<128x32768xf32, #tpu.memory_space<hbm>> -> memref<1x32768xf32, #tpu.memory_space<hbm>>
        %dma_start3A_295 = tpu.memref_squeeze %dma_start3A_294 : memref<1x32768xf32, #tpu.memory_space<hbm>> -> memref<32768xf32, #tpu.memory_space<hbm>>
        %dma_start3A_296 = arith.constant 0 : i32
        %dma_start3A_297 = tpu.memref_slice %arg2[%add3A_29, %dma_start3A_296] : memref<128x32768xf32, #tpu.memory_space<hbm>> -> memref<1x32768xf32, #tpu.memory_space<hbm>>
        %dma_start3A_298 = tpu.memref_squeeze %dma_start3A_297 : memref<1x32768xf32, #tpu.memory_space<hbm>> -> memref<32768xf32, #tpu.memory_space<hbm>>
        tpu.enqueue_dma source(%dma_start3A_298 : memref<32768xf32, #tpu.memory_space<hbm>>) target(%arg5 : memref<32768xf32, #tpu.memory_space<vmem>>) target_semaphore(%run_scoped3A : memref<!tpu.dma_semaphore, #tpu.memory_space<semaphore_mem>>)
        %dma_wait3A = arith.constant 0 : i32
        %dma_wait3A_299 = tpu.memref_slice %arg2[%add3A_29, %dma_wait3A] : memref<128x32768xf32, #tpu.memory_space<hbm>> -> memref<1x32768xf32, #tpu.memory_space<hbm>>
        %dma_wait3A_300 = tpu.memref_squeeze %dma_wait3A_299 : memref<1x32768xf32, #tpu.memory_space<hbm>> -> memref<32768xf32, #tpu.memory_space<hbm>>
        %dma_wait3A_301 = arith.constant 0 : i32
        %dma_wait3A_302 = tpu.memref_slice %arg2[%add3A_29, %dma_wait3A_301] : memref<128x32768xf32, #tpu.memory_space<hbm>> -> memref<1x32768xf32, #tpu.memory_space<hbm>>
        %dma_wait3A_303 = tpu.memref_squeeze %dma_wait3A_302 : memref<1x32768xf32, #tpu.memory_space<hbm>> -> memref<32768xf32, #tpu.memory_space<hbm>>
        tpu.wait_dma2 semaphore(%run_scoped3A : memref<!tpu.dma_semaphore, #tpu.memory_space<semaphore_mem>>) src(%dma_wait3A_303 : memref<32768xf32, #tpu.memory_space<hbm>>) dst(%arg5 : memref<32768xf32, #tpu.memory_space<vmem>>)
        tpu.yield
      }) : () -> ()
      %scan3A_30 = arith.constant 0 : i32
      %scan3A_31 = arith.constant 0 : i32
      %scan3A_32 = arith.constant 128 : i32
      %scan3A_33 = arith.addi %scan3A_31, %scan3A_32 : i32
      %scan3A_34 = arith.constant 1 : i32
      %scan3A_35 = scf.for %scan3A_294 = %scan3A_31 to %scan3A_33 step %scan3A_34 iter_args(%scan3A_295 = %scan3A_30) -> (i32)  : i32 {
        %mul3A_296 = arith.constant 16 : i32
        %mul3A_297 = arith.muli %scan3A_294, %mul3A_296 : i32
        %swap3A_298 = arith.index_cast %mul3A_297 : i32 to index
        %swap3A_299 = tpu.vector_load %arg9[%swap3A_298] {strides = array<i32>} : memref<2048xi32, #tpu.memory_space<vmem>>, vector<16xi32>,
        tpu.vector_store %arg9[%swap3A_298], %broadcast_in_dim3A_5 {strides = array<i32>} : memref<2048xi32, #tpu.memory_space<vmem>>, vector<16xi32>,
        %scan3A_300 = arith.constant 0 : i32
        scf.yield %scan3A_300 : i32
      }
      %scan3A_36 = arith.constant 128 : i32
      %add3A_37 = vector.broadcast %scan3A_26 : i32 to vector<16xi32>
      %add3A_38 = arith.addi %broadcast_in_dim3A_1, %add3A_37 : vector<16xi32>
      %scan3A_39 = arith.constant 0 : i32
      %scan3A_40 = arith.constant 512 : i32
      %scan3A_41 = arith.addi %scan3A_39, %scan3A_40 : i32
      %scan3A_42 = arith.constant 1 : i32
      %scan3A_43:2 = scf.for %scan3A_294 = %scan3A_39 to %scan3A_41 step %scan3A_42 iter_args(%scan3A_295 = %broadcast_in_dim3A_1, %scan3A_296 = %broadcast_in_dim3A_1) -> (vector<16xi32>, vector<16xi32>)  : i32 {
        %mul3A_297 = arith.constant 4 : i32
        %mul3A_298 = arith.muli %scan3A_294, %mul3A_297 : i32
        %add3A_299 = arith.constant 0 : i32
        %add3A_300 = arith.addi %mul3A_298, %add3A_299 : i32
        %mul3A_301 = arith.constant 16 : i32
        %mul3A_302 = arith.muli %add3A_300, %mul3A_301 : i32
        %get3A = arith.index_cast %mul3A_302 : i32 to index
        %get3A_303 = tpu.vector_load %arg5[%get3A] {strides = array<i32>} : memref<32768xf32, #tpu.memory_space<vmem>>, vector<16xf32>,
        %bitcast_convert_type3A = tpu.bitcast %get3A_303 : vector<16xf32> -> vector<16xi32>
        %shift_right_arithmetic3A_304 = arith.constant 31 : i32
        %shift_right_arithmetic3A_305 = vector.broadcast %shift_right_arithmetic3A_304 : i32 to vector<16xi32>
        %shift_right_arithmetic3A_306 = arith.shrsi %bitcast_convert_type3A, %shift_right_arithmetic3A_305 : vector<16xi32>
        %and3A = arith.constant 2147483647 : i32
        %and3A_307 = vector.broadcast %and3A : i32 to vector<16xi32>
        %and3A_308 = arith.andi %shift_right_arithmetic3A_306, %and3A_307 : vector<16xi32>
        %xor3A = arith.xori %bitcast_convert_type3A, %and3A_308 : vector<16xi32>
        %swap3A_309 = arith.index_cast %mul3A_302 : i32 to index
        %swap3A_310 = tpu.vector_load %arg6[%swap3A_309] {strides = array<i32>} : memref<32768xi32, #tpu.memory_space<vmem>>, vector<16xi32>,
        tpu.vector_store %arg6[%swap3A_309], %xor3A {strides = array<i32>} : memref<32768xi32, #tpu.memory_space<vmem>>, vector<16xi32>,
        %shift_right_arithmetic3A_311 = arith.constant 24 : i32
        %shift_right_arithmetic3A_312 = vector.broadcast %shift_right_arithmetic3A_311 : i32 to vector<16xi32>
        %shift_right_arithmetic3A_313 = arith.shrsi %xor3A, %shift_right_arithmetic3A_312 : vector<16xi32>
        %add3A_314 = arith.constant 128 : i32
        %add3A_315 = vector.broadcast %add3A_314 : i32 to vector<16xi32>
        %add3A_316 = arith.addi %shift_right_arithmetic3A_313, %add3A_315 : vector<16xi32>
        %and3A_317 = arith.constant 255 : i32
        %and3A_318 = vector.broadcast %and3A_317 : i32 to vector<16xi32>
        %and3A_319 = arith.andi %add3A_316, %and3A_318 : vector<16xi32>
        %mul3A_320 = arith.constant 16 : i32
        %mul3A_321 = vector.broadcast %mul3A_320 : i32 to vector<16xi32>
        %mul3A_322 = arith.muli %and3A_319, %mul3A_321 : vector<16xi32>
        %add3A_323 = arith.addi %mul3A_322, %iota3A : vector<16xi32>
        tpu.vector_store_idx %arg7[%add3A_323], %broadcast_in_dim3A_3 {add = true} : memref<8192xi32, #tpu.memory_space<vmem>>[vector<16xi32>], vector<16xi32>,
        %gt3A_324 = arith.cmpi sgt, %and3A_319, %add3A_38 : vector<16xi32>
        %lt3A = arith.constant 2033 : i32
        %lt3A_325 = vector.broadcast %lt3A : i32 to vector<16xi32>
        %lt3A_326 = arith.cmpi slt, %scan3A_295, %lt3A_325 : vector<16xi32>
        %and3A_327 = arith.andi %gt3A_324, %lt3A_326 : vector<16xi1>
        %jit3A_328 = arith.constant 1 : i32
        %jit3A_329 = arith.constant 0 : i32
        %broadcast_in_dim3A_330 = vector.broadcast %jit3A_328 : i32 to vector<16xi32>
        %broadcast_in_dim3A_331 = vector.broadcast %jit3A_329 : i32 to vector<16xi32>
        %select_n3A_332 = arith.select %and3A_327, %broadcast_in_dim3A_330, %broadcast_in_dim3A_331 : vector<16xi1>, vector<16xi32>
        %broadcast_in_dim3A_333 = arith.constant true
        %broadcast_in_dim3A_334 = vector.broadcast %broadcast_in_dim3A_333 : i1 to vector<16xi1>
        %masked_cumsum3A_335 = tpu.scan <sum>, %select_n3A_332 masked %broadcast_in_dim3A_334 : vector<16xi32>, vector<16xi1> -> vector<16xi32>
        %add3A_336 = arith.addi %scan3A_295, %masked_cumsum3A_335 : vector<16xi32>
        %sub3A_337 = arith.constant 1 : i32
        %sub3A_338 = vector.broadcast %sub3A_337 : i32 to vector<16xi32>
        %sub3A_339 = arith.subi %add3A_336, %sub3A_338 : vector<16xi32>
        tpu.vector_store_idx %arg9[%sub3A_339], %xor3A masked %and3A_327 : memref<2048xi32, #tpu.memory_space<vmem>>[vector<16xi32>], vector<16xi32>, vector<16xi1>
        %all_reduce_population_count3A = tpu.all_reduce %and3A_327 {dim = 0 : i64, kind = #tpu.reduction_kind<sum>} : vector<16xi1> -> vector<16xi32>
        %add3A_340 = arith.addi %scan3A_295, %all_reduce_population_count3A : vector<16xi32>
        %eq3A_341 = arith.cmpi eq, %and3A_319, %add3A_38 : vector<16xi32>
        %lt3A_342 = arith.constant 16369 : i32
        %lt3A_343 = vector.broadcast %lt3A_342 : i32 to vector<16xi32>
        %lt3A_344 = arith.cmpi slt, %scan3A_296, %lt3A_343 : vector<16xi32>
        %and3A_345 = arith.andi %eq3A_341, %lt3A_344 : vector<16xi1>
        %shift_right_arithmetic3A_346 = arith.constant 16 : i32
        %shift_right_arithmetic3A_347 = vector.broadcast %shift_right_arithmetic3A_346 : i32 to vector<16xi32>
        %shift_right_arithmetic3A_348 = arith.shrsi %xor3A, %shift_right_arithmetic3A_347 : vector<16xi32>
        %and3A_349 = arith.constant 255 : i32
        %and3A_350 = vector.broadcast %and3A_349 : i32 to vector<16xi32>
        %and3A_351 = arith.andi %shift_right_arithmetic3A_348, %and3A_350 : vector<16xi32>
        %mul3A_352 = arith.constant 16 : i32
        %mul3A_353 = vector.broadcast %mul3A_352 : i32 to vector<16xi32>
        %mul3A_354 = arith.muli %and3A_351, %mul3A_353 : vector<16xi32>
        %add3A_355 = arith.constant 4096 : i32
        %add3A_356 = vector.broadcast %add3A_355 : i32 to vector<16xi32>
        %add3A_357 = arith.addi %add3A_356, %mul3A_354 : vector<16xi32>
        %add3A_358 = arith.addi %add3A_357, %iota3A : vector<16xi32>
        tpu.vector_store_idx %arg7[%add3A_358], %broadcast_in_dim3A_3 masked %and3A_345 {add = true} : memref<8192xi32, #tpu.memory_space<vmem>>[vector<16xi32>], vector<16xi32>, vector<16xi1>
        %jit3A_359 = arith.constant 1 : i32
        %jit3A_360 = arith.constant 0 : i32
        %broadcast_in_dim3A_361 = vector.broadcast %jit3A_359 : i32 to vector<16xi32>
        %broadcast_in_dim3A_362 = vector.broadcast %jit3A_360 : i32 to vector<16xi32>
        %select_n3A_363 = arith.select %and3A_345, %broadcast_in_dim3A_361, %broadcast_in_dim3A_362 : vector<16xi1>, vector<16xi32>
        %broadcast_in_dim3A_364 = arith.constant true
        %broadcast_in_dim3A_365 = vector.broadcast %broadcast_in_dim3A_364 : i1 to vector<16xi1>
        %masked_cumsum3A_366 = tpu.scan <sum>, %select_n3A_363 masked %broadcast_in_dim3A_365 : vector<16xi32>, vector<16xi1> -> vector<16xi32>
        %add3A_367 = arith.addi %scan3A_296, %masked_cumsum3A_366 : vector<16xi32>
        %sub3A_368 = arith.constant 1 : i32
        %sub3A_369 = vector.broadcast %sub3A_368 : i32 to vector<16xi32>
        %sub3A_370 = arith.subi %add3A_367, %sub3A_369 : vector<16xi32>
        tpu.vector_store_idx %arg8[%sub3A_370], %xor3A masked %and3A_345 : memref<16384xi32, #tpu.memory_space<vmem>>[vector<16xi32>], vector<16xi32>, vector<16xi1>
        %all_reduce_population_count3A_371 = tpu.all_reduce %and3A_345 {dim = 0 : i64, kind = #tpu.reduction_kind<sum>} : vector<16xi1> -> vector<16xi32>
        %add3A_372 = arith.addi %scan3A_296, %all_reduce_population_count3A_371 : vector<16xi32>
        %mul3A_373 = arith.constant 4 : i32
        %mul3A_374 = arith.muli %scan3A_294, %mul3A_373 : i32
        %add3A_375 = arith.constant 1 : i32
        %add3A_376 = arith.addi %mul3A_374, %add3A_375 : i32
        %mul3A_377 = arith.constant 16 : i32
        %mul3A_378 = arith.muli %add3A_376, %mul3A_377 : i32
        %get3A_379 = arith.index_cast %mul3A_378 : i32 to index
        %get3A_380 = tpu.vector_load %arg5[%get3A_379] {strides = array<i32>} : memref<32768xf32, #tpu.memory_space<vmem>>, vector<16xf32>,
        %bitcast_convert_type3A_381 = tpu.bitcast %get3A_380 : vector<16xf32> -> vector<16xi32>
        %shift_right_arithmetic3A_382 = arith.constant 31 : i32
        %shift_right_arithmetic3A_383 = vector.broadcast %shift_right_arithmetic3A_382 : i32 to vector<16xi32>
        %shift_right_arithmetic3A_384 = arith.shrsi %bitcast_convert_type3A_381, %shift_right_arithmetic3A_383 : vector<16xi32>
        %and3A_385 = arith.constant 2147483647 : i32
        %and3A_386 = vector.broadcast %and3A_385 : i32 to vector<16xi32>
        %and3A_387 = arith.andi %shift_right_arithmetic3A_384, %and3A_386 : vector<16xi32>
        %xor3A_388 = arith.xori %bitcast_convert_type3A_381, %and3A_387 : vector<16xi32>
        %swap3A_389 = arith.index_cast %mul3A_378 : i32 to index
        %swap3A_390 = tpu.vector_load %arg6[%swap3A_389] {strides = array<i32>} : memref<32768xi32, #tpu.memory_space<vmem>>, vector<16xi32>,
        tpu.vector_store %arg6[%swap3A_389], %xor3A_388 {strides = array<i32>} : memref<32768xi32, #tpu.memory_space<vmem>>, vector<16xi32>,
        %shift_right_arithmetic3A_391 = arith.constant 24 : i32
        %shift_right_arithmetic3A_392 = vector.broadcast %shift_right_arithmetic3A_391 : i32 to vector<16xi32>
        %shift_right_arithmetic3A_393 = arith.shrsi %xor3A_388, %shift_right_arithmetic3A_392 : vector<16xi32>
        %add3A_394 = arith.constant 128 : i32
        %add3A_395 = vector.broadcast %add3A_394 : i32 to vector<16xi32>
        %add3A_396 = arith.addi %shift_right_arithmetic3A_393, %add3A_395 : vector<16xi32>
        %and3A_397 = arith.constant 255 : i32
        %and3A_398 = vector.broadcast %and3A_397 : i32 to vector<16xi32>
        %and3A_399 = arith.andi %add3A_396, %and3A_398 : vector<16xi32>
        %mul3A_400 = arith.constant 16 : i32
        %mul3A_401 = vector.broadcast %mul3A_400 : i32 to vector<16xi32>
        %mul3A_402 = arith.muli %and3A_399, %mul3A_401 : vector<16xi32>
        %add3A_403 = arith.addi %mul3A_402, %iota3A : vector<16xi32>
        tpu.vector_store_idx %arg7[%add3A_403], %broadcast_in_dim3A_3 {add = true} : memref<8192xi32, #tpu.memory_space<vmem>>[vector<16xi32>], vector<16xi32>,
        %gt3A_404 = arith.cmpi sgt, %and3A_399, %add3A_38 : vector<16xi32>
        %lt3A_405 = arith.constant 2033 : i32
        %lt3A_406 = vector.broadcast %lt3A_405 : i32 to vector<16xi32>
        %lt3A_407 = arith.cmpi slt, %add3A_340, %lt3A_406 : vector<16xi32>
        %and3A_408 = arith.andi %gt3A_404, %lt3A_407 : vector<16xi1>
        %jit3A_409 = arith.constant 1 : i32
        %jit3A_410 = arith.constant 0 : i32
        %broadcast_in_dim3A_411 = vector.broadcast %jit3A_409 : i32 to vector<16xi32>
        %broadcast_in_dim3A_412 = vector.broadcast %jit3A_410 : i32 to vector<16xi32>
        %select_n3A_413 = arith.select %and3A_408, %broadcast_in_dim3A_411, %broadcast_in_dim3A_412 : vector<16xi1>, vector<16xi32>
        %broadcast_in_dim3A_414 = arith.constant true
        %broadcast_in_dim3A_415 = vector.broadcast %broadcast_in_dim3A_414 : i1 to vector<16xi1>
        %masked_cumsum3A_416 = tpu.scan <sum>, %select_n3A_413 masked %broadcast_in_dim3A_415 : vector<16xi32>, vector<16xi1> -> vector<16xi32>
        %add3A_417 = arith.addi %add3A_340, %masked_cumsum3A_416 : vector<16xi32>
        %sub3A_418 = arith.constant 1 : i32
        %sub3A_419 = vector.broadcast %sub3A_418 : i32 to vector<16xi32>
        %sub3A_420 = arith.subi %add3A_417, %sub3A_419 : vector<16xi32>
        tpu.vector_store_idx %arg9[%sub3A_420], %xor3A_388 masked %and3A_408 : memref<2048xi32, #tpu.memory_space<vmem>>[vector<16xi32>], vector<16xi32>, vector<16xi1>
        %all_reduce_population_count3A_421 = tpu.all_reduce %and3A_408 {dim = 0 : i64, kind = #tpu.reduction_kind<sum>} : vector<16xi1> -> vector<16xi32>
        %add3A_422 = arith.addi %add3A_340, %all_reduce_population_count3A_421 : vector<16xi32>
        %eq3A_423 = arith.cmpi eq, %and3A_399, %add3A_38 : vector<16xi32>
        %lt3A_424 = arith.constant 16369 : i32
        %lt3A_425 = vector.broadcast %lt3A_424 : i32 to vector<16xi32>
        %lt3A_426 = arith.cmpi slt, %add3A_372, %lt3A_425 : vector<16xi32>
        %and3A_427 = arith.andi %eq3A_423, %lt3A_426 : vector<16xi1>
        %shift_right_arithmetic3A_428 = arith.constant 16 : i32
        %shift_right_arithmetic3A_429 = vector.broadcast %shift_right_arithmetic3A_428 : i32 to vector<16xi32>
        %shift_right_arithmetic3A_430 = arith.shrsi %xor3A_388, %shift_right_arithmetic3A_429 : vector<16xi32>
        %and3A_431 = arith.constant 255 : i32
        %and3A_432 = vector.broadcast %and3A_431 : i32 to vector<16xi32>
        %and3A_433 = arith.andi %shift_right_arithmetic3A_430, %and3A_432 : vector<16xi32>
        %mul3A_434 = arith.constant 16 : i32
        %mul3A_435 = vector.broadcast %mul3A_434 : i32 to vector<16xi32>
        %mul3A_436 = arith.muli %and3A_433, %mul3A_435 : vector<16xi32>
        %add3A_437 = arith.constant 4096 : i32
        %add3A_438 = vector.broadcast %add3A_437 : i32 to vector<16xi32>
        %add3A_439 = arith.addi %add3A_438, %mul3A_436 : vector<16xi32>
        %add3A_440 = arith.addi %add3A_439, %iota3A : vector<16xi32>
        tpu.vector_store_idx %arg7[%add3A_440], %broadcast_in_dim3A_3 masked %and3A_427 {add = true} : memref<8192xi32, #tpu.memory_space<vmem>>[vector<16xi32>], vector<16xi32>, vector<16xi1>
        %jit3A_441 = arith.constant 1 : i32
        %jit3A_442 = arith.constant 0 : i32
        %broadcast_in_dim3A_443 = vector.broadcast %jit3A_441 : i32 to vector<16xi32>
        %broadcast_in_dim3A_444 = vector.broadcast %jit3A_442 : i32 to vector<16xi32>
        %select_n3A_445 = arith.select %and3A_427, %broadcast_in_dim3A_443, %broadcast_in_dim3A_444 : vector<16xi1>, vector<16xi32>
        %broadcast_in_dim3A_446 = arith.constant true
        %broadcast_in_dim3A_447 = vector.broadcast %broadcast_in_dim3A_446 : i1 to vector<16xi1>
        %masked_cumsum3A_448 = tpu.scan <sum>, %select_n3A_445 masked %broadcast_in_dim3A_447 : vector<16xi32>, vector<16xi1> -> vector<16xi32>
        %add3A_449 = arith.addi %add3A_372, %masked_cumsum3A_448 : vector<16xi32>
        %sub3A_450 = arith.constant 1 : i32
        %sub3A_451 = vector.broadcast %sub3A_450 : i32 to vector<16xi32>
        %sub3A_452 = arith.subi %add3A_449, %sub3A_451 : vector<16xi32>
        tpu.vector_store_idx %arg8[%sub3A_452], %xor3A_388 masked %and3A_427 : memref<16384xi32, #tpu.memory_space<vmem>>[vector<16xi32>], vector<16xi32>, vector<16xi1>
        %all_reduce_population_count3A_453 = tpu.all_reduce %and3A_427 {dim = 0 : i64, kind = #tpu.reduction_kind<sum>} : vector<16xi1> -> vector<16xi32>
        %add3A_454 = arith.addi %add3A_372, %all_reduce_population_count3A_453 : vector<16xi32>
        %mul3A_455 = arith.constant 4 : i32
        %mul3A_456 = arith.muli %scan3A_294, %mul3A_455 : i32
        %add3A_457 = arith.constant 2 : i32
        %add3A_458 = arith.addi %mul3A_456, %add3A_457 : i32
        %mul3A_459 = arith.constant 16 : i32
        %mul3A_460 = arith.muli %add3A_458, %mul3A_459 : i32
        %get3A_461 = arith.index_cast %mul3A_460 : i32 to index
        %get3A_462 = tpu.vector_load %arg5[%get3A_461] {strides = array<i32>} : memref<32768xf32, #tpu.memory_space<vmem>>, vector<16xf32>,
        %bitcast_convert_type3A_463 = tpu.bitcast %get3A_462 : vector<16xf32> -> vector<16xi32>
        %shift_right_arithmetic3A_464 = arith.constant 31 : i32
        %shift_right_arithmetic3A_465 = vector.broadcast %shift_right_arithmetic3A_464 : i32 to vector<16xi32>
        %shift_right_arithmetic3A_466 = arith.shrsi %bitcast_convert_type3A_463, %shift_right_arithmetic3A_465 : vector<16xi32>
        %and3A_467 = arith.constant 2147483647 : i32
        %and3A_468 = vector.broadcast %and3A_467 : i32 to vector<16xi32>
        %and3A_469 = arith.andi %shift_right_arithmetic3A_466, %and3A_468 : vector<16xi32>
        %xor3A_470 = arith.xori %bitcast_convert_type3A_463, %and3A_469 : vector<16xi32>
        %swap3A_471 = arith.index_cast %mul3A_460 : i32 to index
        %swap3A_472 = tpu.vector_load %arg6[%swap3A_471] {strides = array<i32>} : memref<32768xi32, #tpu.memory_space<vmem>>, vector<16xi32>,
        tpu.vector_store %arg6[%swap3A_471], %xor3A_470 {strides = array<i32>} : memref<32768xi32, #tpu.memory_space<vmem>>, vector<16xi32>,
        %shift_right_arithmetic3A_473 = arith.constant 24 : i32
        %shift_right_arithmetic3A_474 = vector.broadcast %shift_right_arithmetic3A_473 : i32 to vector<16xi32>
        %shift_right_arithmetic3A_475 = arith.shrsi %xor3A_470, %shift_right_arithmetic3A_474 : vector<16xi32>
        %add3A_476 = arith.constant 128 : i32
        %add3A_477 = vector.broadcast %add3A_476 : i32 to vector<16xi32>
        %add3A_478 = arith.addi %shift_right_arithmetic3A_475, %add3A_477 : vector<16xi32>
        %and3A_479 = arith.constant 255 : i32
        %and3A_480 = vector.broadcast %and3A_479 : i32 to vector<16xi32>
        %and3A_481 = arith.andi %add3A_478, %and3A_480 : vector<16xi32>
        %mul3A_482 = arith.constant 16 : i32
        %mul3A_483 = vector.broadcast %mul3A_482 : i32 to vector<16xi32>
        %mul3A_484 = arith.muli %and3A_481, %mul3A_483 : vector<16xi32>
        %add3A_485 = arith.addi %mul3A_484, %iota3A : vector<16xi32>
        tpu.vector_store_idx %arg7[%add3A_485], %broadcast_in_dim3A_3 {add = true} : memref<8192xi32, #tpu.memory_space<vmem>>[vector<16xi32>], vector<16xi32>,
        %gt3A_486 = arith.cmpi sgt, %and3A_481, %add3A_38 : vector<16xi32>
        %lt3A_487 = arith.constant 2033 : i32
        %lt3A_488 = vector.broadcast %lt3A_487 : i32 to vector<16xi32>
        %lt3A_489 = arith.cmpi slt, %add3A_422, %lt3A_488 : vector<16xi32>
        %and3A_490 = arith.andi %gt3A_486, %lt3A_489 : vector<16xi1>
        %jit3A_491 = arith.constant 1 : i32
        %jit3A_492 = arith.constant 0 : i32
        %broadcast_in_dim3A_493 = vector.broadcast %jit3A_491 : i32 to vector<16xi32>
        %broadcast_in_dim3A_494 = vector.broadcast %jit3A_492 : i32 to vector<16xi32>
        %select_n3A_495 = arith.select %and3A_490, %broadcast_in_dim3A_493, %broadcast_in_dim3A_494 : vector<16xi1>, vector<16xi32>
        %broadcast_in_dim3A_496 = arith.constant true
        %broadcast_in_dim3A_497 = vector.broadcast %broadcast_in_dim3A_496 : i1 to vector<16xi1>
        %masked_cumsum3A_498 = tpu.scan <sum>, %select_n3A_495 masked %broadcast_in_dim3A_497 : vector<16xi32>, vector<16xi1> -> vector<16xi32>
        %add3A_499 = arith.addi %add3A_422, %masked_cumsum3A_498 : vector<16xi32>
        %sub3A_500 = arith.constant 1 : i32
        %sub3A_501 = vector.broadcast %sub3A_500 : i32 to vector<16xi32>
        %sub3A_502 = arith.subi %add3A_499, %sub3A_501 : vector<16xi32>
        tpu.vector_store_idx %arg9[%sub3A_502], %xor3A_470 masked %and3A_490 : memref<2048xi32, #tpu.memory_space<vmem>>[vector<16xi32>], vector<16xi32>, vector<16xi1>
        %all_reduce_population_count3A_503 = tpu.all_reduce %and3A_490 {dim = 0 : i64, kind = #tpu.reduction_kind<sum>} : vector<16xi1> -> vector<16xi32>
        %add3A_504 = arith.addi %add3A_422, %all_reduce_population_count3A_503 : vector<16xi32>
        %eq3A_505 = arith.cmpi eq, %and3A_481, %add3A_38 : vector<16xi32>
        %lt3A_506 = arith.constant 16369 : i32
        %lt3A_507 = vector.broadcast %lt3A_506 : i32 to vector<16xi32>
        %lt3A_508 = arith.cmpi slt, %add3A_454, %lt3A_507 : vector<16xi32>
        %and3A_509 = arith.andi %eq3A_505, %lt3A_508 : vector<16xi1>
        %shift_right_arithmetic3A_510 = arith.constant 16 : i32
        %shift_right_arithmetic3A_511 = vector.broadcast %shift_right_arithmetic3A_510 : i32 to vector<16xi32>
        %shift_right_arithmetic3A_512 = arith.shrsi %xor3A_470, %shift_right_arithmetic3A_511 : vector<16xi32>
        %and3A_513 = arith.constant 255 : i32
        %and3A_514 = vector.broadcast %and3A_513 : i32 to vector<16xi32>
        %and3A_515 = arith.andi %shift_right_arithmetic3A_512, %and3A_514 : vector<16xi32>
        %mul3A_516 = arith.constant 16 : i32
        %mul3A_517 = vector.broadcast %mul3A_516 : i32 to vector<16xi32>
        %mul3A_518 = arith.muli %and3A_515, %mul3A_517 : vector<16xi32>
        %add3A_519 = arith.constant 4096 : i32
        %add3A_520 = vector.broadcast %add3A_519 : i32 to vector<16xi32>
        %add3A_521 = arith.addi %add3A_520, %mul3A_518 : vector<16xi32>
        %add3A_522 = arith.addi %add3A_521, %iota3A : vector<16xi32>
        tpu.vector_store_idx %arg7[%add3A_522], %broadcast_in_dim3A_3 masked %and3A_509 {add = true} : memref<8192xi32, #tpu.memory_space<vmem>>[vector<16xi32>], vector<16xi32>, vector<16xi1>
        %jit3A_523 = arith.constant 1 : i32
        %jit3A_524 = arith.constant 0 : i32
        %broadcast_in_dim3A_525 = vector.broadcast %jit3A_523 : i32 to vector<16xi32>
        %broadcast_in_dim3A_526 = vector.broadcast %jit3A_524 : i32 to vector<16xi32>
        %select_n3A_527 = arith.select %and3A_509, %broadcast_in_dim3A_525, %broadcast_in_dim3A_526 : vector<16xi1>, vector<16xi32>
        %broadcast_in_dim3A_528 = arith.constant true
        %broadcast_in_dim3A_529 = vector.broadcast %broadcast_in_dim3A_528 : i1 to vector<16xi1>
        %masked_cumsum3A_530 = tpu.scan <sum>, %select_n3A_527 masked %broadcast_in_dim3A_529 : vector<16xi32>, vector<16xi1> -> vector<16xi32>
        %add3A_531 = arith.addi %add3A_454, %masked_cumsum3A_530 : vector<16xi32>
        %sub3A_532 = arith.constant 1 : i32
        %sub3A_533 = vector.broadcast %sub3A_532 : i32 to vector<16xi32>
        %sub3A_534 = arith.subi %add3A_531, %sub3A_533 : vector<16xi32>
        tpu.vector_store_idx %arg8[%sub3A_534], %xor3A_470 masked %and3A_509 : memref<16384xi32, #tpu.memory_space<vmem>>[vector<16xi32>], vector<16xi32>, vector<16xi1>
        %all_reduce_population_count3A_535 = tpu.all_reduce %and3A_509 {dim = 0 : i64, kind = #tpu.reduction_kind<sum>} : vector<16xi1> -> vector<16xi32>
        %add3A_536 = arith.addi %add3A_454, %all_reduce_population_count3A_535 : vector<16xi32>
        %mul3A_537 = arith.constant 4 : i32
        %mul3A_538 = arith.muli %scan3A_294, %mul3A_537 : i32
        %add3A_539 = arith.constant 3 : i32
        %add3A_540 = arith.addi %mul3A_538, %add3A_539 : i32
        %mul3A_541 = arith.constant 16 : i32
        %mul3A_542 = arith.muli %add3A_540, %mul3A_541 : i32
        %get3A_543 = arith.index_cast %mul3A_542 : i32 to index
        %get3A_544 = tpu.vector_load %arg5[%get3A_543] {strides = array<i32>} : memref<32768xf32, #tpu.memory_space<vmem>>, vector<16xf32>,
        %bitcast_convert_type3A_545 = tpu.bitcast %get3A_544 : vector<16xf32> -> vector<16xi32>
        %shift_right_arithmetic3A_546 = arith.constant 31 : i32
        %shift_right_arithmetic3A_547 = vector.broadcast %shift_right_arithmetic3A_546 : i32 to vector<16xi32>
        %shift_right_arithmetic3A_548 = arith.shrsi %bitcast_convert_type3A_545, %shift_right_arithmetic3A_547 : vector<16xi32>
        %and3A_549 = arith.constant 2147483647 : i32
        %and3A_550 = vector.broadcast %and3A_549 : i32 to vector<16xi32>
        %and3A_551 = arith.andi %shift_right_arithmetic3A_548, %and3A_550 : vector<16xi32>
        %xor3A_552 = arith.xori %bitcast_convert_type3A_545, %and3A_551 : vector<16xi32>
        %swap3A_553 = arith.index_cast %mul3A_542 : i32 to index
        %swap3A_554 = tpu.vector_load %arg6[%swap3A_553] {strides = array<i32>} : memref<32768xi32, #tpu.memory_space<vmem>>, vector<16xi32>,
        tpu.vector_store %arg6[%swap3A_553], %xor3A_552 {strides = array<i32>} : memref<32768xi32, #tpu.memory_space<vmem>>, vector<16xi32>,
        %shift_right_arithmetic3A_555 = arith.constant 24 : i32
        %shift_right_arithmetic3A_556 = vector.broadcast %shift_right_arithmetic3A_555 : i32 to vector<16xi32>
        %shift_right_arithmetic3A_557 = arith.shrsi %xor3A_552, %shift_right_arithmetic3A_556 : vector<16xi32>
        %add3A_558 = arith.constant 128 : i32
        %add3A_559 = vector.broadcast %add3A_558 : i32 to vector<16xi32>
        %add3A_560 = arith.addi %shift_right_arithmetic3A_557, %add3A_559 : vector<16xi32>
        %and3A_561 = arith.constant 255 : i32
        %and3A_562 = vector.broadcast %and3A_561 : i32 to vector<16xi32>
        %and3A_563 = arith.andi %add3A_560, %and3A_562 : vector<16xi32>
        %mul3A_564 = arith.constant 16 : i32
        %mul3A_565 = vector.broadcast %mul3A_564 : i32 to vector<16xi32>
        %mul3A_566 = arith.muli %and3A_563, %mul3A_565 : vector<16xi32>
        %add3A_567 = arith.addi %mul3A_566, %iota3A : vector<16xi32>
        tpu.vector_store_idx %arg7[%add3A_567], %broadcast_in_dim3A_3 {add = true} : memref<8192xi32, #tpu.memory_space<vmem>>[vector<16xi32>], vector<16xi32>,
        %gt3A_568 = arith.cmpi sgt, %and3A_563, %add3A_38 : vector<16xi32>
        %lt3A_569 = arith.constant 2033 : i32
        %lt3A_570 = vector.broadcast %lt3A_569 : i32 to vector<16xi32>
        %lt3A_571 = arith.cmpi slt, %add3A_504, %lt3A_570 : vector<16xi32>
        %and3A_572 = arith.andi %gt3A_568, %lt3A_571 : vector<16xi1>
        %jit3A_573 = arith.constant 1 : i32
        %jit3A_574 = arith.constant 0 : i32
        %broadcast_in_dim3A_575 = vector.broadcast %jit3A_573 : i32 to vector<16xi32>
        %broadcast_in_dim3A_576 = vector.broadcast %jit3A_574 : i32 to vector<16xi32>
        %select_n3A_577 = arith.select %and3A_572, %broadcast_in_dim3A_575, %broadcast_in_dim3A_576 : vector<16xi1>, vector<16xi32>
        %broadcast_in_dim3A_578 = arith.constant true
        %broadcast_in_dim3A_579 = vector.broadcast %broadcast_in_dim3A_578 : i1 to vector<16xi1>
        %masked_cumsum3A_580 = tpu.scan <sum>, %select_n3A_577 masked %broadcast_in_dim3A_579 : vector<16xi32>, vector<16xi1> -> vector<16xi32>
        %add3A_581 = arith.addi %add3A_504, %masked_cumsum3A_580 : vector<16xi32>
        %sub3A_582 = arith.constant 1 : i32
        %sub3A_583 = vector.broadcast %sub3A_582 : i32 to vector<16xi32>
        %sub3A_584 = arith.subi %add3A_581, %sub3A_583 : vector<16xi32>
        tpu.vector_store_idx %arg9[%sub3A_584], %xor3A_552 masked %and3A_572 : memref<2048xi32, #tpu.memory_space<vmem>>[vector<16xi32>], vector<16xi32>, vector<16xi1>
        %all_reduce_population_count3A_585 = tpu.all_reduce %and3A_572 {dim = 0 : i64, kind = #tpu.reduction_kind<sum>} : vector<16xi1> -> vector<16xi32>
        %add3A_586 = arith.addi %add3A_504, %all_reduce_population_count3A_585 : vector<16xi32>
        %eq3A_587 = arith.cmpi eq, %and3A_563, %add3A_38 : vector<16xi32>
        %lt3A_588 = arith.constant 16369 : i32
        %lt3A_589 = vector.broadcast %lt3A_588 : i32 to vector<16xi32>
        %lt3A_590 = arith.cmpi slt, %add3A_536, %lt3A_589 : vector<16xi32>
        %and3A_591 = arith.andi %eq3A_587, %lt3A_590 : vector<16xi1>
        %shift_right_arithmetic3A_592 = arith.constant 16 : i32
        %shift_right_arithmetic3A_593 = vector.broadcast %shift_right_arithmetic3A_592 : i32 to vector<16xi32>
        %shift_right_arithmetic3A_594 = arith.shrsi %xor3A_552, %shift_right_arithmetic3A_593 : vector<16xi32>
        %and3A_595 = arith.constant 255 : i32
        %and3A_596 = vector.broadcast %and3A_595 : i32 to vector<16xi32>
        %and3A_597 = arith.andi %shift_right_arithmetic3A_594, %and3A_596 : vector<16xi32>
        %mul3A_598 = arith.constant 16 : i32
        %mul3A_599 = vector.broadcast %mul3A_598 : i32 to vector<16xi32>
        %mul3A_600 = arith.muli %and3A_597, %mul3A_599 : vector<16xi32>
        %add3A_601 = arith.constant 4096 : i32
        %add3A_602 = vector.broadcast %add3A_601 : i32 to vector<16xi32>
        %add3A_603 = arith.addi %add3A_602, %mul3A_600 : vector<16xi32>
        %add3A_604 = arith.addi %add3A_603, %iota3A : vector<16xi32>
        tpu.vector_store_idx %arg7[%add3A_604], %broadcast_in_dim3A_3 masked %and3A_591 {add = true} : memref<8192xi32, #tpu.memory_space<vmem>>[vector<16xi32>], vector<16xi32>, vector<16xi1>
        %jit3A_605 = arith.constant 1 : i32
        %jit3A_606 = arith.constant 0 : i32
        %broadcast_in_dim3A_607 = vector.broadcast %jit3A_605 : i32 to vector<16xi32>
        %broadcast_in_dim3A_608 = vector.broadcast %jit3A_606 : i32 to vector<16xi32>
        %select_n3A_609 = arith.select %and3A_591, %broadcast_in_dim3A_607, %broadcast_in_dim3A_608 : vector<16xi1>, vector<16xi32>
        %broadcast_in_dim3A_610 = arith.constant true
        %broadcast_in_dim3A_611 = vector.broadcast %broadcast_in_dim3A_610 : i1 to vector<16xi1>
        %masked_cumsum3A_612 = tpu.scan <sum>, %select_n3A_609 masked %broadcast_in_dim3A_611 : vector<16xi32>, vector<16xi1> -> vector<16xi32>
        %add3A_613 = arith.addi %add3A_536, %masked_cumsum3A_612 : vector<16xi32>
        %sub3A_614 = arith.constant 1 : i32
        %sub3A_615 = vector.broadcast %sub3A_614 : i32 to vector<16xi32>
        %sub3A_616 = arith.subi %add3A_613, %sub3A_615 : vector<16xi32>
        tpu.vector_store_idx %arg8[%sub3A_616], %xor3A_552 masked %and3A_591 : memref<16384xi32, #tpu.memory_space<vmem>>[vector<16xi32>], vector<16xi32>, vector<16xi1>
        %all_reduce_population_count3A_617 = tpu.all_reduce %and3A_591 {dim = 0 : i64, kind = #tpu.reduction_kind<sum>} : vector<16xi1> -> vector<16xi32>
        %add3A_618 = arith.addi %add3A_536, %all_reduce_population_count3A_617 : vector<16xi32>
        scf.yield %add3A_586, %add3A_618 : vector<16xi32>, vector<16xi32>
      }
      %scan3A_44 = arith.constant 512 : i32
      %broadcast_in_dim3A_45 = arith.constant 0 : i32
      %broadcast_in_dim3A_46 = vector.broadcast %broadcast_in_dim3A_45 : i32 to vector<16xi32>
      %scan3A_47 = arith.constant 0 : i32
      %scan3A_48 = arith.constant 16 : i32
      %scan3A_49 = arith.addi %scan3A_47, %scan3A_48 : i32
      %scan3A_50 = arith.constant 1 : i32
      %scan3A_51 = scf.for %scan3A_294 = %scan3A_47 to %scan3A_49 step %scan3A_50 iter_args(%scan3A_295 = %broadcast_in_dim3A_46) -> (vector<16xi32>)  : i32 {
        %scan3A_296 = arith.constant 0 : i32
        %scan3A_297 = arith.constant 16 : i32
        %scan3A_298 = arith.addi %scan3A_296, %scan3A_297 : i32
        %scan3A_299 = arith.constant 1 : i32
        %scan3A_300 = scf.for %scan3A_310 = %scan3A_296 to %scan3A_298 step %scan3A_299 iter_args(%scan3A_311 = %broadcast_in_dim3A_46) -> (vector<16xi32>)  : i32 {
          %mul3A_312 = arith.constant 256 : i32
          %mul3A_313 = arith.muli %scan3A_294, %mul3A_312 : i32
          %add3A_314 = arith.constant 0 : i32
          %add3A_315 = arith.addi %add3A_314, %mul3A_313 : i32
          %mul3A_316 = arith.constant 16 : i32
          %mul3A_317 = arith.muli %scan3A_310, %mul3A_316 : i32
          %add3A_318 = arith.addi %add3A_315, %mul3A_317 : i32
          %get3A = arith.index_cast %add3A_318 : i32 to index
          %get3A_319 = tpu.vector_load %arg7[%get3A] {strides = array<i32>} : memref<8192xi32, #tpu.memory_space<vmem>>, vector<16xi32>,
          %add3A_320 = arith.addi %scan3A_311, %get3A_319 : vector<16xi32>
          scf.yield %add3A_320 : vector<16xi32>
        }
        %scan3A_301 = arith.constant 16 : i32
        %eq3A_302 = vector.broadcast %scan3A_294 : i32 to vector<16xi32>
        %eq3A_303 = arith.cmpi eq, %iota3A, %eq3A_302 : vector<16xi32>
        %reduce_sum3A_304 = arith.constant true
        %reduce_sum3A_305 = vector.broadcast %reduce_sum3A_304 : i1 to vector<16xi1>
        %reduce_sum3A_306 = tpu.scan <sum>, %scan3A_300 masked %reduce_sum3A_305 : vector<16xi32>, vector<16xi1> -> vector<16xi32>
        %reduce_sum3A_307 = vector.extract %reduce_sum3A_306[15] : i32 from vector<16xi32>
        %broadcast_in_dim3A_308 = vector.broadcast %reduce_sum3A_307 : i32 to vector<16xi32>
        %select_n3A_309 = arith.select %eq3A_303, %broadcast_in_dim3A_308, %scan3A_295 : vector<16xi1>, vector<16xi32>
        scf.yield %select_n3A_309 : vector<16xi32>
      }
      %scan3A_52 = arith.constant 16 : i32
      %rev3A = arith.constant 15 : i32
      %rev3A_53 = vector.broadcast %rev3A : i32 to vector<16xi32>
      %rev3A_54 = tpu.iota {dimensions = array<i32: 0>} : vector<16xi32>
      %rev3A_55 = arith.subi %rev3A_53, %rev3A_54 : vector<16xi32>
      %rev3A_56 = tpu.dynamic_gather %scan3A_51[%rev3A_55] in [0] : vector<16xi32>, vector<16xi32> -> vector<16xi32>
      %broadcast_in_dim3A_57 = arith.constant true
      %broadcast_in_dim3A_58 = vector.broadcast %broadcast_in_dim3A_57 : i1 to vector<16xi1>
      %masked_cumsum3A = tpu.scan <sum>, %rev3A_56 masked %broadcast_in_dim3A_58 : vector<16xi32>, vector<16xi1> -> vector<16xi32>
      %ge3A = arith.constant 1639 : i32
      %ge3A_59 = vector.broadcast %ge3A : i32 to vector<16xi32>
      %ge3A_60 = arith.cmpi sge, %masked_cumsum3A, %ge3A_59 : vector<16xi32>
      %all_reduce_ffs3A = tpu.all_reduce %ge3A_60 {dim = 0 : i64, kind = #tpu.reduction_kind<find_first_set>} : vector<16xi1> -> vector<16xi32>
      %slice3A = vector.extract_strided_slice %all_reduce_ffs3A {offsets = [0], sizes = [1], strides = [1]} : vector<16xi32> to vector<1xi32>
      %squeeze3A = vector.extract %slice3A[0] : i32 from vector<1xi32>
      %eq3A = vector.broadcast %squeeze3A : i32 to vector<16xi32>
      %eq3A_61 = arith.cmpi eq, %iota3A, %eq3A : vector<16xi32>
      %jit3A = arith.constant 0 : i32
      %broadcast_in_dim3A_62 = vector.broadcast %jit3A : i32 to vector<16xi32>
      %select_n3A = arith.select %eq3A_61, %masked_cumsum3A, %broadcast_in_dim3A_62 : vector<16xi1>, vector<16xi32>
      %reduce_sum3A = arith.constant true
      %reduce_sum3A_63 = vector.broadcast %reduce_sum3A : i1 to vector<16xi1>
      %reduce_sum3A_64 = tpu.scan <sum>, %select_n3A masked %reduce_sum3A_63 : vector<16xi32>, vector<16xi1> -> vector<16xi32>
      %reduce_sum3A_65 = vector.extract %reduce_sum3A_64[15] : i32 from vector<16xi32>
      %jit3A_66 = arith.constant 0 : i32
      %broadcast_in_dim3A_67 = vector.broadcast %jit3A_66 : i32 to vector<16xi32>
      %select_n3A_68 = arith.select %eq3A_61, %rev3A_56, %broadcast_in_dim3A_67 : vector<16xi1>, vector<16xi32>
      %reduce_sum3A_69 = arith.constant true
      %reduce_sum3A_70 = vector.broadcast %reduce_sum3A_69 : i1 to vector<16xi1>
      %reduce_sum3A_71 = tpu.scan <sum>, %select_n3A_68 masked %reduce_sum3A_70 : vector<16xi32>, vector<16xi1> -> vector<16xi32>
      %reduce_sum3A_72 = vector.extract %reduce_sum3A_71[15] : i32 from vector<16xi32>
      %sub3A = arith.constant 15 : i32
      %sub3A_73 = arith.subi %sub3A, %squeeze3A : i32
      %sub3A_74 = arith.subi %reduce_sum3A_65, %reduce_sum3A_72 : i32
      %sub3A_75 = arith.constant 1639 : i32
      %sub3A_76 = arith.subi %sub3A_75, %sub3A_74 : i32
      %scan3A_77 = arith.constant 0 : i32
      %scan3A_78 = arith.constant 16 : i32
      %scan3A_79 = arith.addi %scan3A_77, %scan3A_78 : i32
      %scan3A_80 = arith.constant 1 : i32
      %scan3A_81 = scf.for %scan3A_294 = %scan3A_77 to %scan3A_79 step %scan3A_80 iter_args(%scan3A_295 = %broadcast_in_dim3A_46) -> (vector<16xi32>)  : i32 {
        %mul3A_296 = arith.constant 256 : i32
        %mul3A_297 = arith.muli %sub3A_73, %mul3A_296 : i32
        %add3A_298 = arith.constant 0 : i32
        %add3A_299 = arith.addi %add3A_298, %mul3A_297 : i32
        %mul3A_300 = arith.constant 16 : i32
        %mul3A_301 = arith.muli %scan3A_294, %mul3A_300 : i32
        %add3A_302 = arith.addi %add3A_299, %mul3A_301 : i32
        %get3A = arith.index_cast %add3A_302 : i32 to index
        %get3A_303 = tpu.vector_load %arg7[%get3A] {strides = array<i32>} : memref<8192xi32, #tpu.memory_space<vmem>>, vector<16xi32>,
        %eq3A_304 = vector.broadcast %scan3A_294 : i32 to vector<16xi32>
        %eq3A_305 = arith.cmpi eq, %iota3A, %eq3A_304 : vector<16xi32>
        %reduce_sum3A_306 = arith.constant true
        %reduce_sum3A_307 = vector.broadcast %reduce_sum3A_306 : i1 to vector<16xi1>
        %reduce_sum3A_308 = tpu.scan <sum>, %get3A_303 masked %reduce_sum3A_307 : vector<16xi32>, vector<16xi1> -> vector<16xi32>
        %reduce_sum3A_309 = vector.extract %reduce_sum3A_308[15] : i32 from vector<16xi32>
        %broadcast_in_dim3A_310 = vector.broadcast %reduce_sum3A_309 : i32 to vector<16xi32>
        %select_n3A_311 = arith.select %eq3A_305, %broadcast_in_dim3A_310, %scan3A_295 : vector<16xi1>, vector<16xi32>
        scf.yield %select_n3A_311 : vector<16xi32>
      }
      %scan3A_82 = arith.constant 16 : i32
      %rev3A_83 = arith.constant 15 : i32
      %rev3A_84 = vector.broadcast %rev3A_83 : i32 to vector<16xi32>
      %rev3A_85 = tpu.iota {dimensions = array<i32: 0>} : vector<16xi32>
      %rev3A_86 = arith.subi %rev3A_84, %rev3A_85 : vector<16xi32>
      %rev3A_87 = tpu.dynamic_gather %scan3A_81[%rev3A_86] in [0] : vector<16xi32>, vector<16xi32> -> vector<16xi32>
      %broadcast_in_dim3A_88 = arith.constant true
      %broadcast_in_dim3A_89 = vector.broadcast %broadcast_in_dim3A_88 : i1 to vector<16xi1>
      %masked_cumsum3A_90 = tpu.scan <sum>, %rev3A_87 masked %broadcast_in_dim3A_89 : vector<16xi32>, vector<16xi1> -> vector<16xi32>
      %ge3A_91 = vector.broadcast %sub3A_76 : i32 to vector<16xi32>
      %ge3A_92 = arith.cmpi sge, %masked_cumsum3A_90, %ge3A_91 : vector<16xi32>
      %all_reduce_ffs3A_93 = tpu.all_reduce %ge3A_92 {dim = 0 : i64, kind = #tpu.reduction_kind<find_first_set>} : vector<16xi1> -> vector<16xi32>
      %slice3A_94 = vector.extract_strided_slice %all_reduce_ffs3A_93 {offsets = [0], sizes = [1], strides = [1]} : vector<16xi32> to vector<1xi32>
      %squeeze3A_95 = vector.extract %slice3A_94[0] : i32 from vector<1xi32>
      %eq3A_96 = vector.broadcast %squeeze3A_95 : i32 to vector<16xi32>
      %eq3A_97 = arith.cmpi eq, %iota3A, %eq3A_96 : vector<16xi32>
      %jit3A_98 = arith.constant 0 : i32
      %broadcast_in_dim3A_99 = vector.broadcast %jit3A_98 : i32 to vector<16xi32>
      %select_n3A_100 = arith.select %eq3A_97, %masked_cumsum3A_90, %broadcast_in_dim3A_99 : vector<16xi1>, vector<16xi32>
      %reduce_sum3A_101 = arith.constant true
      %reduce_sum3A_102 = vector.broadcast %reduce_sum3A_101 : i1 to vector<16xi1>
      %reduce_sum3A_103 = tpu.scan <sum>, %select_n3A_100 masked %reduce_sum3A_102 : vector<16xi32>, vector<16xi1> -> vector<16xi32>
      %reduce_sum3A_104 = vector.extract %reduce_sum3A_103[15] : i32 from vector<16xi32>
      %jit3A_105 = arith.constant 0 : i32
      %broadcast_in_dim3A_106 = vector.broadcast %jit3A_105 : i32 to vector<16xi32>
      %select_n3A_107 = arith.select %eq3A_97, %rev3A_87, %broadcast_in_dim3A_106 : vector<16xi1>, vector<16xi32>
      %reduce_sum3A_108 = arith.constant true
      %reduce_sum3A_109 = vector.broadcast %reduce_sum3A_108 : i1 to vector<16xi1>
      %reduce_sum3A_110 = tpu.scan <sum>, %select_n3A_107 masked %reduce_sum3A_109 : vector<16xi32>, vector<16xi1> -> vector<16xi32>
      %reduce_sum3A_111 = vector.extract %reduce_sum3A_110[15] : i32 from vector<16xi32>
      %sub3A_112 = arith.constant 15 : i32
      %sub3A_113 = arith.subi %sub3A_112, %squeeze3A_95 : i32
      %sub3A_114 = arith.subi %reduce_sum3A_104, %reduce_sum3A_111 : i32
      %sub3A_115 = arith.subi %sub3A_76, %sub3A_114 : i32
      %scan3A_116 = arith.constant 0 : i32
      %scan3A_117 = arith.constant 0 : i32
      %scan3A_118 = arith.constant 256 : i32
      %scan3A_119 = arith.addi %scan3A_117, %scan3A_118 : i32
      %scan3A_120 = arith.constant 1 : i32
      %scan3A_121 = scf.for %scan3A_294 = %scan3A_117 to %scan3A_119 step %scan3A_120 iter_args(%scan3A_295 = %scan3A_116) -> (i32)  : i32 {
        %mul3A_296 = arith.constant 16 : i32
        %mul3A_297 = arith.muli %scan3A_294, %mul3A_296 : i32
        %add3A_298 = arith.constant 0 : i32
        %add3A_299 = arith.addi %add3A_298, %mul3A_297 : i32
        %swap3A_300 = arith.index_cast %add3A_299 : i32 to index
        %swap3A_301 = tpu.vector_load %arg7[%swap3A_300] {strides = array<i32>} : memref<8192xi32, #tpu.memory_space<vmem>>, vector<16xi32>,
        tpu.vector_store %arg7[%swap3A_300], %broadcast_in_dim3A_46 {strides = array<i32>} : memref<8192xi32, #tpu.memory_space<vmem>>, vector<16xi32>,
        %scan3A_302 = arith.constant 0 : i32
        scf.yield %scan3A_302 : i32
      }
      %scan3A_122 = arith.constant 256 : i32
      %mul3A_123 = arith.constant 16 : i32
      %mul3A_124 = arith.muli %sub3A_73, %mul3A_123 : i32
      %add3A_125 = arith.addi %mul3A_124, %sub3A_113 : i32
      %ne3A = arith.cmpi ne, %add3A_125, %scan3A_26 : i32
      %convert_element_type3A = arith.extui %ne3A : i1 to i32
      %add3A_126 = vector.broadcast %add3A_125 : i32 to vector<16xi32>
      %add3A_127 = arith.addi %broadcast_in_dim3A_1, %add3A_126 : vector<16xi32>
      %mul3A_128 = arith.constant 128 : i32
      %mul3A_129 = arith.muli %convert_element_type3A, %mul3A_128 : i32
      %while3A = arith.constant 0 : i32
      %while3A_130 = arith.constant 0 : i32
      %while3A_131 = arith.subi %mul3A_129, %while3A : i32
      %while3A_132 = arith.addi %while3A, %while3A_131 : i32
      %while3A_133 = arith.constant 1 : i32
      %while3A_134 = arith.divsi %while3A_131, %while3A_133 : i32
      %while3A_135 = arith.muli %while3A_134, %while3A_133 : i32
      %while3A_136 = arith.addi %while3A, %while3A_135 : i32
      %while3A_137 = arith.constant 1 : i32
      %while3A_138 = scf.for %while3A_294 = %while3A to %while3A_136 step %while3A_137 iter_args(%while3A_295 = %while3A_130) -> (i32)  : i32 {
        %mul3A_296 = arith.constant 16 : i32
        %mul3A_297 = arith.muli %while3A_294, %mul3A_296 : i32
        %swap3A_298 = arith.index_cast %mul3A_297 : i32 to index
        %swap3A_299 = tpu.vector_load %arg9[%swap3A_298] {strides = array<i32>} : memref<2048xi32, #tpu.memory_space<vmem>>, vector<16xi32>,
        tpu.vector_store %arg9[%swap3A_298], %broadcast_in_dim3A_5 {strides = array<i32>} : memref<2048xi32, #tpu.memory_space<vmem>>, vector<16xi32>,
        %while3A_300 = arith.constant 0 : i32
        scf.yield %while3A_300 : i32
      }
      %while3A_139 = arith.constant 1 : i32
      %while3A_140 = scf.for %while3A_294 = %while3A_136 to %while3A_132 step %while3A_139 iter_args(%while3A_295 = %while3A_138) -> (i32)  : i32 {
        %mul3A_296 = arith.constant 16 : i32
        %mul3A_297 = arith.muli %while3A_294, %mul3A_296 : i32
        %swap3A_298 = arith.index_cast %mul3A_297 : i32 to index
        %swap3A_299 = tpu.vector_load %arg9[%swap3A_298] {strides = array<i32>} : memref<2048xi32, #tpu.memory_space<vmem>>, vector<16xi32>,
        tpu.vector_store %arg9[%swap3A_298], %broadcast_in_dim3A_5 {strides = array<i32>} : memref<2048xi32, #tpu.memory_space<vmem>>, vector<16xi32>,
        %while3A_300 = arith.constant 0 : i32
        scf.yield %while3A_300 : i32
      }
      %mul3A_141 = arith.constant 256 : i32
      %mul3A_142 = arith.muli %convert_element_type3A, %mul3A_141 : i32
      %while3A_143 = arith.constant 0 : i32
      %while3A_144 = arith.constant 0 : i32
      %while3A_145 = arith.subi %mul3A_142, %while3A_143 : i32
      %while3A_146 = arith.addi %while3A_143, %while3A_145 : i32
      %while3A_147 = arith.constant 1 : i32
      %while3A_148 = arith.divsi %while3A_145, %while3A_147 : i32
      %while3A_149 = arith.muli %while3A_148, %while3A_147 : i32
      %while3A_150 = arith.addi %while3A_143, %while3A_149 : i32
      %while3A_151 = arith.constant 1 : i32
      %while3A_152 = scf.for %while3A_294 = %while3A_143 to %while3A_150 step %while3A_151 iter_args(%while3A_295 = %while3A_144) -> (i32)  : i32 {
        %mul3A_296 = arith.constant 16 : i32
        %mul3A_297 = arith.muli %while3A_294, %mul3A_296 : i32
        %add3A_298 = arith.constant 4096 : i32
        %add3A_299 = arith.addi %add3A_298, %mul3A_297 : i32
        %swap3A_300 = arith.index_cast %add3A_299 : i32 to index
        %swap3A_301 = tpu.vector_load %arg7[%swap3A_300] {strides = array<i32>} : memref<8192xi32, #tpu.memory_space<vmem>>, vector<16xi32>,
        tpu.vector_store %arg7[%swap3A_300], %broadcast_in_dim3A_1 {strides = array<i32>} : memref<8192xi32, #tpu.memory_space<vmem>>, vector<16xi32>,
        %while3A_302 = arith.constant 0 : i32
        scf.yield %while3A_302 : i32
      }
      %while3A_153 = arith.constant 1 : i32
      %while3A_154 = scf.for %while3A_294 = %while3A_150 to %while3A_146 step %while3A_153 iter_args(%while3A_295 = %while3A_152) -> (i32)  : i32 {
        %mul3A_296 = arith.constant 16 : i32
        %mul3A_297 = arith.muli %while3A_294, %mul3A_296 : i32
        %add3A_298 = arith.constant 4096 : i32
        %add3A_299 = arith.addi %add3A_298, %mul3A_297 : i32
        %swap3A_300 = arith.index_cast %add3A_299 : i32 to index
        %swap3A_301 = tpu.vector_load %arg7[%swap3A_300] {strides = array<i32>} : memref<8192xi32, #tpu.memory_space<vmem>>, vector<16xi32>,
        tpu.vector_store %arg7[%swap3A_300], %broadcast_in_dim3A_1 {strides = array<i32>} : memref<8192xi32, #tpu.memory_space<vmem>>, vector<16xi32>,
        %while3A_302 = arith.constant 0 : i32
        scf.yield %while3A_302 : i32
      }
      %mul3A_155 = arith.constant 512 : i32
      %mul3A_156 = arith.muli %convert_element_type3A, %mul3A_155 : i32
      %while3A_157 = arith.constant 0 : i32
      %while3A_158 = arith.subi %mul3A_156, %while3A_157 : i32
      %while3A_159 = arith.addi %while3A_157, %while3A_158 : i32
      %while3A_160 = arith.constant 1 : i32
      %while3A_161 = arith.divsi %while3A_158, %while3A_160 : i32
      %while3A_162 = arith.muli %while3A_161, %while3A_160 : i32
      %while3A_163 = arith.addi %while3A_157, %while3A_162 : i32
      %while3A_164 = arith.constant 1 : i32
      %while3A_165:2 = scf.for %while3A_294 = %while3A_157 to %while3A_163 step %while3A_164 iter_args(%while3A_295 = %broadcast_in_dim3A_1, %while3A_296 = %broadcast_in_dim3A_1) -> (vector<16xi32>, vector<16xi32>)  : i32 {
        %mul3A_297 = arith.constant 4 : i32
        %mul3A_298 = arith.muli %while3A_294, %mul3A_297 : i32
        %add3A_299 = arith.constant 0 : i32
        %add3A_300 = arith.addi %mul3A_298, %add3A_299 : i32
        %mul3A_301 = arith.constant 16 : i32
        %mul3A_302 = arith.muli %add3A_300, %mul3A_301 : i32
        %get3A = arith.index_cast %mul3A_302 : i32 to index
        %get3A_303 = tpu.vector_load %arg6[%get3A] {strides = array<i32>} : memref<32768xi32, #tpu.memory_space<vmem>>, vector<16xi32>,
        %shift_right_arithmetic3A_304 = arith.constant 24 : i32
        %shift_right_arithmetic3A_305 = vector.broadcast %shift_right_arithmetic3A_304 : i32 to vector<16xi32>
        %shift_right_arithmetic3A_306 = arith.shrsi %get3A_303, %shift_right_arithmetic3A_305 : vector<16xi32>
        %add3A_307 = arith.constant 128 : i32
        %add3A_308 = vector.broadcast %add3A_307 : i32 to vector<16xi32>
        %add3A_309 = arith.addi %shift_right_arithmetic3A_306, %add3A_308 : vector<16xi32>
        %and3A = arith.constant 255 : i32
        %and3A_310 = vector.broadcast %and3A : i32 to vector<16xi32>
        %and3A_311 = arith.andi %add3A_309, %and3A_310 : vector<16xi32>
        %gt3A_312 = arith.cmpi sgt, %and3A_311, %add3A_127 : vector<16xi32>
        %lt3A = arith.constant 2033 : i32
        %lt3A_313 = vector.broadcast %lt3A : i32 to vector<16xi32>
        %lt3A_314 = arith.cmpi slt, %while3A_295, %lt3A_313 : vector<16xi32>
        %and3A_315 = arith.andi %gt3A_312, %lt3A_314 : vector<16xi1>
        %jit3A_316 = arith.constant 1 : i32
        %jit3A_317 = arith.constant 0 : i32
        %broadcast_in_dim3A_318 = vector.broadcast %jit3A_316 : i32 to vector<16xi32>
        %broadcast_in_dim3A_319 = vector.broadcast %jit3A_317 : i32 to vector<16xi32>
        %select_n3A_320 = arith.select %and3A_315, %broadcast_in_dim3A_318, %broadcast_in_dim3A_319 : vector<16xi1>, vector<16xi32>
        %broadcast_in_dim3A_321 = arith.constant true
        %broadcast_in_dim3A_322 = vector.broadcast %broadcast_in_dim3A_321 : i1 to vector<16xi1>
        %masked_cumsum3A_323 = tpu.scan <sum>, %select_n3A_320 masked %broadcast_in_dim3A_322 : vector<16xi32>, vector<16xi1> -> vector<16xi32>
        %add3A_324 = arith.addi %while3A_295, %masked_cumsum3A_323 : vector<16xi32>
        %sub3A_325 = arith.constant 1 : i32
        %sub3A_326 = vector.broadcast %sub3A_325 : i32 to vector<16xi32>
        %sub3A_327 = arith.subi %add3A_324, %sub3A_326 : vector<16xi32>
        tpu.vector_store_idx %arg9[%sub3A_327], %get3A_303 masked %and3A_315 : memref<2048xi32, #tpu.memory_space<vmem>>[vector<16xi32>], vector<16xi32>, vector<16xi1>
        %all_reduce_population_count3A = tpu.all_reduce %and3A_315 {dim = 0 : i64, kind = #tpu.reduction_kind<sum>} : vector<16xi1> -> vector<16xi32>
        %add3A_328 = arith.addi %while3A_295, %all_reduce_population_count3A : vector<16xi32>
        %eq3A_329 = arith.cmpi eq, %and3A_311, %add3A_127 : vector<16xi32>
        %lt3A_330 = arith.constant 16369 : i32
        %lt3A_331 = vector.broadcast %lt3A_330 : i32 to vector<16xi32>
        %lt3A_332 = arith.cmpi slt, %while3A_296, %lt3A_331 : vector<16xi32>
        %and3A_333 = arith.andi %eq3A_329, %lt3A_332 : vector<16xi1>
        %shift_right_arithmetic3A_334 = arith.constant 16 : i32
        %shift_right_arithmetic3A_335 = vector.broadcast %shift_right_arithmetic3A_334 : i32 to vector<16xi32>
        %shift_right_arithmetic3A_336 = arith.shrsi %get3A_303, %shift_right_arithmetic3A_335 : vector<16xi32>
        %and3A_337 = arith.constant 255 : i32
        %and3A_338 = vector.broadcast %and3A_337 : i32 to vector<16xi32>
        %and3A_339 = arith.andi %shift_right_arithmetic3A_336, %and3A_338 : vector<16xi32>
        %mul3A_340 = arith.constant 16 : i32
        %mul3A_341 = vector.broadcast %mul3A_340 : i32 to vector<16xi32>
        %mul3A_342 = arith.muli %and3A_339, %mul3A_341 : vector<16xi32>
        %add3A_343 = arith.constant 4096 : i32
        %add3A_344 = vector.broadcast %add3A_343 : i32 to vector<16xi32>
        %add3A_345 = arith.addi %add3A_344, %mul3A_342 : vector<16xi32>
        %add3A_346 = arith.addi %add3A_345, %iota3A : vector<16xi32>
        tpu.vector_store_idx %arg7[%add3A_346], %broadcast_in_dim3A_3 masked %and3A_333 {add = true} : memref<8192xi32, #tpu.memory_space<vmem>>[vector<16xi32>], vector<16xi32>, vector<16xi1>
        %jit3A_347 = arith.constant 1 : i32
        %jit3A_348 = arith.constant 0 : i32
        %broadcast_in_dim3A_349 = vector.broadcast %jit3A_347 : i32 to vector<16xi32>
        %broadcast_in_dim3A_350 = vector.broadcast %jit3A_348 : i32 to vector<16xi32>
        %select_n3A_351 = arith.select %and3A_333, %broadcast_in_dim3A_349, %broadcast_in_dim3A_350 : vector<16xi1>, vector<16xi32>
        %broadcast_in_dim3A_352 = arith.constant true
        %broadcast_in_dim3A_353 = vector.broadcast %broadcast_in_dim3A_352 : i1 to vector<16xi1>
        %masked_cumsum3A_354 = tpu.scan <sum>, %select_n3A_351 masked %broadcast_in_dim3A_353 : vector<16xi32>, vector<16xi1> -> vector<16xi32>
        %add3A_355 = arith.addi %while3A_296, %masked_cumsum3A_354 : vector<16xi32>
        %sub3A_356 = arith.constant 1 : i32
        %sub3A_357 = vector.broadcast %sub3A_356 : i32 to vector<16xi32>
        %sub3A_358 = arith.subi %add3A_355, %sub3A_357 : vector<16xi32>
        tpu.vector_store_idx %arg8[%sub3A_358], %get3A_303 masked %and3A_333 : memref<16384xi32, #tpu.memory_space<vmem>>[vector<16xi32>], vector<16xi32>, vector<16xi1>
        %all_reduce_population_count3A_359 = tpu.all_reduce %and3A_333 {dim = 0 : i64, kind = #tpu.reduction_kind<sum>} : vector<16xi1> -> vector<16xi32>
        %add3A_360 = arith.addi %while3A_296, %all_reduce_population_count3A_359 : vector<16xi32>
        %mul3A_361 = arith.constant 4 : i32
        %mul3A_362 = arith.muli %while3A_294, %mul3A_361 : i32
        %add3A_363 = arith.constant 1 : i32
        %add3A_364 = arith.addi %mul3A_362, %add3A_363 : i32
        %mul3A_365 = arith.constant 16 : i32
        %mul3A_366 = arith.muli %add3A_364, %mul3A_365 : i32
        %get3A_367 = arith.index_cast %mul3A_366 : i32 to index
        %get3A_368 = tpu.vector_load %arg6[%get3A_367] {strides = array<i32>} : memref<32768xi32, #tpu.memory_space<vmem>>, vector<16xi32>,
        %shift_right_arithmetic3A_369 = arith.constant 24 : i32
        %shift_right_arithmetic3A_370 = vector.broadcast %shift_right_arithmetic3A_369 : i32 to vector<16xi32>
        %shift_right_arithmetic3A_371 = arith.shrsi %get3A_368, %shift_right_arithmetic3A_370 : vector<16xi32>
        %add3A_372 = arith.constant 128 : i32
        %add3A_373 = vector.broadcast %add3A_372 : i32 to vector<16xi32>
        %add3A_374 = arith.addi %shift_right_arithmetic3A_371, %add3A_373 : vector<16xi32>
        %and3A_375 = arith.constant 255 : i32
        %and3A_376 = vector.broadcast %and3A_375 : i32 to vector<16xi32>
        %and3A_377 = arith.andi %add3A_374, %and3A_376 : vector<16xi32>
        %gt3A_378 = arith.cmpi sgt, %and3A_377, %add3A_127 : vector<16xi32>
        %lt3A_379 = arith.constant 2033 : i32
        %lt3A_380 = vector.broadcast %lt3A_379 : i32 to vector<16xi32>
        %lt3A_381 = arith.cmpi slt, %add3A_328, %lt3A_380 : vector<16xi32>
        %and3A_382 = arith.andi %gt3A_378, %lt3A_381 : vector<16xi1>
        %jit3A_383 = arith.constant 1 : i32
        %jit3A_384 = arith.constant 0 : i32
        %broadcast_in_dim3A_385 = vector.broadcast %jit3A_383 : i32 to vector<16xi32>
        %broadcast_in_dim3A_386 = vector.broadcast %jit3A_384 : i32 to vector<16xi32>
        %select_n3A_387 = arith.select %and3A_382, %broadcast_in_dim3A_385, %broadcast_in_dim3A_386 : vector<16xi1>, vector<16xi32>
        %broadcast_in_dim3A_388 = arith.constant true
        %broadcast_in_dim3A_389 = vector.broadcast %broadcast_in_dim3A_388 : i1 to vector<16xi1>
        %masked_cumsum3A_390 = tpu.scan <sum>, %select_n3A_387 masked %broadcast_in_dim3A_389 : vector<16xi32>, vector<16xi1> -> vector<16xi32>
        %add3A_391 = arith.addi %add3A_328, %masked_cumsum3A_390 : vector<16xi32>
        %sub3A_392 = arith.constant 1 : i32
        %sub3A_393 = vector.broadcast %sub3A_392 : i32 to vector<16xi32>
        %sub3A_394 = arith.subi %add3A_391, %sub3A_393 : vector<16xi32>
        tpu.vector_store_idx %arg9[%sub3A_394], %get3A_368 masked %and3A_382 : memref<2048xi32, #tpu.memory_space<vmem>>[vector<16xi32>], vector<16xi32>, vector<16xi1>
        %all_reduce_population_count3A_395 = tpu.all_reduce %and3A_382 {dim = 0 : i64, kind = #tpu.reduction_kind<sum>} : vector<16xi1> -> vector<16xi32>
        %add3A_396 = arith.addi %add3A_328, %all_reduce_population_count3A_395 : vector<16xi32>
        %eq3A_397 = arith.cmpi eq, %and3A_377, %add3A_127 : vector<16xi32>
        %lt3A_398 = arith.constant 16369 : i32
        %lt3A_399 = vector.broadcast %lt3A_398 : i32 to vector<16xi32>
        %lt3A_400 = arith.cmpi slt, %add3A_360, %lt3A_399 : vector<16xi32>
        %and3A_401 = arith.andi %eq3A_397, %lt3A_400 : vector<16xi1>
        %shift_right_arithmetic3A_402 = arith.constant 16 : i32
        %shift_right_arithmetic3A_403 = vector.broadcast %shift_right_arithmetic3A_402 : i32 to vector<16xi32>
        %shift_right_arithmetic3A_404 = arith.shrsi %get3A_368, %shift_right_arithmetic3A_403 : vector<16xi32>
        %and3A_405 = arith.constant 255 : i32
        %and3A_406 = vector.broadcast %and3A_405 : i32 to vector<16xi32>
        %and3A_407 = arith.andi %shift_right_arithmetic3A_404, %and3A_406 : vector<16xi32>
        %mul3A_408 = arith.constant 16 : i32
        %mul3A_409 = vector.broadcast %mul3A_408 : i32 to vector<16xi32>
        %mul3A_410 = arith.muli %and3A_407, %mul3A_409 : vector<16xi32>
        %add3A_411 = arith.constant 4096 : i32
        %add3A_412 = vector.broadcast %add3A_411 : i32 to vector<16xi32>
        %add3A_413 = arith.addi %add3A_412, %mul3A_410 : vector<16xi32>
        %add3A_414 = arith.addi %add3A_413, %iota3A : vector<16xi32>
        tpu.vector_store_idx %arg7[%add3A_414], %broadcast_in_dim3A_3 masked %and3A_401 {add = true} : memref<8192xi32, #tpu.memory_space<vmem>>[vector<16xi32>], vector<16xi32>, vector<16xi1>
        %jit3A_415 = arith.constant 1 : i32
        %jit3A_416 = arith.constant 0 : i32
        %broadcast_in_dim3A_417 = vector.broadcast %jit3A_415 : i32 to vector<16xi32>
        %broadcast_in_dim3A_418 = vector.broadcast %jit3A_416 : i32 to vector<16xi32>
        %select_n3A_419 = arith.select %and3A_401, %broadcast_in_dim3A_417, %broadcast_in_dim3A_418 : vector<16xi1>, vector<16xi32>
        %broadcast_in_dim3A_420 = arith.constant true
        %broadcast_in_dim3A_421 = vector.broadcast %broadcast_in_dim3A_420 : i1 to vector<16xi1>
        %masked_cumsum3A_422 = tpu.scan <sum>, %select_n3A_419 masked %broadcast_in_dim3A_421 : vector<16xi32>, vector<16xi1> -> vector<16xi32>
        %add3A_423 = arith.addi %add3A_360, %masked_cumsum3A_422 : vector<16xi32>
        %sub3A_424 = arith.constant 1 : i32
        %sub3A_425 = vector.broadcast %sub3A_424 : i32 to vector<16xi32>
        %sub3A_426 = arith.subi %add3A_423, %sub3A_425 : vector<16xi32>
        tpu.vector_store_idx %arg8[%sub3A_426], %get3A_368 masked %and3A_401 : memref<16384xi32, #tpu.memory_space<vmem>>[vector<16xi32>], vector<16xi32>, vector<16xi1>
        %all_reduce_population_count3A_427 = tpu.all_reduce %and3A_401 {dim = 0 : i64, kind = #tpu.reduction_kind<sum>} : vector<16xi1> -> vector<16xi32>
        %add3A_428 = arith.addi %add3A_360, %all_reduce_population_count3A_427 : vector<16xi32>
        %mul3A_429 = arith.constant 4 : i32
        %mul3A_430 = arith.muli %while3A_294, %mul3A_429 : i32
        %add3A_431 = arith.constant 2 : i32
        %add3A_432 = arith.addi %mul3A_430, %add3A_431 : i32
        %mul3A_433 = arith.constant 16 : i32
        %mul3A_434 = arith.muli %add3A_432, %mul3A_433 : i32
        %get3A_435 = arith.index_cast %mul3A_434 : i32 to index
        %get3A_436 = tpu.vector_load %arg6[%get3A_435] {strides = array<i32>} : memref<32768xi32, #tpu.memory_space<vmem>>, vector<16xi32>,
        %shift_right_arithmetic3A_437 = arith.constant 24 : i32
        %shift_right_arithmetic3A_438 = vector.broadcast %shift_right_arithmetic3A_437 : i32 to vector<16xi32>
        %shift_right_arithmetic3A_439 = arith.shrsi %get3A_436, %shift_right_arithmetic3A_438 : vector<16xi32>
        %add3A_440 = arith.constant 128 : i32
        %add3A_441 = vector.broadcast %add3A_440 : i32 to vector<16xi32>
        %add3A_442 = arith.addi %shift_right_arithmetic3A_439, %add3A_441 : vector<16xi32>
        %and3A_443 = arith.constant 255 : i32
        %and3A_444 = vector.broadcast %and3A_443 : i32 to vector<16xi32>
        %and3A_445 = arith.andi %add3A_442, %and3A_444 : vector<16xi32>
        %gt3A_446 = arith.cmpi sgt, %and3A_445, %add3A_127 : vector<16xi32>
        %lt3A_447 = arith.constant 2033 : i32
        %lt3A_448 = vector.broadcast %lt3A_447 : i32 to vector<16xi32>
        %lt3A_449 = arith.cmpi slt, %add3A_396, %lt3A_448 : vector<16xi32>
        %and3A_450 = arith.andi %gt3A_446, %lt3A_449 : vector<16xi1>
        %jit3A_451 = arith.constant 1 : i32
        %jit3A_452 = arith.constant 0 : i32
        %broadcast_in_dim3A_453 = vector.broadcast %jit3A_451 : i32 to vector<16xi32>
        %broadcast_in_dim3A_454 = vector.broadcast %jit3A_452 : i32 to vector<16xi32>
        %select_n3A_455 = arith.select %and3A_450, %broadcast_in_dim3A_453, %broadcast_in_dim3A_454 : vector<16xi1>, vector<16xi32>
        %broadcast_in_dim3A_456 = arith.constant true
        %broadcast_in_dim3A_457 = vector.broadcast %broadcast_in_dim3A_456 : i1 to vector<16xi1>
        %masked_cumsum3A_458 = tpu.scan <sum>, %select_n3A_455 masked %broadcast_in_dim3A_457 : vector<16xi32>, vector<16xi1> -> vector<16xi32>
        %add3A_459 = arith.addi %add3A_396, %masked_cumsum3A_458 : vector<16xi32>
        %sub3A_460 = arith.constant 1 : i32
        %sub3A_461 = vector.broadcast %sub3A_460 : i32 to vector<16xi32>
        %sub3A_462 = arith.subi %add3A_459, %sub3A_461 : vector<16xi32>
        tpu.vector_store_idx %arg9[%sub3A_462], %get3A_436 masked %and3A_450 : memref<2048xi32, #tpu.memory_space<vmem>>[vector<16xi32>], vector<16xi32>, vector<16xi1>
        %all_reduce_population_count3A_463 = tpu.all_reduce %and3A_450 {dim = 0 : i64, kind = #tpu.reduction_kind<sum>} : vector<16xi1> -> vector<16xi32>
        %add3A_464 = arith.addi %add3A_396, %all_reduce_population_count3A_463 : vector<16xi32>
        %eq3A_465 = arith.cmpi eq, %and3A_445, %add3A_127 : vector<16xi32>
        %lt3A_466 = arith.constant 16369 : i32
        %lt3A_467 = vector.broadcast %lt3A_466 : i32 to vector<16xi32>
        %lt3A_468 = arith.cmpi slt, %add3A_428, %lt3A_467 : vector<16xi32>
        %and3A_469 = arith.andi %eq3A_465, %lt3A_468 : vector<16xi1>
        %shift_right_arithmetic3A_470 = arith.constant 16 : i32
        %shift_right_arithmetic3A_471 = vector.broadcast %shift_right_arithmetic3A_470 : i32 to vector<16xi32>
        %shift_right_arithmetic3A_472 = arith.shrsi %get3A_436, %shift_right_arithmetic3A_471 : vector<16xi32>
        %and3A_473 = arith.constant 255 : i32
        %and3A_474 = vector.broadcast %and3A_473 : i32 to vector<16xi32>
        %and3A_475 = arith.andi %shift_right_arithmetic3A_472, %and3A_474 : vector<16xi32>
        %mul3A_476 = arith.constant 16 : i32
        %mul3A_477 = vector.broadcast %mul3A_476 : i32 to vector<16xi32>
        %mul3A_478 = arith.muli %and3A_475, %mul3A_477 : vector<16xi32>
        %add3A_479 = arith.constant 4096 : i32
        %add3A_480 = vector.broadcast %add3A_479 : i32 to vector<16xi32>
        %add3A_481 = arith.addi %add3A_480, %mul3A_478 : vector<16xi32>
        %add3A_482 = arith.addi %add3A_481, %iota3A : vector<16xi32>
        tpu.vector_store_idx %arg7[%add3A_482], %broadcast_in_dim3A_3 masked %and3A_469 {add = true} : memref<8192xi32, #tpu.memory_space<vmem>>[vector<16xi32>], vector<16xi32>, vector<16xi1>
        %jit3A_483 = arith.constant 1 : i32
        %jit3A_484 = arith.constant 0 : i32
        %broadcast_in_dim3A_485 = vector.broadcast %jit3A_483 : i32 to vector<16xi32>
        %broadcast_in_dim3A_486 = vector.broadcast %jit3A_484 : i32 to vector<16xi32>
        %select_n3A_487 = arith.select %and3A_469, %broadcast_in_dim3A_485, %broadcast_in_dim3A_486 : vector<16xi1>, vector<16xi32>
        %broadcast_in_dim3A_488 = arith.constant true
        %broadcast_in_dim3A_489 = vector.broadcast %broadcast_in_dim3A_488 : i1 to vector<16xi1>
        %masked_cumsum3A_490 = tpu.scan <sum>, %select_n3A_487 masked %broadcast_in_dim3A_489 : vector<16xi32>, vector<16xi1> -> vector<16xi32>
        %add3A_491 = arith.addi %add3A_428, %masked_cumsum3A_490 : vector<16xi32>
        %sub3A_492 = arith.constant 1 : i32
        %sub3A_493 = vector.broadcast %sub3A_492 : i32 to vector<16xi32>
        %sub3A_494 = arith.subi %add3A_491, %sub3A_493 : vector<16xi32>
        tpu.vector_store_idx %arg8[%sub3A_494], %get3A_436 masked %and3A_469 : memref<16384xi32, #tpu.memory_space<vmem>>[vector<16xi32>], vector<16xi32>, vector<16xi1>
        %all_reduce_population_count3A_495 = tpu.all_reduce %and3A_469 {dim = 0 : i64, kind = #tpu.reduction_kind<sum>} : vector<16xi1> -> vector<16xi32>
        %add3A_496 = arith.addi %add3A_428, %all_reduce_population_count3A_495 : vector<16xi32>
        %mul3A_497 = arith.constant 4 : i32
        %mul3A_498 = arith.muli %while3A_294, %mul3A_497 : i32
        %add3A_499 = arith.constant 3 : i32
        %add3A_500 = arith.addi %mul3A_498, %add3A_499 : i32
        %mul3A_501 = arith.constant 16 : i32
        %mul3A_502 = arith.muli %add3A_500, %mul3A_501 : i32
        %get3A_503 = arith.index_cast %mul3A_502 : i32 to index
        %get3A_504 = tpu.vector_load %arg6[%get3A_503] {strides = array<i32>} : memref<32768xi32, #tpu.memory_space<vmem>>, vector<16xi32>,
        %shift_right_arithmetic3A_505 = arith.constant 24 : i32
        %shift_right_arithmetic3A_506 = vector.broadcast %shift_right_arithmetic3A_505 : i32 to vector<16xi32>
        %shift_right_arithmetic3A_507 = arith.shrsi %get3A_504, %shift_right_arithmetic3A_506 : vector<16xi32>
        %add3A_508 = arith.constant 128 : i32
        %add3A_509 = vector.broadcast %add3A_508 : i32 to vector<16xi32>
        %add3A_510 = arith.addi %shift_right_arithmetic3A_507, %add3A_509 : vector<16xi32>
        %and3A_511 = arith.constant 255 : i32
        %and3A_512 = vector.broadcast %and3A_511 : i32 to vector<16xi32>
        %and3A_513 = arith.andi %add3A_510, %and3A_512 : vector<16xi32>
        %gt3A_514 = arith.cmpi sgt, %and3A_513, %add3A_127 : vector<16xi32>
        %lt3A_515 = arith.constant 2033 : i32
        %lt3A_516 = vector.broadcast %lt3A_515 : i32 to vector<16xi32>
        %lt3A_517 = arith.cmpi slt, %add3A_464, %lt3A_516 : vector<16xi32>
        %and3A_518 = arith.andi %gt3A_514, %lt3A_517 : vector<16xi1>
        %jit3A_519 = arith.constant 1 : i32
        %jit3A_520 = arith.constant 0 : i32
        %broadcast_in_dim3A_521 = vector.broadcast %jit3A_519 : i32 to vector<16xi32>
        %broadcast_in_dim3A_522 = vector.broadcast %jit3A_520 : i32 to vector<16xi32>
        %select_n3A_523 = arith.select %and3A_518, %broadcast_in_dim3A_521, %broadcast_in_dim3A_522 : vector<16xi1>, vector<16xi32>
        %broadcast_in_dim3A_524 = arith.constant true
        %broadcast_in_dim3A_525 = vector.broadcast %broadcast_in_dim3A_524 : i1 to vector<16xi1>
        %masked_cumsum3A_526 = tpu.scan <sum>, %select_n3A_523 masked %broadcast_in_dim3A_525 : vector<16xi32>, vector<16xi1> -> vector<16xi32>
        %add3A_527 = arith.addi %add3A_464, %masked_cumsum3A_526 : vector<16xi32>
        %sub3A_528 = arith.constant 1 : i32
        %sub3A_529 = vector.broadcast %sub3A_528 : i32 to vector<16xi32>
        %sub3A_530 = arith.subi %add3A_527, %sub3A_529 : vector<16xi32>
        tpu.vector_store_idx %arg9[%sub3A_530], %get3A_504 masked %and3A_518 : memref<2048xi32, #tpu.memory_space<vmem>>[vector<16xi32>], vector<16xi32>, vector<16xi1>
        %all_reduce_population_count3A_531 = tpu.all_reduce %and3A_518 {dim = 0 : i64, kind = #tpu.reduction_kind<sum>} : vector<16xi1> -> vector<16xi32>
        %add3A_532 = arith.addi %add3A_464, %all_reduce_population_count3A_531 : vector<16xi32>
        %eq3A_533 = arith.cmpi eq, %and3A_513, %add3A_127 : vector<16xi32>
        %lt3A_534 = arith.constant 16369 : i32
        %lt3A_535 = vector.broadcast %lt3A_534 : i32 to vector<16xi32>
        %lt3A_536 = arith.cmpi slt, %add3A_496, %lt3A_535 : vector<16xi32>
        %and3A_537 = arith.andi %eq3A_533, %lt3A_536 : vector<16xi1>
        %shift_right_arithmetic3A_538 = arith.constant 16 : i32
        %shift_right_arithmetic3A_539 = vector.broadcast %shift_right_arithmetic3A_538 : i32 to vector<16xi32>
        %shift_right_arithmetic3A_540 = arith.shrsi %get3A_504, %shift_right_arithmetic3A_539 : vector<16xi32>
        %and3A_541 = arith.constant 255 : i32
        %and3A_542 = vector.broadcast %and3A_541 : i32 to vector<16xi32>
        %and3A_543 = arith.andi %shift_right_arithmetic3A_540, %and3A_542 : vector<16xi32>
        %mul3A_544 = arith.constant 16 : i32
        %mul3A_545 = vector.broadcast %mul3A_544 : i32 to vector<16xi32>
        %mul3A_546 = arith.muli %and3A_543, %mul3A_545 : vector<16xi32>
        %add3A_547 = arith.constant 4096 : i32
        %add3A_548 = vector.broadcast %add3A_547 : i32 to vector<16xi32>
        %add3A_549 = arith.addi %add3A_548, %mul3A_546 : vector<16xi32>
        %add3A_550 = arith.addi %add3A_549, %iota3A : vector<16xi32>
        tpu.vector_store_idx %arg7[%add3A_550], %broadcast_in_dim3A_3 masked %and3A_537 {add = true} : memref<8192xi32, #tpu.memory_space<vmem>>[vector<16xi32>], vector<16xi32>, vector<16xi1>
        %jit3A_551 = arith.constant 1 : i32
        %jit3A_552 = arith.constant 0 : i32
        %broadcast_in_dim3A_553 = vector.broadcast %jit3A_551 : i32 to vector<16xi32>
        %broadcast_in_dim3A_554 = vector.broadcast %jit3A_552 : i32 to vector<16xi32>
        %select_n3A_555 = arith.select %and3A_537, %broadcast_in_dim3A_553, %broadcast_in_dim3A_554 : vector<16xi1>, vector<16xi32>
        %broadcast_in_dim3A_556 = arith.constant true
        %broadcast_in_dim3A_557 = vector.broadcast %broadcast_in_dim3A_556 : i1 to vector<16xi1>
        %masked_cumsum3A_558 = tpu.scan <sum>, %select_n3A_555 masked %broadcast_in_dim3A_557 : vector<16xi32>, vector<16xi1> -> vector<16xi32>
        %add3A_559 = arith.addi %add3A_496, %masked_cumsum3A_558 : vector<16xi32>
        %sub3A_560 = arith.constant 1 : i32
        %sub3A_561 = vector.broadcast %sub3A_560 : i32 to vector<16xi32>
        %sub3A_562 = arith.subi %add3A_559, %sub3A_561 : vector<16xi32>
        tpu.vector_store_idx %arg8[%sub3A_562], %get3A_504 masked %and3A_537 : memref<16384xi32, #tpu.memory_space<vmem>>[vector<16xi32>], vector<16xi32>, vector<16xi1>
        %all_reduce_population_count3A_563 = tpu.all_reduce %and3A_537 {dim = 0 : i64, kind = #tpu.reduction_kind<sum>} : vector<16xi1> -> vector<16xi32>
        %add3A_564 = arith.addi %add3A_496, %all_reduce_population_count3A_563 : vector<16xi32>
        scf.yield %add3A_532, %add3A_564 : vector<16xi32>, vector<16xi32>
      }
      %while3A_166 = arith.constant 1 : i32
      %while3A_167:2 = scf.for %while3A_294 = %while3A_163 to %while3A_159 step %while3A_166 iter_args(%while3A_295 = %while3A_165#0, %while3A_296 = %while3A_165#1) -> (vector<16xi32>, vector<16xi32>)  : i32 {
        %mul3A_297 = arith.constant 4 : i32
        %mul3A_298 = arith.muli %while3A_294, %mul3A_297 : i32
        %add3A_299 = arith.constant 0 : i32
        %add3A_300 = arith.addi %mul3A_298, %add3A_299 : i32
        %mul3A_301 = arith.constant 16 : i32
        %mul3A_302 = arith.muli %add3A_300, %mul3A_301 : i32
        %get3A = arith.index_cast %mul3A_302 : i32 to index
        %get3A_303 = tpu.vector_load %arg6[%get3A] {strides = array<i32>} : memref<32768xi32, #tpu.memory_space<vmem>>, vector<16xi32>,
        %shift_right_arithmetic3A_304 = arith.constant 24 : i32
        %shift_right_arithmetic3A_305 = vector.broadcast %shift_right_arithmetic3A_304 : i32 to vector<16xi32>
        %shift_right_arithmetic3A_306 = arith.shrsi %get3A_303, %shift_right_arithmetic3A_305 : vector<16xi32>
        %add3A_307 = arith.constant 128 : i32
        %add3A_308 = vector.broadcast %add3A_307 : i32 to vector<16xi32>
        %add3A_309 = arith.addi %shift_right_arithmetic3A_306, %add3A_308 : vector<16xi32>
        %and3A = arith.constant 255 : i32
        %and3A_310 = vector.broadcast %and3A : i32 to vector<16xi32>
        %and3A_311 = arith.andi %add3A_309, %and3A_310 : vector<16xi32>
        %gt3A_312 = arith.cmpi sgt, %and3A_311, %add3A_127 : vector<16xi32>
        %lt3A = arith.constant 2033 : i32
        %lt3A_313 = vector.broadcast %lt3A : i32 to vector<16xi32>
        %lt3A_314 = arith.cmpi slt, %while3A_295, %lt3A_313 : vector<16xi32>
        %and3A_315 = arith.andi %gt3A_312, %lt3A_314 : vector<16xi1>
        %jit3A_316 = arith.constant 1 : i32
        %jit3A_317 = arith.constant 0 : i32
        %broadcast_in_dim3A_318 = vector.broadcast %jit3A_316 : i32 to vector<16xi32>
        %broadcast_in_dim3A_319 = vector.broadcast %jit3A_317 : i32 to vector<16xi32>
        %select_n3A_320 = arith.select %and3A_315, %broadcast_in_dim3A_318, %broadcast_in_dim3A_319 : vector<16xi1>, vector<16xi32>
        %broadcast_in_dim3A_321 = arith.constant true
        %broadcast_in_dim3A_322 = vector.broadcast %broadcast_in_dim3A_321 : i1 to vector<16xi1>
        %masked_cumsum3A_323 = tpu.scan <sum>, %select_n3A_320 masked %broadcast_in_dim3A_322 : vector<16xi32>, vector<16xi1> -> vector<16xi32>
        %add3A_324 = arith.addi %while3A_295, %masked_cumsum3A_323 : vector<16xi32>
        %sub3A_325 = arith.constant 1 : i32
        %sub3A_326 = vector.broadcast %sub3A_325 : i32 to vector<16xi32>
        %sub3A_327 = arith.subi %add3A_324, %sub3A_326 : vector<16xi32>
        tpu.vector_store_idx %arg9[%sub3A_327], %get3A_303 masked %and3A_315 : memref<2048xi32, #tpu.memory_space<vmem>>[vector<16xi32>], vector<16xi32>, vector<16xi1>
        %all_reduce_population_count3A = tpu.all_reduce %and3A_315 {dim = 0 : i64, kind = #tpu.reduction_kind<sum>} : vector<16xi1> -> vector<16xi32>
        %add3A_328 = arith.addi %while3A_295, %all_reduce_population_count3A : vector<16xi32>
        %eq3A_329 = arith.cmpi eq, %and3A_311, %add3A_127 : vector<16xi32>
        %lt3A_330 = arith.constant 16369 : i32
        %lt3A_331 = vector.broadcast %lt3A_330 : i32 to vector<16xi32>
        %lt3A_332 = arith.cmpi slt, %while3A_296, %lt3A_331 : vector<16xi32>
        %and3A_333 = arith.andi %eq3A_329, %lt3A_332 : vector<16xi1>
        %shift_right_arithmetic3A_334 = arith.constant 16 : i32
        %shift_right_arithmetic3A_335 = vector.broadcast %shift_right_arithmetic3A_334 : i32 to vector<16xi32>
        %shift_right_arithmetic3A_336 = arith.shrsi %get3A_303, %shift_right_arithmetic3A_335 : vector<16xi32>
        %and3A_337 = arith.constant 255 : i32
        %and3A_338 = vector.broadcast %and3A_337 : i32 to vector<16xi32>
        %and3A_339 = arith.andi %shift_right_arithmetic3A_336, %and3A_338 : vector<16xi32>
        %mul3A_340 = arith.constant 16 : i32
        %mul3A_341 = vector.broadcast %mul3A_340 : i32 to vector<16xi32>
        %mul3A_342 = arith.muli %and3A_339, %mul3A_341 : vector<16xi32>
        %add3A_343 = arith.constant 4096 : i32
        %add3A_344 = vector.broadcast %add3A_343 : i32 to vector<16xi32>
        %add3A_345 = arith.addi %add3A_344, %mul3A_342 : vector<16xi32>
        %add3A_346 = arith.addi %add3A_345, %iota3A : vector<16xi32>
        tpu.vector_store_idx %arg7[%add3A_346], %broadcast_in_dim3A_3 masked %and3A_333 {add = true} : memref<8192xi32, #tpu.memory_space<vmem>>[vector<16xi32>], vector<16xi32>, vector<16xi1>
        %jit3A_347 = arith.constant 1 : i32
        %jit3A_348 = arith.constant 0 : i32
        %broadcast_in_dim3A_349 = vector.broadcast %jit3A_347 : i32 to vector<16xi32>
        %broadcast_in_dim3A_350 = vector.broadcast %jit3A_348 : i32 to vector<16xi32>
        %select_n3A_351 = arith.select %and3A_333, %broadcast_in_dim3A_349, %broadcast_in_dim3A_350 : vector<16xi1>, vector<16xi32>
        %broadcast_in_dim3A_352 = arith.constant true
        %broadcast_in_dim3A_353 = vector.broadcast %broadcast_in_dim3A_352 : i1 to vector<16xi1>
        %masked_cumsum3A_354 = tpu.scan <sum>, %select_n3A_351 masked %broadcast_in_dim3A_353 : vector<16xi32>, vector<16xi1> -> vector<16xi32>
        %add3A_355 = arith.addi %while3A_296, %masked_cumsum3A_354 : vector<16xi32>
        %sub3A_356 = arith.constant 1 : i32
        %sub3A_357 = vector.broadcast %sub3A_356 : i32 to vector<16xi32>
        %sub3A_358 = arith.subi %add3A_355, %sub3A_357 : vector<16xi32>
        tpu.vector_store_idx %arg8[%sub3A_358], %get3A_303 masked %and3A_333 : memref<16384xi32, #tpu.memory_space<vmem>>[vector<16xi32>], vector<16xi32>, vector<16xi1>
        %all_reduce_population_count3A_359 = tpu.all_reduce %and3A_333 {dim = 0 : i64, kind = #tpu.reduction_kind<sum>} : vector<16xi1> -> vector<16xi32>
        %add3A_360 = arith.addi %while3A_296, %all_reduce_population_count3A_359 : vector<16xi32>
        %mul3A_361 = arith.constant 4 : i32
        %mul3A_362 = arith.muli %while3A_294, %mul3A_361 : i32
        %add3A_363 = arith.constant 1 : i32
        %add3A_364 = arith.addi %mul3A_362, %add3A_363 : i32
        %mul3A_365 = arith.constant 16 : i32
        %mul3A_366 = arith.muli %add3A_364, %mul3A_365 : i32
        %get3A_367 = arith.index_cast %mul3A_366 : i32 to index
        %get3A_368 = tpu.vector_load %arg6[%get3A_367] {strides = array<i32>} : memref<32768xi32, #tpu.memory_space<vmem>>, vector<16xi32>,
        %shift_right_arithmetic3A_369 = arith.constant 24 : i32
        %shift_right_arithmetic3A_370 = vector.broadcast %shift_right_arithmetic3A_369 : i32 to vector<16xi32>
        %shift_right_arithmetic3A_371 = arith.shrsi %get3A_368, %shift_right_arithmetic3A_370 : vector<16xi32>
        %add3A_372 = arith.constant 128 : i32
        %add3A_373 = vector.broadcast %add3A_372 : i32 to vector<16xi32>
        %add3A_374 = arith.addi %shift_right_arithmetic3A_371, %add3A_373 : vector<16xi32>
        %and3A_375 = arith.constant 255 : i32
        %and3A_376 = vector.broadcast %and3A_375 : i32 to vector<16xi32>
        %and3A_377 = arith.andi %add3A_374, %and3A_376 : vector<16xi32>
        %gt3A_378 = arith.cmpi sgt, %and3A_377, %add3A_127 : vector<16xi32>
        %lt3A_379 = arith.constant 2033 : i32
        %lt3A_380 = vector.broadcast %lt3A_379 : i32 to vector<16xi32>
        %lt3A_381 = arith.cmpi slt, %add3A_328, %lt3A_380 : vector<16xi32>
        %and3A_382 = arith.andi %gt3A_378, %lt3A_381 : vector<16xi1>
        %jit3A_383 = arith.constant 1 : i32
        %jit3A_384 = arith.constant 0 : i32
        %broadcast_in_dim3A_385 = vector.broadcast %jit3A_383 : i32 to vector<16xi32>
        %broadcast_in_dim3A_386 = vector.broadcast %jit3A_384 : i32 to vector<16xi32>
        %select_n3A_387 = arith.select %and3A_382, %broadcast_in_dim3A_385, %broadcast_in_dim3A_386 : vector<16xi1>, vector<16xi32>
        %broadcast_in_dim3A_388 = arith.constant true
        %broadcast_in_dim3A_389 = vector.broadcast %broadcast_in_dim3A_388 : i1 to vector<16xi1>
        %masked_cumsum3A_390 = tpu.scan <sum>, %select_n3A_387 masked %broadcast_in_dim3A_389 : vector<16xi32>, vector<16xi1> -> vector<16xi32>
        %add3A_391 = arith.addi %add3A_328, %masked_cumsum3A_390 : vector<16xi32>
        %sub3A_392 = arith.constant 1 : i32
        %sub3A_393 = vector.broadcast %sub3A_392 : i32 to vector<16xi32>
        %sub3A_394 = arith.subi %add3A_391, %sub3A_393 : vector<16xi32>
        tpu.vector_store_idx %arg9[%sub3A_394], %get3A_368 masked %and3A_382 : memref<2048xi32, #tpu.memory_space<vmem>>[vector<16xi32>], vector<16xi32>, vector<16xi1>
        %all_reduce_population_count3A_395 = tpu.all_reduce %and3A_382 {dim = 0 : i64, kind = #tpu.reduction_kind<sum>} : vector<16xi1> -> vector<16xi32>
        %add3A_396 = arith.addi %add3A_328, %all_reduce_population_count3A_395 : vector<16xi32>
        %eq3A_397 = arith.cmpi eq, %and3A_377, %add3A_127 : vector<16xi32>
        %lt3A_398 = arith.constant 16369 : i32
        %lt3A_399 = vector.broadcast %lt3A_398 : i32 to vector<16xi32>
        %lt3A_400 = arith.cmpi slt, %add3A_360, %lt3A_399 : vector<16xi32>
        %and3A_401 = arith.andi %eq3A_397, %lt3A_400 : vector<16xi1>
        %shift_right_arithmetic3A_402 = arith.constant 16 : i32
        %shift_right_arithmetic3A_403 = vector.broadcast %shift_right_arithmetic3A_402 : i32 to vector<16xi32>
        %shift_right_arithmetic3A_404 = arith.shrsi %get3A_368, %shift_right_arithmetic3A_403 : vector<16xi32>
        %and3A_405 = arith.constant 255 : i32
        %and3A_406 = vector.broadcast %and3A_405 : i32 to vector<16xi32>
        %and3A_407 = arith.andi %shift_right_arithmetic3A_404, %and3A_406 : vector<16xi32>
        %mul3A_408 = arith.constant 16 : i32
        %mul3A_409 = vector.broadcast %mul3A_408 : i32 to vector<16xi32>
        %mul3A_410 = arith.muli %and3A_407, %mul3A_409 : vector<16xi32>
        %add3A_411 = arith.constant 4096 : i32
        %add3A_412 = vector.broadcast %add3A_411 : i32 to vector<16xi32>
        %add3A_413 = arith.addi %add3A_412, %mul3A_410 : vector<16xi32>
        %add3A_414 = arith.addi %add3A_413, %iota3A : vector<16xi32>
        tpu.vector_store_idx %arg7[%add3A_414], %broadcast_in_dim3A_3 masked %and3A_401 {add = true} : memref<8192xi32, #tpu.memory_space<vmem>>[vector<16xi32>], vector<16xi32>, vector<16xi1>
        %jit3A_415 = arith.constant 1 : i32
        %jit3A_416 = arith.constant 0 : i32
        %broadcast_in_dim3A_417 = vector.broadcast %jit3A_415 : i32 to vector<16xi32>
        %broadcast_in_dim3A_418 = vector.broadcast %jit3A_416 : i32 to vector<16xi32>
        %select_n3A_419 = arith.select %and3A_401, %broadcast_in_dim3A_417, %broadcast_in_dim3A_418 : vector<16xi1>, vector<16xi32>
        %broadcast_in_dim3A_420 = arith.constant true
        %broadcast_in_dim3A_421 = vector.broadcast %broadcast_in_dim3A_420 : i1 to vector<16xi1>
        %masked_cumsum3A_422 = tpu.scan <sum>, %select_n3A_419 masked %broadcast_in_dim3A_421 : vector<16xi32>, vector<16xi1> -> vector<16xi32>
        %add3A_423 = arith.addi %add3A_360, %masked_cumsum3A_422 : vector<16xi32>
        %sub3A_424 = arith.constant 1 : i32
        %sub3A_425 = vector.broadcast %sub3A_424 : i32 to vector<16xi32>
        %sub3A_426 = arith.subi %add3A_423, %sub3A_425 : vector<16xi32>
        tpu.vector_store_idx %arg8[%sub3A_426], %get3A_368 masked %and3A_401 : memref<16384xi32, #tpu.memory_space<vmem>>[vector<16xi32>], vector<16xi32>, vector<16xi1>
        %all_reduce_population_count3A_427 = tpu.all_reduce %and3A_401 {dim = 0 : i64, kind = #tpu.reduction_kind<sum>} : vector<16xi1> -> vector<16xi32>
        %add3A_428 = arith.addi %add3A_360, %all_reduce_population_count3A_427 : vector<16xi32>
        %mul3A_429 = arith.constant 4 : i32
        %mul3A_430 = arith.muli %while3A_294, %mul3A_429 : i32
        %add3A_431 = arith.constant 2 : i32
        %add3A_432 = arith.addi %mul3A_430, %add3A_431 : i32
        %mul3A_433 = arith.constant 16 : i32
        %mul3A_434 = arith.muli %add3A_432, %mul3A_433 : i32
        %get3A_435 = arith.index_cast %mul3A_434 : i32 to index
        %get3A_436 = tpu.vector_load %arg6[%get3A_435] {strides = array<i32>} : memref<32768xi32, #tpu.memory_space<vmem>>, vector<16xi32>,
        %shift_right_arithmetic3A_437 = arith.constant 24 : i32
        %shift_right_arithmetic3A_438 = vector.broadcast %shift_right_arithmetic3A_437 : i32 to vector<16xi32>
        %shift_right_arithmetic3A_439 = arith.shrsi %get3A_436, %shift_right_arithmetic3A_438 : vector<16xi32>
        %add3A_440 = arith.constant 128 : i32
        %add3A_441 = vector.broadcast %add3A_440 : i32 to vector<16xi32>
        %add3A_442 = arith.addi %shift_right_arithmetic3A_439, %add3A_441 : vector<16xi32>
        %and3A_443 = arith.constant 255 : i32
        %and3A_444 = vector.broadcast %and3A_443 : i32 to vector<16xi32>
        %and3A_445 = arith.andi %add3A_442, %and3A_444 : vector<16xi32>
        %gt3A_446 = arith.cmpi sgt, %and3A_445, %add3A_127 : vector<16xi32>
        %lt3A_447 = arith.constant 2033 : i32
        %lt3A_448 = vector.broadcast %lt3A_447 : i32 to vector<16xi32>
        %lt3A_449 = arith.cmpi slt, %add3A_396, %lt3A_448 : vector<16xi32>
        %and3A_450 = arith.andi %gt3A_446, %lt3A_449 : vector<16xi1>
        %jit3A_451 = arith.constant 1 : i32
        %jit3A_452 = arith.constant 0 : i32
        %broadcast_in_dim3A_453 = vector.broadcast %jit3A_451 : i32 to vector<16xi32>
        %broadcast_in_dim3A_454 = vector.broadcast %jit3A_452 : i32 to vector<16xi32>
        %select_n3A_455 = arith.select %and3A_450, %broadcast_in_dim3A_453, %broadcast_in_dim3A_454 : vector<16xi1>, vector<16xi32>
        %broadcast_in_dim3A_456 = arith.constant true
        %broadcast_in_dim3A_457 = vector.broadcast %broadcast_in_dim3A_456 : i1 to vector<16xi1>
        %masked_cumsum3A_458 = tpu.scan <sum>, %select_n3A_455 masked %broadcast_in_dim3A_457 : vector<16xi32>, vector<16xi1> -> vector<16xi32>
        %add3A_459 = arith.addi %add3A_396, %masked_cumsum3A_458 : vector<16xi32>
        %sub3A_460 = arith.constant 1 : i32
        %sub3A_461 = vector.broadcast %sub3A_460 : i32 to vector<16xi32>
        %sub3A_462 = arith.subi %add3A_459, %sub3A_461 : vector<16xi32>
        tpu.vector_store_idx %arg9[%sub3A_462], %get3A_436 masked %and3A_450 : memref<2048xi32, #tpu.memory_space<vmem>>[vector<16xi32>], vector<16xi32>, vector<16xi1>
        %all_reduce_population_count3A_463 = tpu.all_reduce %and3A_450 {dim = 0 : i64, kind = #tpu.reduction_kind<sum>} : vector<16xi1> -> vector<16xi32>
        %add3A_464 = arith.addi %add3A_396, %all_reduce_population_count3A_463 : vector<16xi32>
        %eq3A_465 = arith.cmpi eq, %and3A_445, %add3A_127 : vector<16xi32>
        %lt3A_466 = arith.constant 16369 : i32
        %lt3A_467 = vector.broadcast %lt3A_466 : i32 to vector<16xi32>
        %lt3A_468 = arith.cmpi slt, %add3A_428, %lt3A_467 : vector<16xi32>
        %and3A_469 = arith.andi %eq3A_465, %lt3A_468 : vector<16xi1>
        %shift_right_arithmetic3A_470 = arith.constant 16 : i32
        %shift_right_arithmetic3A_471 = vector.broadcast %shift_right_arithmetic3A_470 : i32 to vector<16xi32>
        %shift_right_arithmetic3A_472 = arith.shrsi %get3A_436, %shift_right_arithmetic3A_471 : vector<16xi32>
        %and3A_473 = arith.constant 255 : i32
        %and3A_474 = vector.broadcast %and3A_473 : i32 to vector<16xi32>
        %and3A_475 = arith.andi %shift_right_arithmetic3A_472, %and3A_474 : vector<16xi32>
        %mul3A_476 = arith.constant 16 : i32
        %mul3A_477 = vector.broadcast %mul3A_476 : i32 to vector<16xi32>
        %mul3A_478 = arith.muli %and3A_475, %mul3A_477 : vector<16xi32>
        %add3A_479 = arith.constant 4096 : i32
        %add3A_480 = vector.broadcast %add3A_479 : i32 to vector<16xi32>
        %add3A_481 = arith.addi %add3A_480, %mul3A_478 : vector<16xi32>
        %add3A_482 = arith.addi %add3A_481, %iota3A : vector<16xi32>
        tpu.vector_store_idx %arg7[%add3A_482], %broadcast_in_dim3A_3 masked %and3A_469 {add = true} : memref<8192xi32, #tpu.memory_space<vmem>>[vector<16xi32>], vector<16xi32>, vector<16xi1>
        %jit3A_483 = arith.constant 1 : i32
        %jit3A_484 = arith.constant 0 : i32
        %broadcast_in_dim3A_485 = vector.broadcast %jit3A_483 : i32 to vector<16xi32>
        %broadcast_in_dim3A_486 = vector.broadcast %jit3A_484 : i32 to vector<16xi32>
        %select_n3A_487 = arith.select %and3A_469, %broadcast_in_dim3A_485, %broadcast_in_dim3A_486 : vector<16xi1>, vector<16xi32>
        %broadcast_in_dim3A_488 = arith.constant true
        %broadcast_in_dim3A_489 = vector.broadcast %broadcast_in_dim3A_488 : i1 to vector<16xi1>
        %masked_cumsum3A_490 = tpu.scan <sum>, %select_n3A_487 masked %broadcast_in_dim3A_489 : vector<16xi32>, vector<16xi1> -> vector<16xi32>
        %add3A_491 = arith.addi %add3A_428, %masked_cumsum3A_490 : vector<16xi32>
        %sub3A_492 = arith.constant 1 : i32
        %sub3A_493 = vector.broadcast %sub3A_492 : i32 to vector<16xi32>
        %sub3A_494 = arith.subi %add3A_491, %sub3A_493 : vector<16xi32>
        tpu.vector_store_idx %arg8[%sub3A_494], %get3A_436 masked %and3A_469 : memref<16384xi32, #tpu.memory_space<vmem>>[vector<16xi32>], vector<16xi32>, vector<16xi1>
        %all_reduce_population_count3A_495 = tpu.all_reduce %and3A_469 {dim = 0 : i64, kind = #tpu.reduction_kind<sum>} : vector<16xi1> -> vector<16xi32>
        %add3A_496 = arith.addi %add3A_428, %all_reduce_population_count3A_495 : vector<16xi32>
        %mul3A_497 = arith.constant 4 : i32
        %mul3A_498 = arith.muli %while3A_294, %mul3A_497 : i32
        %add3A_499 = arith.constant 3 : i32
        %add3A_500 = arith.addi %mul3A_498, %add3A_499 : i32
        %mul3A_501 = arith.constant 16 : i32
        %mul3A_502 = arith.muli %add3A_500, %mul3A_501 : i32
        %get3A_503 = arith.index_cast %mul3A_502 : i32 to index
        %get3A_504 = tpu.vector_load %arg6[%get3A_503] {strides = array<i32>} : memref<32768xi32, #tpu.memory_space<vmem>>, vector<16xi32>,
        %shift_right_arithmetic3A_505 = arith.constant 24 : i32
        %shift_right_arithmetic3A_506 = vector.broadcast %shift_right_arithmetic3A_505 : i32 to vector<16xi32>
        %shift_right_arithmetic3A_507 = arith.shrsi %get3A_504, %shift_right_arithmetic3A_506 : vector<16xi32>
        %add3A_508 = arith.constant 128 : i32
        %add3A_509 = vector.broadcast %add3A_508 : i32 to vector<16xi32>
        %add3A_510 = arith.addi %shift_right_arithmetic3A_507, %add3A_509 : vector<16xi32>
        %and3A_511 = arith.constant 255 : i32
        %and3A_512 = vector.broadcast %and3A_511 : i32 to vector<16xi32>
        %and3A_513 = arith.andi %add3A_510, %and3A_512 : vector<16xi32>
        %gt3A_514 = arith.cmpi sgt, %and3A_513, %add3A_127 : vector<16xi32>
        %lt3A_515 = arith.constant 2033 : i32
        %lt3A_516 = vector.broadcast %lt3A_515 : i32 to vector<16xi32>
        %lt3A_517 = arith.cmpi slt, %add3A_464, %lt3A_516 : vector<16xi32>
        %and3A_518 = arith.andi %gt3A_514, %lt3A_517 : vector<16xi1>
        %jit3A_519 = arith.constant 1 : i32
        %jit3A_520 = arith.constant 0 : i32
        %broadcast_in_dim3A_521 = vector.broadcast %jit3A_519 : i32 to vector<16xi32>
        %broadcast_in_dim3A_522 = vector.broadcast %jit3A_520 : i32 to vector<16xi32>
        %select_n3A_523 = arith.select %and3A_518, %broadcast_in_dim3A_521, %broadcast_in_dim3A_522 : vector<16xi1>, vector<16xi32>
        %broadcast_in_dim3A_524 = arith.constant true
        %broadcast_in_dim3A_525 = vector.broadcast %broadcast_in_dim3A_524 : i1 to vector<16xi1>
        %masked_cumsum3A_526 = tpu.scan <sum>, %select_n3A_523 masked %broadcast_in_dim3A_525 : vector<16xi32>, vector<16xi1> -> vector<16xi32>
        %add3A_527 = arith.addi %add3A_464, %masked_cumsum3A_526 : vector<16xi32>
        %sub3A_528 = arith.constant 1 : i32
        %sub3A_529 = vector.broadcast %sub3A_528 : i32 to vector<16xi32>
        %sub3A_530 = arith.subi %add3A_527, %sub3A_529 : vector<16xi32>
        tpu.vector_store_idx %arg9[%sub3A_530], %get3A_504 masked %and3A_518 : memref<2048xi32, #tpu.memory_space<vmem>>[vector<16xi32>], vector<16xi32>, vector<16xi1>
        %all_reduce_population_count3A_531 = tpu.all_reduce %and3A_518 {dim = 0 : i64, kind = #tpu.reduction_kind<sum>} : vector<16xi1> -> vector<16xi32>
        %add3A_532 = arith.addi %add3A_464, %all_reduce_population_count3A_531 : vector<16xi32>
        %eq3A_533 = arith.cmpi eq, %and3A_513, %add3A_127 : vector<16xi32>
        %lt3A_534 = arith.constant 16369 : i32
        %lt3A_535 = vector.broadcast %lt3A_534 : i32 to vector<16xi32>
        %lt3A_536 = arith.cmpi slt, %add3A_496, %lt3A_535 : vector<16xi32>
        %and3A_537 = arith.andi %eq3A_533, %lt3A_536 : vector<16xi1>
        %shift_right_arithmetic3A_538 = arith.constant 16 : i32
        %shift_right_arithmetic3A_539 = vector.broadcast %shift_right_arithmetic3A_538 : i32 to vector<16xi32>
        %shift_right_arithmetic3A_540 = arith.shrsi %get3A_504, %shift_right_arithmetic3A_539 : vector<16xi32>
        %and3A_541 = arith.constant 255 : i32
        %and3A_542 = vector.broadcast %and3A_541 : i32 to vector<16xi32>
        %and3A_543 = arith.andi %shift_right_arithmetic3A_540, %and3A_542 : vector<16xi32>
        %mul3A_544 = arith.constant 16 : i32
        %mul3A_545 = vector.broadcast %mul3A_544 : i32 to vector<16xi32>
        %mul3A_546 = arith.muli %and3A_543, %mul3A_545 : vector<16xi32>
        %add3A_547 = arith.constant 4096 : i32
        %add3A_548 = vector.broadcast %add3A_547 : i32 to vector<16xi32>
        %add3A_549 = arith.addi %add3A_548, %mul3A_546 : vector<16xi32>
        %add3A_550 = arith.addi %add3A_549, %iota3A : vector<16xi32>
        tpu.vector_store_idx %arg7[%add3A_550], %broadcast_in_dim3A_3 masked %and3A_537 {add = true} : memref<8192xi32, #tpu.memory_space<vmem>>[vector<16xi32>], vector<16xi32>, vector<16xi1>
        %jit3A_551 = arith.constant 1 : i32
        %jit3A_552 = arith.constant 0 : i32
        %broadcast_in_dim3A_553 = vector.broadcast %jit3A_551 : i32 to vector<16xi32>
        %broadcast_in_dim3A_554 = vector.broadcast %jit3A_552 : i32 to vector<16xi32>
        %select_n3A_555 = arith.select %and3A_537, %broadcast_in_dim3A_553, %broadcast_in_dim3A_554 : vector<16xi1>, vector<16xi32>
        %broadcast_in_dim3A_556 = arith.constant true
        %broadcast_in_dim3A_557 = vector.broadcast %broadcast_in_dim3A_556 : i1 to vector<16xi1>
        %masked_cumsum3A_558 = tpu.scan <sum>, %select_n3A_555 masked %broadcast_in_dim3A_557 : vector<16xi32>, vector<16xi1> -> vector<16xi32>
        %add3A_559 = arith.addi %add3A_496, %masked_cumsum3A_558 : vector<16xi32>
        %sub3A_560 = arith.constant 1 : i32
        %sub3A_561 = vector.broadcast %sub3A_560 : i32 to vector<16xi32>
        %sub3A_562 = arith.subi %add3A_559, %sub3A_561 : vector<16xi32>
        tpu.vector_store_idx %arg8[%sub3A_562], %get3A_504 masked %and3A_537 : memref<16384xi32, #tpu.memory_space<vmem>>[vector<16xi32>], vector<16xi32>, vector<16xi1>
        %all_reduce_population_count3A_563 = tpu.all_reduce %and3A_537 {dim = 0 : i64, kind = #tpu.reduction_kind<sum>} : vector<16xi1> -> vector<16xi32>
        %add3A_564 = arith.addi %add3A_496, %all_reduce_population_count3A_563 : vector<16xi32>
        scf.yield %add3A_532, %add3A_564 : vector<16xi32>, vector<16xi32>
      }
      %gt3A = arith.constant 0 : i32
      %gt3A_168 = arith.cmpi sgt, %convert_element_type3A, %gt3A : i32
      %select_n3A_169 = arith.select %gt3A_168, %while3A_167#0, %scan3A_43#0 : vector<16xi32>
      %gt3A_170 = arith.constant 0 : i32
      %gt3A_171 = arith.cmpi sgt, %convert_element_type3A, %gt3A_170 : i32
      %select_n3A_172 = arith.select %gt3A_171, %while3A_167#1, %scan3A_43#1 : vector<16xi32>
      %sub3A_173 = arith.constant 128 : i32
      %sub3A_174 = arith.subi %add3A_125, %sub3A_173 : i32
      %shift_left3A = arith.constant 24 : i32
      %shift_left3A_175 = arith.shli %sub3A_174, %shift_left3A : i32
      %scan3A_176 = arith.constant 1 : i32
      %scan3A_177 = arith.constant 2 : i32
      %scan3A_178 = arith.addi %scan3A_176, %scan3A_177 : i32
      %scan3A_179 = arith.constant 1 : i32
      %scan3A_180:4 = scf.for %scan3A_294 = %scan3A_176 to %scan3A_178 step %scan3A_179 iter_args(%scan3A_295 = %select_n3A_169, %scan3A_296 = %select_n3A_172, %scan3A_297 = %sub3A_115, %scan3A_298 = %shift_left3A_175) -> (vector<16xi32>, vector<16xi32>, i32, i32)  : i32 {
        %mul3A_299 = arith.constant 8 : i32
        %mul3A_300 = arith.muli %mul3A_299, %scan3A_294 : i32
        %sub3A_301 = arith.constant 24 : i32
        %sub3A_302 = arith.subi %sub3A_301, %mul3A_300 : i32
        %and3A = arith.constant 1 : i32
        %and3A_303 = arith.andi %scan3A_294, %and3A : i32
        %mul3A_304 = arith.constant 4096 : i32
        %mul3A_305 = arith.muli %mul3A_304, %and3A_303 : i32
        %broadcast_in_dim3A_306 = arith.constant 0 : i32
        %broadcast_in_dim3A_307 = vector.broadcast %broadcast_in_dim3A_306 : i32 to vector<16xi32>
        %scan3A_308 = arith.constant 0 : i32
        %scan3A_309 = arith.constant 16 : i32
        %scan3A_310 = arith.addi %scan3A_308, %scan3A_309 : i32
        %scan3A_311 = arith.constant 1 : i32
        %scan3A_312 = scf.for %scan3A_423 = %scan3A_308 to %scan3A_310 step %scan3A_311 iter_args(%scan3A_424 = %broadcast_in_dim3A_307) -> (vector<16xi32>)  : i32 {
          %scan3A_425 = arith.constant 0 : i32
          %scan3A_426 = arith.constant 16 : i32
          %scan3A_427 = arith.addi %scan3A_425, %scan3A_426 : i32
          %scan3A_428 = arith.constant 1 : i32
          %scan3A_429 = scf.for %scan3A_439 = %scan3A_425 to %scan3A_427 step %scan3A_428 iter_args(%scan3A_440 = %broadcast_in_dim3A_307) -> (vector<16xi32>)  : i32 {
            %mul3A_441 = arith.constant 256 : i32
            %mul3A_442 = arith.muli %scan3A_423, %mul3A_441 : i32
            %add3A_443 = arith.addi %mul3A_305, %mul3A_442 : i32
            %mul3A_444 = arith.constant 16 : i32
            %mul3A_445 = arith.muli %scan3A_439, %mul3A_444 : i32
            %add3A_446 = arith.addi %add3A_443, %mul3A_445 : i32
            %get3A = arith.index_cast %add3A_446 : i32 to index
            %get3A_447 = tpu.vector_load %arg7[%get3A] {strides = array<i32>} : memref<8192xi32, #tpu.memory_space<vmem>>, vector<16xi32>,
            %add3A_448 = arith.addi %scan3A_440, %get3A_447 : vector<16xi32>
            scf.yield %add3A_448 : vector<16xi32>
          }
          %scan3A_430 = arith.constant 16 : i32
          %eq3A_431 = vector.broadcast %scan3A_423 : i32 to vector<16xi32>
          %eq3A_432 = arith.cmpi eq, %iota3A, %eq3A_431 : vector<16xi32>
          %reduce_sum3A_433 = arith.constant true
          %reduce_sum3A_434 = vector.broadcast %reduce_sum3A_433 : i1 to vector<16xi1>
          %reduce_sum3A_435 = tpu.scan <sum>, %scan3A_429 masked %reduce_sum3A_434 : vector<16xi32>, vector<16xi1> -> vector<16xi32>
          %reduce_sum3A_436 = vector.extract %reduce_sum3A_435[15] : i32 from vector<16xi32>
          %broadcast_in_dim3A_437 = vector.broadcast %reduce_sum3A_436 : i32 to vector<16xi32>
          %select_n3A_438 = arith.select %eq3A_432, %broadcast_in_dim3A_437, %scan3A_424 : vector<16xi1>, vector<16xi32>
          scf.yield %select_n3A_438 : vector<16xi32>
        }
        %scan3A_313 = arith.constant 16 : i32
        %rev3A_314 = arith.constant 15 : i32
        %rev3A_315 = vector.broadcast %rev3A_314 : i32 to vector<16xi32>
        %rev3A_316 = tpu.iota {dimensions = array<i32: 0>} : vector<16xi32>
        %rev3A_317 = arith.subi %rev3A_315, %rev3A_316 : vector<16xi32>
        %rev3A_318 = tpu.dynamic_gather %scan3A_312[%rev3A_317] in [0] : vector<16xi32>, vector<16xi32> -> vector<16xi32>
        %broadcast_in_dim3A_319 = arith.constant true
        %broadcast_in_dim3A_320 = vector.broadcast %broadcast_in_dim3A_319 : i1 to vector<16xi1>
        %masked_cumsum3A_321 = tpu.scan <sum>, %rev3A_318 masked %broadcast_in_dim3A_320 : vector<16xi32>, vector<16xi1> -> vector<16xi32>
        %ge3A_322 = vector.broadcast %scan3A_297 : i32 to vector<16xi32>
        %ge3A_323 = arith.cmpi sge, %masked_cumsum3A_321, %ge3A_322 : vector<16xi32>
        %all_reduce_ffs3A_324 = tpu.all_reduce %ge3A_323 {dim = 0 : i64, kind = #tpu.reduction_kind<find_first_set>} : vector<16xi1> -> vector<16xi32>
        %slice3A_325 = vector.extract_strided_slice %all_reduce_ffs3A_324 {offsets = [0], sizes = [1], strides = [1]} : vector<16xi32> to vector<1xi32>
        %squeeze3A_326 = vector.extract %slice3A_325[0] : i32 from vector<1xi32>
        %eq3A_327 = vector.broadcast %squeeze3A_326 : i32 to vector<16xi32>
        %eq3A_328 = arith.cmpi eq, %iota3A, %eq3A_327 : vector<16xi32>
        %jit3A_329 = arith.constant 0 : i32
        %broadcast_in_dim3A_330 = vector.broadcast %jit3A_329 : i32 to vector<16xi32>
        %select_n3A_331 = arith.select %eq3A_328, %masked_cumsum3A_321, %broadcast_in_dim3A_330 : vector<16xi1>, vector<16xi32>
        %reduce_sum3A_332 = arith.constant true
        %reduce_sum3A_333 = vector.broadcast %reduce_sum3A_332 : i1 to vector<16xi1>
        %reduce_sum3A_334 = tpu.scan <sum>, %select_n3A_331 masked %reduce_sum3A_333 : vector<16xi32>, vector<16xi1> -> vector<16xi32>
        %reduce_sum3A_335 = vector.extract %reduce_sum3A_334[15] : i32 from vector<16xi32>
        %jit3A_336 = arith.constant 0 : i32
        %broadcast_in_dim3A_337 = vector.broadcast %jit3A_336 : i32 to vector<16xi32>
        %select_n3A_338 = arith.select %eq3A_328, %rev3A_318, %broadcast_in_dim3A_337 : vector<16xi1>, vector<16xi32>
        %reduce_sum3A_339 = arith.constant true
        %reduce_sum3A_340 = vector.broadcast %reduce_sum3A_339 : i1 to vector<16xi1>
        %reduce_sum3A_341 = tpu.scan <sum>, %select_n3A_338 masked %reduce_sum3A_340 : vector<16xi32>, vector<16xi1> -> vector<16xi32>
        %reduce_sum3A_342 = vector.extract %reduce_sum3A_341[15] : i32 from vector<16xi32>
        %sub3A_343 = arith.constant 15 : i32
        %sub3A_344 = arith.subi %sub3A_343, %squeeze3A_326 : i32
        %sub3A_345 = arith.subi %reduce_sum3A_335, %reduce_sum3A_342 : i32
        %sub3A_346 = arith.subi %scan3A_297, %sub3A_345 : i32
        %scan3A_347 = arith.constant 0 : i32
        %scan3A_348 = arith.constant 16 : i32
        %scan3A_349 = arith.addi %scan3A_347, %scan3A_348 : i32
        %scan3A_350 = arith.constant 1 : i32
        %scan3A_351 = scf.for %scan3A_423 = %scan3A_347 to %scan3A_349 step %scan3A_350 iter_args(%scan3A_424 = %broadcast_in_dim3A_307) -> (vector<16xi32>)  : i32 {
          %mul3A_425 = arith.constant 256 : i32
          %mul3A_426 = arith.muli %sub3A_344, %mul3A_425 : i32
          %add3A_427 = arith.addi %mul3A_305, %mul3A_426 : i32
          %mul3A_428 = arith.constant 16 : i32
          %mul3A_429 = arith.muli %scan3A_423, %mul3A_428 : i32
          %add3A_430 = arith.addi %add3A_427, %mul3A_429 : i32
          %get3A = arith.index_cast %add3A_430 : i32 to index
          %get3A_431 = tpu.vector_load %arg7[%get3A] {strides = array<i32>} : memref<8192xi32, #tpu.memory_space<vmem>>, vector<16xi32>,
          %eq3A_432 = vector.broadcast %scan3A_423 : i32 to vector<16xi32>
          %eq3A_433 = arith.cmpi eq, %iota3A, %eq3A_432 : vector<16xi32>
          %reduce_sum3A_434 = arith.constant true
          %reduce_sum3A_435 = vector.broadcast %reduce_sum3A_434 : i1 to vector<16xi1>
          %reduce_sum3A_436 = tpu.scan <sum>, %get3A_431 masked %reduce_sum3A_435 : vector<16xi32>, vector<16xi1> -> vector<16xi32>
          %reduce_sum3A_437 = vector.extract %reduce_sum3A_436[15] : i32 from vector<16xi32>
          %broadcast_in_dim3A_438 = vector.broadcast %reduce_sum3A_437 : i32 to vector<16xi32>
          %select_n3A_439 = arith.select %eq3A_433, %broadcast_in_dim3A_438, %scan3A_424 : vector<16xi1>, vector<16xi32>
          scf.yield %select_n3A_439 : vector<16xi32>
        }
        %scan3A_352 = arith.constant 16 : i32
        %rev3A_353 = arith.constant 15 : i32
        %rev3A_354 = vector.broadcast %rev3A_353 : i32 to vector<16xi32>
        %rev3A_355 = tpu.iota {dimensions = array<i32: 0>} : vector<16xi32>
        %rev3A_356 = arith.subi %rev3A_354, %rev3A_355 : vector<16xi32>
        %rev3A_357 = tpu.dynamic_gather %scan3A_351[%rev3A_356] in [0] : vector<16xi32>, vector<16xi32> -> vector<16xi32>
        %broadcast_in_dim3A_358 = arith.constant true
        %broadcast_in_dim3A_359 = vector.broadcast %broadcast_in_dim3A_358 : i1 to vector<16xi1>
        %masked_cumsum3A_360 = tpu.scan <sum>, %rev3A_357 masked %broadcast_in_dim3A_359 : vector<16xi32>, vector<16xi1> -> vector<16xi32>
        %ge3A_361 = vector.broadcast %sub3A_346 : i32 to vector<16xi32>
        %ge3A_362 = arith.cmpi sge, %masked_cumsum3A_360, %ge3A_361 : vector<16xi32>
        %all_reduce_ffs3A_363 = tpu.all_reduce %ge3A_362 {dim = 0 : i64, kind = #tpu.reduction_kind<find_first_set>} : vector<16xi1> -> vector<16xi32>
        %slice3A_364 = vector.extract_strided_slice %all_reduce_ffs3A_363 {offsets = [0], sizes = [1], strides = [1]} : vector<16xi32> to vector<1xi32>
        %squeeze3A_365 = vector.extract %slice3A_364[0] : i32 from vector<1xi32>
        %eq3A_366 = vector.broadcast %squeeze3A_365 : i32 to vector<16xi32>
        %eq3A_367 = arith.cmpi eq, %iota3A, %eq3A_366 : vector<16xi32>
        %jit3A_368 = arith.constant 0 : i32
        %broadcast_in_dim3A_369 = vector.broadcast %jit3A_368 : i32 to vector<16xi32>
        %select_n3A_370 = arith.select %eq3A_367, %masked_cumsum3A_360, %broadcast_in_dim3A_369 : vector<16xi1>, vector<16xi32>
        %reduce_sum3A_371 = arith.constant true
        %reduce_sum3A_372 = vector.broadcast %reduce_sum3A_371 : i1 to vector<16xi1>
        %reduce_sum3A_373 = tpu.scan <sum>, %select_n3A_370 masked %reduce_sum3A_372 : vector<16xi32>, vector<16xi1> -> vector<16xi32>
        %reduce_sum3A_374 = vector.extract %reduce_sum3A_373[15] : i32 from vector<16xi32>
        %jit3A_375 = arith.constant 0 : i32
        %broadcast_in_dim3A_376 = vector.broadcast %jit3A_375 : i32 to vector<16xi32>
        %select_n3A_377 = arith.select %eq3A_367, %rev3A_357, %broadcast_in_dim3A_376 : vector<16xi1>, vector<16xi32>
        %reduce_sum3A_378 = arith.constant true
        %reduce_sum3A_379 = vector.broadcast %reduce_sum3A_378 : i1 to vector<16xi1>
        %reduce_sum3A_380 = tpu.scan <sum>, %select_n3A_377 masked %reduce_sum3A_379 : vector<16xi32>, vector<16xi1> -> vector<16xi32>
        %reduce_sum3A_381 = vector.extract %reduce_sum3A_380[15] : i32 from vector<16xi32>
        %sub3A_382 = arith.constant 15 : i32
        %sub3A_383 = arith.subi %sub3A_382, %squeeze3A_365 : i32
        %sub3A_384 = arith.subi %reduce_sum3A_374, %reduce_sum3A_381 : i32
        %sub3A_385 = arith.subi %sub3A_346, %sub3A_384 : i32
        %scan3A_386 = arith.constant 0 : i32
        %scan3A_387 = arith.constant 0 : i32
        %scan3A_388 = arith.constant 256 : i32
        %scan3A_389 = arith.addi %scan3A_387, %scan3A_388 : i32
        %scan3A_390 = arith.constant 1 : i32
        %scan3A_391 = scf.for %scan3A_423 = %scan3A_387 to %scan3A_389 step %scan3A_390 iter_args(%scan3A_424 = %scan3A_386) -> (i32)  : i32 {
          %mul3A_425 = arith.constant 16 : i32
          %mul3A_426 = arith.muli %scan3A_423, %mul3A_425 : i32
          %add3A_427 = arith.addi %mul3A_305, %mul3A_426 : i32
          %swap3A_428 = arith.index_cast %add3A_427 : i32 to index
          %swap3A_429 = tpu.vector_load %arg7[%swap3A_428] {strides = array<i32>} : memref<8192xi32, #tpu.memory_space<vmem>>, vector<16xi32>,
          tpu.vector_store %arg7[%swap3A_428], %broadcast_in_dim3A_307 {strides = array<i32>} : memref<8192xi32, #tpu.memory_space<vmem>>, vector<16xi32>,
          %scan3A_430 = arith.constant 0 : i32
          scf.yield %scan3A_430 : i32
        }
        %scan3A_392 = arith.constant 256 : i32
        %mul3A_393 = arith.constant 16 : i32
        %mul3A_394 = arith.muli %sub3A_344, %mul3A_393 : i32
        %add3A_395 = arith.addi %mul3A_394, %sub3A_383 : i32
        %add3A_396 = vector.broadcast %add3A_395 : i32 to vector<16xi32>
        %add3A_397 = arith.addi %broadcast_in_dim3A_1, %add3A_396 : vector<16xi32>
        %add3A_398 = arith.constant 1 : i32
        %add3A_399 = arith.addi %scan3A_294, %add3A_398 : i32
        %and3A_400 = arith.constant 1 : i32
        %and3A_401 = arith.andi %add3A_399, %and3A_400 : i32
        %mul3A_402 = arith.constant 4096 : i32
        %mul3A_403 = arith.muli %mul3A_402, %and3A_401 : i32
        %slice3A_404 = vector.extract_strided_slice %scan3A_296 {offsets = [0], sizes = [1], strides = [1]} : vector<16xi32> to vector<1xi32>
        %squeeze3A_405 = vector.extract %slice3A_404[0] : i32 from vector<1xi32>
        %add3A_406 = arith.constant 15 : i32
        %add3A_407 = arith.addi %squeeze3A_405, %add3A_406 : i32
        %shift_right_arithmetic3A_408 = arith.constant 4 : i32
        %shift_right_arithmetic3A_409 = arith.shrsi %add3A_407, %shift_right_arithmetic3A_408 : i32
        %while3A_410 = arith.constant 0 : i32
        %while3A_411 = arith.subi %shift_right_arithmetic3A_409, %while3A_410 : i32
        %while3A_412 = arith.addi %while3A_410, %while3A_411 : i32
        %while3A_413 = arith.constant 1 : i32
        %while3A_414 = arith.divsi %while3A_411, %while3A_413 : i32
        %while3A_415 = arith.muli %while3A_414, %while3A_413 : i32
        %while3A_416 = arith.addi %while3A_410, %while3A_415 : i32
        %while3A_417 = arith.constant 1 : i32
        %while3A_418:2 = scf.for %while3A_423 = %while3A_410 to %while3A_416 step %while3A_417 iter_args(%while3A_424 = %scan3A_295, %while3A_425 = %broadcast_in_dim3A_1) -> (vector<16xi32>, vector<16xi32>)  : i32 {
          %mul3A_426 = arith.constant 16 : i32
          %mul3A_427 = arith.muli %while3A_423, %mul3A_426 : i32
          %add3A_428 = vector.broadcast %mul3A_427 : i32 to vector<16xi32>
          %add3A_429 = arith.addi %add3A_428, %iota3A : vector<16xi32>
          %lt3A = arith.cmpi slt, %add3A_429, %scan3A_296 : vector<16xi32>
          %get3A = arith.index_cast %mul3A_427 : i32 to index
          %get3A_430 = tpu.vector_load %arg8[%get3A] {strides = array<i32>} : memref<16384xi32, #tpu.memory_space<vmem>>, vector<16xi32>,
          %shift_right_arithmetic3A_431 = vector.broadcast %sub3A_302 : i32 to vector<16xi32>
          %shift_right_arithmetic3A_432 = arith.shrsi %get3A_430, %shift_right_arithmetic3A_431 : vector<16xi32>
          %and3A_433 = arith.constant 255 : i32
          %and3A_434 = vector.broadcast %and3A_433 : i32 to vector<16xi32>
          %and3A_435 = arith.andi %shift_right_arithmetic3A_432, %and3A_434 : vector<16xi32>
          %gt3A_436 = arith.cmpi sgt, %and3A_435, %add3A_397 : vector<16xi32>
          %and3A_437 = arith.andi %lt3A, %gt3A_436 : vector<16xi1>
          %lt3A_438 = arith.constant 2033 : i32
          %lt3A_439 = vector.broadcast %lt3A_438 : i32 to vector<16xi32>
          %lt3A_440 = arith.cmpi slt, %while3A_424, %lt3A_439 : vector<16xi32>
          %and3A_441 = arith.andi %and3A_437, %lt3A_440 : vector<16xi1>
          %jit3A_442 = arith.constant 1 : i32
          %jit3A_443 = arith.constant 0 : i32
          %broadcast_in_dim3A_444 = vector.broadcast %jit3A_442 : i32 to vector<16xi32>
          %broadcast_in_dim3A_445 = vector.broadcast %jit3A_443 : i32 to vector<16xi32>
          %select_n3A_446 = arith.select %and3A_441, %broadcast_in_dim3A_444, %broadcast_in_dim3A_445 : vector<16xi1>, vector<16xi32>
          %broadcast_in_dim3A_447 = arith.constant true
          %broadcast_in_dim3A_448 = vector.broadcast %broadcast_in_dim3A_447 : i1 to vector<16xi1>
          %masked_cumsum3A_449 = tpu.scan <sum>, %select_n3A_446 masked %broadcast_in_dim3A_448 : vector<16xi32>, vector<16xi1> -> vector<16xi32>
          %add3A_450 = arith.addi %while3A_424, %masked_cumsum3A_449 : vector<16xi32>
          %sub3A_451 = arith.constant 1 : i32
          %sub3A_452 = vector.broadcast %sub3A_451 : i32 to vector<16xi32>
          %sub3A_453 = arith.subi %add3A_450, %sub3A_452 : vector<16xi32>
          tpu.vector_store_idx %arg9[%sub3A_453], %get3A_430 masked %and3A_441 : memref<2048xi32, #tpu.memory_space<vmem>>[vector<16xi32>], vector<16xi32>, vector<16xi1>
          %all_reduce_population_count3A = tpu.all_reduce %and3A_441 {dim = 0 : i64, kind = #tpu.reduction_kind<sum>} : vector<16xi1> -> vector<16xi32>
          %add3A_454 = arith.addi %while3A_424, %all_reduce_population_count3A : vector<16xi32>
          %eq3A_455 = arith.cmpi eq, %and3A_435, %add3A_397 : vector<16xi32>
          %and3A_456 = arith.andi %lt3A, %eq3A_455 : vector<16xi1>
          %sub3A_457 = arith.constant 8 : i32
          %sub3A_458 = arith.subi %sub3A_302, %sub3A_457 : i32
          %shift_right_arithmetic3A_459 = vector.broadcast %sub3A_458 : i32 to vector<16xi32>
          %shift_right_arithmetic3A_460 = arith.shrsi %get3A_430, %shift_right_arithmetic3A_459 : vector<16xi32>
          %and3A_461 = arith.constant 255 : i32
          %and3A_462 = vector.broadcast %and3A_461 : i32 to vector<16xi32>
          %and3A_463 = arith.andi %shift_right_arithmetic3A_460, %and3A_462 : vector<16xi32>
          %mul3A_464 = arith.constant 16 : i32
          %mul3A_465 = vector.broadcast %mul3A_464 : i32 to vector<16xi32>
          %mul3A_466 = arith.muli %and3A_463, %mul3A_465 : vector<16xi32>
          %add3A_467 = vector.broadcast %mul3A_403 : i32 to vector<16xi32>
          %add3A_468 = arith.addi %add3A_467, %mul3A_466 : vector<16xi32>
          %add3A_469 = arith.addi %add3A_468, %iota3A : vector<16xi32>
          tpu.vector_store_idx %arg7[%add3A_469], %broadcast_in_dim3A_3 masked %and3A_456 {add = true} : memref<8192xi32, #tpu.memory_space<vmem>>[vector<16xi32>], vector<16xi32>, vector<16xi1>
          %jit3A_470 = arith.constant 1 : i32
          %jit3A_471 = arith.constant 0 : i32
          %broadcast_in_dim3A_472 = vector.broadcast %jit3A_470 : i32 to vector<16xi32>
          %broadcast_in_dim3A_473 = vector.broadcast %jit3A_471 : i32 to vector<16xi32>
          %select_n3A_474 = arith.select %and3A_456, %broadcast_in_dim3A_472, %broadcast_in_dim3A_473 : vector<16xi1>, vector<16xi32>
          %broadcast_in_dim3A_475 = arith.constant true
          %broadcast_in_dim3A_476 = vector.broadcast %broadcast_in_dim3A_475 : i1 to vector<16xi1>
          %masked_cumsum3A_477 = tpu.scan <sum>, %select_n3A_474 masked %broadcast_in_dim3A_476 : vector<16xi32>, vector<16xi1> -> vector<16xi32>
          %add3A_478 = arith.addi %while3A_425, %masked_cumsum3A_477 : vector<16xi32>
          %sub3A_479 = arith.constant 1 : i32
          %sub3A_480 = vector.broadcast %sub3A_479 : i32 to vector<16xi32>
          %sub3A_481 = arith.subi %add3A_478, %sub3A_480 : vector<16xi32>
          tpu.vector_store_idx %arg8[%sub3A_481], %get3A_430 masked %and3A_456 : memref<16384xi32, #tpu.memory_space<vmem>>[vector<16xi32>], vector<16xi32>, vector<16xi1>
          %all_reduce_population_count3A_482 = tpu.all_reduce %and3A_456 {dim = 0 : i64, kind = #tpu.reduction_kind<sum>} : vector<16xi1> -> vector<16xi32>
          %add3A_483 = arith.addi %while3A_425, %all_reduce_population_count3A_482 : vector<16xi32>
          scf.yield %add3A_454, %add3A_483 : vector<16xi32>, vector<16xi32>
        }
        %while3A_419 = arith.constant 1 : i32
        %while3A_420:2 = scf.for %while3A_423 = %while3A_416 to %while3A_412 step %while3A_419 iter_args(%while3A_424 = %while3A_418#0, %while3A_425 = %while3A_418#1) -> (vector<16xi32>, vector<16xi32>)  : i32 {
          %mul3A_426 = arith.constant 16 : i32
          %mul3A_427 = arith.muli %while3A_423, %mul3A_426 : i32
          %add3A_428 = vector.broadcast %mul3A_427 : i32 to vector<16xi32>
          %add3A_429 = arith.addi %add3A_428, %iota3A : vector<16xi32>
          %lt3A = arith.cmpi slt, %add3A_429, %scan3A_296 : vector<16xi32>
          %get3A = arith.index_cast %mul3A_427 : i32 to index
          %get3A_430 = tpu.vector_load %arg8[%get3A] {strides = array<i32>} : memref<16384xi32, #tpu.memory_space<vmem>>, vector<16xi32>,
          %shift_right_arithmetic3A_431 = vector.broadcast %sub3A_302 : i32 to vector<16xi32>
          %shift_right_arithmetic3A_432 = arith.shrsi %get3A_430, %shift_right_arithmetic3A_431 : vector<16xi32>
          %and3A_433 = arith.constant 255 : i32
          %and3A_434 = vector.broadcast %and3A_433 : i32 to vector<16xi32>
          %and3A_435 = arith.andi %shift_right_arithmetic3A_432, %and3A_434 : vector<16xi32>
          %gt3A_436 = arith.cmpi sgt, %and3A_435, %add3A_397 : vector<16xi32>
          %and3A_437 = arith.andi %lt3A, %gt3A_436 : vector<16xi1>
          %lt3A_438 = arith.constant 2033 : i32
          %lt3A_439 = vector.broadcast %lt3A_438 : i32 to vector<16xi32>
          %lt3A_440 = arith.cmpi slt, %while3A_424, %lt3A_439 : vector<16xi32>
          %and3A_441 = arith.andi %and3A_437, %lt3A_440 : vector<16xi1>
          %jit3A_442 = arith.constant 1 : i32
          %jit3A_443 = arith.constant 0 : i32
          %broadcast_in_dim3A_444 = vector.broadcast %jit3A_442 : i32 to vector<16xi32>
          %broadcast_in_dim3A_445 = vector.broadcast %jit3A_443 : i32 to vector<16xi32>
          %select_n3A_446 = arith.select %and3A_441, %broadcast_in_dim3A_444, %broadcast_in_dim3A_445 : vector<16xi1>, vector<16xi32>
          %broadcast_in_dim3A_447 = arith.constant true
          %broadcast_in_dim3A_448 = vector.broadcast %broadcast_in_dim3A_447 : i1 to vector<16xi1>
          %masked_cumsum3A_449 = tpu.scan <sum>, %select_n3A_446 masked %broadcast_in_dim3A_448 : vector<16xi32>, vector<16xi1> -> vector<16xi32>
          %add3A_450 = arith.addi %while3A_424, %masked_cumsum3A_449 : vector<16xi32>
          %sub3A_451 = arith.constant 1 : i32
          %sub3A_452 = vector.broadcast %sub3A_451 : i32 to vector<16xi32>
          %sub3A_453 = arith.subi %add3A_450, %sub3A_452 : vector<16xi32>
          tpu.vector_store_idx %arg9[%sub3A_453], %get3A_430 masked %and3A_441 : memref<2048xi32, #tpu.memory_space<vmem>>[vector<16xi32>], vector<16xi32>, vector<16xi1>
          %all_reduce_population_count3A = tpu.all_reduce %and3A_441 {dim = 0 : i64, kind = #tpu.reduction_kind<sum>} : vector<16xi1> -> vector<16xi32>
          %add3A_454 = arith.addi %while3A_424, %all_reduce_population_count3A : vector<16xi32>
          %eq3A_455 = arith.cmpi eq, %and3A_435, %add3A_397 : vector<16xi32>
          %and3A_456 = arith.andi %lt3A, %eq3A_455 : vector<16xi1>
          %sub3A_457 = arith.constant 8 : i32
          %sub3A_458 = arith.subi %sub3A_302, %sub3A_457 : i32
          %shift_right_arithmetic3A_459 = vector.broadcast %sub3A_458 : i32 to vector<16xi32>
          %shift_right_arithmetic3A_460 = arith.shrsi %get3A_430, %shift_right_arithmetic3A_459 : vector<16xi32>
          %and3A_461 = arith.constant 255 : i32
          %and3A_462 = vector.broadcast %and3A_461 : i32 to vector<16xi32>
          %and3A_463 = arith.andi %shift_right_arithmetic3A_460, %and3A_462 : vector<16xi32>
          %mul3A_464 = arith.constant 16 : i32
          %mul3A_465 = vector.broadcast %mul3A_464 : i32 to vector<16xi32>
          %mul3A_466 = arith.muli %and3A_463, %mul3A_465 : vector<16xi32>
          %add3A_467 = vector.broadcast %mul3A_403 : i32 to vector<16xi32>
          %add3A_468 = arith.addi %add3A_467, %mul3A_466 : vector<16xi32>
          %add3A_469 = arith.addi %add3A_468, %iota3A : vector<16xi32>
          tpu.vector_store_idx %arg7[%add3A_469], %broadcast_in_dim3A_3 masked %and3A_456 {add = true} : memref<8192xi32, #tpu.memory_space<vmem>>[vector<16xi32>], vector<16xi32>, vector<16xi1>
          %jit3A_470 = arith.constant 1 : i32
          %jit3A_471 = arith.constant 0 : i32
          %broadcast_in_dim3A_472 = vector.broadcast %jit3A_470 : i32 to vector<16xi32>
          %broadcast_in_dim3A_473 = vector.broadcast %jit3A_471 : i32 to vector<16xi32>
          %select_n3A_474 = arith.select %and3A_456, %broadcast_in_dim3A_472, %broadcast_in_dim3A_473 : vector<16xi1>, vector<16xi32>
          %broadcast_in_dim3A_475 = arith.constant true
          %broadcast_in_dim3A_476 = vector.broadcast %broadcast_in_dim3A_475 : i1 to vector<16xi1>
          %masked_cumsum3A_477 = tpu.scan <sum>, %select_n3A_474 masked %broadcast_in_dim3A_476 : vector<16xi32>, vector<16xi1> -> vector<16xi32>
          %add3A_478 = arith.addi %while3A_425, %masked_cumsum3A_477 : vector<16xi32>
          %sub3A_479 = arith.constant 1 : i32
          %sub3A_480 = vector.broadcast %sub3A_479 : i32 to vector<16xi32>
          %sub3A_481 = arith.subi %add3A_478, %sub3A_480 : vector<16xi32>
          tpu.vector_store_idx %arg8[%sub3A_481], %get3A_430 masked %and3A_456 : memref<16384xi32, #tpu.memory_space<vmem>>[vector<16xi32>], vector<16xi32>, vector<16xi1>
          %all_reduce_population_count3A_482 = tpu.all_reduce %and3A_456 {dim = 0 : i64, kind = #tpu.reduction_kind<sum>} : vector<16xi1> -> vector<16xi32>
          %add3A_483 = arith.addi %while3A_425, %all_reduce_population_count3A_482 : vector<16xi32>
          scf.yield %add3A_454, %add3A_483 : vector<16xi32>, vector<16xi32>
        }
        %shift_left3A_421 = arith.shli %add3A_395, %sub3A_302 : i32
        %or3A_422 = arith.ori %scan3A_298, %shift_left3A_421 : i32
        scf.yield %while3A_420#0, %while3A_420#1, %sub3A_385, %or3A_422 : vector<16xi32>, vector<16xi32>, i32, i32
      }
      %scan3A_181 = arith.constant 2 : i32
      %broadcast_in_dim3A_182 = arith.constant 0 : i32
      %broadcast_in_dim3A_183 = vector.broadcast %broadcast_in_dim3A_182 : i32 to vector<16xi32>
      %scan3A_184 = arith.constant 0 : i32
      %scan3A_185 = arith.constant 16 : i32
      %scan3A_186 = arith.addi %scan3A_184, %scan3A_185 : i32
      %scan3A_187 = arith.constant 1 : i32
      %scan3A_188 = scf.for %scan3A_294 = %scan3A_184 to %scan3A_186 step %scan3A_187 iter_args(%scan3A_295 = %broadcast_in_dim3A_183) -> (vector<16xi32>)  : i32 {
        %scan3A_296 = arith.constant 0 : i32
        %scan3A_297 = arith.constant 16 : i32
        %scan3A_298 = arith.addi %scan3A_296, %scan3A_297 : i32
        %scan3A_299 = arith.constant 1 : i32
        %scan3A_300 = scf.for %scan3A_310 = %scan3A_296 to %scan3A_298 step %scan3A_299 iter_args(%scan3A_311 = %broadcast_in_dim3A_183) -> (vector<16xi32>)  : i32 {
          %mul3A_312 = arith.constant 256 : i32
          %mul3A_313 = arith.muli %scan3A_294, %mul3A_312 : i32
          %add3A_314 = arith.constant 4096 : i32
          %add3A_315 = arith.addi %add3A_314, %mul3A_313 : i32
          %mul3A_316 = arith.constant 16 : i32
          %mul3A_317 = arith.muli %scan3A_310, %mul3A_316 : i32
          %add3A_318 = arith.addi %add3A_315, %mul3A_317 : i32
          %get3A = arith.index_cast %add3A_318 : i32 to index
          %get3A_319 = tpu.vector_load %arg7[%get3A] {strides = array<i32>} : memref<8192xi32, #tpu.memory_space<vmem>>, vector<16xi32>,
          %add3A_320 = arith.addi %scan3A_311, %get3A_319 : vector<16xi32>
          scf.yield %add3A_320 : vector<16xi32>
        }
        %scan3A_301 = arith.constant 16 : i32
        %eq3A_302 = vector.broadcast %scan3A_294 : i32 to vector<16xi32>
        %eq3A_303 = arith.cmpi eq, %iota3A, %eq3A_302 : vector<16xi32>
        %reduce_sum3A_304 = arith.constant true
        %reduce_sum3A_305 = vector.broadcast %reduce_sum3A_304 : i1 to vector<16xi1>
        %reduce_sum3A_306 = tpu.scan <sum>, %scan3A_300 masked %reduce_sum3A_305 : vector<16xi32>, vector<16xi1> -> vector<16xi32>
        %reduce_sum3A_307 = vector.extract %reduce_sum3A_306[15] : i32 from vector<16xi32>
        %broadcast_in_dim3A_308 = vector.broadcast %reduce_sum3A_307 : i32 to vector<16xi32>
        %select_n3A_309 = arith.select %eq3A_303, %broadcast_in_dim3A_308, %scan3A_295 : vector<16xi1>, vector<16xi32>
        scf.yield %select_n3A_309 : vector<16xi32>
      }
      %scan3A_189 = arith.constant 16 : i32
      %rev3A_190 = arith.constant 15 : i32
      %rev3A_191 = vector.broadcast %rev3A_190 : i32 to vector<16xi32>
      %rev3A_192 = tpu.iota {dimensions = array<i32: 0>} : vector<16xi32>
      %rev3A_193 = arith.subi %rev3A_191, %rev3A_192 : vector<16xi32>
      %rev3A_194 = tpu.dynamic_gather %scan3A_188[%rev3A_193] in [0] : vector<16xi32>, vector<16xi32> -> vector<16xi32>
      %broadcast_in_dim3A_195 = arith.constant true
      %broadcast_in_dim3A_196 = vector.broadcast %broadcast_in_dim3A_195 : i1 to vector<16xi1>
      %masked_cumsum3A_197 = tpu.scan <sum>, %rev3A_194 masked %broadcast_in_dim3A_196 : vector<16xi32>, vector<16xi1> -> vector<16xi32>
      %ge3A_198 = vector.broadcast %scan3A_180#2 : i32 to vector<16xi32>
      %ge3A_199 = arith.cmpi sge, %masked_cumsum3A_197, %ge3A_198 : vector<16xi32>
      %all_reduce_ffs3A_200 = tpu.all_reduce %ge3A_199 {dim = 0 : i64, kind = #tpu.reduction_kind<find_first_set>} : vector<16xi1> -> vector<16xi32>
      %slice3A_201 = vector.extract_strided_slice %all_reduce_ffs3A_200 {offsets = [0], sizes = [1], strides = [1]} : vector<16xi32> to vector<1xi32>
      %squeeze3A_202 = vector.extract %slice3A_201[0] : i32 from vector<1xi32>
      %eq3A_203 = vector.broadcast %squeeze3A_202 : i32 to vector<16xi32>
      %eq3A_204 = arith.cmpi eq, %iota3A, %eq3A_203 : vector<16xi32>
      %jit3A_205 = arith.constant 0 : i32
      %broadcast_in_dim3A_206 = vector.broadcast %jit3A_205 : i32 to vector<16xi32>
      %select_n3A_207 = arith.select %eq3A_204, %masked_cumsum3A_197, %broadcast_in_dim3A_206 : vector<16xi1>, vector<16xi32>
      %reduce_sum3A_208 = arith.constant true
      %reduce_sum3A_209 = vector.broadcast %reduce_sum3A_208 : i1 to vector<16xi1>
      %reduce_sum3A_210 = tpu.scan <sum>, %select_n3A_207 masked %reduce_sum3A_209 : vector<16xi32>, vector<16xi1> -> vector<16xi32>
      %reduce_sum3A_211 = vector.extract %reduce_sum3A_210[15] : i32 from vector<16xi32>
      %jit3A_212 = arith.constant 0 : i32
      %broadcast_in_dim3A_213 = vector.broadcast %jit3A_212 : i32 to vector<16xi32>
      %select_n3A_214 = arith.select %eq3A_204, %rev3A_194, %broadcast_in_dim3A_213 : vector<16xi1>, vector<16xi32>
      %reduce_sum3A_215 = arith.constant true
      %reduce_sum3A_216 = vector.broadcast %reduce_sum3A_215 : i1 to vector<16xi1>
      %reduce_sum3A_217 = tpu.scan <sum>, %select_n3A_214 masked %reduce_sum3A_216 : vector<16xi32>, vector<16xi1> -> vector<16xi32>
      %reduce_sum3A_218 = vector.extract %reduce_sum3A_217[15] : i32 from vector<16xi32>
      %sub3A_219 = arith.constant 15 : i32
      %sub3A_220 = arith.subi %sub3A_219, %squeeze3A_202 : i32
      %sub3A_221 = arith.subi %reduce_sum3A_211, %reduce_sum3A_218 : i32
      %sub3A_222 = arith.subi %scan3A_180#2, %sub3A_221 : i32
      %scan3A_223 = arith.constant 0 : i32
      %scan3A_224 = arith.constant 16 : i32
      %scan3A_225 = arith.addi %scan3A_223, %scan3A_224 : i32
      %scan3A_226 = arith.constant 1 : i32
      %scan3A_227 = scf.for %scan3A_294 = %scan3A_223 to %scan3A_225 step %scan3A_226 iter_args(%scan3A_295 = %broadcast_in_dim3A_183) -> (vector<16xi32>)  : i32 {
        %mul3A_296 = arith.constant 256 : i32
        %mul3A_297 = arith.muli %sub3A_220, %mul3A_296 : i32
        %add3A_298 = arith.constant 4096 : i32
        %add3A_299 = arith.addi %add3A_298, %mul3A_297 : i32
        %mul3A_300 = arith.constant 16 : i32
        %mul3A_301 = arith.muli %scan3A_294, %mul3A_300 : i32
        %add3A_302 = arith.addi %add3A_299, %mul3A_301 : i32
        %get3A = arith.index_cast %add3A_302 : i32 to index
        %get3A_303 = tpu.vector_load %arg7[%get3A] {strides = array<i32>} : memref<8192xi32, #tpu.memory_space<vmem>>, vector<16xi32>,
        %eq3A_304 = vector.broadcast %scan3A_294 : i32 to vector<16xi32>
        %eq3A_305 = arith.cmpi eq, %iota3A, %eq3A_304 : vector<16xi32>
        %reduce_sum3A_306 = arith.constant true
        %reduce_sum3A_307 = vector.broadcast %reduce_sum3A_306 : i1 to vector<16xi1>
        %reduce_sum3A_308 = tpu.scan <sum>, %get3A_303 masked %reduce_sum3A_307 : vector<16xi32>, vector<16xi1> -> vector<16xi32>
        %reduce_sum3A_309 = vector.extract %reduce_sum3A_308[15] : i32 from vector<16xi32>
        %broadcast_in_dim3A_310 = vector.broadcast %reduce_sum3A_309 : i32 to vector<16xi32>
        %select_n3A_311 = arith.select %eq3A_305, %broadcast_in_dim3A_310, %scan3A_295 : vector<16xi1>, vector<16xi32>
        scf.yield %select_n3A_311 : vector<16xi32>
      }
      %scan3A_228 = arith.constant 16 : i32
      %rev3A_229 = arith.constant 15 : i32
      %rev3A_230 = vector.broadcast %rev3A_229 : i32 to vector<16xi32>
      %rev3A_231 = tpu.iota {dimensions = array<i32: 0>} : vector<16xi32>
      %rev3A_232 = arith.subi %rev3A_230, %rev3A_231 : vector<16xi32>
      %rev3A_233 = tpu.dynamic_gather %scan3A_227[%rev3A_232] in [0] : vector<16xi32>, vector<16xi32> -> vector<16xi32>
      %broadcast_in_dim3A_234 = arith.constant true
      %broadcast_in_dim3A_235 = vector.broadcast %broadcast_in_dim3A_234 : i1 to vector<16xi1>
      %masked_cumsum3A_236 = tpu.scan <sum>, %rev3A_233 masked %broadcast_in_dim3A_235 : vector<16xi32>, vector<16xi1> -> vector<16xi32>
      %ge3A_237 = vector.broadcast %sub3A_222 : i32 to vector<16xi32>
      %ge3A_238 = arith.cmpi sge, %masked_cumsum3A_236, %ge3A_237 : vector<16xi32>
      %all_reduce_ffs3A_239 = tpu.all_reduce %ge3A_238 {dim = 0 : i64, kind = #tpu.reduction_kind<find_first_set>} : vector<16xi1> -> vector<16xi32>
      %slice3A_240 = vector.extract_strided_slice %all_reduce_ffs3A_239 {offsets = [0], sizes = [1], strides = [1]} : vector<16xi32> to vector<1xi32>
      %squeeze3A_241 = vector.extract %slice3A_240[0] : i32 from vector<1xi32>
      %eq3A_242 = vector.broadcast %squeeze3A_241 : i32 to vector<16xi32>
      %eq3A_243 = arith.cmpi eq, %iota3A, %eq3A_242 : vector<16xi32>
      %jit3A_244 = arith.constant 0 : i32
      %broadcast_in_dim3A_245 = vector.broadcast %jit3A_244 : i32 to vector<16xi32>
      %select_n3A_246 = arith.select %eq3A_243, %masked_cumsum3A_236, %broadcast_in_dim3A_245 : vector<16xi1>, vector<16xi32>
      %reduce_sum3A_247 = arith.constant true
      %reduce_sum3A_248 = vector.broadcast %reduce_sum3A_247 : i1 to vector<16xi1>
      %reduce_sum3A_249 = tpu.scan <sum>, %select_n3A_246 masked %reduce_sum3A_248 : vector<16xi32>, vector<16xi1> -> vector<16xi32>
      %reduce_sum3A_250 = vector.extract %reduce_sum3A_249[15] : i32 from vector<16xi32>
      %jit3A_251 = arith.constant 0 : i32
      %broadcast_in_dim3A_252 = vector.broadcast %jit3A_251 : i32 to vector<16xi32>
      %select_n3A_253 = arith.select %eq3A_243, %rev3A_233, %broadcast_in_dim3A_252 : vector<16xi1>, vector<16xi32>
      %reduce_sum3A_254 = arith.constant true
      %reduce_sum3A_255 = vector.broadcast %reduce_sum3A_254 : i1 to vector<16xi1>
      %reduce_sum3A_256 = tpu.scan <sum>, %select_n3A_253 masked %reduce_sum3A_255 : vector<16xi32>, vector<16xi1> -> vector<16xi32>
      %reduce_sum3A_257 = vector.extract %reduce_sum3A_256[15] : i32 from vector<16xi32>
      %sub3A_258 = arith.constant 15 : i32
      %sub3A_259 = arith.subi %sub3A_258, %squeeze3A_241 : i32
      %sub3A_260 = arith.subi %reduce_sum3A_250, %reduce_sum3A_257 : i32
      %sub3A_261 = arith.subi %sub3A_222, %sub3A_260 : i32
      %scan3A_262 = arith.constant 0 : i32
      %scan3A_263 = arith.constant 0 : i32
      %scan3A_264 = arith.constant 256 : i32
      %scan3A_265 = arith.addi %scan3A_263, %scan3A_264 : i32
      %scan3A_266 = arith.constant 1 : i32
      %scan3A_267 = scf.for %scan3A_294 = %scan3A_263 to %scan3A_265 step %scan3A_266 iter_args(%scan3A_295 = %scan3A_262) -> (i32)  : i32 {
        %mul3A_296 = arith.constant 16 : i32
        %mul3A_297 = arith.muli %scan3A_294, %mul3A_296 : i32
        %add3A_298 = arith.constant 4096 : i32
        %add3A_299 = arith.addi %add3A_298, %mul3A_297 : i32
        %swap3A_300 = arith.index_cast %add3A_299 : i32 to index
        %swap3A_301 = tpu.vector_load %arg7[%swap3A_300] {strides = array<i32>} : memref<8192xi32, #tpu.memory_space<vmem>>, vector<16xi32>,
        tpu.vector_store %arg7[%swap3A_300], %broadcast_in_dim3A_183 {strides = array<i32>} : memref<8192xi32, #tpu.memory_space<vmem>>, vector<16xi32>,
        %scan3A_302 = arith.constant 0 : i32
        scf.yield %scan3A_302 : i32
      }
      %scan3A_268 = arith.constant 256 : i32
      %mul3A_269 = arith.constant 16 : i32
      %mul3A_270 = arith.muli %sub3A_220, %mul3A_269 : i32
      %add3A_271 = arith.addi %mul3A_270, %sub3A_259 : i32
      %or3A = arith.ori %scan3A_180#3, %add3A_271 : i32
      %add3A_272 = vector.broadcast %add3A_271 : i32 to vector<16xi32>
      %add3A_273 = arith.addi %broadcast_in_dim3A_1, %add3A_272 : vector<16xi32>
      %slice3A_274 = vector.extract_strided_slice %scan3A_180#1 {offsets = [0], sizes = [1], strides = [1]} : vector<16xi32> to vector<1xi32>
      %squeeze3A_275 = vector.extract %slice3A_274[0] : i32 from vector<1xi32>
      %add3A_276 = arith.constant 15 : i32
      %add3A_277 = arith.addi %squeeze3A_275, %add3A_276 : i32
      %shift_right_arithmetic3A = arith.constant 4 : i32
      %shift_right_arithmetic3A_278 = arith.shrsi %add3A_277, %shift_right_arithmetic3A : i32
      %while3A_279 = arith.constant 0 : i32
      %while3A_280 = arith.subi %shift_right_arithmetic3A_278, %while3A_279 : i32
      %while3A_281 = arith.addi %while3A_279, %while3A_280 : i32
      %while3A_282 = arith.constant 1 : i32
      %while3A_283 = arith.divsi %while3A_280, %while3A_282 : i32
      %while3A_284 = arith.muli %while3A_283, %while3A_282 : i32
      %while3A_285 = arith.addi %while3A_279, %while3A_284 : i32
      %while3A_286 = arith.constant 1 : i32
      %while3A_287 = scf.for %while3A_294 = %while3A_279 to %while3A_285 step %while3A_286 iter_args(%while3A_295 = %scan3A_180#0) -> (vector<16xi32>)  : i32 {
        %mul3A_296 = arith.constant 16 : i32
        %mul3A_297 = arith.muli %while3A_294, %mul3A_296 : i32
        %add3A_298 = vector.broadcast %mul3A_297 : i32 to vector<16xi32>
        %add3A_299 = arith.addi %add3A_298, %iota3A : vector<16xi32>
        %lt3A = arith.cmpi slt, %add3A_299, %scan3A_180#1 : vector<16xi32>
        %get3A = arith.index_cast %mul3A_297 : i32 to index
        %get3A_300 = tpu.vector_load %arg8[%get3A] {strides = array<i32>} : memref<16384xi32, #tpu.memory_space<vmem>>, vector<16xi32>,
        %and3A = arith.constant 255 : i32
        %and3A_301 = vector.broadcast %and3A : i32 to vector<16xi32>
        %and3A_302 = arith.andi %get3A_300, %and3A_301 : vector<16xi32>
        %ge3A_303 = arith.cmpi sge, %and3A_302, %add3A_273 : vector<16xi32>
        %and3A_304 = arith.andi %lt3A, %ge3A_303 : vector<16xi1>
        %lt3A_305 = arith.constant 2033 : i32
        %lt3A_306 = vector.broadcast %lt3A_305 : i32 to vector<16xi32>
        %lt3A_307 = arith.cmpi slt, %while3A_295, %lt3A_306 : vector<16xi32>
        %and3A_308 = arith.andi %and3A_304, %lt3A_307 : vector<16xi1>
        %jit3A_309 = arith.constant 1 : i32
        %jit3A_310 = arith.constant 0 : i32
        %broadcast_in_dim3A_311 = vector.broadcast %jit3A_309 : i32 to vector<16xi32>
        %broadcast_in_dim3A_312 = vector.broadcast %jit3A_310 : i32 to vector<16xi32>
        %select_n3A_313 = arith.select %and3A_308, %broadcast_in_dim3A_311, %broadcast_in_dim3A_312 : vector<16xi1>, vector<16xi32>
        %broadcast_in_dim3A_314 = arith.constant true
        %broadcast_in_dim3A_315 = vector.broadcast %broadcast_in_dim3A_314 : i1 to vector<16xi1>
        %masked_cumsum3A_316 = tpu.scan <sum>, %select_n3A_313 masked %broadcast_in_dim3A_315 : vector<16xi32>, vector<16xi1> -> vector<16xi32>
        %add3A_317 = arith.addi %while3A_295, %masked_cumsum3A_316 : vector<16xi32>
        %sub3A_318 = arith.constant 1 : i32
        %sub3A_319 = vector.broadcast %sub3A_318 : i32 to vector<16xi32>
        %sub3A_320 = arith.subi %add3A_317, %sub3A_319 : vector<16xi32>
        tpu.vector_store_idx %arg9[%sub3A_320], %get3A_300 masked %and3A_308 : memref<2048xi32, #tpu.memory_space<vmem>>[vector<16xi32>], vector<16xi32>, vector<16xi1>
        %all_reduce_population_count3A = tpu.all_reduce %and3A_308 {dim = 0 : i64, kind = #tpu.reduction_kind<sum>} : vector<16xi1> -> vector<16xi32>
        %add3A_321 = arith.addi %while3A_295, %all_reduce_population_count3A : vector<16xi32>
        scf.yield %add3A_321 : vector<16xi32>
      }
      %while3A_288 = arith.constant 1 : i32
      %while3A_289 = scf.for %while3A_294 = %while3A_285 to %while3A_281 step %while3A_288 iter_args(%while3A_295 = %while3A_287) -> (vector<16xi32>)  : i32 {
        %mul3A_296 = arith.constant 16 : i32
        %mul3A_297 = arith.muli %while3A_294, %mul3A_296 : i32
        %add3A_298 = vector.broadcast %mul3A_297 : i32 to vector<16xi32>
        %add3A_299 = arith.addi %add3A_298, %iota3A : vector<16xi32>
        %lt3A = arith.cmpi slt, %add3A_299, %scan3A_180#1 : vector<16xi32>
        %get3A = arith.index_cast %mul3A_297 : i32 to index
        %get3A_300 = tpu.vector_load %arg8[%get3A] {strides = array<i32>} : memref<16384xi32, #tpu.memory_space<vmem>>, vector<16xi32>,
        %and3A = arith.constant 255 : i32
        %and3A_301 = vector.broadcast %and3A : i32 to vector<16xi32>
        %and3A_302 = arith.andi %get3A_300, %and3A_301 : vector<16xi32>
        %ge3A_303 = arith.cmpi sge, %and3A_302, %add3A_273 : vector<16xi32>
        %and3A_304 = arith.andi %lt3A, %ge3A_303 : vector<16xi1>
        %lt3A_305 = arith.constant 2033 : i32
        %lt3A_306 = vector.broadcast %lt3A_305 : i32 to vector<16xi32>
        %lt3A_307 = arith.cmpi slt, %while3A_295, %lt3A_306 : vector<16xi32>
        %and3A_308 = arith.andi %and3A_304, %lt3A_307 : vector<16xi1>
        %jit3A_309 = arith.constant 1 : i32
        %jit3A_310 = arith.constant 0 : i32
        %broadcast_in_dim3A_311 = vector.broadcast %jit3A_309 : i32 to vector<16xi32>
        %broadcast_in_dim3A_312 = vector.broadcast %jit3A_310 : i32 to vector<16xi32>
        %select_n3A_313 = arith.select %and3A_308, %broadcast_in_dim3A_311, %broadcast_in_dim3A_312 : vector<16xi1>, vector<16xi32>
        %broadcast_in_dim3A_314 = arith.constant true
        %broadcast_in_dim3A_315 = vector.broadcast %broadcast_in_dim3A_314 : i1 to vector<16xi1>
        %masked_cumsum3A_316 = tpu.scan <sum>, %select_n3A_313 masked %broadcast_in_dim3A_315 : vector<16xi32>, vector<16xi1> -> vector<16xi32>
        %add3A_317 = arith.addi %while3A_295, %masked_cumsum3A_316 : vector<16xi32>
        %sub3A_318 = arith.constant 1 : i32
        %sub3A_319 = vector.broadcast %sub3A_318 : i32 to vector<16xi32>
        %sub3A_320 = arith.subi %add3A_317, %sub3A_319 : vector<16xi32>
        tpu.vector_store_idx %arg9[%sub3A_320], %get3A_300 masked %and3A_308 : memref<2048xi32, #tpu.memory_space<vmem>>[vector<16xi32>], vector<16xi32>, vector<16xi1>
        %all_reduce_population_count3A = tpu.all_reduce %and3A_308 {dim = 0 : i64, kind = #tpu.reduction_kind<sum>} : vector<16xi1> -> vector<16xi32>
        %add3A_321 = arith.addi %while3A_295, %all_reduce_population_count3A : vector<16xi32>
        scf.yield %add3A_321 : vector<16xi32>
      }
      "tpu.region"() ({
        %run_scoped3A = tpu.sem_alloc : memref<!tpu.dma_semaphore, #tpu.memory_space<semaphore_mem>>
        %dma_start3A = arith.constant 0 : i32
        %dma_start3A_294 = tpu.memref_slice %arg3[%add3A_29, %dma_start3A] : memref<128x2048xi32, #tpu.memory_space<hbm>> -> memref<1x2048xi32, #tpu.memory_space<hbm>>
        %dma_start3A_295 = tpu.memref_squeeze %dma_start3A_294 : memref<1x2048xi32, #tpu.memory_space<hbm>> -> memref<2048xi32, #tpu.memory_space<hbm>>
        %dma_start3A_296 = arith.constant 0 : i32
        %dma_start3A_297 = tpu.memref_slice %arg3[%add3A_29, %dma_start3A_296] : memref<128x2048xi32, #tpu.memory_space<hbm>> -> memref<1x2048xi32, #tpu.memory_space<hbm>>
        %dma_start3A_298 = tpu.memref_squeeze %dma_start3A_297 : memref<1x2048xi32, #tpu.memory_space<hbm>> -> memref<2048xi32, #tpu.memory_space<hbm>>
        tpu.enqueue_dma source(%arg9 : memref<2048xi32, #tpu.memory_space<vmem>>) target(%dma_start3A_298 : memref<2048xi32, #tpu.memory_space<hbm>>) target_semaphore(%run_scoped3A : memref<!tpu.dma_semaphore, #tpu.memory_space<semaphore_mem>>)
        %dma_wait3A = arith.constant 0 : i32
        %dma_wait3A_299 = tpu.memref_slice %arg3[%add3A_29, %dma_wait3A] : memref<128x2048xi32, #tpu.memory_space<hbm>> -> memref<1x2048xi32, #tpu.memory_space<hbm>>
        %dma_wait3A_300 = tpu.memref_squeeze %dma_wait3A_299 : memref<1x2048xi32, #tpu.memory_space<hbm>> -> memref<2048xi32, #tpu.memory_space<hbm>>
        %dma_wait3A_301 = arith.constant 0 : i32
        %dma_wait3A_302 = tpu.memref_slice %arg3[%add3A_29, %dma_wait3A_301] : memref<128x2048xi32, #tpu.memory_space<hbm>> -> memref<1x2048xi32, #tpu.memory_space<hbm>>
        %dma_wait3A_303 = tpu.memref_squeeze %dma_wait3A_302 : memref<1x2048xi32, #tpu.memory_space<hbm>> -> memref<2048xi32, #tpu.memory_space<hbm>>
        tpu.wait_dma2 semaphore(%run_scoped3A : memref<!tpu.dma_semaphore, #tpu.memory_space<semaphore_mem>>) src(%arg9 : memref<2048xi32, #tpu.memory_space<vmem>>) dst(%dma_wait3A_303 : memref<2048xi32, #tpu.memory_space<hbm>>)
        tpu.yield
      }) : () -> ()
      %eq3A_290 = vector.broadcast %scan3A_24 : i32 to vector<16xi32>
      %eq3A_291 = arith.cmpi eq, %iota3A, %eq3A_290 : vector<16xi32>
      %broadcast_in_dim3A_292 = vector.broadcast %or3A : i32 to vector<16xi32>
      %select_n3A_293 = arith.select %eq3A_291, %broadcast_in_dim3A_292, %scan3A_25 : vector<16xi1>, vector<16xi32>
      scf.yield %select_n3A_293, %add3A_125 : vector<16xi32>, i32
    }
    %scan3A_20 = arith.constant 4 : i32
    %swap3A = arith.constant 0 : index
    %swap3A_21 = tpu.vector_load %arg10[%swap3A] {strides = array<i32>} : memref<16xi32, #tpu.memory_space<vmem>>, vector<16xi32>,
    tpu.vector_store %arg10[%swap3A], %scan3A_19#0 {strides = array<i32>} : memref<16xi32, #tpu.memory_space<vmem>>, vector<16xi32>,
    %mul3A_22 = arith.constant 16 : i32
    %mul3A_23 = arith.muli %add3A, %mul3A_22 : i32
    "tpu.region"() ({
      %run_scoped3A = tpu.sem_alloc : memref<!tpu.dma_semaphore, #tpu.memory_space<semaphore_mem>>
      %dma_start3A = tpu.memref_slice %arg4[%mul3A_23] : memref<512xi32, #tpu.memory_space<hbm>> -> memref<16xi32, #tpu.memory_space<hbm>>
      %dma_start3A_24 = tpu.memref_slice %arg4[%mul3A_23] : memref<512xi32, #tpu.memory_space<hbm>> -> memref<16xi32, #tpu.memory_space<hbm>>
      tpu.enqueue_dma source(%arg10 : memref<16xi32, #tpu.memory_space<vmem>>) target(%dma_start3A_24 : memref<16xi32, #tpu.memory_space<hbm>>) target_semaphore(%run_scoped3A : memref<!tpu.dma_semaphore, #tpu.memory_space<semaphore_mem>>)
      %dma_wait3A = tpu.memref_slice %arg4[%mul3A_23] : memref<512xi32, #tpu.memory_space<hbm>> -> memref<16xi32, #tpu.memory_space<hbm>>
      %dma_wait3A_25 = tpu.memref_slice %arg4[%mul3A_23] : memref<512xi32, #tpu.memory_space<hbm>> -> memref<16xi32, #tpu.memory_space<hbm>>
      tpu.wait_dma2 semaphore(%run_scoped3A : memref<!tpu.dma_semaphore, #tpu.memory_space<semaphore_mem>>) src(%arg10 : memref<16xi32, #tpu.memory_space<vmem>>) dst(%dma_wait3A_25 : memref<16xi32, #tpu.memory_space<hbm>>)
      tpu.yield
    }) : () -> ()
    return
  }
}

#map = affine_map<(d0, d1) -> (0, 0)>
#map1 = affine_map<(d0, d1) -> (0)>
module attributes {stable_mosaic.version = 14 : i64} {
  func.func @_k2_body(%arg0: i32, %arg1: i32, %arg2: memref<128x32768xf32, #tpu.memory_space<hbm>>, %arg3: memref<262144xi32, #tpu.memory_space<hbm>>, %arg4: memref<512xi32, #tpu.memory_space<hbm>>, %arg5: memref<128x32768xf32, #tpu.memory_space<hbm>>, %arg6: memref<16384xi32, #tpu.memory_space<vmem>>, %arg7: memref<32768xf32, #tpu.memory_space<vmem>>, %arg8: memref<4096xi32, #tpu.memory_space<vmem>>, %arg9: memref<16384xi32, #tpu.memory_space<vmem>>, %arg10: memref<256xi32, #tpu.memory_space<vmem>>, %arg11: memref<16xi32, #tpu.memory_space<vmem>>, %arg12: memref<256xi32, #tpu.memory_space<vmem>>, %arg13: memref<16xi32, #tpu.memory_space<vmem>>, %arg14: memref<16x4096xi32, #tpu.memory_space<vmem_shared>>, %arg15: memref<256xi32, #tpu.memory_space<vmem_shared>>) attributes {dimension_semantics = [#tpu.dimension_semantics<core_parallel>, #tpu.dimension_semantics<subcore_parallel>], iteration_bounds = array<i64: 2, 16>, scalar_prefetch = 0 : i64, scratch_operands = 10 : i64, tpu.core_type = #tpu.core_type<sc_vector_subcore>, window_params = [{transform_indices = #map}, {transform_indices = #map1}, {transform_indices = #map1}, {transform_indices = #map}]} {
    %mul3A = arith.constant 2 : i32
    %mul3A_0 = arith.muli %arg1, %mul3A : i32
    %add3A = arith.addi %mul3A_0, %arg0 : i32
    %iota3A = tpu.iota {dimensions = array<i32: 0>} : vector<16xi32>
    %broadcast_in_dim3A = arith.constant 0 : i32
    %broadcast_in_dim3A_1 = vector.broadcast %broadcast_in_dim3A : i32 to vector<16xi32>
    %broadcast_in_dim3A_2 = arith.constant 1 : i32
    %broadcast_in_dim3A_3 = vector.broadcast %broadcast_in_dim3A_2 : i32 to vector<16xi32>
    %scan3A = arith.constant 0 : i32
    %scan3A_4 = arith.constant 0 : i32
    %scan3A_5 = arith.constant 256 : i32
    %scan3A_6 = arith.addi %scan3A_4, %scan3A_5 : i32
    %scan3A_7 = arith.constant 1 : i32
    %scan3A_8 = scf.for %scan3A_1048 = %scan3A_4 to %scan3A_6 step %scan3A_7 iter_args(%scan3A_1049 = %scan3A) -> (i32)  : i32 {
      %mul3A_1050 = arith.constant 16 : i32
      %mul3A_1051 = arith.muli %scan3A_1048, %mul3A_1050 : i32
      %swap3A_1052 = arith.index_cast %mul3A_1051 : i32 to index
      %swap3A_1053 = tpu.vector_load %arg8[%swap3A_1052] {strides = array<i32>} : memref<4096xi32, #tpu.memory_space<vmem>>, vector<16xi32>,
      tpu.vector_store %arg8[%swap3A_1052], %broadcast_in_dim3A_1 {strides = array<i32>} : memref<4096xi32, #tpu.memory_space<vmem>>, vector<16xi32>,
      %scan3A_1054 = arith.constant 0 : i32
      scf.yield %scan3A_1054 : i32
    }
    %scan3A_9 = arith.constant 256 : i32
    %mul3A_10 = arith.constant 16384 : i32
    %mul3A_11 = arith.muli %arg1, %mul3A_10 : i32
    "tpu.region"() ({
      %run_scoped3A = tpu.sem_alloc : memref<!tpu.dma_semaphore, #tpu.memory_space<semaphore_mem>>
      %dma_start3A = tpu.memref_slice %arg3[%mul3A_11] : memref<262144xi32, #tpu.memory_space<hbm>> -> memref<16384xi32, #tpu.memory_space<hbm>>
      %dma_start3A_1048 = tpu.memref_slice %arg3[%mul3A_11] : memref<262144xi32, #tpu.memory_space<hbm>> -> memref<16384xi32, #tpu.memory_space<hbm>>
      tpu.enqueue_dma source(%dma_start3A_1048 : memref<16384xi32, #tpu.memory_space<hbm>>) target(%arg6 : memref<16384xi32, #tpu.memory_space<vmem>>) target_semaphore(%run_scoped3A : memref<!tpu.dma_semaphore, #tpu.memory_space<semaphore_mem>>)
      %dma_wait3A = tpu.memref_slice %arg3[%mul3A_11] : memref<262144xi32, #tpu.memory_space<hbm>> -> memref<16384xi32, #tpu.memory_space<hbm>>
      %dma_wait3A_1049 = tpu.memref_slice %arg3[%mul3A_11] : memref<262144xi32, #tpu.memory_space<hbm>> -> memref<16384xi32, #tpu.memory_space<hbm>>
      tpu.wait_dma2 semaphore(%run_scoped3A : memref<!tpu.dma_semaphore, #tpu.memory_space<semaphore_mem>>) src(%dma_wait3A_1049 : memref<16384xi32, #tpu.memory_space<hbm>>) dst(%arg6 : memref<16384xi32, #tpu.memory_space<vmem>>)
      tpu.yield
    }) : () -> ()
    %scan3A_12 = arith.constant 0 : i32
    %scan3A_13 = arith.constant 0 : i32
    %scan3A_14 = arith.constant 256 : i32
    %scan3A_15 = arith.addi %scan3A_13, %scan3A_14 : i32
    %scan3A_16 = arith.constant 1 : i32
    %scan3A_17 = scf.for %scan3A_1048 = %scan3A_13 to %scan3A_15 step %scan3A_16 iter_args(%scan3A_1049 = %scan3A_12) -> (i32)  : i32 {
      %mul3A_1050 = arith.constant 4 : i32
      %mul3A_1051 = arith.muli %scan3A_1048, %mul3A_1050 : i32
      %add3A_1052 = arith.constant 0 : i32
      %add3A_1053 = arith.addi %mul3A_1051, %add3A_1052 : i32
      %mul3A_1054 = arith.constant 16 : i32
      %mul3A_1055 = arith.muli %add3A_1053, %mul3A_1054 : i32
      %get3A_1056 = arith.index_cast %mul3A_1055 : i32 to index
      %get3A_1057 = tpu.vector_load %arg6[%get3A_1056] {strides = array<i32>} : memref<16384xi32, #tpu.memory_space<vmem>>, vector<16xi32>,
      %shift_right_arithmetic3A_1058 = arith.constant 24 : i32
      %shift_right_arithmetic3A_1059 = vector.broadcast %shift_right_arithmetic3A_1058 : i32 to vector<16xi32>
      %shift_right_arithmetic3A_1060 = arith.shrsi %get3A_1057, %shift_right_arithmetic3A_1059 : vector<16xi32>
      %add3A_1061 = arith.constant 128 : i32
      %add3A_1062 = vector.broadcast %add3A_1061 : i32 to vector<16xi32>
      %add3A_1063 = arith.addi %shift_right_arithmetic3A_1060, %add3A_1062 : vector<16xi32>
      %and3A = arith.constant 255 : i32
      %and3A_1064 = vector.broadcast %and3A : i32 to vector<16xi32>
      %and3A_1065 = arith.andi %add3A_1063, %and3A_1064 : vector<16xi32>
      %mul3A_1066 = arith.constant 16 : i32
      %mul3A_1067 = vector.broadcast %mul3A_1066 : i32 to vector<16xi32>
      %mul3A_1068 = arith.muli %and3A_1065, %mul3A_1067 : vector<16xi32>
      %add3A_1069 = arith.addi %mul3A_1068, %iota3A : vector<16xi32>
      tpu.vector_store_idx %arg8[%add3A_1069], %broadcast_in_dim3A_3 {add = true} : memref<4096xi32, #tpu.memory_space<vmem>>[vector<16xi32>], vector<16xi32>,
      %mul3A_1070 = arith.constant 4 : i32
      %mul3A_1071 = arith.muli %scan3A_1048, %mul3A_1070 : i32
      %add3A_1072 = arith.constant 1 : i32
      %add3A_1073 = arith.addi %mul3A_1071, %add3A_1072 : i32
      %mul3A_1074 = arith.constant 16 : i32
      %mul3A_1075 = arith.muli %add3A_1073, %mul3A_1074 : i32
      %get3A_1076 = arith.index_cast %mul3A_1075 : i32 to index
      %get3A_1077 = tpu.vector_load %arg6[%get3A_1076] {strides = array<i32>} : memref<16384xi32, #tpu.memory_space<vmem>>, vector<16xi32>,
      %shift_right_arithmetic3A_1078 = arith.constant 24 : i32
      %shift_right_arithmetic3A_1079 = vector.broadcast %shift_right_arithmetic3A_1078 : i32 to vector<16xi32>
      %shift_right_arithmetic3A_1080 = arith.shrsi %get3A_1077, %shift_right_arithmetic3A_1079 : vector<16xi32>
      %add3A_1081 = arith.constant 128 : i32
      %add3A_1082 = vector.broadcast %add3A_1081 : i32 to vector<16xi32>
      %add3A_1083 = arith.addi %shift_right_arithmetic3A_1080, %add3A_1082 : vector<16xi32>
      %and3A_1084 = arith.constant 255 : i32
      %and3A_1085 = vector.broadcast %and3A_1084 : i32 to vector<16xi32>
      %and3A_1086 = arith.andi %add3A_1083, %and3A_1085 : vector<16xi32>
      %mul3A_1087 = arith.constant 16 : i32
      %mul3A_1088 = vector.broadcast %mul3A_1087 : i32 to vector<16xi32>
      %mul3A_1089 = arith.muli %and3A_1086, %mul3A_1088 : vector<16xi32>
      %add3A_1090 = arith.addi %mul3A_1089, %iota3A : vector<16xi32>
      tpu.vector_store_idx %arg8[%add3A_1090], %broadcast_in_dim3A_3 {add = true} : memref<4096xi32, #tpu.memory_space<vmem>>[vector<16xi32>], vector<16xi32>,
      %mul3A_1091 = arith.constant 4 : i32
      %mul3A_1092 = arith.muli %scan3A_1048, %mul3A_1091 : i32
      %add3A_1093 = arith.constant 2 : i32
      %add3A_1094 = arith.addi %mul3A_1092, %add3A_1093 : i32
      %mul3A_1095 = arith.constant 16 : i32
      %mul3A_1096 = arith.muli %add3A_1094, %mul3A_1095 : i32
      %get3A_1097 = arith.index_cast %mul3A_1096 : i32 to index
      %get3A_1098 = tpu.vector_load %arg6[%get3A_1097] {strides = array<i32>} : memref<16384xi32, #tpu.memory_space<vmem>>, vector<16xi32>,
      %shift_right_arithmetic3A_1099 = arith.constant 24 : i32
      %shift_right_arithmetic3A_1100 = vector.broadcast %shift_right_arithmetic3A_1099 : i32 to vector<16xi32>
      %shift_right_arithmetic3A_1101 = arith.shrsi %get3A_1098, %shift_right_arithmetic3A_1100 : vector<16xi32>
      %add3A_1102 = arith.constant 128 : i32
      %add3A_1103 = vector.broadcast %add3A_1102 : i32 to vector<16xi32>
      %add3A_1104 = arith.addi %shift_right_arithmetic3A_1101, %add3A_1103 : vector<16xi32>
      %and3A_1105 = arith.constant 255 : i32
      %and3A_1106 = vector.broadcast %and3A_1105 : i32 to vector<16xi32>
      %and3A_1107 = arith.andi %add3A_1104, %and3A_1106 : vector<16xi32>
      %mul3A_1108 = arith.constant 16 : i32
      %mul3A_1109 = vector.broadcast %mul3A_1108 : i32 to vector<16xi32>
      %mul3A_1110 = arith.muli %and3A_1107, %mul3A_1109 : vector<16xi32>
      %add3A_1111 = arith.addi %mul3A_1110, %iota3A : vector<16xi32>
      tpu.vector_store_idx %arg8[%add3A_1111], %broadcast_in_dim3A_3 {add = true} : memref<4096xi32, #tpu.memory_space<vmem>>[vector<16xi32>], vector<16xi32>,
      %mul3A_1112 = arith.constant 4 : i32
      %mul3A_1113 = arith.muli %scan3A_1048, %mul3A_1112 : i32
      %add3A_1114 = arith.constant 3 : i32
      %add3A_1115 = arith.addi %mul3A_1113, %add3A_1114 : i32
      %mul3A_1116 = arith.constant 16 : i32
      %mul3A_1117 = arith.muli %add3A_1115, %mul3A_1116 : i32
      %get3A_1118 = arith.index_cast %mul3A_1117 : i32 to index
      %get3A_1119 = tpu.vector_load %arg6[%get3A_1118] {strides = array<i32>} : memref<16384xi32, #tpu.memory_space<vmem>>, vector<16xi32>,
      %shift_right_arithmetic3A_1120 = arith.constant 24 : i32
      %shift_right_arithmetic3A_1121 = vector.broadcast %shift_right_arithmetic3A_1120 : i32 to vector<16xi32>
      %shift_right_arithmetic3A_1122 = arith.shrsi %get3A_1119, %shift_right_arithmetic3A_1121 : vector<16xi32>
      %add3A_1123 = arith.constant 128 : i32
      %add3A_1124 = vector.broadcast %add3A_1123 : i32 to vector<16xi32>
      %add3A_1125 = arith.addi %shift_right_arithmetic3A_1122, %add3A_1124 : vector<16xi32>
      %and3A_1126 = arith.constant 255 : i32
      %and3A_1127 = vector.broadcast %and3A_1126 : i32 to vector<16xi32>
      %and3A_1128 = arith.andi %add3A_1125, %and3A_1127 : vector<16xi32>
      %mul3A_1129 = arith.constant 16 : i32
      %mul3A_1130 = vector.broadcast %mul3A_1129 : i32 to vector<16xi32>
      %mul3A_1131 = arith.muli %and3A_1128, %mul3A_1130 : vector<16xi32>
      %add3A_1132 = arith.addi %mul3A_1131, %iota3A : vector<16xi32>
      tpu.vector_store_idx %arg8[%add3A_1132], %broadcast_in_dim3A_3 {add = true} : memref<4096xi32, #tpu.memory_space<vmem>>[vector<16xi32>], vector<16xi32>,
      %scan3A_1133 = arith.constant 0 : i32
      scf.yield %scan3A_1133 : i32
    }
    %scan3A_18 = arith.constant 256 : i32
    %broadcast_in_dim3A_19 = arith.constant 0 : i32
    %broadcast_in_dim3A_20 = vector.broadcast %broadcast_in_dim3A_19 : i32 to vector<16xi32>
    "tpu.region"() ({
      %run_scoped3A = tpu.sem_alloc : memref<!tpu.dma_semaphore, #tpu.memory_space<semaphore_mem>>
      %dma_start3A = arith.constant 0 : i32
      %dma_start3A_1048 = tpu.memref_slice %arg14[%arg1, %dma_start3A] : memref<16x4096xi32, #tpu.memory_space<vmem_shared>> -> memref<1x4096xi32, #tpu.memory_space<vmem_shared>>
      %dma_start3A_1049 = tpu.memref_squeeze %dma_start3A_1048 : memref<1x4096xi32, #tpu.memory_space<vmem_shared>> -> memref<4096xi32, #tpu.memory_space<vmem_shared>>
      %dma_start3A_1050 = arith.constant 0 : i32
      %dma_start3A_1051 = tpu.memref_slice %arg14[%arg1, %dma_start3A_1050] : memref<16x4096xi32, #tpu.memory_space<vmem_shared>> -> memref<1x4096xi32, #tpu.memory_space<vmem_shared>>
      %dma_start3A_1052 = tpu.memref_squeeze %dma_start3A_1051 : memref<1x4096xi32, #tpu.memory_space<vmem_shared>> -> memref<4096xi32, #tpu.memory_space<vmem_shared>>
      tpu.enqueue_dma source(%arg8 : memref<4096xi32, #tpu.memory_space<vmem>>) target(%dma_start3A_1052 : memref<4096xi32, #tpu.memory_space<vmem_shared>>) target_semaphore(%run_scoped3A : memref<!tpu.dma_semaphore, #tpu.memory_space<semaphore_mem>>)
      %dma_wait3A = arith.constant 0 : i32
      %dma_wait3A_1053 = tpu.memref_slice %arg14[%arg1, %dma_wait3A] : memref<16x4096xi32, #tpu.memory_space<vmem_shared>> -> memref<1x4096xi32, #tpu.memory_space<vmem_shared>>
      %dma_wait3A_1054 = tpu.memref_squeeze %dma_wait3A_1053 : memref<1x4096xi32, #tpu.memory_space<vmem_shared>> -> memref<4096xi32, #tpu.memory_space<vmem_shared>>
      %dma_wait3A_1055 = arith.constant 0 : i32
      %dma_wait3A_1056 = tpu.memref_slice %arg14[%arg1, %dma_wait3A_1055] : memref<16x4096xi32, #tpu.memory_space<vmem_shared>> -> memref<1x4096xi32, #tpu.memory_space<vmem_shared>>
      %dma_wait3A_1057 = tpu.memref_squeeze %dma_wait3A_1056 : memref<1x4096xi32, #tpu.memory_space<vmem_shared>> -> memref<4096xi32, #tpu.memory_space<vmem_shared>>
      tpu.wait_dma2 semaphore(%run_scoped3A : memref<!tpu.dma_semaphore, #tpu.memory_space<semaphore_mem>>) src(%arg8 : memref<4096xi32, #tpu.memory_space<vmem>>) dst(%dma_wait3A_1057 : memref<4096xi32, #tpu.memory_space<vmem_shared>>)
      tpu.yield
    }) : () -> ()
    %scan3A_21 = arith.constant 0 : i32
    %scan3A_22 = arith.constant 0 : i32
    %scan3A_23 = arith.constant 256 : i32
    %scan3A_24 = arith.addi %scan3A_22, %scan3A_23 : i32
    %scan3A_25 = arith.constant 1 : i32
    %scan3A_26 = scf.for %scan3A_1048 = %scan3A_22 to %scan3A_24 step %scan3A_25 iter_args(%scan3A_1049 = %scan3A_21) -> (i32)  : i32 {
      %mul3A_1050 = arith.constant 16 : i32
      %mul3A_1051 = arith.muli %scan3A_1048, %mul3A_1050 : i32
      %swap3A_1052 = arith.index_cast %mul3A_1051 : i32 to index
      %swap3A_1053 = tpu.vector_load %arg8[%swap3A_1052] {strides = array<i32>} : memref<4096xi32, #tpu.memory_space<vmem>>, vector<16xi32>,
      tpu.vector_store %arg8[%swap3A_1052], %broadcast_in_dim3A_20 {strides = array<i32>} : memref<4096xi32, #tpu.memory_space<vmem>>, vector<16xi32>,
      %scan3A_1054 = arith.constant 0 : i32
      scf.yield %scan3A_1054 : i32
    }
    %scan3A_27 = arith.constant 256 : i32
    %barrier3A = arith.constant 0 : index
    tpu.barrier barrier_id(%barrier3A)
    %scan3A_28 = arith.constant 0 : i32
    %scan3A_29 = arith.constant 16 : i32
    %scan3A_30 = arith.addi %scan3A_28, %scan3A_29 : i32
    %scan3A_31 = arith.constant 1 : i32
    %scan3A_32:16 = scf.for %scan3A_1048 = %scan3A_28 to %scan3A_30 step %scan3A_31 iter_args(%scan3A_1049 = %broadcast_in_dim3A_20, %scan3A_1050 = %broadcast_in_dim3A_20, %scan3A_1051 = %broadcast_in_dim3A_20, %scan3A_1052 = %broadcast_in_dim3A_20, %scan3A_1053 = %broadcast_in_dim3A_20, %scan3A_1054 = %broadcast_in_dim3A_20, %scan3A_1055 = %broadcast_in_dim3A_20, %scan3A_1056 = %broadcast_in_dim3A_20, %scan3A_1057 = %broadcast_in_dim3A_20, %scan3A_1058 = %broadcast_in_dim3A_20, %scan3A_1059 = %broadcast_in_dim3A_20, %scan3A_1060 = %broadcast_in_dim3A_20, %scan3A_1061 = %broadcast_in_dim3A_20, %scan3A_1062 = %broadcast_in_dim3A_20, %scan3A_1063 = %broadcast_in_dim3A_20, %scan3A_1064 = %broadcast_in_dim3A_20) -> (vector<16xi32>, vector<16xi32>, vector<16xi32>, vector<16xi32>, vector<16xi32>, vector<16xi32>, vector<16xi32>, vector<16xi32>, vector<16xi32>, vector<16xi32>, vector<16xi32>, vector<16xi32>, vector<16xi32>, vector<16xi32>, vector<16xi32>, vector<16xi32>)  : i32 {
      %mul3A_1065 = arith.constant 256 : i32
      %mul3A_1066 = arith.muli %arg1, %mul3A_1065 : i32
      "tpu.region"() ({
        %run_scoped3A = tpu.sem_alloc : memref<!tpu.dma_semaphore, #tpu.memory_space<semaphore_mem>>
        %dma_start3A = tpu.memref_slice %arg14[%scan3A_1048, %mul3A_1066] : memref<16x4096xi32, #tpu.memory_space<vmem_shared>> -> memref<1x256xi32, #tpu.memory_space<vmem_shared>>
        %dma_start3A_1115 = tpu.memref_squeeze %dma_start3A : memref<1x256xi32, #tpu.memory_space<vmem_shared>> -> memref<256xi32, #tpu.memory_space<vmem_shared>>
        %dma_start3A_1116 = tpu.memref_slice %arg14[%scan3A_1048, %mul3A_1066] : memref<16x4096xi32, #tpu.memory_space<vmem_shared>> -> memref<1x256xi32, #tpu.memory_space<vmem_shared>>
        %dma_start3A_1117 = tpu.memref_squeeze %dma_start3A_1116 : memref<1x256xi32, #tpu.memory_space<vmem_shared>> -> memref<256xi32, #tpu.memory_space<vmem_shared>>
        tpu.enqueue_dma source(%dma_start3A_1117 : memref<256xi32, #tpu.memory_space<vmem_shared>>) target(%arg10 : memref<256xi32, #tpu.memory_space<vmem>>) target_semaphore(%run_scoped3A : memref<!tpu.dma_semaphore, #tpu.memory_space<semaphore_mem>>)
        %dma_wait3A = tpu.memref_slice %arg14[%scan3A_1048, %mul3A_1066] : memref<16x4096xi32, #tpu.memory_space<vmem_shared>> -> memref<1x256xi32, #tpu.memory_space<vmem_shared>>
        %dma_wait3A_1118 = tpu.memref_squeeze %dma_wait3A : memref<1x256xi32, #tpu.memory_space<vmem_shared>> -> memref<256xi32, #tpu.memory_space<vmem_shared>>
        %dma_wait3A_1119 = tpu.memref_slice %arg14[%scan3A_1048, %mul3A_1066] : memref<16x4096xi32, #tpu.memory_space<vmem_shared>> -> memref<1x256xi32, #tpu.memory_space<vmem_shared>>
        %dma_wait3A_1120 = tpu.memref_squeeze %dma_wait3A_1119 : memref<1x256xi32, #tpu.memory_space<vmem_shared>> -> memref<256xi32, #tpu.memory_space<vmem_shared>>
        tpu.wait_dma2 semaphore(%run_scoped3A : memref<!tpu.dma_semaphore, #tpu.memory_space<semaphore_mem>>) src(%dma_wait3A_1120 : memref<256xi32, #tpu.memory_space<vmem_shared>>) dst(%arg10 : memref<256xi32, #tpu.memory_space<vmem>>)
        tpu.yield
      }) : () -> ()
      %get3A_1067 = arith.constant 0 : index
      %get3A_1068 = tpu.vector_load %arg10[%get3A_1067] {strides = array<i32>} : memref<256xi32, #tpu.memory_space<vmem>>, vector<16xi32>,
      %add3A_1069 = arith.addi %scan3A_1049, %get3A_1068 : vector<16xi32>
      %get3A_1070 = arith.constant 16 : index
      %get3A_1071 = tpu.vector_load %arg10[%get3A_1070] {strides = array<i32>} : memref<256xi32, #tpu.memory_space<vmem>>, vector<16xi32>,
      %add3A_1072 = arith.addi %scan3A_1050, %get3A_1071 : vector<16xi32>
      %get3A_1073 = arith.constant 32 : index
      %get3A_1074 = tpu.vector_load %arg10[%get3A_1073] {strides = array<i32>} : memref<256xi32, #tpu.memory_space<vmem>>, vector<16xi32>,
      %add3A_1075 = arith.addi %scan3A_1051, %get3A_1074 : vector<16xi32>
      %get3A_1076 = arith.constant 48 : index
      %get3A_1077 = tpu.vector_load %arg10[%get3A_1076] {strides = array<i32>} : memref<256xi32, #tpu.memory_space<vmem>>, vector<16xi32>,
      %add3A_1078 = arith.addi %scan3A_1052, %get3A_1077 : vector<16xi32>
      %get3A_1079 = arith.constant 64 : index
      %get3A_1080 = tpu.vector_load %arg10[%get3A_1079] {strides = array<i32>} : memref<256xi32, #tpu.memory_space<vmem>>, vector<16xi32>,
      %add3A_1081 = arith.addi %scan3A_1053, %get3A_1080 : vector<16xi32>
      %get3A_1082 = arith.constant 80 : index
      %get3A_1083 = tpu.vector_load %arg10[%get3A_1082] {strides = array<i32>} : memref<256xi32, #tpu.memory_space<vmem>>, vector<16xi32>,
      %add3A_1084 = arith.addi %scan3A_1054, %get3A_1083 : vector<16xi32>
      %get3A_1085 = arith.constant 96 : index
      %get3A_1086 = tpu.vector_load %arg10[%get3A_1085] {strides = array<i32>} : memref<256xi32, #tpu.memory_space<vmem>>, vector<16xi32>,
      %add3A_1087 = arith.addi %scan3A_1055, %get3A_1086 : vector<16xi32>
      %get3A_1088 = arith.constant 112 : index
      %get3A_1089 = tpu.vector_load %arg10[%get3A_1088] {strides = array<i32>} : memref<256xi32, #tpu.memory_space<vmem>>, vector<16xi32>,
      %add3A_1090 = arith.addi %scan3A_1056, %get3A_1089 : vector<16xi32>
      %get3A_1091 = arith.constant 128 : index
      %get3A_1092 = tpu.vector_load %arg10[%get3A_1091] {strides = array<i32>} : memref<256xi32, #tpu.memory_space<vmem>>, vector<16xi32>,
      %add3A_1093 = arith.addi %scan3A_1057, %get3A_1092 : vector<16xi32>
      %get3A_1094 = arith.constant 144 : index
      %get3A_1095 = tpu.vector_load %arg10[%get3A_1094] {strides = array<i32>} : memref<256xi32, #tpu.memory_space<vmem>>, vector<16xi32>,
      %add3A_1096 = arith.addi %scan3A_1058, %get3A_1095 : vector<16xi32>
      %get3A_1097 = arith.constant 160 : index
      %get3A_1098 = tpu.vector_load %arg10[%get3A_1097] {strides = array<i32>} : memref<256xi32, #tpu.memory_space<vmem>>, vector<16xi32>,
      %add3A_1099 = arith.addi %scan3A_1059, %get3A_1098 : vector<16xi32>
      %get3A_1100 = arith.constant 176 : index
      %get3A_1101 = tpu.vector_load %arg10[%get3A_1100] {strides = array<i32>} : memref<256xi32, #tpu.memory_space<vmem>>, vector<16xi32>,
      %add3A_1102 = arith.addi %scan3A_1060, %get3A_1101 : vector<16xi32>
      %get3A_1103 = arith.constant 192 : index
      %get3A_1104 = tpu.vector_load %arg10[%get3A_1103] {strides = array<i32>} : memref<256xi32, #tpu.memory_space<vmem>>, vector<16xi32>,
      %add3A_1105 = arith.addi %scan3A_1061, %get3A_1104 : vector<16xi32>
      %get3A_1106 = arith.constant 208 : index
      %get3A_1107 = tpu.vector_load %arg10[%get3A_1106] {strides = array<i32>} : memref<256xi32, #tpu.memory_space<vmem>>, vector<16xi32>,
      %add3A_1108 = arith.addi %scan3A_1062, %get3A_1107 : vector<16xi32>
      %get3A_1109 = arith.constant 224 : index
      %get3A_1110 = tpu.vector_load %arg10[%get3A_1109] {strides = array<i32>} : memref<256xi32, #tpu.memory_space<vmem>>, vector<16xi32>,
      %add3A_1111 = arith.addi %scan3A_1063, %get3A_1110 : vector<16xi32>
      %get3A_1112 = arith.constant 240 : index
      %get3A_1113 = tpu.vector_load %arg10[%get3A_1112] {strides = array<i32>} : memref<256xi32, #tpu.memory_space<vmem>>, vector<16xi32>,
      %add3A_1114 = arith.addi %scan3A_1064, %get3A_1113 : vector<16xi32>
      scf.yield %add3A_1069, %add3A_1072, %add3A_1075, %add3A_1078, %add3A_1081, %add3A_1084, %add3A_1087, %add3A_1090, %add3A_1093, %add3A_1096, %add3A_1099, %add3A_1102, %add3A_1105, %add3A_1108, %add3A_1111, %add3A_1114 : vector<16xi32>, vector<16xi32>, vector<16xi32>, vector<16xi32>, vector<16xi32>, vector<16xi32>, vector<16xi32>, vector<16xi32>, vector<16xi32>, vector<16xi32>, vector<16xi32>, vector<16xi32>, vector<16xi32>, vector<16xi32>, vector<16xi32>, vector<16xi32>
    }
    %scan3A_33 = arith.constant 16 : i32
    %eq3A = arith.constant 0 : i32
    %eq3A_34 = vector.broadcast %eq3A : i32 to vector<16xi32>
    %eq3A_35 = arith.cmpi eq, %iota3A, %eq3A_34 : vector<16xi32>
    %reduce_sum3A = arith.constant true
    %reduce_sum3A_36 = vector.broadcast %reduce_sum3A : i1 to vector<16xi1>
    %reduce_sum3A_37 = tpu.scan <sum>, %scan3A_32#0 masked %reduce_sum3A_36 : vector<16xi32>, vector<16xi1> -> vector<16xi32>
    %reduce_sum3A_38 = vector.extract %reduce_sum3A_37[15] : i32 from vector<16xi32>
    %broadcast_in_dim3A_39 = vector.broadcast %reduce_sum3A_38 : i32 to vector<16xi32>
    %select_n3A = arith.select %eq3A_35, %broadcast_in_dim3A_39, %broadcast_in_dim3A_20 : vector<16xi1>, vector<16xi32>
    %eq3A_40 = arith.constant 1 : i32
    %eq3A_41 = vector.broadcast %eq3A_40 : i32 to vector<16xi32>
    %eq3A_42 = arith.cmpi eq, %iota3A, %eq3A_41 : vector<16xi32>
    %reduce_sum3A_43 = arith.constant true
    %reduce_sum3A_44 = vector.broadcast %reduce_sum3A_43 : i1 to vector<16xi1>
    %reduce_sum3A_45 = tpu.scan <sum>, %scan3A_32#1 masked %reduce_sum3A_44 : vector<16xi32>, vector<16xi1> -> vector<16xi32>
    %reduce_sum3A_46 = vector.extract %reduce_sum3A_45[15] : i32 from vector<16xi32>
    %broadcast_in_dim3A_47 = vector.broadcast %reduce_sum3A_46 : i32 to vector<16xi32>
    %select_n3A_48 = arith.select %eq3A_42, %broadcast_in_dim3A_47, %select_n3A : vector<16xi1>, vector<16xi32>
    %eq3A_49 = arith.constant 2 : i32
    %eq3A_50 = vector.broadcast %eq3A_49 : i32 to vector<16xi32>
    %eq3A_51 = arith.cmpi eq, %iota3A, %eq3A_50 : vector<16xi32>
    %reduce_sum3A_52 = arith.constant true
    %reduce_sum3A_53 = vector.broadcast %reduce_sum3A_52 : i1 to vector<16xi1>
    %reduce_sum3A_54 = tpu.scan <sum>, %scan3A_32#2 masked %reduce_sum3A_53 : vector<16xi32>, vector<16xi1> -> vector<16xi32>
    %reduce_sum3A_55 = vector.extract %reduce_sum3A_54[15] : i32 from vector<16xi32>
    %broadcast_in_dim3A_56 = vector.broadcast %reduce_sum3A_55 : i32 to vector<16xi32>
    %select_n3A_57 = arith.select %eq3A_51, %broadcast_in_dim3A_56, %select_n3A_48 : vector<16xi1>, vector<16xi32>
    %eq3A_58 = arith.constant 3 : i32
    %eq3A_59 = vector.broadcast %eq3A_58 : i32 to vector<16xi32>
    %eq3A_60 = arith.cmpi eq, %iota3A, %eq3A_59 : vector<16xi32>
    %reduce_sum3A_61 = arith.constant true
    %reduce_sum3A_62 = vector.broadcast %reduce_sum3A_61 : i1 to vector<16xi1>
    %reduce_sum3A_63 = tpu.scan <sum>, %scan3A_32#3 masked %reduce_sum3A_62 : vector<16xi32>, vector<16xi1> -> vector<16xi32>
    %reduce_sum3A_64 = vector.extract %reduce_sum3A_63[15] : i32 from vector<16xi32>
    %broadcast_in_dim3A_65 = vector.broadcast %reduce_sum3A_64 : i32 to vector<16xi32>
    %select_n3A_66 = arith.select %eq3A_60, %broadcast_in_dim3A_65, %select_n3A_57 : vector<16xi1>, vector<16xi32>
    %eq3A_67 = arith.constant 4 : i32
    %eq3A_68 = vector.broadcast %eq3A_67 : i32 to vector<16xi32>
    %eq3A_69 = arith.cmpi eq, %iota3A, %eq3A_68 : vector<16xi32>
    %reduce_sum3A_70 = arith.constant true
    %reduce_sum3A_71 = vector.broadcast %reduce_sum3A_70 : i1 to vector<16xi1>
    %reduce_sum3A_72 = tpu.scan <sum>, %scan3A_32#4 masked %reduce_sum3A_71 : vector<16xi32>, vector<16xi1> -> vector<16xi32>
    %reduce_sum3A_73 = vector.extract %reduce_sum3A_72[15] : i32 from vector<16xi32>
    %broadcast_in_dim3A_74 = vector.broadcast %reduce_sum3A_73 : i32 to vector<16xi32>
    %select_n3A_75 = arith.select %eq3A_69, %broadcast_in_dim3A_74, %select_n3A_66 : vector<16xi1>, vector<16xi32>
    %eq3A_76 = arith.constant 5 : i32
    %eq3A_77 = vector.broadcast %eq3A_76 : i32 to vector<16xi32>
    %eq3A_78 = arith.cmpi eq, %iota3A, %eq3A_77 : vector<16xi32>
    %reduce_sum3A_79 = arith.constant true
    %reduce_sum3A_80 = vector.broadcast %reduce_sum3A_79 : i1 to vector<16xi1>
    %reduce_sum3A_81 = tpu.scan <sum>, %scan3A_32#5 masked %reduce_sum3A_80 : vector<16xi32>, vector<16xi1> -> vector<16xi32>
    %reduce_sum3A_82 = vector.extract %reduce_sum3A_81[15] : i32 from vector<16xi32>
    %broadcast_in_dim3A_83 = vector.broadcast %reduce_sum3A_82 : i32 to vector<16xi32>
    %select_n3A_84 = arith.select %eq3A_78, %broadcast_in_dim3A_83, %select_n3A_75 : vector<16xi1>, vector<16xi32>
    %eq3A_85 = arith.constant 6 : i32
    %eq3A_86 = vector.broadcast %eq3A_85 : i32 to vector<16xi32>
    %eq3A_87 = arith.cmpi eq, %iota3A, %eq3A_86 : vector<16xi32>
    %reduce_sum3A_88 = arith.constant true
    %reduce_sum3A_89 = vector.broadcast %reduce_sum3A_88 : i1 to vector<16xi1>
    %reduce_sum3A_90 = tpu.scan <sum>, %scan3A_32#6 masked %reduce_sum3A_89 : vector<16xi32>, vector<16xi1> -> vector<16xi32>
    %reduce_sum3A_91 = vector.extract %reduce_sum3A_90[15] : i32 from vector<16xi32>
    %broadcast_in_dim3A_92 = vector.broadcast %reduce_sum3A_91 : i32 to vector<16xi32>
    %select_n3A_93 = arith.select %eq3A_87, %broadcast_in_dim3A_92, %select_n3A_84 : vector<16xi1>, vector<16xi32>
    %eq3A_94 = arith.constant 7 : i32
    %eq3A_95 = vector.broadcast %eq3A_94 : i32 to vector<16xi32>
    %eq3A_96 = arith.cmpi eq, %iota3A, %eq3A_95 : vector<16xi32>
    %reduce_sum3A_97 = arith.constant true
    %reduce_sum3A_98 = vector.broadcast %reduce_sum3A_97 : i1 to vector<16xi1>
    %reduce_sum3A_99 = tpu.scan <sum>, %scan3A_32#7 masked %reduce_sum3A_98 : vector<16xi32>, vector<16xi1> -> vector<16xi32>
    %reduce_sum3A_100 = vector.extract %reduce_sum3A_99[15] : i32 from vector<16xi32>
    %broadcast_in_dim3A_101 = vector.broadcast %reduce_sum3A_100 : i32 to vector<16xi32>
    %select_n3A_102 = arith.select %eq3A_96, %broadcast_in_dim3A_101, %select_n3A_93 : vector<16xi1>, vector<16xi32>
    %eq3A_103 = arith.constant 8 : i32
    %eq3A_104 = vector.broadcast %eq3A_103 : i32 to vector<16xi32>
    %eq3A_105 = arith.cmpi eq, %iota3A, %eq3A_104 : vector<16xi32>
    %reduce_sum3A_106 = arith.constant true
    %reduce_sum3A_107 = vector.broadcast %reduce_sum3A_106 : i1 to vector<16xi1>
    %reduce_sum3A_108 = tpu.scan <sum>, %scan3A_32#8 masked %reduce_sum3A_107 : vector<16xi32>, vector<16xi1> -> vector<16xi32>
    %reduce_sum3A_109 = vector.extract %reduce_sum3A_108[15] : i32 from vector<16xi32>
    %broadcast_in_dim3A_110 = vector.broadcast %reduce_sum3A_109 : i32 to vector<16xi32>
    %select_n3A_111 = arith.select %eq3A_105, %broadcast_in_dim3A_110, %select_n3A_102 : vector<16xi1>, vector<16xi32>
    %eq3A_112 = arith.constant 9 : i32
    %eq3A_113 = vector.broadcast %eq3A_112 : i32 to vector<16xi32>
    %eq3A_114 = arith.cmpi eq, %iota3A, %eq3A_113 : vector<16xi32>
    %reduce_sum3A_115 = arith.constant true
    %reduce_sum3A_116 = vector.broadcast %reduce_sum3A_115 : i1 to vector<16xi1>
    %reduce_sum3A_117 = tpu.scan <sum>, %scan3A_32#9 masked %reduce_sum3A_116 : vector<16xi32>, vector<16xi1> -> vector<16xi32>
    %reduce_sum3A_118 = vector.extract %reduce_sum3A_117[15] : i32 from vector<16xi32>
    %broadcast_in_dim3A_119 = vector.broadcast %reduce_sum3A_118 : i32 to vector<16xi32>
    %select_n3A_120 = arith.select %eq3A_114, %broadcast_in_dim3A_119, %select_n3A_111 : vector<16xi1>, vector<16xi32>
    %eq3A_121 = arith.constant 10 : i32
    %eq3A_122 = vector.broadcast %eq3A_121 : i32 to vector<16xi32>
    %eq3A_123 = arith.cmpi eq, %iota3A, %eq3A_122 : vector<16xi32>
    %reduce_sum3A_124 = arith.constant true
    %reduce_sum3A_125 = vector.broadcast %reduce_sum3A_124 : i1 to vector<16xi1>
    %reduce_sum3A_126 = tpu.scan <sum>, %scan3A_32#10 masked %reduce_sum3A_125 : vector<16xi32>, vector<16xi1> -> vector<16xi32>
    %reduce_sum3A_127 = vector.extract %reduce_sum3A_126[15] : i32 from vector<16xi32>
    %broadcast_in_dim3A_128 = vector.broadcast %reduce_sum3A_127 : i32 to vector<16xi32>
    %select_n3A_129 = arith.select %eq3A_123, %broadcast_in_dim3A_128, %select_n3A_120 : vector<16xi1>, vector<16xi32>
    %eq3A_130 = arith.constant 11 : i32
    %eq3A_131 = vector.broadcast %eq3A_130 : i32 to vector<16xi32>
    %eq3A_132 = arith.cmpi eq, %iota3A, %eq3A_131 : vector<16xi32>
    %reduce_sum3A_133 = arith.constant true
    %reduce_sum3A_134 = vector.broadcast %reduce_sum3A_133 : i1 to vector<16xi1>
    %reduce_sum3A_135 = tpu.scan <sum>, %scan3A_32#11 masked %reduce_sum3A_134 : vector<16xi32>, vector<16xi1> -> vector<16xi32>
    %reduce_sum3A_136 = vector.extract %reduce_sum3A_135[15] : i32 from vector<16xi32>
    %broadcast_in_dim3A_137 = vector.broadcast %reduce_sum3A_136 : i32 to vector<16xi32>
    %select_n3A_138 = arith.select %eq3A_132, %broadcast_in_dim3A_137, %select_n3A_129 : vector<16xi1>, vector<16xi32>
    %eq3A_139 = arith.constant 12 : i32
    %eq3A_140 = vector.broadcast %eq3A_139 : i32 to vector<16xi32>
    %eq3A_141 = arith.cmpi eq, %iota3A, %eq3A_140 : vector<16xi32>
    %reduce_sum3A_142 = arith.constant true
    %reduce_sum3A_143 = vector.broadcast %reduce_sum3A_142 : i1 to vector<16xi1>
    %reduce_sum3A_144 = tpu.scan <sum>, %scan3A_32#12 masked %reduce_sum3A_143 : vector<16xi32>, vector<16xi1> -> vector<16xi32>
    %reduce_sum3A_145 = vector.extract %reduce_sum3A_144[15] : i32 from vector<16xi32>
    %broadcast_in_dim3A_146 = vector.broadcast %reduce_sum3A_145 : i32 to vector<16xi32>
    %select_n3A_147 = arith.select %eq3A_141, %broadcast_in_dim3A_146, %select_n3A_138 : vector<16xi1>, vector<16xi32>
    %eq3A_148 = arith.constant 13 : i32
    %eq3A_149 = vector.broadcast %eq3A_148 : i32 to vector<16xi32>
    %eq3A_150 = arith.cmpi eq, %iota3A, %eq3A_149 : vector<16xi32>
    %reduce_sum3A_151 = arith.constant true
    %reduce_sum3A_152 = vector.broadcast %reduce_sum3A_151 : i1 to vector<16xi1>
    %reduce_sum3A_153 = tpu.scan <sum>, %scan3A_32#13 masked %reduce_sum3A_152 : vector<16xi32>, vector<16xi1> -> vector<16xi32>
    %reduce_sum3A_154 = vector.extract %reduce_sum3A_153[15] : i32 from vector<16xi32>
    %broadcast_in_dim3A_155 = vector.broadcast %reduce_sum3A_154 : i32 to vector<16xi32>
    %select_n3A_156 = arith.select %eq3A_150, %broadcast_in_dim3A_155, %select_n3A_147 : vector<16xi1>, vector<16xi32>
    %eq3A_157 = arith.constant 14 : i32
    %eq3A_158 = vector.broadcast %eq3A_157 : i32 to vector<16xi32>
    %eq3A_159 = arith.cmpi eq, %iota3A, %eq3A_158 : vector<16xi32>
    %reduce_sum3A_160 = arith.constant true
    %reduce_sum3A_161 = vector.broadcast %reduce_sum3A_160 : i1 to vector<16xi1>
    %reduce_sum3A_162 = tpu.scan <sum>, %scan3A_32#14 masked %reduce_sum3A_161 : vector<16xi32>, vector<16xi1> -> vector<16xi32>
    %reduce_sum3A_163 = vector.extract %reduce_sum3A_162[15] : i32 from vector<16xi32>
    %broadcast_in_dim3A_164 = vector.broadcast %reduce_sum3A_163 : i32 to vector<16xi32>
    %select_n3A_165 = arith.select %eq3A_159, %broadcast_in_dim3A_164, %select_n3A_156 : vector<16xi1>, vector<16xi32>
    %eq3A_166 = arith.constant 15 : i32
    %eq3A_167 = vector.broadcast %eq3A_166 : i32 to vector<16xi32>
    %eq3A_168 = arith.cmpi eq, %iota3A, %eq3A_167 : vector<16xi32>
    %reduce_sum3A_169 = arith.constant true
    %reduce_sum3A_170 = vector.broadcast %reduce_sum3A_169 : i1 to vector<16xi1>
    %reduce_sum3A_171 = tpu.scan <sum>, %scan3A_32#15 masked %reduce_sum3A_170 : vector<16xi32>, vector<16xi1> -> vector<16xi32>
    %reduce_sum3A_172 = vector.extract %reduce_sum3A_171[15] : i32 from vector<16xi32>
    %broadcast_in_dim3A_173 = vector.broadcast %reduce_sum3A_172 : i32 to vector<16xi32>
    %select_n3A_174 = arith.select %eq3A_168, %broadcast_in_dim3A_173, %select_n3A_165 : vector<16xi1>, vector<16xi32>
    %swap3A = arith.constant 0 : index
    %swap3A_175 = tpu.vector_load %arg11[%swap3A] {strides = array<i32>} : memref<16xi32, #tpu.memory_space<vmem>>, vector<16xi32>,
    tpu.vector_store %arg11[%swap3A], %select_n3A_174 {strides = array<i32>} : memref<16xi32, #tpu.memory_space<vmem>>, vector<16xi32>,
    %mul3A_176 = arith.constant 16 : i32
    %mul3A_177 = arith.muli %arg1, %mul3A_176 : i32
    "tpu.region"() ({
      %run_scoped3A = tpu.sem_alloc : memref<!tpu.dma_semaphore, #tpu.memory_space<semaphore_mem>>
      %dma_start3A = tpu.memref_slice %arg15[%mul3A_177] : memref<256xi32, #tpu.memory_space<vmem_shared>> -> memref<16xi32, #tpu.memory_space<vmem_shared>>
      %dma_start3A_1048 = tpu.memref_slice %arg15[%mul3A_177] : memref<256xi32, #tpu.memory_space<vmem_shared>> -> memref<16xi32, #tpu.memory_space<vmem_shared>>
      tpu.enqueue_dma source(%arg11 : memref<16xi32, #tpu.memory_space<vmem>>) target(%dma_start3A_1048 : memref<16xi32, #tpu.memory_space<vmem_shared>>) target_semaphore(%run_scoped3A : memref<!tpu.dma_semaphore, #tpu.memory_space<semaphore_mem>>)
      %dma_wait3A = tpu.memref_slice %arg15[%mul3A_177] : memref<256xi32, #tpu.memory_space<vmem_shared>> -> memref<16xi32, #tpu.memory_space<vmem_shared>>
      %dma_wait3A_1049 = tpu.memref_slice %arg15[%mul3A_177] : memref<256xi32, #tpu.memory_space<vmem_shared>> -> memref<16xi32, #tpu.memory_space<vmem_shared>>
      tpu.wait_dma2 semaphore(%run_scoped3A : memref<!tpu.dma_semaphore, #tpu.memory_space<semaphore_mem>>) src(%arg11 : memref<16xi32, #tpu.memory_space<vmem>>) dst(%dma_wait3A_1049 : memref<16xi32, #tpu.memory_space<vmem_shared>>)
      tpu.yield
    }) : () -> ()
    %barrier3A_178 = arith.constant 0 : index
    tpu.barrier barrier_id(%barrier3A_178)
    "tpu.region"() ({
      %run_scoped3A = tpu.sem_alloc : memref<!tpu.dma_semaphore, #tpu.memory_space<semaphore_mem>>
      tpu.enqueue_dma source(%arg15 : memref<256xi32, #tpu.memory_space<vmem_shared>>) target(%arg12 : memref<256xi32, #tpu.memory_space<vmem>>) target_semaphore(%run_scoped3A : memref<!tpu.dma_semaphore, #tpu.memory_space<semaphore_mem>>)
      tpu.wait_dma2 semaphore(%run_scoped3A : memref<!tpu.dma_semaphore, #tpu.memory_space<semaphore_mem>>) src(%arg15 : memref<256xi32, #tpu.memory_space<vmem_shared>>) dst(%arg12 : memref<256xi32, #tpu.memory_space<vmem>>)
      tpu.yield
    }) : () -> ()
    %scan3A_179 = arith.constant 0 : i32
    %scan3A_180 = arith.constant 16 : i32
    %scan3A_181 = arith.addi %scan3A_179, %scan3A_180 : i32
    %scan3A_182 = arith.constant 1 : i32
    %scan3A_183 = scf.for %scan3A_1048 = %scan3A_179 to %scan3A_181 step %scan3A_182 iter_args(%scan3A_1049 = %broadcast_in_dim3A_20) -> (vector<16xi32>)  : i32 {
      %eq3A_1050 = vector.broadcast %scan3A_1048 : i32 to vector<16xi32>
      %eq3A_1051 = arith.cmpi eq, %iota3A, %eq3A_1050 : vector<16xi32>
      %mul3A_1052 = arith.constant 16 : i32
      %mul3A_1053 = arith.muli %scan3A_1048, %mul3A_1052 : i32
      %get3A_1054 = arith.index_cast %mul3A_1053 : i32 to index
      %get3A_1055 = tpu.vector_load %arg12[%get3A_1054] {strides = array<i32>} : memref<256xi32, #tpu.memory_space<vmem>>, vector<16xi32>,
      %reduce_sum3A_1056 = arith.constant true
      %reduce_sum3A_1057 = vector.broadcast %reduce_sum3A_1056 : i1 to vector<16xi1>
      %reduce_sum3A_1058 = tpu.scan <sum>, %get3A_1055 masked %reduce_sum3A_1057 : vector<16xi32>, vector<16xi1> -> vector<16xi32>
      %reduce_sum3A_1059 = vector.extract %reduce_sum3A_1058[15] : i32 from vector<16xi32>
      %broadcast_in_dim3A_1060 = vector.broadcast %reduce_sum3A_1059 : i32 to vector<16xi32>
      %select_n3A_1061 = arith.select %eq3A_1051, %broadcast_in_dim3A_1060, %scan3A_1049 : vector<16xi1>, vector<16xi32>
      scf.yield %select_n3A_1061 : vector<16xi32>
    }
    %scan3A_184 = arith.constant 16 : i32
    %rev3A = arith.constant 15 : i32
    %rev3A_185 = vector.broadcast %rev3A : i32 to vector<16xi32>
    %rev3A_186 = tpu.iota {dimensions = array<i32: 0>} : vector<16xi32>
    %rev3A_187 = arith.subi %rev3A_185, %rev3A_186 : vector<16xi32>
    %rev3A_188 = tpu.dynamic_gather %scan3A_183[%rev3A_187] in [0] : vector<16xi32>, vector<16xi32> -> vector<16xi32>
    %broadcast_in_dim3A_189 = arith.constant true
    %broadcast_in_dim3A_190 = vector.broadcast %broadcast_in_dim3A_189 : i1 to vector<16xi1>
    %masked_cumsum3A = tpu.scan <sum>, %rev3A_188 masked %broadcast_in_dim3A_190 : vector<16xi32>, vector<16xi1> -> vector<16xi32>
    %ge3A = arith.constant 104896 : i32
    %ge3A_191 = vector.broadcast %ge3A : i32 to vector<16xi32>
    %ge3A_192 = arith.cmpi sge, %masked_cumsum3A, %ge3A_191 : vector<16xi32>
    %all_reduce_ffs3A = tpu.all_reduce %ge3A_192 {dim = 0 : i64, kind = #tpu.reduction_kind<find_first_set>} : vector<16xi1> -> vector<16xi32>
    %slice3A = vector.extract_strided_slice %all_reduce_ffs3A {offsets = [0], sizes = [1], strides = [1]} : vector<16xi32> to vector<1xi32>
    %squeeze3A = vector.extract %slice3A[0] : i32 from vector<1xi32>
    %eq3A_193 = vector.broadcast %squeeze3A : i32 to vector<16xi32>
    %eq3A_194 = arith.cmpi eq, %iota3A, %eq3A_193 : vector<16xi32>
    %jit3A = arith.constant 0 : i32
    %broadcast_in_dim3A_195 = vector.broadcast %jit3A : i32 to vector<16xi32>
    %select_n3A_196 = arith.select %eq3A_194, %masked_cumsum3A, %broadcast_in_dim3A_195 : vector<16xi1>, vector<16xi32>
    %reduce_sum3A_197 = arith.constant true
    %reduce_sum3A_198 = vector.broadcast %reduce_sum3A_197 : i1 to vector<16xi1>
    %reduce_sum3A_199 = tpu.scan <sum>, %select_n3A_196 masked %reduce_sum3A_198 : vector<16xi32>, vector<16xi1> -> vector<16xi32>
    %reduce_sum3A_200 = vector.extract %reduce_sum3A_199[15] : i32 from vector<16xi32>
    %jit3A_201 = arith.constant 0 : i32
    %broadcast_in_dim3A_202 = vector.broadcast %jit3A_201 : i32 to vector<16xi32>
    %select_n3A_203 = arith.select %eq3A_194, %rev3A_188, %broadcast_in_dim3A_202 : vector<16xi1>, vector<16xi32>
    %reduce_sum3A_204 = arith.constant true
    %reduce_sum3A_205 = vector.broadcast %reduce_sum3A_204 : i1 to vector<16xi1>
    %reduce_sum3A_206 = tpu.scan <sum>, %select_n3A_203 masked %reduce_sum3A_205 : vector<16xi32>, vector<16xi1> -> vector<16xi32>
    %reduce_sum3A_207 = vector.extract %reduce_sum3A_206[15] : i32 from vector<16xi32>
    %sub3A = arith.constant 15 : i32
    %sub3A_208 = arith.subi %sub3A, %squeeze3A : i32
    %sub3A_209 = arith.subi %reduce_sum3A_200, %reduce_sum3A_207 : i32
    %sub3A_210 = arith.constant 104896 : i32
    %sub3A_211 = arith.subi %sub3A_210, %sub3A_209 : i32
    %mul3A_212 = arith.constant 16 : i32
    %mul3A_213 = arith.muli %sub3A_208, %mul3A_212 : i32
    %get3A = arith.index_cast %mul3A_213 : i32 to index
    %get3A_214 = tpu.vector_load %arg12[%get3A] {strides = array<i32>} : memref<256xi32, #tpu.memory_space<vmem>>, vector<16xi32>,
    %rev3A_215 = arith.constant 15 : i32
    %rev3A_216 = vector.broadcast %rev3A_215 : i32 to vector<16xi32>
    %rev3A_217 = tpu.iota {dimensions = array<i32: 0>} : vector<16xi32>
    %rev3A_218 = arith.subi %rev3A_216, %rev3A_217 : vector<16xi32>
    %rev3A_219 = tpu.dynamic_gather %get3A_214[%rev3A_218] in [0] : vector<16xi32>, vector<16xi32> -> vector<16xi32>
    %broadcast_in_dim3A_220 = arith.constant true
    %broadcast_in_dim3A_221 = vector.broadcast %broadcast_in_dim3A_220 : i1 to vector<16xi1>
    %masked_cumsum3A_222 = tpu.scan <sum>, %rev3A_219 masked %broadcast_in_dim3A_221 : vector<16xi32>, vector<16xi1> -> vector<16xi32>
    %ge3A_223 = vector.broadcast %sub3A_211 : i32 to vector<16xi32>
    %ge3A_224 = arith.cmpi sge, %masked_cumsum3A_222, %ge3A_223 : vector<16xi32>
    %all_reduce_ffs3A_225 = tpu.all_reduce %ge3A_224 {dim = 0 : i64, kind = #tpu.reduction_kind<find_first_set>} : vector<16xi1> -> vector<16xi32>
    %slice3A_226 = vector.extract_strided_slice %all_reduce_ffs3A_225 {offsets = [0], sizes = [1], strides = [1]} : vector<16xi32> to vector<1xi32>
    %squeeze3A_227 = vector.extract %slice3A_226[0] : i32 from vector<1xi32>
    %eq3A_228 = vector.broadcast %squeeze3A_227 : i32 to vector<16xi32>
    %eq3A_229 = arith.cmpi eq, %iota3A, %eq3A_228 : vector<16xi32>
    %jit3A_230 = arith.constant 0 : i32
    %broadcast_in_dim3A_231 = vector.broadcast %jit3A_230 : i32 to vector<16xi32>
    %select_n3A_232 = arith.select %eq3A_229, %masked_cumsum3A_222, %broadcast_in_dim3A_231 : vector<16xi1>, vector<16xi32>
    %reduce_sum3A_233 = arith.constant true
    %reduce_sum3A_234 = vector.broadcast %reduce_sum3A_233 : i1 to vector<16xi1>
    %reduce_sum3A_235 = tpu.scan <sum>, %select_n3A_232 masked %reduce_sum3A_234 : vector<16xi32>, vector<16xi1> -> vector<16xi32>
    %reduce_sum3A_236 = vector.extract %reduce_sum3A_235[15] : i32 from vector<16xi32>
    %jit3A_237 = arith.constant 0 : i32
    %broadcast_in_dim3A_238 = vector.broadcast %jit3A_237 : i32 to vector<16xi32>
    %select_n3A_239 = arith.select %eq3A_229, %rev3A_219, %broadcast_in_dim3A_238 : vector<16xi1>, vector<16xi32>
    %reduce_sum3A_240 = arith.constant true
    %reduce_sum3A_241 = vector.broadcast %reduce_sum3A_240 : i1 to vector<16xi1>
    %reduce_sum3A_242 = tpu.scan <sum>, %select_n3A_239 masked %reduce_sum3A_241 : vector<16xi32>, vector<16xi1> -> vector<16xi32>
    %reduce_sum3A_243 = vector.extract %reduce_sum3A_242[15] : i32 from vector<16xi32>
    %sub3A_244 = arith.constant 15 : i32
    %sub3A_245 = arith.subi %sub3A_244, %squeeze3A_227 : i32
    %sub3A_246 = arith.subi %reduce_sum3A_236, %reduce_sum3A_243 : i32
    %sub3A_247 = arith.subi %sub3A_211, %sub3A_246 : i32
    %mul3A_248 = arith.constant 16 : i32
    %mul3A_249 = arith.muli %sub3A_208, %mul3A_248 : i32
    %add3A_250 = arith.addi %mul3A_249, %sub3A_245 : i32
    %add3A_251 = vector.broadcast %add3A_250 : i32 to vector<16xi32>
    %add3A_252 = arith.addi %broadcast_in_dim3A_1, %add3A_251 : vector<16xi32>
    %scan3A_253 = arith.constant 0 : i32
    %scan3A_254 = arith.constant 256 : i32
    %scan3A_255 = arith.addi %scan3A_253, %scan3A_254 : i32
    %scan3A_256 = arith.constant 1 : i32
    %scan3A_257 = scf.for %scan3A_1048 = %scan3A_253 to %scan3A_255 step %scan3A_256 iter_args(%scan3A_1049 = %broadcast_in_dim3A_1) -> (vector<16xi32>)  : i32 {
      %mul3A_1050 = arith.constant 4 : i32
      %mul3A_1051 = arith.muli %scan3A_1048, %mul3A_1050 : i32
      %add3A_1052 = arith.constant 0 : i32
      %add3A_1053 = arith.addi %mul3A_1051, %add3A_1052 : i32
      %mul3A_1054 = arith.constant 16 : i32
      %mul3A_1055 = arith.muli %add3A_1053, %mul3A_1054 : i32
      %get3A_1056 = arith.index_cast %mul3A_1055 : i32 to index
      %get3A_1057 = tpu.vector_load %arg6[%get3A_1056] {strides = array<i32>} : memref<16384xi32, #tpu.memory_space<vmem>>, vector<16xi32>,
      %shift_right_arithmetic3A_1058 = arith.constant 24 : i32
      %shift_right_arithmetic3A_1059 = vector.broadcast %shift_right_arithmetic3A_1058 : i32 to vector<16xi32>
      %shift_right_arithmetic3A_1060 = arith.shrsi %get3A_1057, %shift_right_arithmetic3A_1059 : vector<16xi32>
      %add3A_1061 = arith.constant 128 : i32
      %add3A_1062 = vector.broadcast %add3A_1061 : i32 to vector<16xi32>
      %add3A_1063 = arith.addi %shift_right_arithmetic3A_1060, %add3A_1062 : vector<16xi32>
      %and3A = arith.constant 255 : i32
      %and3A_1064 = vector.broadcast %and3A : i32 to vector<16xi32>
      %and3A_1065 = arith.andi %add3A_1063, %and3A_1064 : vector<16xi32>
      %eq3A_1066 = arith.cmpi eq, %and3A_1065, %add3A_252 : vector<16xi32>
      %lt3A = arith.constant 16369 : i32
      %lt3A_1067 = vector.broadcast %lt3A : i32 to vector<16xi32>
      %lt3A_1068 = arith.cmpi slt, %scan3A_1049, %lt3A_1067 : vector<16xi32>
      %and3A_1069 = arith.andi %eq3A_1066, %lt3A_1068 : vector<16xi1>
      %shift_right_arithmetic3A_1070 = arith.constant 16 : i32
      %shift_right_arithmetic3A_1071 = vector.broadcast %shift_right_arithmetic3A_1070 : i32 to vector<16xi32>
      %shift_right_arithmetic3A_1072 = arith.shrsi %get3A_1057, %shift_right_arithmetic3A_1071 : vector<16xi32>
      %and3A_1073 = arith.constant 255 : i32
      %and3A_1074 = vector.broadcast %and3A_1073 : i32 to vector<16xi32>
      %and3A_1075 = arith.andi %shift_right_arithmetic3A_1072, %and3A_1074 : vector<16xi32>
      %mul3A_1076 = arith.constant 16 : i32
      %mul3A_1077 = vector.broadcast %mul3A_1076 : i32 to vector<16xi32>
      %mul3A_1078 = arith.muli %and3A_1075, %mul3A_1077 : vector<16xi32>
      %add3A_1079 = arith.addi %mul3A_1078, %iota3A : vector<16xi32>
      tpu.vector_store_idx %arg8[%add3A_1079], %broadcast_in_dim3A_3 masked %and3A_1069 {add = true} : memref<4096xi32, #tpu.memory_space<vmem>>[vector<16xi32>], vector<16xi32>, vector<16xi1>
      %jit3A_1080 = arith.constant 1 : i32
      %jit3A_1081 = arith.constant 0 : i32
      %broadcast_in_dim3A_1082 = vector.broadcast %jit3A_1080 : i32 to vector<16xi32>
      %broadcast_in_dim3A_1083 = vector.broadcast %jit3A_1081 : i32 to vector<16xi32>
      %select_n3A_1084 = arith.select %and3A_1069, %broadcast_in_dim3A_1082, %broadcast_in_dim3A_1083 : vector<16xi1>, vector<16xi32>
      %broadcast_in_dim3A_1085 = arith.constant true
      %broadcast_in_dim3A_1086 = vector.broadcast %broadcast_in_dim3A_1085 : i1 to vector<16xi1>
      %masked_cumsum3A_1087 = tpu.scan <sum>, %select_n3A_1084 masked %broadcast_in_dim3A_1086 : vector<16xi32>, vector<16xi1> -> vector<16xi32>
      %add3A_1088 = arith.addi %scan3A_1049, %masked_cumsum3A_1087 : vector<16xi32>
      %sub3A_1089 = arith.constant 1 : i32
      %sub3A_1090 = vector.broadcast %sub3A_1089 : i32 to vector<16xi32>
      %sub3A_1091 = arith.subi %add3A_1088, %sub3A_1090 : vector<16xi32>
      tpu.vector_store_idx %arg9[%sub3A_1091], %get3A_1057 masked %and3A_1069 : memref<16384xi32, #tpu.memory_space<vmem>>[vector<16xi32>], vector<16xi32>, vector<16xi1>
      %all_reduce_population_count3A = tpu.all_reduce %and3A_1069 {dim = 0 : i64, kind = #tpu.reduction_kind<sum>} : vector<16xi1> -> vector<16xi32>
      %add3A_1092 = arith.addi %scan3A_1049, %all_reduce_population_count3A : vector<16xi32>
      %mul3A_1093 = arith.constant 4 : i32
      %mul3A_1094 = arith.muli %scan3A_1048, %mul3A_1093 : i32
      %add3A_1095 = arith.constant 1 : i32
      %add3A_1096 = arith.addi %mul3A_1094, %add3A_1095 : i32
      %mul3A_1097 = arith.constant 16 : i32
      %mul3A_1098 = arith.muli %add3A_1096, %mul3A_1097 : i32
      %get3A_1099 = arith.index_cast %mul3A_1098 : i32 to index
      %get3A_1100 = tpu.vector_load %arg6[%get3A_1099] {strides = array<i32>} : memref<16384xi32, #tpu.memory_space<vmem>>, vector<16xi32>,
      %shift_right_arithmetic3A_1101 = arith.constant 24 : i32
      %shift_right_arithmetic3A_1102 = vector.broadcast %shift_right_arithmetic3A_1101 : i32 to vector<16xi32>
      %shift_right_arithmetic3A_1103 = arith.shrsi %get3A_1100, %shift_right_arithmetic3A_1102 : vector<16xi32>
      %add3A_1104 = arith.constant 128 : i32
      %add3A_1105 = vector.broadcast %add3A_1104 : i32 to vector<16xi32>
      %add3A_1106 = arith.addi %shift_right_arithmetic3A_1103, %add3A_1105 : vector<16xi32>
      %and3A_1107 = arith.constant 255 : i32
      %and3A_1108 = vector.broadcast %and3A_1107 : i32 to vector<16xi32>
      %and3A_1109 = arith.andi %add3A_1106, %and3A_1108 : vector<16xi32>
      %eq3A_1110 = arith.cmpi eq, %and3A_1109, %add3A_252 : vector<16xi32>
      %lt3A_1111 = arith.constant 16369 : i32
      %lt3A_1112 = vector.broadcast %lt3A_1111 : i32 to vector<16xi32>
      %lt3A_1113 = arith.cmpi slt, %add3A_1092, %lt3A_1112 : vector<16xi32>
      %and3A_1114 = arith.andi %eq3A_1110, %lt3A_1113 : vector<16xi1>
      %shift_right_arithmetic3A_1115 = arith.constant 16 : i32
      %shift_right_arithmetic3A_1116 = vector.broadcast %shift_right_arithmetic3A_1115 : i32 to vector<16xi32>
      %shift_right_arithmetic3A_1117 = arith.shrsi %get3A_1100, %shift_right_arithmetic3A_1116 : vector<16xi32>
      %and3A_1118 = arith.constant 255 : i32
      %and3A_1119 = vector.broadcast %and3A_1118 : i32 to vector<16xi32>
      %and3A_1120 = arith.andi %shift_right_arithmetic3A_1117, %and3A_1119 : vector<16xi32>
      %mul3A_1121 = arith.constant 16 : i32
      %mul3A_1122 = vector.broadcast %mul3A_1121 : i32 to vector<16xi32>
      %mul3A_1123 = arith.muli %and3A_1120, %mul3A_1122 : vector<16xi32>
      %add3A_1124 = arith.addi %mul3A_1123, %iota3A : vector<16xi32>
      tpu.vector_store_idx %arg8[%add3A_1124], %broadcast_in_dim3A_3 masked %and3A_1114 {add = true} : memref<4096xi32, #tpu.memory_space<vmem>>[vector<16xi32>], vector<16xi32>, vector<16xi1>
      %jit3A_1125 = arith.constant 1 : i32
      %jit3A_1126 = arith.constant 0 : i32
      %broadcast_in_dim3A_1127 = vector.broadcast %jit3A_1125 : i32 to vector<16xi32>
      %broadcast_in_dim3A_1128 = vector.broadcast %jit3A_1126 : i32 to vector<16xi32>
      %select_n3A_1129 = arith.select %and3A_1114, %broadcast_in_dim3A_1127, %broadcast_in_dim3A_1128 : vector<16xi1>, vector<16xi32>
      %broadcast_in_dim3A_1130 = arith.constant true
      %broadcast_in_dim3A_1131 = vector.broadcast %broadcast_in_dim3A_1130 : i1 to vector<16xi1>
      %masked_cumsum3A_1132 = tpu.scan <sum>, %select_n3A_1129 masked %broadcast_in_dim3A_1131 : vector<16xi32>, vector<16xi1> -> vector<16xi32>
      %add3A_1133 = arith.addi %add3A_1092, %masked_cumsum3A_1132 : vector<16xi32>
      %sub3A_1134 = arith.constant 1 : i32
      %sub3A_1135 = vector.broadcast %sub3A_1134 : i32 to vector<16xi32>
      %sub3A_1136 = arith.subi %add3A_1133, %sub3A_1135 : vector<16xi32>
      tpu.vector_store_idx %arg9[%sub3A_1136], %get3A_1100 masked %and3A_1114 : memref<16384xi32, #tpu.memory_space<vmem>>[vector<16xi32>], vector<16xi32>, vector<16xi1>
      %all_reduce_population_count3A_1137 = tpu.all_reduce %and3A_1114 {dim = 0 : i64, kind = #tpu.reduction_kind<sum>} : vector<16xi1> -> vector<16xi32>
      %add3A_1138 = arith.addi %add3A_1092, %all_reduce_population_count3A_1137 : vector<16xi32>
      %mul3A_1139 = arith.constant 4 : i32
      %mul3A_1140 = arith.muli %scan3A_1048, %mul3A_1139 : i32
      %add3A_1141 = arith.constant 2 : i32
      %add3A_1142 = arith.addi %mul3A_1140, %add3A_1141 : i32
      %mul3A_1143 = arith.constant 16 : i32
      %mul3A_1144 = arith.muli %add3A_1142, %mul3A_1143 : i32
      %get3A_1145 = arith.index_cast %mul3A_1144 : i32 to index
      %get3A_1146 = tpu.vector_load %arg6[%get3A_1145] {strides = array<i32>} : memref<16384xi32, #tpu.memory_space<vmem>>, vector<16xi32>,
      %shift_right_arithmetic3A_1147 = arith.constant 24 : i32
      %shift_right_arithmetic3A_1148 = vector.broadcast %shift_right_arithmetic3A_1147 : i32 to vector<16xi32>
      %shift_right_arithmetic3A_1149 = arith.shrsi %get3A_1146, %shift_right_arithmetic3A_1148 : vector<16xi32>
      %add3A_1150 = arith.constant 128 : i32
      %add3A_1151 = vector.broadcast %add3A_1150 : i32 to vector<16xi32>
      %add3A_1152 = arith.addi %shift_right_arithmetic3A_1149, %add3A_1151 : vector<16xi32>
      %and3A_1153 = arith.constant 255 : i32
      %and3A_1154 = vector.broadcast %and3A_1153 : i32 to vector<16xi32>
      %and3A_1155 = arith.andi %add3A_1152, %and3A_1154 : vector<16xi32>
      %eq3A_1156 = arith.cmpi eq, %and3A_1155, %add3A_252 : vector<16xi32>
      %lt3A_1157 = arith.constant 16369 : i32
      %lt3A_1158 = vector.broadcast %lt3A_1157 : i32 to vector<16xi32>
      %lt3A_1159 = arith.cmpi slt, %add3A_1138, %lt3A_1158 : vector<16xi32>
      %and3A_1160 = arith.andi %eq3A_1156, %lt3A_1159 : vector<16xi1>
      %shift_right_arithmetic3A_1161 = arith.constant 16 : i32
      %shift_right_arithmetic3A_1162 = vector.broadcast %shift_right_arithmetic3A_1161 : i32 to vector<16xi32>
      %shift_right_arithmetic3A_1163 = arith.shrsi %get3A_1146, %shift_right_arithmetic3A_1162 : vector<16xi32>
      %and3A_1164 = arith.constant 255 : i32
      %and3A_1165 = vector.broadcast %and3A_1164 : i32 to vector<16xi32>
      %and3A_1166 = arith.andi %shift_right_arithmetic3A_1163, %and3A_1165 : vector<16xi32>
      %mul3A_1167 = arith.constant 16 : i32
      %mul3A_1168 = vector.broadcast %mul3A_1167 : i32 to vector<16xi32>
      %mul3A_1169 = arith.muli %and3A_1166, %mul3A_1168 : vector<16xi32>
      %add3A_1170 = arith.addi %mul3A_1169, %iota3A : vector<16xi32>
      tpu.vector_store_idx %arg8[%add3A_1170], %broadcast_in_dim3A_3 masked %and3A_1160 {add = true} : memref<4096xi32, #tpu.memory_space<vmem>>[vector<16xi32>], vector<16xi32>, vector<16xi1>
      %jit3A_1171 = arith.constant 1 : i32
      %jit3A_1172 = arith.constant 0 : i32
      %broadcast_in_dim3A_1173 = vector.broadcast %jit3A_1171 : i32 to vector<16xi32>
      %broadcast_in_dim3A_1174 = vector.broadcast %jit3A_1172 : i32 to vector<16xi32>
      %select_n3A_1175 = arith.select %and3A_1160, %broadcast_in_dim3A_1173, %broadcast_in_dim3A_1174 : vector<16xi1>, vector<16xi32>
      %broadcast_in_dim3A_1176 = arith.constant true
      %broadcast_in_dim3A_1177 = vector.broadcast %broadcast_in_dim3A_1176 : i1 to vector<16xi1>
      %masked_cumsum3A_1178 = tpu.scan <sum>, %select_n3A_1175 masked %broadcast_in_dim3A_1177 : vector<16xi32>, vector<16xi1> -> vector<16xi32>
      %add3A_1179 = arith.addi %add3A_1138, %masked_cumsum3A_1178 : vector<16xi32>
      %sub3A_1180 = arith.constant 1 : i32
      %sub3A_1181 = vector.broadcast %sub3A_1180 : i32 to vector<16xi32>
      %sub3A_1182 = arith.subi %add3A_1179, %sub3A_1181 : vector<16xi32>
      tpu.vector_store_idx %arg9[%sub3A_1182], %get3A_1146 masked %and3A_1160 : memref<16384xi32, #tpu.memory_space<vmem>>[vector<16xi32>], vector<16xi32>, vector<16xi1>
      %all_reduce_population_count3A_1183 = tpu.all_reduce %and3A_1160 {dim = 0 : i64, kind = #tpu.reduction_kind<sum>} : vector<16xi1> -> vector<16xi32>
      %add3A_1184 = arith.addi %add3A_1138, %all_reduce_population_count3A_1183 : vector<16xi32>
      %mul3A_1185 = arith.constant 4 : i32
      %mul3A_1186 = arith.muli %scan3A_1048, %mul3A_1185 : i32
      %add3A_1187 = arith.constant 3 : i32
      %add3A_1188 = arith.addi %mul3A_1186, %add3A_1187 : i32
      %mul3A_1189 = arith.constant 16 : i32
      %mul3A_1190 = arith.muli %add3A_1188, %mul3A_1189 : i32
      %get3A_1191 = arith.index_cast %mul3A_1190 : i32 to index
      %get3A_1192 = tpu.vector_load %arg6[%get3A_1191] {strides = array<i32>} : memref<16384xi32, #tpu.memory_space<vmem>>, vector<16xi32>,
      %shift_right_arithmetic3A_1193 = arith.constant 24 : i32
      %shift_right_arithmetic3A_1194 = vector.broadcast %shift_right_arithmetic3A_1193 : i32 to vector<16xi32>
      %shift_right_arithmetic3A_1195 = arith.shrsi %get3A_1192, %shift_right_arithmetic3A_1194 : vector<16xi32>
      %add3A_1196 = arith.constant 128 : i32
      %add3A_1197 = vector.broadcast %add3A_1196 : i32 to vector<16xi32>
      %add3A_1198 = arith.addi %shift_right_arithmetic3A_1195, %add3A_1197 : vector<16xi32>
      %and3A_1199 = arith.constant 255 : i32
      %and3A_1200 = vector.broadcast %and3A_1199 : i32 to vector<16xi32>
      %and3A_1201 = arith.andi %add3A_1198, %and3A_1200 : vector<16xi32>
      %eq3A_1202 = arith.cmpi eq, %and3A_1201, %add3A_252 : vector<16xi32>
      %lt3A_1203 = arith.constant 16369 : i32
      %lt3A_1204 = vector.broadcast %lt3A_1203 : i32 to vector<16xi32>
      %lt3A_1205 = arith.cmpi slt, %add3A_1184, %lt3A_1204 : vector<16xi32>
      %and3A_1206 = arith.andi %eq3A_1202, %lt3A_1205 : vector<16xi1>
      %shift_right_arithmetic3A_1207 = arith.constant 16 : i32
      %shift_right_arithmetic3A_1208 = vector.broadcast %shift_right_arithmetic3A_1207 : i32 to vector<16xi32>
      %shift_right_arithmetic3A_1209 = arith.shrsi %get3A_1192, %shift_right_arithmetic3A_1208 : vector<16xi32>
      %and3A_1210 = arith.constant 255 : i32
      %and3A_1211 = vector.broadcast %and3A_1210 : i32 to vector<16xi32>
      %and3A_1212 = arith.andi %shift_right_arithmetic3A_1209, %and3A_1211 : vector<16xi32>
      %mul3A_1213 = arith.constant 16 : i32
      %mul3A_1214 = vector.broadcast %mul3A_1213 : i32 to vector<16xi32>
      %mul3A_1215 = arith.muli %and3A_1212, %mul3A_1214 : vector<16xi32>
      %add3A_1216 = arith.addi %mul3A_1215, %iota3A : vector<16xi32>
      tpu.vector_store_idx %arg8[%add3A_1216], %broadcast_in_dim3A_3 masked %and3A_1206 {add = true} : memref<4096xi32, #tpu.memory_space<vmem>>[vector<16xi32>], vector<16xi32>, vector<16xi1>
      %jit3A_1217 = arith.constant 1 : i32
      %jit3A_1218 = arith.constant 0 : i32
      %broadcast_in_dim3A_1219 = vector.broadcast %jit3A_1217 : i32 to vector<16xi32>
      %broadcast_in_dim3A_1220 = vector.broadcast %jit3A_1218 : i32 to vector<16xi32>
      %select_n3A_1221 = arith.select %and3A_1206, %broadcast_in_dim3A_1219, %broadcast_in_dim3A_1220 : vector<16xi1>, vector<16xi32>
      %broadcast_in_dim3A_1222 = arith.constant true
      %broadcast_in_dim3A_1223 = vector.broadcast %broadcast_in_dim3A_1222 : i1 to vector<16xi1>
      %masked_cumsum3A_1224 = tpu.scan <sum>, %select_n3A_1221 masked %broadcast_in_dim3A_1223 : vector<16xi32>, vector<16xi1> -> vector<16xi32>
      %add3A_1225 = arith.addi %add3A_1184, %masked_cumsum3A_1224 : vector<16xi32>
      %sub3A_1226 = arith.constant 1 : i32
      %sub3A_1227 = vector.broadcast %sub3A_1226 : i32 to vector<16xi32>
      %sub3A_1228 = arith.subi %add3A_1225, %sub3A_1227 : vector<16xi32>
      tpu.vector_store_idx %arg9[%sub3A_1228], %get3A_1192 masked %and3A_1206 : memref<16384xi32, #tpu.memory_space<vmem>>[vector<16xi32>], vector<16xi32>, vector<16xi1>
      %all_reduce_population_count3A_1229 = tpu.all_reduce %and3A_1206 {dim = 0 : i64, kind = #tpu.reduction_kind<sum>} : vector<16xi1> -> vector<16xi32>
      %add3A_1230 = arith.addi %add3A_1184, %all_reduce_population_count3A_1229 : vector<16xi32>
      scf.yield %add3A_1230 : vector<16xi32>
    }
    %scan3A_258 = arith.constant 256 : i32
    %sub3A_259 = arith.constant 128 : i32
    %sub3A_260 = arith.subi %add3A_250, %sub3A_259 : i32
    %shift_left3A = arith.constant 24 : i32
    %shift_left3A_261 = arith.shli %sub3A_260, %shift_left3A : i32
    %broadcast_in_dim3A_262 = arith.constant 0 : i32
    %broadcast_in_dim3A_263 = vector.broadcast %broadcast_in_dim3A_262 : i32 to vector<16xi32>
    "tpu.region"() ({
      %run_scoped3A = tpu.sem_alloc : memref<!tpu.dma_semaphore, #tpu.memory_space<semaphore_mem>>
      %dma_start3A = arith.constant 0 : i32
      %dma_start3A_1048 = tpu.memref_slice %arg14[%arg1, %dma_start3A] : memref<16x4096xi32, #tpu.memory_space<vmem_shared>> -> memref<1x4096xi32, #tpu.memory_space<vmem_shared>>
      %dma_start3A_1049 = tpu.memref_squeeze %dma_start3A_1048 : memref<1x4096xi32, #tpu.memory_space<vmem_shared>> -> memref<4096xi32, #tpu.memory_space<vmem_shared>>
      %dma_start3A_1050 = arith.constant 0 : i32
      %dma_start3A_1051 = tpu.memref_slice %arg14[%arg1, %dma_start3A_1050] : memref<16x4096xi32, #tpu.memory_space<vmem_shared>> -> memref<1x4096xi32, #tpu.memory_space<vmem_shared>>
      %dma_start3A_1052 = tpu.memref_squeeze %dma_start3A_1051 : memref<1x4096xi32, #tpu.memory_space<vmem_shared>> -> memref<4096xi32, #tpu.memory_space<vmem_shared>>
      tpu.enqueue_dma source(%arg8 : memref<4096xi32, #tpu.memory_space<vmem>>) target(%dma_start3A_1052 : memref<4096xi32, #tpu.memory_space<vmem_shared>>) target_semaphore(%run_scoped3A : memref<!tpu.dma_semaphore, #tpu.memory_space<semaphore_mem>>)
      %dma_wait3A = arith.constant 0 : i32
      %dma_wait3A_1053 = tpu.memref_slice %arg14[%arg1, %dma_wait3A] : memref<16x4096xi32, #tpu.memory_space<vmem_shared>> -> memref<1x4096xi32, #tpu.memory_space<vmem_shared>>
      %dma_wait3A_1054 = tpu.memref_squeeze %dma_wait3A_1053 : memref<1x4096xi32, #tpu.memory_space<vmem_shared>> -> memref<4096xi32, #tpu.memory_space<vmem_shared>>
      %dma_wait3A_1055 = arith.constant 0 : i32
      %dma_wait3A_1056 = tpu.memref_slice %arg14[%arg1, %dma_wait3A_1055] : memref<16x4096xi32, #tpu.memory_space<vmem_shared>> -> memref<1x4096xi32, #tpu.memory_space<vmem_shared>>
      %dma_wait3A_1057 = tpu.memref_squeeze %dma_wait3A_1056 : memref<1x4096xi32, #tpu.memory_space<vmem_shared>> -> memref<4096xi32, #tpu.memory_space<vmem_shared>>
      tpu.wait_dma2 semaphore(%run_scoped3A : memref<!tpu.dma_semaphore, #tpu.memory_space<semaphore_mem>>) src(%arg8 : memref<4096xi32, #tpu.memory_space<vmem>>) dst(%dma_wait3A_1057 : memref<4096xi32, #tpu.memory_space<vmem_shared>>)
      tpu.yield
    }) : () -> ()
    %scan3A_264 = arith.constant 0 : i32
    %scan3A_265 = arith.constant 0 : i32
    %scan3A_266 = arith.constant 256 : i32
    %scan3A_267 = arith.addi %scan3A_265, %scan3A_266 : i32
    %scan3A_268 = arith.constant 1 : i32
    %scan3A_269 = scf.for %scan3A_1048 = %scan3A_265 to %scan3A_267 step %scan3A_268 iter_args(%scan3A_1049 = %scan3A_264) -> (i32)  : i32 {
      %mul3A_1050 = arith.constant 16 : i32
      %mul3A_1051 = arith.muli %scan3A_1048, %mul3A_1050 : i32
      %swap3A_1052 = arith.index_cast %mul3A_1051 : i32 to index
      %swap3A_1053 = tpu.vector_load %arg8[%swap3A_1052] {strides = array<i32>} : memref<4096xi32, #tpu.memory_space<vmem>>, vector<16xi32>,
      tpu.vector_store %arg8[%swap3A_1052], %broadcast_in_dim3A_263 {strides = array<i32>} : memref<4096xi32, #tpu.memory_space<vmem>>, vector<16xi32>,
      %scan3A_1054 = arith.constant 0 : i32
      scf.yield %scan3A_1054 : i32
    }
    %scan3A_270 = arith.constant 256 : i32
    %barrier3A_271 = arith.constant 0 : index
    tpu.barrier barrier_id(%barrier3A_271)
    %scan3A_272 = arith.constant 0 : i32
    %scan3A_273 = arith.constant 16 : i32
    %scan3A_274 = arith.addi %scan3A_272, %scan3A_273 : i32
    %scan3A_275 = arith.constant 1 : i32
    %scan3A_276:16 = scf.for %scan3A_1048 = %scan3A_272 to %scan3A_274 step %scan3A_275 iter_args(%scan3A_1049 = %broadcast_in_dim3A_263, %scan3A_1050 = %broadcast_in_dim3A_263, %scan3A_1051 = %broadcast_in_dim3A_263, %scan3A_1052 = %broadcast_in_dim3A_263, %scan3A_1053 = %broadcast_in_dim3A_263, %scan3A_1054 = %broadcast_in_dim3A_263, %scan3A_1055 = %broadcast_in_dim3A_263, %scan3A_1056 = %broadcast_in_dim3A_263, %scan3A_1057 = %broadcast_in_dim3A_263, %scan3A_1058 = %broadcast_in_dim3A_263, %scan3A_1059 = %broadcast_in_dim3A_263, %scan3A_1060 = %broadcast_in_dim3A_263, %scan3A_1061 = %broadcast_in_dim3A_263, %scan3A_1062 = %broadcast_in_dim3A_263, %scan3A_1063 = %broadcast_in_dim3A_263, %scan3A_1064 = %broadcast_in_dim3A_263) -> (vector<16xi32>, vector<16xi32>, vector<16xi32>, vector<16xi32>, vector<16xi32>, vector<16xi32>, vector<16xi32>, vector<16xi32>, vector<16xi32>, vector<16xi32>, vector<16xi32>, vector<16xi32>, vector<16xi32>, vector<16xi32>, vector<16xi32>, vector<16xi32>)  : i32 {
      %mul3A_1065 = arith.constant 256 : i32
      %mul3A_1066 = arith.muli %arg1, %mul3A_1065 : i32
      "tpu.region"() ({
        %run_scoped3A = tpu.sem_alloc : memref<!tpu.dma_semaphore, #tpu.memory_space<semaphore_mem>>
        %dma_start3A = tpu.memref_slice %arg14[%scan3A_1048, %mul3A_1066] : memref<16x4096xi32, #tpu.memory_space<vmem_shared>> -> memref<1x256xi32, #tpu.memory_space<vmem_shared>>
        %dma_start3A_1115 = tpu.memref_squeeze %dma_start3A : memref<1x256xi32, #tpu.memory_space<vmem_shared>> -> memref<256xi32, #tpu.memory_space<vmem_shared>>
        %dma_start3A_1116 = tpu.memref_slice %arg14[%scan3A_1048, %mul3A_1066] : memref<16x4096xi32, #tpu.memory_space<vmem_shared>> -> memref<1x256xi32, #tpu.memory_space<vmem_shared>>
        %dma_start3A_1117 = tpu.memref_squeeze %dma_start3A_1116 : memref<1x256xi32, #tpu.memory_space<vmem_shared>> -> memref<256xi32, #tpu.memory_space<vmem_shared>>
        tpu.enqueue_dma source(%dma_start3A_1117 : memref<256xi32, #tpu.memory_space<vmem_shared>>) target(%arg10 : memref<256xi32, #tpu.memory_space<vmem>>) target_semaphore(%run_scoped3A : memref<!tpu.dma_semaphore, #tpu.memory_space<semaphore_mem>>)
        %dma_wait3A = tpu.memref_slice %arg14[%scan3A_1048, %mul3A_1066] : memref<16x4096xi32, #tpu.memory_space<vmem_shared>> -> memref<1x256xi32, #tpu.memory_space<vmem_shared>>
        %dma_wait3A_1118 = tpu.memref_squeeze %dma_wait3A : memref<1x256xi32, #tpu.memory_space<vmem_shared>> -> memref<256xi32, #tpu.memory_space<vmem_shared>>
        %dma_wait3A_1119 = tpu.memref_slice %arg14[%scan3A_1048, %mul3A_1066] : memref<16x4096xi32, #tpu.memory_space<vmem_shared>> -> memref<1x256xi32, #tpu.memory_space<vmem_shared>>
        %dma_wait3A_1120 = tpu.memref_squeeze %dma_wait3A_1119 : memref<1x256xi32, #tpu.memory_space<vmem_shared>> -> memref<256xi32, #tpu.memory_space<vmem_shared>>
        tpu.wait_dma2 semaphore(%run_scoped3A : memref<!tpu.dma_semaphore, #tpu.memory_space<semaphore_mem>>) src(%dma_wait3A_1120 : memref<256xi32, #tpu.memory_space<vmem_shared>>) dst(%arg10 : memref<256xi32, #tpu.memory_space<vmem>>)
        tpu.yield
      }) : () -> ()
      %get3A_1067 = arith.constant 0 : index
      %get3A_1068 = tpu.vector_load %arg10[%get3A_1067] {strides = array<i32>} : memref<256xi32, #tpu.memory_space<vmem>>, vector<16xi32>,
      %add3A_1069 = arith.addi %scan3A_1049, %get3A_1068 : vector<16xi32>
      %get3A_1070 = arith.constant 16 : index
      %get3A_1071 = tpu.vector_load %arg10[%get3A_1070] {strides = array<i32>} : memref<256xi32, #tpu.memory_space<vmem>>, vector<16xi32>,
      %add3A_1072 = arith.addi %scan3A_1050, %get3A_1071 : vector<16xi32>
      %get3A_1073 = arith.constant 32 : index
      %get3A_1074 = tpu.vector_load %arg10[%get3A_1073] {strides = array<i32>} : memref<256xi32, #tpu.memory_space<vmem>>, vector<16xi32>,
      %add3A_1075 = arith.addi %scan3A_1051, %get3A_1074 : vector<16xi32>
      %get3A_1076 = arith.constant 48 : index
      %get3A_1077 = tpu.vector_load %arg10[%get3A_1076] {strides = array<i32>} : memref<256xi32, #tpu.memory_space<vmem>>, vector<16xi32>,
      %add3A_1078 = arith.addi %scan3A_1052, %get3A_1077 : vector<16xi32>
      %get3A_1079 = arith.constant 64 : index
      %get3A_1080 = tpu.vector_load %arg10[%get3A_1079] {strides = array<i32>} : memref<256xi32, #tpu.memory_space<vmem>>, vector<16xi32>,
      %add3A_1081 = arith.addi %scan3A_1053, %get3A_1080 : vector<16xi32>
      %get3A_1082 = arith.constant 80 : index
      %get3A_1083 = tpu.vector_load %arg10[%get3A_1082] {strides = array<i32>} : memref<256xi32, #tpu.memory_space<vmem>>, vector<16xi32>,
      %add3A_1084 = arith.addi %scan3A_1054, %get3A_1083 : vector<16xi32>
      %get3A_1085 = arith.constant 96 : index
      %get3A_1086 = tpu.vector_load %arg10[%get3A_1085] {strides = array<i32>} : memref<256xi32, #tpu.memory_space<vmem>>, vector<16xi32>,
      %add3A_1087 = arith.addi %scan3A_1055, %get3A_1086 : vector<16xi32>
      %get3A_1088 = arith.constant 112 : index
      %get3A_1089 = tpu.vector_load %arg10[%get3A_1088] {strides = array<i32>} : memref<256xi32, #tpu.memory_space<vmem>>, vector<16xi32>,
      %add3A_1090 = arith.addi %scan3A_1056, %get3A_1089 : vector<16xi32>
      %get3A_1091 = arith.constant 128 : index
      %get3A_1092 = tpu.vector_load %arg10[%get3A_1091] {strides = array<i32>} : memref<256xi32, #tpu.memory_space<vmem>>, vector<16xi32>,
      %add3A_1093 = arith.addi %scan3A_1057, %get3A_1092 : vector<16xi32>
      %get3A_1094 = arith.constant 144 : index
      %get3A_1095 = tpu.vector_load %arg10[%get3A_1094] {strides = array<i32>} : memref<256xi32, #tpu.memory_space<vmem>>, vector<16xi32>,
      %add3A_1096 = arith.addi %scan3A_1058, %get3A_1095 : vector<16xi32>
      %get3A_1097 = arith.constant 160 : index
      %get3A_1098 = tpu.vector_load %arg10[%get3A_1097] {strides = array<i32>} : memref<256xi32, #tpu.memory_space<vmem>>, vector<16xi32>,
      %add3A_1099 = arith.addi %scan3A_1059, %get3A_1098 : vector<16xi32>
      %get3A_1100 = arith.constant 176 : index
      %get3A_1101 = tpu.vector_load %arg10[%get3A_1100] {strides = array<i32>} : memref<256xi32, #tpu.memory_space<vmem>>, vector<16xi32>,
      %add3A_1102 = arith.addi %scan3A_1060, %get3A_1101 : vector<16xi32>
      %get3A_1103 = arith.constant 192 : index
      %get3A_1104 = tpu.vector_load %arg10[%get3A_1103] {strides = array<i32>} : memref<256xi32, #tpu.memory_space<vmem>>, vector<16xi32>,
      %add3A_1105 = arith.addi %scan3A_1061, %get3A_1104 : vector<16xi32>
      %get3A_1106 = arith.constant 208 : index
      %get3A_1107 = tpu.vector_load %arg10[%get3A_1106] {strides = array<i32>} : memref<256xi32, #tpu.memory_space<vmem>>, vector<16xi32>,
      %add3A_1108 = arith.addi %scan3A_1062, %get3A_1107 : vector<16xi32>
      %get3A_1109 = arith.constant 224 : index
      %get3A_1110 = tpu.vector_load %arg10[%get3A_1109] {strides = array<i32>} : memref<256xi32, #tpu.memory_space<vmem>>, vector<16xi32>,
      %add3A_1111 = arith.addi %scan3A_1063, %get3A_1110 : vector<16xi32>
      %get3A_1112 = arith.constant 240 : index
      %get3A_1113 = tpu.vector_load %arg10[%get3A_1112] {strides = array<i32>} : memref<256xi32, #tpu.memory_space<vmem>>, vector<16xi32>,
      %add3A_1114 = arith.addi %scan3A_1064, %get3A_1113 : vector<16xi32>
      scf.yield %add3A_1069, %add3A_1072, %add3A_1075, %add3A_1078, %add3A_1081, %add3A_1084, %add3A_1087, %add3A_1090, %add3A_1093, %add3A_1096, %add3A_1099, %add3A_1102, %add3A_1105, %add3A_1108, %add3A_1111, %add3A_1114 : vector<16xi32>, vector<16xi32>, vector<16xi32>, vector<16xi32>, vector<16xi32>, vector<16xi32>, vector<16xi32>, vector<16xi32>, vector<16xi32>, vector<16xi32>, vector<16xi32>, vector<16xi32>, vector<16xi32>, vector<16xi32>, vector<16xi32>, vector<16xi32>
    }
    %scan3A_277 = arith.constant 16 : i32
    %eq3A_278 = arith.constant 0 : i32
    %eq3A_279 = vector.broadcast %eq3A_278 : i32 to vector<16xi32>
    %eq3A_280 = arith.cmpi eq, %iota3A, %eq3A_279 : vector<16xi32>
    %reduce_sum3A_281 = arith.constant true
    %reduce_sum3A_282 = vector.broadcast %reduce_sum3A_281 : i1 to vector<16xi1>
    %reduce_sum3A_283 = tpu.scan <sum>, %scan3A_276#0 masked %reduce_sum3A_282 : vector<16xi32>, vector<16xi1> -> vector<16xi32>
    %reduce_sum3A_284 = vector.extract %reduce_sum3A_283[15] : i32 from vector<16xi32>
    %broadcast_in_dim3A_285 = vector.broadcast %reduce_sum3A_284 : i32 to vector<16xi32>
    %select_n3A_286 = arith.select %eq3A_280, %broadcast_in_dim3A_285, %broadcast_in_dim3A_263 : vector<16xi1>, vector<16xi32>
    %eq3A_287 = arith.constant 1 : i32
    %eq3A_288 = vector.broadcast %eq3A_287 : i32 to vector<16xi32>
    %eq3A_289 = arith.cmpi eq, %iota3A, %eq3A_288 : vector<16xi32>
    %reduce_sum3A_290 = arith.constant true
    %reduce_sum3A_291 = vector.broadcast %reduce_sum3A_290 : i1 to vector<16xi1>
    %reduce_sum3A_292 = tpu.scan <sum>, %scan3A_276#1 masked %reduce_sum3A_291 : vector<16xi32>, vector<16xi1> -> vector<16xi32>
    %reduce_sum3A_293 = vector.extract %reduce_sum3A_292[15] : i32 from vector<16xi32>
    %broadcast_in_dim3A_294 = vector.broadcast %reduce_sum3A_293 : i32 to vector<16xi32>
    %select_n3A_295 = arith.select %eq3A_289, %broadcast_in_dim3A_294, %select_n3A_286 : vector<16xi1>, vector<16xi32>
    %eq3A_296 = arith.constant 2 : i32
    %eq3A_297 = vector.broadcast %eq3A_296 : i32 to vector<16xi32>
    %eq3A_298 = arith.cmpi eq, %iota3A, %eq3A_297 : vector<16xi32>
    %reduce_sum3A_299 = arith.constant true
    %reduce_sum3A_300 = vector.broadcast %reduce_sum3A_299 : i1 to vector<16xi1>
    %reduce_sum3A_301 = tpu.scan <sum>, %scan3A_276#2 masked %reduce_sum3A_300 : vector<16xi32>, vector<16xi1> -> vector<16xi32>
    %reduce_sum3A_302 = vector.extract %reduce_sum3A_301[15] : i32 from vector<16xi32>
    %broadcast_in_dim3A_303 = vector.broadcast %reduce_sum3A_302 : i32 to vector<16xi32>
    %select_n3A_304 = arith.select %eq3A_298, %broadcast_in_dim3A_303, %select_n3A_295 : vector<16xi1>, vector<16xi32>
    %eq3A_305 = arith.constant 3 : i32
    %eq3A_306 = vector.broadcast %eq3A_305 : i32 to vector<16xi32>
    %eq3A_307 = arith.cmpi eq, %iota3A, %eq3A_306 : vector<16xi32>
    %reduce_sum3A_308 = arith.constant true
    %reduce_sum3A_309 = vector.broadcast %reduce_sum3A_308 : i1 to vector<16xi1>
    %reduce_sum3A_310 = tpu.scan <sum>, %scan3A_276#3 masked %reduce_sum3A_309 : vector<16xi32>, vector<16xi1> -> vector<16xi32>
    %reduce_sum3A_311 = vector.extract %reduce_sum3A_310[15] : i32 from vector<16xi32>
    %broadcast_in_dim3A_312 = vector.broadcast %reduce_sum3A_311 : i32 to vector<16xi32>
    %select_n3A_313 = arith.select %eq3A_307, %broadcast_in_dim3A_312, %select_n3A_304 : vector<16xi1>, vector<16xi32>
    %eq3A_314 = arith.constant 4 : i32
    %eq3A_315 = vector.broadcast %eq3A_314 : i32 to vector<16xi32>
    %eq3A_316 = arith.cmpi eq, %iota3A, %eq3A_315 : vector<16xi32>
    %reduce_sum3A_317 = arith.constant true
    %reduce_sum3A_318 = vector.broadcast %reduce_sum3A_317 : i1 to vector<16xi1>
    %reduce_sum3A_319 = tpu.scan <sum>, %scan3A_276#4 masked %reduce_sum3A_318 : vector<16xi32>, vector<16xi1> -> vector<16xi32>
    %reduce_sum3A_320 = vector.extract %reduce_sum3A_319[15] : i32 from vector<16xi32>
    %broadcast_in_dim3A_321 = vector.broadcast %reduce_sum3A_320 : i32 to vector<16xi32>
    %select_n3A_322 = arith.select %eq3A_316, %broadcast_in_dim3A_321, %select_n3A_313 : vector<16xi1>, vector<16xi32>
    %eq3A_323 = arith.constant 5 : i32
    %eq3A_324 = vector.broadcast %eq3A_323 : i32 to vector<16xi32>
    %eq3A_325 = arith.cmpi eq, %iota3A, %eq3A_324 : vector<16xi32>
    %reduce_sum3A_326 = arith.constant true
    %reduce_sum3A_327 = vector.broadcast %reduce_sum3A_326 : i1 to vector<16xi1>
    %reduce_sum3A_328 = tpu.scan <sum>, %scan3A_276#5 masked %reduce_sum3A_327 : vector<16xi32>, vector<16xi1> -> vector<16xi32>
    %reduce_sum3A_329 = vector.extract %reduce_sum3A_328[15] : i32 from vector<16xi32>
    %broadcast_in_dim3A_330 = vector.broadcast %reduce_sum3A_329 : i32 to vector<16xi32>
    %select_n3A_331 = arith.select %eq3A_325, %broadcast_in_dim3A_330, %select_n3A_322 : vector<16xi1>, vector<16xi32>
    %eq3A_332 = arith.constant 6 : i32
    %eq3A_333 = vector.broadcast %eq3A_332 : i32 to vector<16xi32>
    %eq3A_334 = arith.cmpi eq, %iota3A, %eq3A_333 : vector<16xi32>
    %reduce_sum3A_335 = arith.constant true
    %reduce_sum3A_336 = vector.broadcast %reduce_sum3A_335 : i1 to vector<16xi1>
    %reduce_sum3A_337 = tpu.scan <sum>, %scan3A_276#6 masked %reduce_sum3A_336 : vector<16xi32>, vector<16xi1> -> vector<16xi32>
    %reduce_sum3A_338 = vector.extract %reduce_sum3A_337[15] : i32 from vector<16xi32>
    %broadcast_in_dim3A_339 = vector.broadcast %reduce_sum3A_338 : i32 to vector<16xi32>
    %select_n3A_340 = arith.select %eq3A_334, %broadcast_in_dim3A_339, %select_n3A_331 : vector<16xi1>, vector<16xi32>
    %eq3A_341 = arith.constant 7 : i32
    %eq3A_342 = vector.broadcast %eq3A_341 : i32 to vector<16xi32>
    %eq3A_343 = arith.cmpi eq, %iota3A, %eq3A_342 : vector<16xi32>
    %reduce_sum3A_344 = arith.constant true
    %reduce_sum3A_345 = vector.broadcast %reduce_sum3A_344 : i1 to vector<16xi1>
    %reduce_sum3A_346 = tpu.scan <sum>, %scan3A_276#7 masked %reduce_sum3A_345 : vector<16xi32>, vector<16xi1> -> vector<16xi32>
    %reduce_sum3A_347 = vector.extract %reduce_sum3A_346[15] : i32 from vector<16xi32>
    %broadcast_in_dim3A_348 = vector.broadcast %reduce_sum3A_347 : i32 to vector<16xi32>
    %select_n3A_349 = arith.select %eq3A_343, %broadcast_in_dim3A_348, %select_n3A_340 : vector<16xi1>, vector<16xi32>
    %eq3A_350 = arith.constant 8 : i32
    %eq3A_351 = vector.broadcast %eq3A_350 : i32 to vector<16xi32>
    %eq3A_352 = arith.cmpi eq, %iota3A, %eq3A_351 : vector<16xi32>
    %reduce_sum3A_353 = arith.constant true
    %reduce_sum3A_354 = vector.broadcast %reduce_sum3A_353 : i1 to vector<16xi1>
    %reduce_sum3A_355 = tpu.scan <sum>, %scan3A_276#8 masked %reduce_sum3A_354 : vector<16xi32>, vector<16xi1> -> vector<16xi32>
    %reduce_sum3A_356 = vector.extract %reduce_sum3A_355[15] : i32 from vector<16xi32>
    %broadcast_in_dim3A_357 = vector.broadcast %reduce_sum3A_356 : i32 to vector<16xi32>
    %select_n3A_358 = arith.select %eq3A_352, %broadcast_in_dim3A_357, %select_n3A_349 : vector<16xi1>, vector<16xi32>
    %eq3A_359 = arith.constant 9 : i32
    %eq3A_360 = vector.broadcast %eq3A_359 : i32 to vector<16xi32>
    %eq3A_361 = arith.cmpi eq, %iota3A, %eq3A_360 : vector<16xi32>
    %reduce_sum3A_362 = arith.constant true
    %reduce_sum3A_363 = vector.broadcast %reduce_sum3A_362 : i1 to vector<16xi1>
    %reduce_sum3A_364 = tpu.scan <sum>, %scan3A_276#9 masked %reduce_sum3A_363 : vector<16xi32>, vector<16xi1> -> vector<16xi32>
    %reduce_sum3A_365 = vector.extract %reduce_sum3A_364[15] : i32 from vector<16xi32>
    %broadcast_in_dim3A_366 = vector.broadcast %reduce_sum3A_365 : i32 to vector<16xi32>
    %select_n3A_367 = arith.select %eq3A_361, %broadcast_in_dim3A_366, %select_n3A_358 : vector<16xi1>, vector<16xi32>
    %eq3A_368 = arith.constant 10 : i32
    %eq3A_369 = vector.broadcast %eq3A_368 : i32 to vector<16xi32>
    %eq3A_370 = arith.cmpi eq, %iota3A, %eq3A_369 : vector<16xi32>
    %reduce_sum3A_371 = arith.constant true
    %reduce_sum3A_372 = vector.broadcast %reduce_sum3A_371 : i1 to vector<16xi1>
    %reduce_sum3A_373 = tpu.scan <sum>, %scan3A_276#10 masked %reduce_sum3A_372 : vector<16xi32>, vector<16xi1> -> vector<16xi32>
    %reduce_sum3A_374 = vector.extract %reduce_sum3A_373[15] : i32 from vector<16xi32>
    %broadcast_in_dim3A_375 = vector.broadcast %reduce_sum3A_374 : i32 to vector<16xi32>
    %select_n3A_376 = arith.select %eq3A_370, %broadcast_in_dim3A_375, %select_n3A_367 : vector<16xi1>, vector<16xi32>
    %eq3A_377 = arith.constant 11 : i32
    %eq3A_378 = vector.broadcast %eq3A_377 : i32 to vector<16xi32>
    %eq3A_379 = arith.cmpi eq, %iota3A, %eq3A_378 : vector<16xi32>
    %reduce_sum3A_380 = arith.constant true
    %reduce_sum3A_381 = vector.broadcast %reduce_sum3A_380 : i1 to vector<16xi1>
    %reduce_sum3A_382 = tpu.scan <sum>, %scan3A_276#11 masked %reduce_sum3A_381 : vector<16xi32>, vector<16xi1> -> vector<16xi32>
    %reduce_sum3A_383 = vector.extract %reduce_sum3A_382[15] : i32 from vector<16xi32>
    %broadcast_in_dim3A_384 = vector.broadcast %reduce_sum3A_383 : i32 to vector<16xi32>
    %select_n3A_385 = arith.select %eq3A_379, %broadcast_in_dim3A_384, %select_n3A_376 : vector<16xi1>, vector<16xi32>
    %eq3A_386 = arith.constant 12 : i32
    %eq3A_387 = vector.broadcast %eq3A_386 : i32 to vector<16xi32>
    %eq3A_388 = arith.cmpi eq, %iota3A, %eq3A_387 : vector<16xi32>
    %reduce_sum3A_389 = arith.constant true
    %reduce_sum3A_390 = vector.broadcast %reduce_sum3A_389 : i1 to vector<16xi1>
    %reduce_sum3A_391 = tpu.scan <sum>, %scan3A_276#12 masked %reduce_sum3A_390 : vector<16xi32>, vector<16xi1> -> vector<16xi32>
    %reduce_sum3A_392 = vector.extract %reduce_sum3A_391[15] : i32 from vector<16xi32>
    %broadcast_in_dim3A_393 = vector.broadcast %reduce_sum3A_392 : i32 to vector<16xi32>
    %select_n3A_394 = arith.select %eq3A_388, %broadcast_in_dim3A_393, %select_n3A_385 : vector<16xi1>, vector<16xi32>
    %eq3A_395 = arith.constant 13 : i32
    %eq3A_396 = vector.broadcast %eq3A_395 : i32 to vector<16xi32>
    %eq3A_397 = arith.cmpi eq, %iota3A, %eq3A_396 : vector<16xi32>
    %reduce_sum3A_398 = arith.constant true
    %reduce_sum3A_399 = vector.broadcast %reduce_sum3A_398 : i1 to vector<16xi1>
    %reduce_sum3A_400 = tpu.scan <sum>, %scan3A_276#13 masked %reduce_sum3A_399 : vector<16xi32>, vector<16xi1> -> vector<16xi32>
    %reduce_sum3A_401 = vector.extract %reduce_sum3A_400[15] : i32 from vector<16xi32>
    %broadcast_in_dim3A_402 = vector.broadcast %reduce_sum3A_401 : i32 to vector<16xi32>
    %select_n3A_403 = arith.select %eq3A_397, %broadcast_in_dim3A_402, %select_n3A_394 : vector<16xi1>, vector<16xi32>
    %eq3A_404 = arith.constant 14 : i32
    %eq3A_405 = vector.broadcast %eq3A_404 : i32 to vector<16xi32>
    %eq3A_406 = arith.cmpi eq, %iota3A, %eq3A_405 : vector<16xi32>
    %reduce_sum3A_407 = arith.constant true
    %reduce_sum3A_408 = vector.broadcast %reduce_sum3A_407 : i1 to vector<16xi1>
    %reduce_sum3A_409 = tpu.scan <sum>, %scan3A_276#14 masked %reduce_sum3A_408 : vector<16xi32>, vector<16xi1> -> vector<16xi32>
    %reduce_sum3A_410 = vector.extract %reduce_sum3A_409[15] : i32 from vector<16xi32>
    %broadcast_in_dim3A_411 = vector.broadcast %reduce_sum3A_410 : i32 to vector<16xi32>
    %select_n3A_412 = arith.select %eq3A_406, %broadcast_in_dim3A_411, %select_n3A_403 : vector<16xi1>, vector<16xi32>
    %eq3A_413 = arith.constant 15 : i32
    %eq3A_414 = vector.broadcast %eq3A_413 : i32 to vector<16xi32>
    %eq3A_415 = arith.cmpi eq, %iota3A, %eq3A_414 : vector<16xi32>
    %reduce_sum3A_416 = arith.constant true
    %reduce_sum3A_417 = vector.broadcast %reduce_sum3A_416 : i1 to vector<16xi1>
    %reduce_sum3A_418 = tpu.scan <sum>, %scan3A_276#15 masked %reduce_sum3A_417 : vector<16xi32>, vector<16xi1> -> vector<16xi32>
    %reduce_sum3A_419 = vector.extract %reduce_sum3A_418[15] : i32 from vector<16xi32>
    %broadcast_in_dim3A_420 = vector.broadcast %reduce_sum3A_419 : i32 to vector<16xi32>
    %select_n3A_421 = arith.select %eq3A_415, %broadcast_in_dim3A_420, %select_n3A_412 : vector<16xi1>, vector<16xi32>
    %swap3A_422 = arith.constant 0 : index
    %swap3A_423 = tpu.vector_load %arg11[%swap3A_422] {strides = array<i32>} : memref<16xi32, #tpu.memory_space<vmem>>, vector<16xi32>,
    tpu.vector_store %arg11[%swap3A_422], %select_n3A_421 {strides = array<i32>} : memref<16xi32, #tpu.memory_space<vmem>>, vector<16xi32>,
    %mul3A_424 = arith.constant 16 : i32
    %mul3A_425 = arith.muli %arg1, %mul3A_424 : i32
    "tpu.region"() ({
      %run_scoped3A = tpu.sem_alloc : memref<!tpu.dma_semaphore, #tpu.memory_space<semaphore_mem>>
      %dma_start3A = tpu.memref_slice %arg15[%mul3A_425] : memref<256xi32, #tpu.memory_space<vmem_shared>> -> memref<16xi32, #tpu.memory_space<vmem_shared>>
      %dma_start3A_1048 = tpu.memref_slice %arg15[%mul3A_425] : memref<256xi32, #tpu.memory_space<vmem_shared>> -> memref<16xi32, #tpu.memory_space<vmem_shared>>
      tpu.enqueue_dma source(%arg11 : memref<16xi32, #tpu.memory_space<vmem>>) target(%dma_start3A_1048 : memref<16xi32, #tpu.memory_space<vmem_shared>>) target_semaphore(%run_scoped3A : memref<!tpu.dma_semaphore, #tpu.memory_space<semaphore_mem>>)
      %dma_wait3A = tpu.memref_slice %arg15[%mul3A_425] : memref<256xi32, #tpu.memory_space<vmem_shared>> -> memref<16xi32, #tpu.memory_space<vmem_shared>>
      %dma_wait3A_1049 = tpu.memref_slice %arg15[%mul3A_425] : memref<256xi32, #tpu.memory_space<vmem_shared>> -> memref<16xi32, #tpu.memory_space<vmem_shared>>
      tpu.wait_dma2 semaphore(%run_scoped3A : memref<!tpu.dma_semaphore, #tpu.memory_space<semaphore_mem>>) src(%arg11 : memref<16xi32, #tpu.memory_space<vmem>>) dst(%dma_wait3A_1049 : memref<16xi32, #tpu.memory_space<vmem_shared>>)
      tpu.yield
    }) : () -> ()
    %barrier3A_426 = arith.constant 0 : index
    tpu.barrier barrier_id(%barrier3A_426)
    "tpu.region"() ({
      %run_scoped3A = tpu.sem_alloc : memref<!tpu.dma_semaphore, #tpu.memory_space<semaphore_mem>>
      tpu.enqueue_dma source(%arg15 : memref<256xi32, #tpu.memory_space<vmem_shared>>) target(%arg12 : memref<256xi32, #tpu.memory_space<vmem>>) target_semaphore(%run_scoped3A : memref<!tpu.dma_semaphore, #tpu.memory_space<semaphore_mem>>)
      tpu.wait_dma2 semaphore(%run_scoped3A : memref<!tpu.dma_semaphore, #tpu.memory_space<semaphore_mem>>) src(%arg15 : memref<256xi32, #tpu.memory_space<vmem_shared>>) dst(%arg12 : memref<256xi32, #tpu.memory_space<vmem>>)
      tpu.yield
    }) : () -> ()
    %scan3A_427 = arith.constant 0 : i32
    %scan3A_428 = arith.constant 16 : i32
    %scan3A_429 = arith.addi %scan3A_427, %scan3A_428 : i32
    %scan3A_430 = arith.constant 1 : i32
    %scan3A_431 = scf.for %scan3A_1048 = %scan3A_427 to %scan3A_429 step %scan3A_430 iter_args(%scan3A_1049 = %broadcast_in_dim3A_263) -> (vector<16xi32>)  : i32 {
      %eq3A_1050 = vector.broadcast %scan3A_1048 : i32 to vector<16xi32>
      %eq3A_1051 = arith.cmpi eq, %iota3A, %eq3A_1050 : vector<16xi32>
      %mul3A_1052 = arith.constant 16 : i32
      %mul3A_1053 = arith.muli %scan3A_1048, %mul3A_1052 : i32
      %get3A_1054 = arith.index_cast %mul3A_1053 : i32 to index
      %get3A_1055 = tpu.vector_load %arg12[%get3A_1054] {strides = array<i32>} : memref<256xi32, #tpu.memory_space<vmem>>, vector<16xi32>,
      %reduce_sum3A_1056 = arith.constant true
      %reduce_sum3A_1057 = vector.broadcast %reduce_sum3A_1056 : i1 to vector<16xi1>
      %reduce_sum3A_1058 = tpu.scan <sum>, %get3A_1055 masked %reduce_sum3A_1057 : vector<16xi32>, vector<16xi1> -> vector<16xi32>
      %reduce_sum3A_1059 = vector.extract %reduce_sum3A_1058[15] : i32 from vector<16xi32>
      %broadcast_in_dim3A_1060 = vector.broadcast %reduce_sum3A_1059 : i32 to vector<16xi32>
      %select_n3A_1061 = arith.select %eq3A_1051, %broadcast_in_dim3A_1060, %scan3A_1049 : vector<16xi1>, vector<16xi32>
      scf.yield %select_n3A_1061 : vector<16xi32>
    }
    %scan3A_432 = arith.constant 16 : i32
    %rev3A_433 = arith.constant 15 : i32
    %rev3A_434 = vector.broadcast %rev3A_433 : i32 to vector<16xi32>
    %rev3A_435 = tpu.iota {dimensions = array<i32: 0>} : vector<16xi32>
    %rev3A_436 = arith.subi %rev3A_434, %rev3A_435 : vector<16xi32>
    %rev3A_437 = tpu.dynamic_gather %scan3A_431[%rev3A_436] in [0] : vector<16xi32>, vector<16xi32> -> vector<16xi32>
    %broadcast_in_dim3A_438 = arith.constant true
    %broadcast_in_dim3A_439 = vector.broadcast %broadcast_in_dim3A_438 : i1 to vector<16xi1>
    %masked_cumsum3A_440 = tpu.scan <sum>, %rev3A_437 masked %broadcast_in_dim3A_439 : vector<16xi32>, vector<16xi1> -> vector<16xi32>
    %ge3A_441 = vector.broadcast %sub3A_247 : i32 to vector<16xi32>
    %ge3A_442 = arith.cmpi sge, %masked_cumsum3A_440, %ge3A_441 : vector<16xi32>
    %all_reduce_ffs3A_443 = tpu.all_reduce %ge3A_442 {dim = 0 : i64, kind = #tpu.reduction_kind<find_first_set>} : vector<16xi1> -> vector<16xi32>
    %slice3A_444 = vector.extract_strided_slice %all_reduce_ffs3A_443 {offsets = [0], sizes = [1], strides = [1]} : vector<16xi32> to vector<1xi32>
    %squeeze3A_445 = vector.extract %slice3A_444[0] : i32 from vector<1xi32>
    %eq3A_446 = vector.broadcast %squeeze3A_445 : i32 to vector<16xi32>
    %eq3A_447 = arith.cmpi eq, %iota3A, %eq3A_446 : vector<16xi32>
    %jit3A_448 = arith.constant 0 : i32
    %broadcast_in_dim3A_449 = vector.broadcast %jit3A_448 : i32 to vector<16xi32>
    %select_n3A_450 = arith.select %eq3A_447, %masked_cumsum3A_440, %broadcast_in_dim3A_449 : vector<16xi1>, vector<16xi32>
    %reduce_sum3A_451 = arith.constant true
    %reduce_sum3A_452 = vector.broadcast %reduce_sum3A_451 : i1 to vector<16xi1>
    %reduce_sum3A_453 = tpu.scan <sum>, %select_n3A_450 masked %reduce_sum3A_452 : vector<16xi32>, vector<16xi1> -> vector<16xi32>
    %reduce_sum3A_454 = vector.extract %reduce_sum3A_453[15] : i32 from vector<16xi32>
    %jit3A_455 = arith.constant 0 : i32
    %broadcast_in_dim3A_456 = vector.broadcast %jit3A_455 : i32 to vector<16xi32>
    %select_n3A_457 = arith.select %eq3A_447, %rev3A_437, %broadcast_in_dim3A_456 : vector<16xi1>, vector<16xi32>
    %reduce_sum3A_458 = arith.constant true
    %reduce_sum3A_459 = vector.broadcast %reduce_sum3A_458 : i1 to vector<16xi1>
    %reduce_sum3A_460 = tpu.scan <sum>, %select_n3A_457 masked %reduce_sum3A_459 : vector<16xi32>, vector<16xi1> -> vector<16xi32>
    %reduce_sum3A_461 = vector.extract %reduce_sum3A_460[15] : i32 from vector<16xi32>
    %sub3A_462 = arith.constant 15 : i32
    %sub3A_463 = arith.subi %sub3A_462, %squeeze3A_445 : i32
    %sub3A_464 = arith.subi %reduce_sum3A_454, %reduce_sum3A_461 : i32
    %sub3A_465 = arith.subi %sub3A_247, %sub3A_464 : i32
    %mul3A_466 = arith.constant 16 : i32
    %mul3A_467 = arith.muli %sub3A_463, %mul3A_466 : i32
    %get3A_468 = arith.index_cast %mul3A_467 : i32 to index
    %get3A_469 = tpu.vector_load %arg12[%get3A_468] {strides = array<i32>} : memref<256xi32, #tpu.memory_space<vmem>>, vector<16xi32>,
    %rev3A_470 = arith.constant 15 : i32
    %rev3A_471 = vector.broadcast %rev3A_470 : i32 to vector<16xi32>
    %rev3A_472 = tpu.iota {dimensions = array<i32: 0>} : vector<16xi32>
    %rev3A_473 = arith.subi %rev3A_471, %rev3A_472 : vector<16xi32>
    %rev3A_474 = tpu.dynamic_gather %get3A_469[%rev3A_473] in [0] : vector<16xi32>, vector<16xi32> -> vector<16xi32>
    %broadcast_in_dim3A_475 = arith.constant true
    %broadcast_in_dim3A_476 = vector.broadcast %broadcast_in_dim3A_475 : i1 to vector<16xi1>
    %masked_cumsum3A_477 = tpu.scan <sum>, %rev3A_474 masked %broadcast_in_dim3A_476 : vector<16xi32>, vector<16xi1> -> vector<16xi32>
    %ge3A_478 = vector.broadcast %sub3A_465 : i32 to vector<16xi32>
    %ge3A_479 = arith.cmpi sge, %masked_cumsum3A_477, %ge3A_478 : vector<16xi32>
    %all_reduce_ffs3A_480 = tpu.all_reduce %ge3A_479 {dim = 0 : i64, kind = #tpu.reduction_kind<find_first_set>} : vector<16xi1> -> vector<16xi32>
    %slice3A_481 = vector.extract_strided_slice %all_reduce_ffs3A_480 {offsets = [0], sizes = [1], strides = [1]} : vector<16xi32> to vector<1xi32>
    %squeeze3A_482 = vector.extract %slice3A_481[0] : i32 from vector<1xi32>
    %eq3A_483 = vector.broadcast %squeeze3A_482 : i32 to vector<16xi32>
    %eq3A_484 = arith.cmpi eq, %iota3A, %eq3A_483 : vector<16xi32>
    %jit3A_485 = arith.constant 0 : i32
    %broadcast_in_dim3A_486 = vector.broadcast %jit3A_485 : i32 to vector<16xi32>
    %select_n3A_487 = arith.select %eq3A_484, %masked_cumsum3A_477, %broadcast_in_dim3A_486 : vector<16xi1>, vector<16xi32>
    %reduce_sum3A_488 = arith.constant true
    %reduce_sum3A_489 = vector.broadcast %reduce_sum3A_488 : i1 to vector<16xi1>
    %reduce_sum3A_490 = tpu.scan <sum>, %select_n3A_487 masked %reduce_sum3A_489 : vector<16xi32>, vector<16xi1> -> vector<16xi32>
    %reduce_sum3A_491 = vector.extract %reduce_sum3A_490[15] : i32 from vector<16xi32>
    %jit3A_492 = arith.constant 0 : i32
    %broadcast_in_dim3A_493 = vector.broadcast %jit3A_492 : i32 to vector<16xi32>
    %select_n3A_494 = arith.select %eq3A_484, %rev3A_474, %broadcast_in_dim3A_493 : vector<16xi1>, vector<16xi32>
    %reduce_sum3A_495 = arith.constant true
    %reduce_sum3A_496 = vector.broadcast %reduce_sum3A_495 : i1 to vector<16xi1>
    %reduce_sum3A_497 = tpu.scan <sum>, %select_n3A_494 masked %reduce_sum3A_496 : vector<16xi32>, vector<16xi1> -> vector<16xi32>
    %reduce_sum3A_498 = vector.extract %reduce_sum3A_497[15] : i32 from vector<16xi32>
    %sub3A_499 = arith.constant 15 : i32
    %sub3A_500 = arith.subi %sub3A_499, %squeeze3A_482 : i32
    %sub3A_501 = arith.subi %reduce_sum3A_491, %reduce_sum3A_498 : i32
    %sub3A_502 = arith.subi %sub3A_465, %sub3A_501 : i32
    %mul3A_503 = arith.constant 16 : i32
    %mul3A_504 = arith.muli %sub3A_463, %mul3A_503 : i32
    %add3A_505 = arith.addi %mul3A_504, %sub3A_500 : i32
    %add3A_506 = vector.broadcast %add3A_505 : i32 to vector<16xi32>
    %add3A_507 = arith.addi %broadcast_in_dim3A_1, %add3A_506 : vector<16xi32>
    %slice3A_508 = vector.extract_strided_slice %scan3A_257 {offsets = [0], sizes = [1], strides = [1]} : vector<16xi32> to vector<1xi32>
    %squeeze3A_509 = vector.extract %slice3A_508[0] : i32 from vector<1xi32>
    %add3A_510 = arith.constant 15 : i32
    %add3A_511 = arith.addi %squeeze3A_509, %add3A_510 : i32
    %shift_right_arithmetic3A = arith.constant 4 : i32
    %shift_right_arithmetic3A_512 = arith.shrsi %add3A_511, %shift_right_arithmetic3A : i32
    %while3A = arith.constant 0 : i32
    %while3A_513 = arith.subi %shift_right_arithmetic3A_512, %while3A : i32
    %while3A_514 = arith.addi %while3A, %while3A_513 : i32
    %while3A_515 = arith.constant 1 : i32
    %while3A_516 = arith.divsi %while3A_513, %while3A_515 : i32
    %while3A_517 = arith.muli %while3A_516, %while3A_515 : i32
    %while3A_518 = arith.addi %while3A, %while3A_517 : i32
    %while3A_519 = arith.constant 1 : i32
    %while3A_520 = scf.for %while3A_1048 = %while3A to %while3A_518 step %while3A_519 iter_args(%while3A_1049 = %broadcast_in_dim3A_1) -> (vector<16xi32>)  : i32 {
      %mul3A_1050 = arith.constant 16 : i32
      %mul3A_1051 = arith.muli %while3A_1048, %mul3A_1050 : i32
      %add3A_1052 = vector.broadcast %mul3A_1051 : i32 to vector<16xi32>
      %add3A_1053 = arith.addi %add3A_1052, %iota3A : vector<16xi32>
      %lt3A = arith.cmpi slt, %add3A_1053, %scan3A_257 : vector<16xi32>
      %get3A_1054 = arith.index_cast %mul3A_1051 : i32 to index
      %get3A_1055 = tpu.vector_load %arg9[%get3A_1054] {strides = array<i32>} : memref<16384xi32, #tpu.memory_space<vmem>>, vector<16xi32>,
      %shift_right_arithmetic3A_1056 = arith.constant 16 : i32
      %shift_right_arithmetic3A_1057 = vector.broadcast %shift_right_arithmetic3A_1056 : i32 to vector<16xi32>
      %shift_right_arithmetic3A_1058 = arith.shrsi %get3A_1055, %shift_right_arithmetic3A_1057 : vector<16xi32>
      %and3A = arith.constant 255 : i32
      %and3A_1059 = vector.broadcast %and3A : i32 to vector<16xi32>
      %and3A_1060 = arith.andi %shift_right_arithmetic3A_1058, %and3A_1059 : vector<16xi32>
      %eq3A_1061 = arith.cmpi eq, %and3A_1060, %add3A_507 : vector<16xi32>
      %and3A_1062 = arith.andi %lt3A, %eq3A_1061 : vector<16xi1>
      %lt3A_1063 = arith.constant 16369 : i32
      %lt3A_1064 = vector.broadcast %lt3A_1063 : i32 to vector<16xi32>
      %lt3A_1065 = arith.cmpi slt, %while3A_1049, %lt3A_1064 : vector<16xi32>
      %and3A_1066 = arith.andi %and3A_1062, %lt3A_1065 : vector<16xi1>
      %shift_right_arithmetic3A_1067 = arith.constant 8 : i32
      %shift_right_arithmetic3A_1068 = vector.broadcast %shift_right_arithmetic3A_1067 : i32 to vector<16xi32>
      %shift_right_arithmetic3A_1069 = arith.shrsi %get3A_1055, %shift_right_arithmetic3A_1068 : vector<16xi32>
      %and3A_1070 = arith.constant 255 : i32
      %and3A_1071 = vector.broadcast %and3A_1070 : i32 to vector<16xi32>
      %and3A_1072 = arith.andi %shift_right_arithmetic3A_1069, %and3A_1071 : vector<16xi32>
      %mul3A_1073 = arith.constant 16 : i32
      %mul3A_1074 = vector.broadcast %mul3A_1073 : i32 to vector<16xi32>
      %mul3A_1075 = arith.muli %and3A_1072, %mul3A_1074 : vector<16xi32>
      %add3A_1076 = arith.addi %mul3A_1075, %iota3A : vector<16xi32>
      tpu.vector_store_idx %arg8[%add3A_1076], %broadcast_in_dim3A_3 masked %and3A_1066 {add = true} : memref<4096xi32, #tpu.memory_space<vmem>>[vector<16xi32>], vector<16xi32>, vector<16xi1>
      %jit3A_1077 = arith.constant 1 : i32
      %jit3A_1078 = arith.constant 0 : i32
      %broadcast_in_dim3A_1079 = vector.broadcast %jit3A_1077 : i32 to vector<16xi32>
      %broadcast_in_dim3A_1080 = vector.broadcast %jit3A_1078 : i32 to vector<16xi32>
      %select_n3A_1081 = arith.select %and3A_1066, %broadcast_in_dim3A_1079, %broadcast_in_dim3A_1080 : vector<16xi1>, vector<16xi32>
      %broadcast_in_dim3A_1082 = arith.constant true
      %broadcast_in_dim3A_1083 = vector.broadcast %broadcast_in_dim3A_1082 : i1 to vector<16xi1>
      %masked_cumsum3A_1084 = tpu.scan <sum>, %select_n3A_1081 masked %broadcast_in_dim3A_1083 : vector<16xi32>, vector<16xi1> -> vector<16xi32>
      %add3A_1085 = arith.addi %while3A_1049, %masked_cumsum3A_1084 : vector<16xi32>
      %sub3A_1086 = arith.constant 1 : i32
      %sub3A_1087 = vector.broadcast %sub3A_1086 : i32 to vector<16xi32>
      %sub3A_1088 = arith.subi %add3A_1085, %sub3A_1087 : vector<16xi32>
      tpu.vector_store_idx %arg9[%sub3A_1088], %get3A_1055 masked %and3A_1066 : memref<16384xi32, #tpu.memory_space<vmem>>[vector<16xi32>], vector<16xi32>, vector<16xi1>
      %all_reduce_population_count3A = tpu.all_reduce %and3A_1066 {dim = 0 : i64, kind = #tpu.reduction_kind<sum>} : vector<16xi1> -> vector<16xi32>
      %add3A_1089 = arith.addi %while3A_1049, %all_reduce_population_count3A : vector<16xi32>
      scf.yield %add3A_1089 : vector<16xi32>
    }
    %while3A_521 = arith.constant 1 : i32
    %while3A_522 = scf.for %while3A_1048 = %while3A_518 to %while3A_514 step %while3A_521 iter_args(%while3A_1049 = %while3A_520) -> (vector<16xi32>)  : i32 {
      %mul3A_1050 = arith.constant 16 : i32
      %mul3A_1051 = arith.muli %while3A_1048, %mul3A_1050 : i32
      %add3A_1052 = vector.broadcast %mul3A_1051 : i32 to vector<16xi32>
      %add3A_1053 = arith.addi %add3A_1052, %iota3A : vector<16xi32>
      %lt3A = arith.cmpi slt, %add3A_1053, %scan3A_257 : vector<16xi32>
      %get3A_1054 = arith.index_cast %mul3A_1051 : i32 to index
      %get3A_1055 = tpu.vector_load %arg9[%get3A_1054] {strides = array<i32>} : memref<16384xi32, #tpu.memory_space<vmem>>, vector<16xi32>,
      %shift_right_arithmetic3A_1056 = arith.constant 16 : i32
      %shift_right_arithmetic3A_1057 = vector.broadcast %shift_right_arithmetic3A_1056 : i32 to vector<16xi32>
      %shift_right_arithmetic3A_1058 = arith.shrsi %get3A_1055, %shift_right_arithmetic3A_1057 : vector<16xi32>
      %and3A = arith.constant 255 : i32
      %and3A_1059 = vector.broadcast %and3A : i32 to vector<16xi32>
      %and3A_1060 = arith.andi %shift_right_arithmetic3A_1058, %and3A_1059 : vector<16xi32>
      %eq3A_1061 = arith.cmpi eq, %and3A_1060, %add3A_507 : vector<16xi32>
      %and3A_1062 = arith.andi %lt3A, %eq3A_1061 : vector<16xi1>
      %lt3A_1063 = arith.constant 16369 : i32
      %lt3A_1064 = vector.broadcast %lt3A_1063 : i32 to vector<16xi32>
      %lt3A_1065 = arith.cmpi slt, %while3A_1049, %lt3A_1064 : vector<16xi32>
      %and3A_1066 = arith.andi %and3A_1062, %lt3A_1065 : vector<16xi1>
      %shift_right_arithmetic3A_1067 = arith.constant 8 : i32
      %shift_right_arithmetic3A_1068 = vector.broadcast %shift_right_arithmetic3A_1067 : i32 to vector<16xi32>
      %shift_right_arithmetic3A_1069 = arith.shrsi %get3A_1055, %shift_right_arithmetic3A_1068 : vector<16xi32>
      %and3A_1070 = arith.constant 255 : i32
      %and3A_1071 = vector.broadcast %and3A_1070 : i32 to vector<16xi32>
      %and3A_1072 = arith.andi %shift_right_arithmetic3A_1069, %and3A_1071 : vector<16xi32>
      %mul3A_1073 = arith.constant 16 : i32
      %mul3A_1074 = vector.broadcast %mul3A_1073 : i32 to vector<16xi32>
      %mul3A_1075 = arith.muli %and3A_1072, %mul3A_1074 : vector<16xi32>
      %add3A_1076 = arith.addi %mul3A_1075, %iota3A : vector<16xi32>
      tpu.vector_store_idx %arg8[%add3A_1076], %broadcast_in_dim3A_3 masked %and3A_1066 {add = true} : memref<4096xi32, #tpu.memory_space<vmem>>[vector<16xi32>], vector<16xi32>, vector<16xi1>
      %jit3A_1077 = arith.constant 1 : i32
      %jit3A_1078 = arith.constant 0 : i32
      %broadcast_in_dim3A_1079 = vector.broadcast %jit3A_1077 : i32 to vector<16xi32>
      %broadcast_in_dim3A_1080 = vector.broadcast %jit3A_1078 : i32 to vector<16xi32>
      %select_n3A_1081 = arith.select %and3A_1066, %broadcast_in_dim3A_1079, %broadcast_in_dim3A_1080 : vector<16xi1>, vector<16xi32>
      %broadcast_in_dim3A_1082 = arith.constant true
      %broadcast_in_dim3A_1083 = vector.broadcast %broadcast_in_dim3A_1082 : i1 to vector<16xi1>
      %masked_cumsum3A_1084 = tpu.scan <sum>, %select_n3A_1081 masked %broadcast_in_dim3A_1083 : vector<16xi32>, vector<16xi1> -> vector<16xi32>
      %add3A_1085 = arith.addi %while3A_1049, %masked_cumsum3A_1084 : vector<16xi32>
      %sub3A_1086 = arith.constant 1 : i32
      %sub3A_1087 = vector.broadcast %sub3A_1086 : i32 to vector<16xi32>
      %sub3A_1088 = arith.subi %add3A_1085, %sub3A_1087 : vector<16xi32>
      tpu.vector_store_idx %arg9[%sub3A_1088], %get3A_1055 masked %and3A_1066 : memref<16384xi32, #tpu.memory_space<vmem>>[vector<16xi32>], vector<16xi32>, vector<16xi1>
      %all_reduce_population_count3A = tpu.all_reduce %and3A_1066 {dim = 0 : i64, kind = #tpu.reduction_kind<sum>} : vector<16xi1> -> vector<16xi32>
      %add3A_1089 = arith.addi %while3A_1049, %all_reduce_population_count3A : vector<16xi32>
      scf.yield %add3A_1089 : vector<16xi32>
    }
    %shift_left3A_523 = arith.constant 16 : i32
    %shift_left3A_524 = arith.shli %add3A_505, %shift_left3A_523 : i32
    %or3A = arith.ori %shift_left3A_261, %shift_left3A_524 : i32
    %broadcast_in_dim3A_525 = arith.constant 0 : i32
    %broadcast_in_dim3A_526 = vector.broadcast %broadcast_in_dim3A_525 : i32 to vector<16xi32>
    "tpu.region"() ({
      %run_scoped3A = tpu.sem_alloc : memref<!tpu.dma_semaphore, #tpu.memory_space<semaphore_mem>>
      %dma_start3A = arith.constant 0 : i32
      %dma_start3A_1048 = tpu.memref_slice %arg14[%arg1, %dma_start3A] : memref<16x4096xi32, #tpu.memory_space<vmem_shared>> -> memref<1x4096xi32, #tpu.memory_space<vmem_shared>>
      %dma_start3A_1049 = tpu.memref_squeeze %dma_start3A_1048 : memref<1x4096xi32, #tpu.memory_space<vmem_shared>> -> memref<4096xi32, #tpu.memory_space<vmem_shared>>
      %dma_start3A_1050 = arith.constant 0 : i32
      %dma_start3A_1051 = tpu.memref_slice %arg14[%arg1, %dma_start3A_1050] : memref<16x4096xi32, #tpu.memory_space<vmem_shared>> -> memref<1x4096xi32, #tpu.memory_space<vmem_shared>>
      %dma_start3A_1052 = tpu.memref_squeeze %dma_start3A_1051 : memref<1x4096xi32, #tpu.memory_space<vmem_shared>> -> memref<4096xi32, #tpu.memory_space<vmem_shared>>
      tpu.enqueue_dma source(%arg8 : memref<4096xi32, #tpu.memory_space<vmem>>) target(%dma_start3A_1052 : memref<4096xi32, #tpu.memory_space<vmem_shared>>) target_semaphore(%run_scoped3A : memref<!tpu.dma_semaphore, #tpu.memory_space<semaphore_mem>>)
      %dma_wait3A = arith.constant 0 : i32
      %dma_wait3A_1053 = tpu.memref_slice %arg14[%arg1, %dma_wait3A] : memref<16x4096xi32, #tpu.memory_space<vmem_shared>> -> memref<1x4096xi32, #tpu.memory_space<vmem_shared>>
      %dma_wait3A_1054 = tpu.memref_squeeze %dma_wait3A_1053 : memref<1x4096xi32, #tpu.memory_space<vmem_shared>> -> memref<4096xi32, #tpu.memory_space<vmem_shared>>
      %dma_wait3A_1055 = arith.constant 0 : i32
      %dma_wait3A_1056 = tpu.memref_slice %arg14[%arg1, %dma_wait3A_1055] : memref<16x4096xi32, #tpu.memory_space<vmem_shared>> -> memref<1x4096xi32, #tpu.memory_space<vmem_shared>>
      %dma_wait3A_1057 = tpu.memref_squeeze %dma_wait3A_1056 : memref<1x4096xi32, #tpu.memory_space<vmem_shared>> -> memref<4096xi32, #tpu.memory_space<vmem_shared>>
      tpu.wait_dma2 semaphore(%run_scoped3A : memref<!tpu.dma_semaphore, #tpu.memory_space<semaphore_mem>>) src(%arg8 : memref<4096xi32, #tpu.memory_space<vmem>>) dst(%dma_wait3A_1057 : memref<4096xi32, #tpu.memory_space<vmem_shared>>)
      tpu.yield
    }) : () -> ()
    %scan3A_527 = arith.constant 0 : i32
    %scan3A_528 = arith.constant 0 : i32
    %scan3A_529 = arith.constant 256 : i32
    %scan3A_530 = arith.addi %scan3A_528, %scan3A_529 : i32
    %scan3A_531 = arith.constant 1 : i32
    %scan3A_532 = scf.for %scan3A_1048 = %scan3A_528 to %scan3A_530 step %scan3A_531 iter_args(%scan3A_1049 = %scan3A_527) -> (i32)  : i32 {
      %mul3A_1050 = arith.constant 16 : i32
      %mul3A_1051 = arith.muli %scan3A_1048, %mul3A_1050 : i32
      %swap3A_1052 = arith.index_cast %mul3A_1051 : i32 to index
      %swap3A_1053 = tpu.vector_load %arg8[%swap3A_1052] {strides = array<i32>} : memref<4096xi32, #tpu.memory_space<vmem>>, vector<16xi32>,
      tpu.vector_store %arg8[%swap3A_1052], %broadcast_in_dim3A_526 {strides = array<i32>} : memref<4096xi32, #tpu.memory_space<vmem>>, vector<16xi32>,
      %scan3A_1054 = arith.constant 0 : i32
      scf.yield %scan3A_1054 : i32
    }
    %scan3A_533 = arith.constant 256 : i32
    %barrier3A_534 = arith.constant 0 : index
    tpu.barrier barrier_id(%barrier3A_534)
    %scan3A_535 = arith.constant 0 : i32
    %scan3A_536 = arith.constant 16 : i32
    %scan3A_537 = arith.addi %scan3A_535, %scan3A_536 : i32
    %scan3A_538 = arith.constant 1 : i32
    %scan3A_539:16 = scf.for %scan3A_1048 = %scan3A_535 to %scan3A_537 step %scan3A_538 iter_args(%scan3A_1049 = %broadcast_in_dim3A_526, %scan3A_1050 = %broadcast_in_dim3A_526, %scan3A_1051 = %broadcast_in_dim3A_526, %scan3A_1052 = %broadcast_in_dim3A_526, %scan3A_1053 = %broadcast_in_dim3A_526, %scan3A_1054 = %broadcast_in_dim3A_526, %scan3A_1055 = %broadcast_in_dim3A_526, %scan3A_1056 = %broadcast_in_dim3A_526, %scan3A_1057 = %broadcast_in_dim3A_526, %scan3A_1058 = %broadcast_in_dim3A_526, %scan3A_1059 = %broadcast_in_dim3A_526, %scan3A_1060 = %broadcast_in_dim3A_526, %scan3A_1061 = %broadcast_in_dim3A_526, %scan3A_1062 = %broadcast_in_dim3A_526, %scan3A_1063 = %broadcast_in_dim3A_526, %scan3A_1064 = %broadcast_in_dim3A_526) -> (vector<16xi32>, vector<16xi32>, vector<16xi32>, vector<16xi32>, vector<16xi32>, vector<16xi32>, vector<16xi32>, vector<16xi32>, vector<16xi32>, vector<16xi32>, vector<16xi32>, vector<16xi32>, vector<16xi32>, vector<16xi32>, vector<16xi32>, vector<16xi32>)  : i32 {
      %mul3A_1065 = arith.constant 256 : i32
      %mul3A_1066 = arith.muli %arg1, %mul3A_1065 : i32
      "tpu.region"() ({
        %run_scoped3A = tpu.sem_alloc : memref<!tpu.dma_semaphore, #tpu.memory_space<semaphore_mem>>
        %dma_start3A = tpu.memref_slice %arg14[%scan3A_1048, %mul3A_1066] : memref<16x4096xi32, #tpu.memory_space<vmem_shared>> -> memref<1x256xi32, #tpu.memory_space<vmem_shared>>
        %dma_start3A_1115 = tpu.memref_squeeze %dma_start3A : memref<1x256xi32, #tpu.memory_space<vmem_shared>> -> memref<256xi32, #tpu.memory_space<vmem_shared>>
        %dma_start3A_1116 = tpu.memref_slice %arg14[%scan3A_1048, %mul3A_1066] : memref<16x4096xi32, #tpu.memory_space<vmem_shared>> -> memref<1x256xi32, #tpu.memory_space<vmem_shared>>
        %dma_start3A_1117 = tpu.memref_squeeze %dma_start3A_1116 : memref<1x256xi32, #tpu.memory_space<vmem_shared>> -> memref<256xi32, #tpu.memory_space<vmem_shared>>
        tpu.enqueue_dma source(%dma_start3A_1117 : memref<256xi32, #tpu.memory_space<vmem_shared>>) target(%arg10 : memref<256xi32, #tpu.memory_space<vmem>>) target_semaphore(%run_scoped3A : memref<!tpu.dma_semaphore, #tpu.memory_space<semaphore_mem>>)
        %dma_wait3A = tpu.memref_slice %arg14[%scan3A_1048, %mul3A_1066] : memref<16x4096xi32, #tpu.memory_space<vmem_shared>> -> memref<1x256xi32, #tpu.memory_space<vmem_shared>>
        %dma_wait3A_1118 = tpu.memref_squeeze %dma_wait3A : memref<1x256xi32, #tpu.memory_space<vmem_shared>> -> memref<256xi32, #tpu.memory_space<vmem_shared>>
        %dma_wait3A_1119 = tpu.memref_slice %arg14[%scan3A_1048, %mul3A_1066] : memref<16x4096xi32, #tpu.memory_space<vmem_shared>> -> memref<1x256xi32, #tpu.memory_space<vmem_shared>>
        %dma_wait3A_1120 = tpu.memref_squeeze %dma_wait3A_1119 : memref<1x256xi32, #tpu.memory_space<vmem_shared>> -> memref<256xi32, #tpu.memory_space<vmem_shared>>
        tpu.wait_dma2 semaphore(%run_scoped3A : memref<!tpu.dma_semaphore, #tpu.memory_space<semaphore_mem>>) src(%dma_wait3A_1120 : memref<256xi32, #tpu.memory_space<vmem_shared>>) dst(%arg10 : memref<256xi32, #tpu.memory_space<vmem>>)
        tpu.yield
      }) : () -> ()
      %get3A_1067 = arith.constant 0 : index
      %get3A_1068 = tpu.vector_load %arg10[%get3A_1067] {strides = array<i32>} : memref<256xi32, #tpu.memory_space<vmem>>, vector<16xi32>,
      %add3A_1069 = arith.addi %scan3A_1049, %get3A_1068 : vector<16xi32>
      %get3A_1070 = arith.constant 16 : index
      %get3A_1071 = tpu.vector_load %arg10[%get3A_1070] {strides = array<i32>} : memref<256xi32, #tpu.memory_space<vmem>>, vector<16xi32>,
      %add3A_1072 = arith.addi %scan3A_1050, %get3A_1071 : vector<16xi32>
      %get3A_1073 = arith.constant 32 : index
      %get3A_1074 = tpu.vector_load %arg10[%get3A_1073] {strides = array<i32>} : memref<256xi32, #tpu.memory_space<vmem>>, vector<16xi32>,
      %add3A_1075 = arith.addi %scan3A_1051, %get3A_1074 : vector<16xi32>
      %get3A_1076 = arith.constant 48 : index
      %get3A_1077 = tpu.vector_load %arg10[%get3A_1076] {strides = array<i32>} : memref<256xi32, #tpu.memory_space<vmem>>, vector<16xi32>,
      %add3A_1078 = arith.addi %scan3A_1052, %get3A_1077 : vector<16xi32>
      %get3A_1079 = arith.constant 64 : index
      %get3A_1080 = tpu.vector_load %arg10[%get3A_1079] {strides = array<i32>} : memref<256xi32, #tpu.memory_space<vmem>>, vector<16xi32>,
      %add3A_1081 = arith.addi %scan3A_1053, %get3A_1080 : vector<16xi32>
      %get3A_1082 = arith.constant 80 : index
      %get3A_1083 = tpu.vector_load %arg10[%get3A_1082] {strides = array<i32>} : memref<256xi32, #tpu.memory_space<vmem>>, vector<16xi32>,
      %add3A_1084 = arith.addi %scan3A_1054, %get3A_1083 : vector<16xi32>
      %get3A_1085 = arith.constant 96 : index
      %get3A_1086 = tpu.vector_load %arg10[%get3A_1085] {strides = array<i32>} : memref<256xi32, #tpu.memory_space<vmem>>, vector<16xi32>,
      %add3A_1087 = arith.addi %scan3A_1055, %get3A_1086 : vector<16xi32>
      %get3A_1088 = arith.constant 112 : index
      %get3A_1089 = tpu.vector_load %arg10[%get3A_1088] {strides = array<i32>} : memref<256xi32, #tpu.memory_space<vmem>>, vector<16xi32>,
      %add3A_1090 = arith.addi %scan3A_1056, %get3A_1089 : vector<16xi32>
      %get3A_1091 = arith.constant 128 : index
      %get3A_1092 = tpu.vector_load %arg10[%get3A_1091] {strides = array<i32>} : memref<256xi32, #tpu.memory_space<vmem>>, vector<16xi32>,
      %add3A_1093 = arith.addi %scan3A_1057, %get3A_1092 : vector<16xi32>
      %get3A_1094 = arith.constant 144 : index
      %get3A_1095 = tpu.vector_load %arg10[%get3A_1094] {strides = array<i32>} : memref<256xi32, #tpu.memory_space<vmem>>, vector<16xi32>,
      %add3A_1096 = arith.addi %scan3A_1058, %get3A_1095 : vector<16xi32>
      %get3A_1097 = arith.constant 160 : index
      %get3A_1098 = tpu.vector_load %arg10[%get3A_1097] {strides = array<i32>} : memref<256xi32, #tpu.memory_space<vmem>>, vector<16xi32>,
      %add3A_1099 = arith.addi %scan3A_1059, %get3A_1098 : vector<16xi32>
      %get3A_1100 = arith.constant 176 : index
      %get3A_1101 = tpu.vector_load %arg10[%get3A_1100] {strides = array<i32>} : memref<256xi32, #tpu.memory_space<vmem>>, vector<16xi32>,
      %add3A_1102 = arith.addi %scan3A_1060, %get3A_1101 : vector<16xi32>
      %get3A_1103 = arith.constant 192 : index
      %get3A_1104 = tpu.vector_load %arg10[%get3A_1103] {strides = array<i32>} : memref<256xi32, #tpu.memory_space<vmem>>, vector<16xi32>,
      %add3A_1105 = arith.addi %scan3A_1061, %get3A_1104 : vector<16xi32>
      %get3A_1106 = arith.constant 208 : index
      %get3A_1107 = tpu.vector_load %arg10[%get3A_1106] {strides = array<i32>} : memref<256xi32, #tpu.memory_space<vmem>>, vector<16xi32>,
      %add3A_1108 = arith.addi %scan3A_1062, %get3A_1107 : vector<16xi32>
      %get3A_1109 = arith.constant 224 : index
      %get3A_1110 = tpu.vector_load %arg10[%get3A_1109] {strides = array<i32>} : memref<256xi32, #tpu.memory_space<vmem>>, vector<16xi32>,
      %add3A_1111 = arith.addi %scan3A_1063, %get3A_1110 : vector<16xi32>
      %get3A_1112 = arith.constant 240 : index
      %get3A_1113 = tpu.vector_load %arg10[%get3A_1112] {strides = array<i32>} : memref<256xi32, #tpu.memory_space<vmem>>, vector<16xi32>,
      %add3A_1114 = arith.addi %scan3A_1064, %get3A_1113 : vector<16xi32>
      scf.yield %add3A_1069, %add3A_1072, %add3A_1075, %add3A_1078, %add3A_1081, %add3A_1084, %add3A_1087, %add3A_1090, %add3A_1093, %add3A_1096, %add3A_1099, %add3A_1102, %add3A_1105, %add3A_1108, %add3A_1111, %add3A_1114 : vector<16xi32>, vector<16xi32>, vector<16xi32>, vector<16xi32>, vector<16xi32>, vector<16xi32>, vector<16xi32>, vector<16xi32>, vector<16xi32>, vector<16xi32>, vector<16xi32>, vector<16xi32>, vector<16xi32>, vector<16xi32>, vector<16xi32>, vector<16xi32>
    }
    %scan3A_540 = arith.constant 16 : i32
    %eq3A_541 = arith.constant 0 : i32
    %eq3A_542 = vector.broadcast %eq3A_541 : i32 to vector<16xi32>
    %eq3A_543 = arith.cmpi eq, %iota3A, %eq3A_542 : vector<16xi32>
    %reduce_sum3A_544 = arith.constant true
    %reduce_sum3A_545 = vector.broadcast %reduce_sum3A_544 : i1 to vector<16xi1>
    %reduce_sum3A_546 = tpu.scan <sum>, %scan3A_539#0 masked %reduce_sum3A_545 : vector<16xi32>, vector<16xi1> -> vector<16xi32>
    %reduce_sum3A_547 = vector.extract %reduce_sum3A_546[15] : i32 from vector<16xi32>
    %broadcast_in_dim3A_548 = vector.broadcast %reduce_sum3A_547 : i32 to vector<16xi32>
    %select_n3A_549 = arith.select %eq3A_543, %broadcast_in_dim3A_548, %broadcast_in_dim3A_526 : vector<16xi1>, vector<16xi32>
    %eq3A_550 = arith.constant 1 : i32
    %eq3A_551 = vector.broadcast %eq3A_550 : i32 to vector<16xi32>
    %eq3A_552 = arith.cmpi eq, %iota3A, %eq3A_551 : vector<16xi32>
    %reduce_sum3A_553 = arith.constant true
    %reduce_sum3A_554 = vector.broadcast %reduce_sum3A_553 : i1 to vector<16xi1>
    %reduce_sum3A_555 = tpu.scan <sum>, %scan3A_539#1 masked %reduce_sum3A_554 : vector<16xi32>, vector<16xi1> -> vector<16xi32>
    %reduce_sum3A_556 = vector.extract %reduce_sum3A_555[15] : i32 from vector<16xi32>
    %broadcast_in_dim3A_557 = vector.broadcast %reduce_sum3A_556 : i32 to vector<16xi32>
    %select_n3A_558 = arith.select %eq3A_552, %broadcast_in_dim3A_557, %select_n3A_549 : vector<16xi1>, vector<16xi32>
    %eq3A_559 = arith.constant 2 : i32
    %eq3A_560 = vector.broadcast %eq3A_559 : i32 to vector<16xi32>
    %eq3A_561 = arith.cmpi eq, %iota3A, %eq3A_560 : vector<16xi32>
    %reduce_sum3A_562 = arith.constant true
    %reduce_sum3A_563 = vector.broadcast %reduce_sum3A_562 : i1 to vector<16xi1>
    %reduce_sum3A_564 = tpu.scan <sum>, %scan3A_539#2 masked %reduce_sum3A_563 : vector<16xi32>, vector<16xi1> -> vector<16xi32>
    %reduce_sum3A_565 = vector.extract %reduce_sum3A_564[15] : i32 from vector<16xi32>
    %broadcast_in_dim3A_566 = vector.broadcast %reduce_sum3A_565 : i32 to vector<16xi32>
    %select_n3A_567 = arith.select %eq3A_561, %broadcast_in_dim3A_566, %select_n3A_558 : vector<16xi1>, vector<16xi32>
    %eq3A_568 = arith.constant 3 : i32
    %eq3A_569 = vector.broadcast %eq3A_568 : i32 to vector<16xi32>
    %eq3A_570 = arith.cmpi eq, %iota3A, %eq3A_569 : vector<16xi32>
    %reduce_sum3A_571 = arith.constant true
    %reduce_sum3A_572 = vector.broadcast %reduce_sum3A_571 : i1 to vector<16xi1>
    %reduce_sum3A_573 = tpu.scan <sum>, %scan3A_539#3 masked %reduce_sum3A_572 : vector<16xi32>, vector<16xi1> -> vector<16xi32>
    %reduce_sum3A_574 = vector.extract %reduce_sum3A_573[15] : i32 from vector<16xi32>
    %broadcast_in_dim3A_575 = vector.broadcast %reduce_sum3A_574 : i32 to vector<16xi32>
    %select_n3A_576 = arith.select %eq3A_570, %broadcast_in_dim3A_575, %select_n3A_567 : vector<16xi1>, vector<16xi32>
    %eq3A_577 = arith.constant 4 : i32
    %eq3A_578 = vector.broadcast %eq3A_577 : i32 to vector<16xi32>
    %eq3A_579 = arith.cmpi eq, %iota3A, %eq3A_578 : vector<16xi32>
    %reduce_sum3A_580 = arith.constant true
    %reduce_sum3A_581 = vector.broadcast %reduce_sum3A_580 : i1 to vector<16xi1>
    %reduce_sum3A_582 = tpu.scan <sum>, %scan3A_539#4 masked %reduce_sum3A_581 : vector<16xi32>, vector<16xi1> -> vector<16xi32>
    %reduce_sum3A_583 = vector.extract %reduce_sum3A_582[15] : i32 from vector<16xi32>
    %broadcast_in_dim3A_584 = vector.broadcast %reduce_sum3A_583 : i32 to vector<16xi32>
    %select_n3A_585 = arith.select %eq3A_579, %broadcast_in_dim3A_584, %select_n3A_576 : vector<16xi1>, vector<16xi32>
    %eq3A_586 = arith.constant 5 : i32
    %eq3A_587 = vector.broadcast %eq3A_586 : i32 to vector<16xi32>
    %eq3A_588 = arith.cmpi eq, %iota3A, %eq3A_587 : vector<16xi32>
    %reduce_sum3A_589 = arith.constant true
    %reduce_sum3A_590 = vector.broadcast %reduce_sum3A_589 : i1 to vector<16xi1>
    %reduce_sum3A_591 = tpu.scan <sum>, %scan3A_539#5 masked %reduce_sum3A_590 : vector<16xi32>, vector<16xi1> -> vector<16xi32>
    %reduce_sum3A_592 = vector.extract %reduce_sum3A_591[15] : i32 from vector<16xi32>
    %broadcast_in_dim3A_593 = vector.broadcast %reduce_sum3A_592 : i32 to vector<16xi32>
    %select_n3A_594 = arith.select %eq3A_588, %broadcast_in_dim3A_593, %select_n3A_585 : vector<16xi1>, vector<16xi32>
    %eq3A_595 = arith.constant 6 : i32
    %eq3A_596 = vector.broadcast %eq3A_595 : i32 to vector<16xi32>
    %eq3A_597 = arith.cmpi eq, %iota3A, %eq3A_596 : vector<16xi32>
    %reduce_sum3A_598 = arith.constant true
    %reduce_sum3A_599 = vector.broadcast %reduce_sum3A_598 : i1 to vector<16xi1>
    %reduce_sum3A_600 = tpu.scan <sum>, %scan3A_539#6 masked %reduce_sum3A_599 : vector<16xi32>, vector<16xi1> -> vector<16xi32>
    %reduce_sum3A_601 = vector.extract %reduce_sum3A_600[15] : i32 from vector<16xi32>
    %broadcast_in_dim3A_602 = vector.broadcast %reduce_sum3A_601 : i32 to vector<16xi32>
    %select_n3A_603 = arith.select %eq3A_597, %broadcast_in_dim3A_602, %select_n3A_594 : vector<16xi1>, vector<16xi32>
    %eq3A_604 = arith.constant 7 : i32
    %eq3A_605 = vector.broadcast %eq3A_604 : i32 to vector<16xi32>
    %eq3A_606 = arith.cmpi eq, %iota3A, %eq3A_605 : vector<16xi32>
    %reduce_sum3A_607 = arith.constant true
    %reduce_sum3A_608 = vector.broadcast %reduce_sum3A_607 : i1 to vector<16xi1>
    %reduce_sum3A_609 = tpu.scan <sum>, %scan3A_539#7 masked %reduce_sum3A_608 : vector<16xi32>, vector<16xi1> -> vector<16xi32>
    %reduce_sum3A_610 = vector.extract %reduce_sum3A_609[15] : i32 from vector<16xi32>
    %broadcast_in_dim3A_611 = vector.broadcast %reduce_sum3A_610 : i32 to vector<16xi32>
    %select_n3A_612 = arith.select %eq3A_606, %broadcast_in_dim3A_611, %select_n3A_603 : vector<16xi1>, vector<16xi32>
    %eq3A_613 = arith.constant 8 : i32
    %eq3A_614 = vector.broadcast %eq3A_613 : i32 to vector<16xi32>
    %eq3A_615 = arith.cmpi eq, %iota3A, %eq3A_614 : vector<16xi32>
    %reduce_sum3A_616 = arith.constant true
    %reduce_sum3A_617 = vector.broadcast %reduce_sum3A_616 : i1 to vector<16xi1>
    %reduce_sum3A_618 = tpu.scan <sum>, %scan3A_539#8 masked %reduce_sum3A_617 : vector<16xi32>, vector<16xi1> -> vector<16xi32>
    %reduce_sum3A_619 = vector.extract %reduce_sum3A_618[15] : i32 from vector<16xi32>
    %broadcast_in_dim3A_620 = vector.broadcast %reduce_sum3A_619 : i32 to vector<16xi32>
    %select_n3A_621 = arith.select %eq3A_615, %broadcast_in_dim3A_620, %select_n3A_612 : vector<16xi1>, vector<16xi32>
    %eq3A_622 = arith.constant 9 : i32
    %eq3A_623 = vector.broadcast %eq3A_622 : i32 to vector<16xi32>
    %eq3A_624 = arith.cmpi eq, %iota3A, %eq3A_623 : vector<16xi32>
    %reduce_sum3A_625 = arith.constant true
    %reduce_sum3A_626 = vector.broadcast %reduce_sum3A_625 : i1 to vector<16xi1>
    %reduce_sum3A_627 = tpu.scan <sum>, %scan3A_539#9 masked %reduce_sum3A_626 : vector<16xi32>, vector<16xi1> -> vector<16xi32>
    %reduce_sum3A_628 = vector.extract %reduce_sum3A_627[15] : i32 from vector<16xi32>
    %broadcast_in_dim3A_629 = vector.broadcast %reduce_sum3A_628 : i32 to vector<16xi32>
    %select_n3A_630 = arith.select %eq3A_624, %broadcast_in_dim3A_629, %select_n3A_621 : vector<16xi1>, vector<16xi32>
    %eq3A_631 = arith.constant 10 : i32
    %eq3A_632 = vector.broadcast %eq3A_631 : i32 to vector<16xi32>
    %eq3A_633 = arith.cmpi eq, %iota3A, %eq3A_632 : vector<16xi32>
    %reduce_sum3A_634 = arith.constant true
    %reduce_sum3A_635 = vector.broadcast %reduce_sum3A_634 : i1 to vector<16xi1>
    %reduce_sum3A_636 = tpu.scan <sum>, %scan3A_539#10 masked %reduce_sum3A_635 : vector<16xi32>, vector<16xi1> -> vector<16xi32>
    %reduce_sum3A_637 = vector.extract %reduce_sum3A_636[15] : i32 from vector<16xi32>
    %broadcast_in_dim3A_638 = vector.broadcast %reduce_sum3A_637 : i32 to vector<16xi32>
    %select_n3A_639 = arith.select %eq3A_633, %broadcast_in_dim3A_638, %select_n3A_630 : vector<16xi1>, vector<16xi32>
    %eq3A_640 = arith.constant 11 : i32
    %eq3A_641 = vector.broadcast %eq3A_640 : i32 to vector<16xi32>
    %eq3A_642 = arith.cmpi eq, %iota3A, %eq3A_641 : vector<16xi32>
    %reduce_sum3A_643 = arith.constant true
    %reduce_sum3A_644 = vector.broadcast %reduce_sum3A_643 : i1 to vector<16xi1>
    %reduce_sum3A_645 = tpu.scan <sum>, %scan3A_539#11 masked %reduce_sum3A_644 : vector<16xi32>, vector<16xi1> -> vector<16xi32>
    %reduce_sum3A_646 = vector.extract %reduce_sum3A_645[15] : i32 from vector<16xi32>
    %broadcast_in_dim3A_647 = vector.broadcast %reduce_sum3A_646 : i32 to vector<16xi32>
    %select_n3A_648 = arith.select %eq3A_642, %broadcast_in_dim3A_647, %select_n3A_639 : vector<16xi1>, vector<16xi32>
    %eq3A_649 = arith.constant 12 : i32
    %eq3A_650 = vector.broadcast %eq3A_649 : i32 to vector<16xi32>
    %eq3A_651 = arith.cmpi eq, %iota3A, %eq3A_650 : vector<16xi32>
    %reduce_sum3A_652 = arith.constant true
    %reduce_sum3A_653 = vector.broadcast %reduce_sum3A_652 : i1 to vector<16xi1>
    %reduce_sum3A_654 = tpu.scan <sum>, %scan3A_539#12 masked %reduce_sum3A_653 : vector<16xi32>, vector<16xi1> -> vector<16xi32>
    %reduce_sum3A_655 = vector.extract %reduce_sum3A_654[15] : i32 from vector<16xi32>
    %broadcast_in_dim3A_656 = vector.broadcast %reduce_sum3A_655 : i32 to vector<16xi32>
    %select_n3A_657 = arith.select %eq3A_651, %broadcast_in_dim3A_656, %select_n3A_648 : vector<16xi1>, vector<16xi32>
    %eq3A_658 = arith.constant 13 : i32
    %eq3A_659 = vector.broadcast %eq3A_658 : i32 to vector<16xi32>
    %eq3A_660 = arith.cmpi eq, %iota3A, %eq3A_659 : vector<16xi32>
    %reduce_sum3A_661 = arith.constant true
    %reduce_sum3A_662 = vector.broadcast %reduce_sum3A_661 : i1 to vector<16xi1>
    %reduce_sum3A_663 = tpu.scan <sum>, %scan3A_539#13 masked %reduce_sum3A_662 : vector<16xi32>, vector<16xi1> -> vector<16xi32>
    %reduce_sum3A_664 = vector.extract %reduce_sum3A_663[15] : i32 from vector<16xi32>
    %broadcast_in_dim3A_665 = vector.broadcast %reduce_sum3A_664 : i32 to vector<16xi32>
    %select_n3A_666 = arith.select %eq3A_660, %broadcast_in_dim3A_665, %select_n3A_657 : vector<16xi1>, vector<16xi32>
    %eq3A_667 = arith.constant 14 : i32
    %eq3A_668 = vector.broadcast %eq3A_667 : i32 to vector<16xi32>
    %eq3A_669 = arith.cmpi eq, %iota3A, %eq3A_668 : vector<16xi32>
    %reduce_sum3A_670 = arith.constant true
    %reduce_sum3A_671 = vector.broadcast %reduce_sum3A_670 : i1 to vector<16xi1>
    %reduce_sum3A_672 = tpu.scan <sum>, %scan3A_539#14 masked %reduce_sum3A_671 : vector<16xi32>, vector<16xi1> -> vector<16xi32>
    %reduce_sum3A_673 = vector.extract %reduce_sum3A_672[15] : i32 from vector<16xi32>
    %broadcast_in_dim3A_674 = vector.broadcast %reduce_sum3A_673 : i32 to vector<16xi32>
    %select_n3A_675 = arith.select %eq3A_669, %broadcast_in_dim3A_674, %select_n3A_666 : vector<16xi1>, vector<16xi32>
    %eq3A_676 = arith.constant 15 : i32
    %eq3A_677 = vector.broadcast %eq3A_676 : i32 to vector<16xi32>
    %eq3A_678 = arith.cmpi eq, %iota3A, %eq3A_677 : vector<16xi32>
    %reduce_sum3A_679 = arith.constant true
    %reduce_sum3A_680 = vector.broadcast %reduce_sum3A_679 : i1 to vector<16xi1>
    %reduce_sum3A_681 = tpu.scan <sum>, %scan3A_539#15 masked %reduce_sum3A_680 : vector<16xi32>, vector<16xi1> -> vector<16xi32>
    %reduce_sum3A_682 = vector.extract %reduce_sum3A_681[15] : i32 from vector<16xi32>
    %broadcast_in_dim3A_683 = vector.broadcast %reduce_sum3A_682 : i32 to vector<16xi32>
    %select_n3A_684 = arith.select %eq3A_678, %broadcast_in_dim3A_683, %select_n3A_675 : vector<16xi1>, vector<16xi32>
    %swap3A_685 = arith.constant 0 : index
    %swap3A_686 = tpu.vector_load %arg11[%swap3A_685] {strides = array<i32>} : memref<16xi32, #tpu.memory_space<vmem>>, vector<16xi32>,
    tpu.vector_store %arg11[%swap3A_685], %select_n3A_684 {strides = array<i32>} : memref<16xi32, #tpu.memory_space<vmem>>, vector<16xi32>,
    %mul3A_687 = arith.constant 16 : i32
    %mul3A_688 = arith.muli %arg1, %mul3A_687 : i32
    "tpu.region"() ({
      %run_scoped3A = tpu.sem_alloc : memref<!tpu.dma_semaphore, #tpu.memory_space<semaphore_mem>>
      %dma_start3A = tpu.memref_slice %arg15[%mul3A_688] : memref<256xi32, #tpu.memory_space<vmem_shared>> -> memref<16xi32, #tpu.memory_space<vmem_shared>>
      %dma_start3A_1048 = tpu.memref_slice %arg15[%mul3A_688] : memref<256xi32, #tpu.memory_space<vmem_shared>> -> memref<16xi32, #tpu.memory_space<vmem_shared>>
      tpu.enqueue_dma source(%arg11 : memref<16xi32, #tpu.memory_space<vmem>>) target(%dma_start3A_1048 : memref<16xi32, #tpu.memory_space<vmem_shared>>) target_semaphore(%run_scoped3A : memref<!tpu.dma_semaphore, #tpu.memory_space<semaphore_mem>>)
      %dma_wait3A = tpu.memref_slice %arg15[%mul3A_688] : memref<256xi32, #tpu.memory_space<vmem_shared>> -> memref<16xi32, #tpu.memory_space<vmem_shared>>
      %dma_wait3A_1049 = tpu.memref_slice %arg15[%mul3A_688] : memref<256xi32, #tpu.memory_space<vmem_shared>> -> memref<16xi32, #tpu.memory_space<vmem_shared>>
      tpu.wait_dma2 semaphore(%run_scoped3A : memref<!tpu.dma_semaphore, #tpu.memory_space<semaphore_mem>>) src(%arg11 : memref<16xi32, #tpu.memory_space<vmem>>) dst(%dma_wait3A_1049 : memref<16xi32, #tpu.memory_space<vmem_shared>>)
      tpu.yield
    }) : () -> ()
    %barrier3A_689 = arith.constant 0 : index
    tpu.barrier barrier_id(%barrier3A_689)
    "tpu.region"() ({
      %run_scoped3A = tpu.sem_alloc : memref<!tpu.dma_semaphore, #tpu.memory_space<semaphore_mem>>
      tpu.enqueue_dma source(%arg15 : memref<256xi32, #tpu.memory_space<vmem_shared>>) target(%arg12 : memref<256xi32, #tpu.memory_space<vmem>>) target_semaphore(%run_scoped3A : memref<!tpu.dma_semaphore, #tpu.memory_space<semaphore_mem>>)
      tpu.wait_dma2 semaphore(%run_scoped3A : memref<!tpu.dma_semaphore, #tpu.memory_space<semaphore_mem>>) src(%arg15 : memref<256xi32, #tpu.memory_space<vmem_shared>>) dst(%arg12 : memref<256xi32, #tpu.memory_space<vmem>>)
      tpu.yield
    }) : () -> ()
    %scan3A_690 = arith.constant 0 : i32
    %scan3A_691 = arith.constant 16 : i32
    %scan3A_692 = arith.addi %scan3A_690, %scan3A_691 : i32
    %scan3A_693 = arith.constant 1 : i32
    %scan3A_694 = scf.for %scan3A_1048 = %scan3A_690 to %scan3A_692 step %scan3A_693 iter_args(%scan3A_1049 = %broadcast_in_dim3A_526) -> (vector<16xi32>)  : i32 {
      %eq3A_1050 = vector.broadcast %scan3A_1048 : i32 to vector<16xi32>
      %eq3A_1051 = arith.cmpi eq, %iota3A, %eq3A_1050 : vector<16xi32>
      %mul3A_1052 = arith.constant 16 : i32
      %mul3A_1053 = arith.muli %scan3A_1048, %mul3A_1052 : i32
      %get3A_1054 = arith.index_cast %mul3A_1053 : i32 to index
      %get3A_1055 = tpu.vector_load %arg12[%get3A_1054] {strides = array<i32>} : memref<256xi32, #tpu.memory_space<vmem>>, vector<16xi32>,
      %reduce_sum3A_1056 = arith.constant true
      %reduce_sum3A_1057 = vector.broadcast %reduce_sum3A_1056 : i1 to vector<16xi1>
      %reduce_sum3A_1058 = tpu.scan <sum>, %get3A_1055 masked %reduce_sum3A_1057 : vector<16xi32>, vector<16xi1> -> vector<16xi32>
      %reduce_sum3A_1059 = vector.extract %reduce_sum3A_1058[15] : i32 from vector<16xi32>
      %broadcast_in_dim3A_1060 = vector.broadcast %reduce_sum3A_1059 : i32 to vector<16xi32>
      %select_n3A_1061 = arith.select %eq3A_1051, %broadcast_in_dim3A_1060, %scan3A_1049 : vector<16xi1>, vector<16xi32>
      scf.yield %select_n3A_1061 : vector<16xi32>
    }
    %scan3A_695 = arith.constant 16 : i32
    %rev3A_696 = arith.constant 15 : i32
    %rev3A_697 = vector.broadcast %rev3A_696 : i32 to vector<16xi32>
    %rev3A_698 = tpu.iota {dimensions = array<i32: 0>} : vector<16xi32>
    %rev3A_699 = arith.subi %rev3A_697, %rev3A_698 : vector<16xi32>
    %rev3A_700 = tpu.dynamic_gather %scan3A_694[%rev3A_699] in [0] : vector<16xi32>, vector<16xi32> -> vector<16xi32>
    %broadcast_in_dim3A_701 = arith.constant true
    %broadcast_in_dim3A_702 = vector.broadcast %broadcast_in_dim3A_701 : i1 to vector<16xi1>
    %masked_cumsum3A_703 = tpu.scan <sum>, %rev3A_700 masked %broadcast_in_dim3A_702 : vector<16xi32>, vector<16xi1> -> vector<16xi32>
    %ge3A_704 = vector.broadcast %sub3A_502 : i32 to vector<16xi32>
    %ge3A_705 = arith.cmpi sge, %masked_cumsum3A_703, %ge3A_704 : vector<16xi32>
    %all_reduce_ffs3A_706 = tpu.all_reduce %ge3A_705 {dim = 0 : i64, kind = #tpu.reduction_kind<find_first_set>} : vector<16xi1> -> vector<16xi32>
    %slice3A_707 = vector.extract_strided_slice %all_reduce_ffs3A_706 {offsets = [0], sizes = [1], strides = [1]} : vector<16xi32> to vector<1xi32>
    %squeeze3A_708 = vector.extract %slice3A_707[0] : i32 from vector<1xi32>
    %eq3A_709 = vector.broadcast %squeeze3A_708 : i32 to vector<16xi32>
    %eq3A_710 = arith.cmpi eq, %iota3A, %eq3A_709 : vector<16xi32>
    %jit3A_711 = arith.constant 0 : i32
    %broadcast_in_dim3A_712 = vector.broadcast %jit3A_711 : i32 to vector<16xi32>
    %select_n3A_713 = arith.select %eq3A_710, %masked_cumsum3A_703, %broadcast_in_dim3A_712 : vector<16xi1>, vector<16xi32>
    %reduce_sum3A_714 = arith.constant true
    %reduce_sum3A_715 = vector.broadcast %reduce_sum3A_714 : i1 to vector<16xi1>
    %reduce_sum3A_716 = tpu.scan <sum>, %select_n3A_713 masked %reduce_sum3A_715 : vector<16xi32>, vector<16xi1> -> vector<16xi32>
    %reduce_sum3A_717 = vector.extract %reduce_sum3A_716[15] : i32 from vector<16xi32>
    %jit3A_718 = arith.constant 0 : i32
    %broadcast_in_dim3A_719 = vector.broadcast %jit3A_718 : i32 to vector<16xi32>
    %select_n3A_720 = arith.select %eq3A_710, %rev3A_700, %broadcast_in_dim3A_719 : vector<16xi1>, vector<16xi32>
    %reduce_sum3A_721 = arith.constant true
    %reduce_sum3A_722 = vector.broadcast %reduce_sum3A_721 : i1 to vector<16xi1>
    %reduce_sum3A_723 = tpu.scan <sum>, %select_n3A_720 masked %reduce_sum3A_722 : vector<16xi32>, vector<16xi1> -> vector<16xi32>
    %reduce_sum3A_724 = vector.extract %reduce_sum3A_723[15] : i32 from vector<16xi32>
    %sub3A_725 = arith.constant 15 : i32
    %sub3A_726 = arith.subi %sub3A_725, %squeeze3A_708 : i32
    %sub3A_727 = arith.subi %reduce_sum3A_717, %reduce_sum3A_724 : i32
    %sub3A_728 = arith.subi %sub3A_502, %sub3A_727 : i32
    %mul3A_729 = arith.constant 16 : i32
    %mul3A_730 = arith.muli %sub3A_726, %mul3A_729 : i32
    %get3A_731 = arith.index_cast %mul3A_730 : i32 to index
    %get3A_732 = tpu.vector_load %arg12[%get3A_731] {strides = array<i32>} : memref<256xi32, #tpu.memory_space<vmem>>, vector<16xi32>,
    %rev3A_733 = arith.constant 15 : i32
    %rev3A_734 = vector.broadcast %rev3A_733 : i32 to vector<16xi32>
    %rev3A_735 = tpu.iota {dimensions = array<i32: 0>} : vector<16xi32>
    %rev3A_736 = arith.subi %rev3A_734, %rev3A_735 : vector<16xi32>
    %rev3A_737 = tpu.dynamic_gather %get3A_732[%rev3A_736] in [0] : vector<16xi32>, vector<16xi32> -> vector<16xi32>
    %broadcast_in_dim3A_738 = arith.constant true
    %broadcast_in_dim3A_739 = vector.broadcast %broadcast_in_dim3A_738 : i1 to vector<16xi1>
    %masked_cumsum3A_740 = tpu.scan <sum>, %rev3A_737 masked %broadcast_in_dim3A_739 : vector<16xi32>, vector<16xi1> -> vector<16xi32>
    %ge3A_741 = vector.broadcast %sub3A_728 : i32 to vector<16xi32>
    %ge3A_742 = arith.cmpi sge, %masked_cumsum3A_740, %ge3A_741 : vector<16xi32>
    %all_reduce_ffs3A_743 = tpu.all_reduce %ge3A_742 {dim = 0 : i64, kind = #tpu.reduction_kind<find_first_set>} : vector<16xi1> -> vector<16xi32>
    %slice3A_744 = vector.extract_strided_slice %all_reduce_ffs3A_743 {offsets = [0], sizes = [1], strides = [1]} : vector<16xi32> to vector<1xi32>
    %squeeze3A_745 = vector.extract %slice3A_744[0] : i32 from vector<1xi32>
    %eq3A_746 = vector.broadcast %squeeze3A_745 : i32 to vector<16xi32>
    %eq3A_747 = arith.cmpi eq, %iota3A, %eq3A_746 : vector<16xi32>
    %jit3A_748 = arith.constant 0 : i32
    %broadcast_in_dim3A_749 = vector.broadcast %jit3A_748 : i32 to vector<16xi32>
    %select_n3A_750 = arith.select %eq3A_747, %masked_cumsum3A_740, %broadcast_in_dim3A_749 : vector<16xi1>, vector<16xi32>
    %reduce_sum3A_751 = arith.constant true
    %reduce_sum3A_752 = vector.broadcast %reduce_sum3A_751 : i1 to vector<16xi1>
    %reduce_sum3A_753 = tpu.scan <sum>, %select_n3A_750 masked %reduce_sum3A_752 : vector<16xi32>, vector<16xi1> -> vector<16xi32>
    %reduce_sum3A_754 = vector.extract %reduce_sum3A_753[15] : i32 from vector<16xi32>
    %jit3A_755 = arith.constant 0 : i32
    %broadcast_in_dim3A_756 = vector.broadcast %jit3A_755 : i32 to vector<16xi32>
    %select_n3A_757 = arith.select %eq3A_747, %rev3A_737, %broadcast_in_dim3A_756 : vector<16xi1>, vector<16xi32>
    %reduce_sum3A_758 = arith.constant true
    %reduce_sum3A_759 = vector.broadcast %reduce_sum3A_758 : i1 to vector<16xi1>
    %reduce_sum3A_760 = tpu.scan <sum>, %select_n3A_757 masked %reduce_sum3A_759 : vector<16xi32>, vector<16xi1> -> vector<16xi32>
    %reduce_sum3A_761 = vector.extract %reduce_sum3A_760[15] : i32 from vector<16xi32>
    %sub3A_762 = arith.constant 15 : i32
    %sub3A_763 = arith.subi %sub3A_762, %squeeze3A_745 : i32
    %sub3A_764 = arith.subi %reduce_sum3A_754, %reduce_sum3A_761 : i32
    %sub3A_765 = arith.subi %sub3A_728, %sub3A_764 : i32
    %mul3A_766 = arith.constant 16 : i32
    %mul3A_767 = arith.muli %sub3A_726, %mul3A_766 : i32
    %add3A_768 = arith.addi %mul3A_767, %sub3A_763 : i32
    %add3A_769 = vector.broadcast %add3A_768 : i32 to vector<16xi32>
    %add3A_770 = arith.addi %broadcast_in_dim3A_1, %add3A_769 : vector<16xi32>
    %slice3A_771 = vector.extract_strided_slice %while3A_522 {offsets = [0], sizes = [1], strides = [1]} : vector<16xi32> to vector<1xi32>
    %squeeze3A_772 = vector.extract %slice3A_771[0] : i32 from vector<1xi32>
    %add3A_773 = arith.constant 15 : i32
    %add3A_774 = arith.addi %squeeze3A_772, %add3A_773 : i32
    %shift_right_arithmetic3A_775 = arith.constant 4 : i32
    %shift_right_arithmetic3A_776 = arith.shrsi %add3A_774, %shift_right_arithmetic3A_775 : i32
    %while3A_777 = arith.constant 0 : i32
    %while3A_778 = arith.subi %shift_right_arithmetic3A_776, %while3A_777 : i32
    %while3A_779 = arith.addi %while3A_777, %while3A_778 : i32
    %while3A_780 = arith.constant 1 : i32
    %while3A_781 = arith.divsi %while3A_778, %while3A_780 : i32
    %while3A_782 = arith.muli %while3A_781, %while3A_780 : i32
    %while3A_783 = arith.addi %while3A_777, %while3A_782 : i32
    %while3A_784 = arith.constant 1 : i32
    %while3A_785 = scf.for %while3A_1048 = %while3A_777 to %while3A_783 step %while3A_784 iter_args(%while3A_1049 = %broadcast_in_dim3A_1) -> (vector<16xi32>)  : i32 {
      %mul3A_1050 = arith.constant 16 : i32
      %mul3A_1051 = arith.muli %while3A_1048, %mul3A_1050 : i32
      %add3A_1052 = vector.broadcast %mul3A_1051 : i32 to vector<16xi32>
      %add3A_1053 = arith.addi %add3A_1052, %iota3A : vector<16xi32>
      %lt3A = arith.cmpi slt, %add3A_1053, %while3A_522 : vector<16xi32>
      %get3A_1054 = arith.index_cast %mul3A_1051 : i32 to index
      %get3A_1055 = tpu.vector_load %arg9[%get3A_1054] {strides = array<i32>} : memref<16384xi32, #tpu.memory_space<vmem>>, vector<16xi32>,
      %shift_right_arithmetic3A_1056 = arith.constant 8 : i32
      %shift_right_arithmetic3A_1057 = vector.broadcast %shift_right_arithmetic3A_1056 : i32 to vector<16xi32>
      %shift_right_arithmetic3A_1058 = arith.shrsi %get3A_1055, %shift_right_arithmetic3A_1057 : vector<16xi32>
      %and3A = arith.constant 255 : i32
      %and3A_1059 = vector.broadcast %and3A : i32 to vector<16xi32>
      %and3A_1060 = arith.andi %shift_right_arithmetic3A_1058, %and3A_1059 : vector<16xi32>
      %eq3A_1061 = arith.cmpi eq, %and3A_1060, %add3A_770 : vector<16xi32>
      %and3A_1062 = arith.andi %lt3A, %eq3A_1061 : vector<16xi1>
      %lt3A_1063 = arith.constant 16369 : i32
      %lt3A_1064 = vector.broadcast %lt3A_1063 : i32 to vector<16xi32>
      %lt3A_1065 = arith.cmpi slt, %while3A_1049, %lt3A_1064 : vector<16xi32>
      %and3A_1066 = arith.andi %and3A_1062, %lt3A_1065 : vector<16xi1>
      %shift_right_arithmetic3A_1067 = arith.constant 0 : i32
      %shift_right_arithmetic3A_1068 = vector.broadcast %shift_right_arithmetic3A_1067 : i32 to vector<16xi32>
      %shift_right_arithmetic3A_1069 = arith.shrsi %get3A_1055, %shift_right_arithmetic3A_1068 : vector<16xi32>
      %and3A_1070 = arith.constant 255 : i32
      %and3A_1071 = vector.broadcast %and3A_1070 : i32 to vector<16xi32>
      %and3A_1072 = arith.andi %shift_right_arithmetic3A_1069, %and3A_1071 : vector<16xi32>
      %mul3A_1073 = arith.constant 16 : i32
      %mul3A_1074 = vector.broadcast %mul3A_1073 : i32 to vector<16xi32>
      %mul3A_1075 = arith.muli %and3A_1072, %mul3A_1074 : vector<16xi32>
      %add3A_1076 = arith.addi %mul3A_1075, %iota3A : vector<16xi32>
      tpu.vector_store_idx %arg8[%add3A_1076], %broadcast_in_dim3A_3 masked %and3A_1066 {add = true} : memref<4096xi32, #tpu.memory_space<vmem>>[vector<16xi32>], vector<16xi32>, vector<16xi1>
      %jit3A_1077 = arith.constant 1 : i32
      %jit3A_1078 = arith.constant 0 : i32
      %broadcast_in_dim3A_1079 = vector.broadcast %jit3A_1077 : i32 to vector<16xi32>
      %broadcast_in_dim3A_1080 = vector.broadcast %jit3A_1078 : i32 to vector<16xi32>
      %select_n3A_1081 = arith.select %and3A_1066, %broadcast_in_dim3A_1079, %broadcast_in_dim3A_1080 : vector<16xi1>, vector<16xi32>
      %broadcast_in_dim3A_1082 = arith.constant true
      %broadcast_in_dim3A_1083 = vector.broadcast %broadcast_in_dim3A_1082 : i1 to vector<16xi1>
      %masked_cumsum3A_1084 = tpu.scan <sum>, %select_n3A_1081 masked %broadcast_in_dim3A_1083 : vector<16xi32>, vector<16xi1> -> vector<16xi32>
      %add3A_1085 = arith.addi %while3A_1049, %masked_cumsum3A_1084 : vector<16xi32>
      %sub3A_1086 = arith.constant 1 : i32
      %sub3A_1087 = vector.broadcast %sub3A_1086 : i32 to vector<16xi32>
      %sub3A_1088 = arith.subi %add3A_1085, %sub3A_1087 : vector<16xi32>
      tpu.vector_store_idx %arg9[%sub3A_1088], %get3A_1055 masked %and3A_1066 : memref<16384xi32, #tpu.memory_space<vmem>>[vector<16xi32>], vector<16xi32>, vector<16xi1>
      %all_reduce_population_count3A = tpu.all_reduce %and3A_1066 {dim = 0 : i64, kind = #tpu.reduction_kind<sum>} : vector<16xi1> -> vector<16xi32>
      %add3A_1089 = arith.addi %while3A_1049, %all_reduce_population_count3A : vector<16xi32>
      scf.yield %add3A_1089 : vector<16xi32>
    }
    %while3A_786 = arith.constant 1 : i32
    %while3A_787 = scf.for %while3A_1048 = %while3A_783 to %while3A_779 step %while3A_786 iter_args(%while3A_1049 = %while3A_785) -> (vector<16xi32>)  : i32 {
      %mul3A_1050 = arith.constant 16 : i32
      %mul3A_1051 = arith.muli %while3A_1048, %mul3A_1050 : i32
      %add3A_1052 = vector.broadcast %mul3A_1051 : i32 to vector<16xi32>
      %add3A_1053 = arith.addi %add3A_1052, %iota3A : vector<16xi32>
      %lt3A = arith.cmpi slt, %add3A_1053, %while3A_522 : vector<16xi32>
      %get3A_1054 = arith.index_cast %mul3A_1051 : i32 to index
      %get3A_1055 = tpu.vector_load %arg9[%get3A_1054] {strides = array<i32>} : memref<16384xi32, #tpu.memory_space<vmem>>, vector<16xi32>,
      %shift_right_arithmetic3A_1056 = arith.constant 8 : i32
      %shift_right_arithmetic3A_1057 = vector.broadcast %shift_right_arithmetic3A_1056 : i32 to vector<16xi32>
      %shift_right_arithmetic3A_1058 = arith.shrsi %get3A_1055, %shift_right_arithmetic3A_1057 : vector<16xi32>
      %and3A = arith.constant 255 : i32
      %and3A_1059 = vector.broadcast %and3A : i32 to vector<16xi32>
      %and3A_1060 = arith.andi %shift_right_arithmetic3A_1058, %and3A_1059 : vector<16xi32>
      %eq3A_1061 = arith.cmpi eq, %and3A_1060, %add3A_770 : vector<16xi32>
      %and3A_1062 = arith.andi %lt3A, %eq3A_1061 : vector<16xi1>
      %lt3A_1063 = arith.constant 16369 : i32
      %lt3A_1064 = vector.broadcast %lt3A_1063 : i32 to vector<16xi32>
      %lt3A_1065 = arith.cmpi slt, %while3A_1049, %lt3A_1064 : vector<16xi32>
      %and3A_1066 = arith.andi %and3A_1062, %lt3A_1065 : vector<16xi1>
      %shift_right_arithmetic3A_1067 = arith.constant 0 : i32
      %shift_right_arithmetic3A_1068 = vector.broadcast %shift_right_arithmetic3A_1067 : i32 to vector<16xi32>
      %shift_right_arithmetic3A_1069 = arith.shrsi %get3A_1055, %shift_right_arithmetic3A_1068 : vector<16xi32>
      %and3A_1070 = arith.constant 255 : i32
      %and3A_1071 = vector.broadcast %and3A_1070 : i32 to vector<16xi32>
      %and3A_1072 = arith.andi %shift_right_arithmetic3A_1069, %and3A_1071 : vector<16xi32>
      %mul3A_1073 = arith.constant 16 : i32
      %mul3A_1074 = vector.broadcast %mul3A_1073 : i32 to vector<16xi32>
      %mul3A_1075 = arith.muli %and3A_1072, %mul3A_1074 : vector<16xi32>
      %add3A_1076 = arith.addi %mul3A_1075, %iota3A : vector<16xi32>
      tpu.vector_store_idx %arg8[%add3A_1076], %broadcast_in_dim3A_3 masked %and3A_1066 {add = true} : memref<4096xi32, #tpu.memory_space<vmem>>[vector<16xi32>], vector<16xi32>, vector<16xi1>
      %jit3A_1077 = arith.constant 1 : i32
      %jit3A_1078 = arith.constant 0 : i32
      %broadcast_in_dim3A_1079 = vector.broadcast %jit3A_1077 : i32 to vector<16xi32>
      %broadcast_in_dim3A_1080 = vector.broadcast %jit3A_1078 : i32 to vector<16xi32>
      %select_n3A_1081 = arith.select %and3A_1066, %broadcast_in_dim3A_1079, %broadcast_in_dim3A_1080 : vector<16xi1>, vector<16xi32>
      %broadcast_in_dim3A_1082 = arith.constant true
      %broadcast_in_dim3A_1083 = vector.broadcast %broadcast_in_dim3A_1082 : i1 to vector<16xi1>
      %masked_cumsum3A_1084 = tpu.scan <sum>, %select_n3A_1081 masked %broadcast_in_dim3A_1083 : vector<16xi32>, vector<16xi1> -> vector<16xi32>
      %add3A_1085 = arith.addi %while3A_1049, %masked_cumsum3A_1084 : vector<16xi32>
      %sub3A_1086 = arith.constant 1 : i32
      %sub3A_1087 = vector.broadcast %sub3A_1086 : i32 to vector<16xi32>
      %sub3A_1088 = arith.subi %add3A_1085, %sub3A_1087 : vector<16xi32>
      tpu.vector_store_idx %arg9[%sub3A_1088], %get3A_1055 masked %and3A_1066 : memref<16384xi32, #tpu.memory_space<vmem>>[vector<16xi32>], vector<16xi32>, vector<16xi1>
      %all_reduce_population_count3A = tpu.all_reduce %and3A_1066 {dim = 0 : i64, kind = #tpu.reduction_kind<sum>} : vector<16xi1> -> vector<16xi32>
      %add3A_1089 = arith.addi %while3A_1049, %all_reduce_population_count3A : vector<16xi32>
      scf.yield %add3A_1089 : vector<16xi32>
    }
    %shift_left3A_788 = arith.constant 8 : i32
    %shift_left3A_789 = arith.shli %add3A_768, %shift_left3A_788 : i32
    %or3A_790 = arith.ori %or3A, %shift_left3A_789 : i32
    %broadcast_in_dim3A_791 = arith.constant 0 : i32
    %broadcast_in_dim3A_792 = vector.broadcast %broadcast_in_dim3A_791 : i32 to vector<16xi32>
    "tpu.region"() ({
      %run_scoped3A = tpu.sem_alloc : memref<!tpu.dma_semaphore, #tpu.memory_space<semaphore_mem>>
      %dma_start3A = arith.constant 0 : i32
      %dma_start3A_1048 = tpu.memref_slice %arg14[%arg1, %dma_start3A] : memref<16x4096xi32, #tpu.memory_space<vmem_shared>> -> memref<1x4096xi32, #tpu.memory_space<vmem_shared>>
      %dma_start3A_1049 = tpu.memref_squeeze %dma_start3A_1048 : memref<1x4096xi32, #tpu.memory_space<vmem_shared>> -> memref<4096xi32, #tpu.memory_space<vmem_shared>>
      %dma_start3A_1050 = arith.constant 0 : i32
      %dma_start3A_1051 = tpu.memref_slice %arg14[%arg1, %dma_start3A_1050] : memref<16x4096xi32, #tpu.memory_space<vmem_shared>> -> memref<1x4096xi32, #tpu.memory_space<vmem_shared>>
      %dma_start3A_1052 = tpu.memref_squeeze %dma_start3A_1051 : memref<1x4096xi32, #tpu.memory_space<vmem_shared>> -> memref<4096xi32, #tpu.memory_space<vmem_shared>>
      tpu.enqueue_dma source(%arg8 : memref<4096xi32, #tpu.memory_space<vmem>>) target(%dma_start3A_1052 : memref<4096xi32, #tpu.memory_space<vmem_shared>>) target_semaphore(%run_scoped3A : memref<!tpu.dma_semaphore, #tpu.memory_space<semaphore_mem>>)
      %dma_wait3A = arith.constant 0 : i32
      %dma_wait3A_1053 = tpu.memref_slice %arg14[%arg1, %dma_wait3A] : memref<16x4096xi32, #tpu.memory_space<vmem_shared>> -> memref<1x4096xi32, #tpu.memory_space<vmem_shared>>
      %dma_wait3A_1054 = tpu.memref_squeeze %dma_wait3A_1053 : memref<1x4096xi32, #tpu.memory_space<vmem_shared>> -> memref<4096xi32, #tpu.memory_space<vmem_shared>>
      %dma_wait3A_1055 = arith.constant 0 : i32
      %dma_wait3A_1056 = tpu.memref_slice %arg14[%arg1, %dma_wait3A_1055] : memref<16x4096xi32, #tpu.memory_space<vmem_shared>> -> memref<1x4096xi32, #tpu.memory_space<vmem_shared>>
      %dma_wait3A_1057 = tpu.memref_squeeze %dma_wait3A_1056 : memref<1x4096xi32, #tpu.memory_space<vmem_shared>> -> memref<4096xi32, #tpu.memory_space<vmem_shared>>
      tpu.wait_dma2 semaphore(%run_scoped3A : memref<!tpu.dma_semaphore, #tpu.memory_space<semaphore_mem>>) src(%arg8 : memref<4096xi32, #tpu.memory_space<vmem>>) dst(%dma_wait3A_1057 : memref<4096xi32, #tpu.memory_space<vmem_shared>>)
      tpu.yield
    }) : () -> ()
    %scan3A_793 = arith.constant 0 : i32
    %scan3A_794 = arith.constant 0 : i32
    %scan3A_795 = arith.constant 256 : i32
    %scan3A_796 = arith.addi %scan3A_794, %scan3A_795 : i32
    %scan3A_797 = arith.constant 1 : i32
    %scan3A_798 = scf.for %scan3A_1048 = %scan3A_794 to %scan3A_796 step %scan3A_797 iter_args(%scan3A_1049 = %scan3A_793) -> (i32)  : i32 {
      %mul3A_1050 = arith.constant 16 : i32
      %mul3A_1051 = arith.muli %scan3A_1048, %mul3A_1050 : i32
      %swap3A_1052 = arith.index_cast %mul3A_1051 : i32 to index
      %swap3A_1053 = tpu.vector_load %arg8[%swap3A_1052] {strides = array<i32>} : memref<4096xi32, #tpu.memory_space<vmem>>, vector<16xi32>,
      tpu.vector_store %arg8[%swap3A_1052], %broadcast_in_dim3A_792 {strides = array<i32>} : memref<4096xi32, #tpu.memory_space<vmem>>, vector<16xi32>,
      %scan3A_1054 = arith.constant 0 : i32
      scf.yield %scan3A_1054 : i32
    }
    %scan3A_799 = arith.constant 256 : i32
    %barrier3A_800 = arith.constant 0 : index
    tpu.barrier barrier_id(%barrier3A_800)
    %scan3A_801 = arith.constant 0 : i32
    %scan3A_802 = arith.constant 16 : i32
    %scan3A_803 = arith.addi %scan3A_801, %scan3A_802 : i32
    %scan3A_804 = arith.constant 1 : i32
    %scan3A_805:16 = scf.for %scan3A_1048 = %scan3A_801 to %scan3A_803 step %scan3A_804 iter_args(%scan3A_1049 = %broadcast_in_dim3A_792, %scan3A_1050 = %broadcast_in_dim3A_792, %scan3A_1051 = %broadcast_in_dim3A_792, %scan3A_1052 = %broadcast_in_dim3A_792, %scan3A_1053 = %broadcast_in_dim3A_792, %scan3A_1054 = %broadcast_in_dim3A_792, %scan3A_1055 = %broadcast_in_dim3A_792, %scan3A_1056 = %broadcast_in_dim3A_792, %scan3A_1057 = %broadcast_in_dim3A_792, %scan3A_1058 = %broadcast_in_dim3A_792, %scan3A_1059 = %broadcast_in_dim3A_792, %scan3A_1060 = %broadcast_in_dim3A_792, %scan3A_1061 = %broadcast_in_dim3A_792, %scan3A_1062 = %broadcast_in_dim3A_792, %scan3A_1063 = %broadcast_in_dim3A_792, %scan3A_1064 = %broadcast_in_dim3A_792) -> (vector<16xi32>, vector<16xi32>, vector<16xi32>, vector<16xi32>, vector<16xi32>, vector<16xi32>, vector<16xi32>, vector<16xi32>, vector<16xi32>, vector<16xi32>, vector<16xi32>, vector<16xi32>, vector<16xi32>, vector<16xi32>, vector<16xi32>, vector<16xi32>)  : i32 {
      %mul3A_1065 = arith.constant 256 : i32
      %mul3A_1066 = arith.muli %arg1, %mul3A_1065 : i32
      "tpu.region"() ({
        %run_scoped3A = tpu.sem_alloc : memref<!tpu.dma_semaphore, #tpu.memory_space<semaphore_mem>>
        %dma_start3A = tpu.memref_slice %arg14[%scan3A_1048, %mul3A_1066] : memref<16x4096xi32, #tpu.memory_space<vmem_shared>> -> memref<1x256xi32, #tpu.memory_space<vmem_shared>>
        %dma_start3A_1115 = tpu.memref_squeeze %dma_start3A : memref<1x256xi32, #tpu.memory_space<vmem_shared>> -> memref<256xi32, #tpu.memory_space<vmem_shared>>
        %dma_start3A_1116 = tpu.memref_slice %arg14[%scan3A_1048, %mul3A_1066] : memref<16x4096xi32, #tpu.memory_space<vmem_shared>> -> memref<1x256xi32, #tpu.memory_space<vmem_shared>>
        %dma_start3A_1117 = tpu.memref_squeeze %dma_start3A_1116 : memref<1x256xi32, #tpu.memory_space<vmem_shared>> -> memref<256xi32, #tpu.memory_space<vmem_shared>>
        tpu.enqueue_dma source(%dma_start3A_1117 : memref<256xi32, #tpu.memory_space<vmem_shared>>) target(%arg10 : memref<256xi32, #tpu.memory_space<vmem>>) target_semaphore(%run_scoped3A : memref<!tpu.dma_semaphore, #tpu.memory_space<semaphore_mem>>)
        %dma_wait3A = tpu.memref_slice %arg14[%scan3A_1048, %mul3A_1066] : memref<16x4096xi32, #tpu.memory_space<vmem_shared>> -> memref<1x256xi32, #tpu.memory_space<vmem_shared>>
        %dma_wait3A_1118 = tpu.memref_squeeze %dma_wait3A : memref<1x256xi32, #tpu.memory_space<vmem_shared>> -> memref<256xi32, #tpu.memory_space<vmem_shared>>
        %dma_wait3A_1119 = tpu.memref_slice %arg14[%scan3A_1048, %mul3A_1066] : memref<16x4096xi32, #tpu.memory_space<vmem_shared>> -> memref<1x256xi32, #tpu.memory_space<vmem_shared>>
        %dma_wait3A_1120 = tpu.memref_squeeze %dma_wait3A_1119 : memref<1x256xi32, #tpu.memory_space<vmem_shared>> -> memref<256xi32, #tpu.memory_space<vmem_shared>>
        tpu.wait_dma2 semaphore(%run_scoped3A : memref<!tpu.dma_semaphore, #tpu.memory_space<semaphore_mem>>) src(%dma_wait3A_1120 : memref<256xi32, #tpu.memory_space<vmem_shared>>) dst(%arg10 : memref<256xi32, #tpu.memory_space<vmem>>)
        tpu.yield
      }) : () -> ()
      %get3A_1067 = arith.constant 0 : index
      %get3A_1068 = tpu.vector_load %arg10[%get3A_1067] {strides = array<i32>} : memref<256xi32, #tpu.memory_space<vmem>>, vector<16xi32>,
      %add3A_1069 = arith.addi %scan3A_1049, %get3A_1068 : vector<16xi32>
      %get3A_1070 = arith.constant 16 : index
      %get3A_1071 = tpu.vector_load %arg10[%get3A_1070] {strides = array<i32>} : memref<256xi32, #tpu.memory_space<vmem>>, vector<16xi32>,
      %add3A_1072 = arith.addi %scan3A_1050, %get3A_1071 : vector<16xi32>
      %get3A_1073 = arith.constant 32 : index
      %get3A_1074 = tpu.vector_load %arg10[%get3A_1073] {strides = array<i32>} : memref<256xi32, #tpu.memory_space<vmem>>, vector<16xi32>,
      %add3A_1075 = arith.addi %scan3A_1051, %get3A_1074 : vector<16xi32>
      %get3A_1076 = arith.constant 48 : index
      %get3A_1077 = tpu.vector_load %arg10[%get3A_1076] {strides = array<i32>} : memref<256xi32, #tpu.memory_space<vmem>>, vector<16xi32>,
      %add3A_1078 = arith.addi %scan3A_1052, %get3A_1077 : vector<16xi32>
      %get3A_1079 = arith.constant 64 : index
      %get3A_1080 = tpu.vector_load %arg10[%get3A_1079] {strides = array<i32>} : memref<256xi32, #tpu.memory_space<vmem>>, vector<16xi32>,
      %add3A_1081 = arith.addi %scan3A_1053, %get3A_1080 : vector<16xi32>
      %get3A_1082 = arith.constant 80 : index
      %get3A_1083 = tpu.vector_load %arg10[%get3A_1082] {strides = array<i32>} : memref<256xi32, #tpu.memory_space<vmem>>, vector<16xi32>,
      %add3A_1084 = arith.addi %scan3A_1054, %get3A_1083 : vector<16xi32>
      %get3A_1085 = arith.constant 96 : index
      %get3A_1086 = tpu.vector_load %arg10[%get3A_1085] {strides = array<i32>} : memref<256xi32, #tpu.memory_space<vmem>>, vector<16xi32>,
      %add3A_1087 = arith.addi %scan3A_1055, %get3A_1086 : vector<16xi32>
      %get3A_1088 = arith.constant 112 : index
      %get3A_1089 = tpu.vector_load %arg10[%get3A_1088] {strides = array<i32>} : memref<256xi32, #tpu.memory_space<vmem>>, vector<16xi32>,
      %add3A_1090 = arith.addi %scan3A_1056, %get3A_1089 : vector<16xi32>
      %get3A_1091 = arith.constant 128 : index
      %get3A_1092 = tpu.vector_load %arg10[%get3A_1091] {strides = array<i32>} : memref<256xi32, #tpu.memory_space<vmem>>, vector<16xi32>,
      %add3A_1093 = arith.addi %scan3A_1057, %get3A_1092 : vector<16xi32>
      %get3A_1094 = arith.constant 144 : index
      %get3A_1095 = tpu.vector_load %arg10[%get3A_1094] {strides = array<i32>} : memref<256xi32, #tpu.memory_space<vmem>>, vector<16xi32>,
      %add3A_1096 = arith.addi %scan3A_1058, %get3A_1095 : vector<16xi32>
      %get3A_1097 = arith.constant 160 : index
      %get3A_1098 = tpu.vector_load %arg10[%get3A_1097] {strides = array<i32>} : memref<256xi32, #tpu.memory_space<vmem>>, vector<16xi32>,
      %add3A_1099 = arith.addi %scan3A_1059, %get3A_1098 : vector<16xi32>
      %get3A_1100 = arith.constant 176 : index
      %get3A_1101 = tpu.vector_load %arg10[%get3A_1100] {strides = array<i32>} : memref<256xi32, #tpu.memory_space<vmem>>, vector<16xi32>,
      %add3A_1102 = arith.addi %scan3A_1060, %get3A_1101 : vector<16xi32>
      %get3A_1103 = arith.constant 192 : index
      %get3A_1104 = tpu.vector_load %arg10[%get3A_1103] {strides = array<i32>} : memref<256xi32, #tpu.memory_space<vmem>>, vector<16xi32>,
      %add3A_1105 = arith.addi %scan3A_1061, %get3A_1104 : vector<16xi32>
      %get3A_1106 = arith.constant 208 : index
      %get3A_1107 = tpu.vector_load %arg10[%get3A_1106] {strides = array<i32>} : memref<256xi32, #tpu.memory_space<vmem>>, vector<16xi32>,
      %add3A_1108 = arith.addi %scan3A_1062, %get3A_1107 : vector<16xi32>
      %get3A_1109 = arith.constant 224 : index
      %get3A_1110 = tpu.vector_load %arg10[%get3A_1109] {strides = array<i32>} : memref<256xi32, #tpu.memory_space<vmem>>, vector<16xi32>,
      %add3A_1111 = arith.addi %scan3A_1063, %get3A_1110 : vector<16xi32>
      %get3A_1112 = arith.constant 240 : index
      %get3A_1113 = tpu.vector_load %arg10[%get3A_1112] {strides = array<i32>} : memref<256xi32, #tpu.memory_space<vmem>>, vector<16xi32>,
      %add3A_1114 = arith.addi %scan3A_1064, %get3A_1113 : vector<16xi32>
      scf.yield %add3A_1069, %add3A_1072, %add3A_1075, %add3A_1078, %add3A_1081, %add3A_1084, %add3A_1087, %add3A_1090, %add3A_1093, %add3A_1096, %add3A_1099, %add3A_1102, %add3A_1105, %add3A_1108, %add3A_1111, %add3A_1114 : vector<16xi32>, vector<16xi32>, vector<16xi32>, vector<16xi32>, vector<16xi32>, vector<16xi32>, vector<16xi32>, vector<16xi32>, vector<16xi32>, vector<16xi32>, vector<16xi32>, vector<16xi32>, vector<16xi32>, vector<16xi32>, vector<16xi32>, vector<16xi32>
    }
    %scan3A_806 = arith.constant 16 : i32
    %eq3A_807 = arith.constant 0 : i32
    %eq3A_808 = vector.broadcast %eq3A_807 : i32 to vector<16xi32>
    %eq3A_809 = arith.cmpi eq, %iota3A, %eq3A_808 : vector<16xi32>
    %reduce_sum3A_810 = arith.constant true
    %reduce_sum3A_811 = vector.broadcast %reduce_sum3A_810 : i1 to vector<16xi1>
    %reduce_sum3A_812 = tpu.scan <sum>, %scan3A_805#0 masked %reduce_sum3A_811 : vector<16xi32>, vector<16xi1> -> vector<16xi32>
    %reduce_sum3A_813 = vector.extract %reduce_sum3A_812[15] : i32 from vector<16xi32>
    %broadcast_in_dim3A_814 = vector.broadcast %reduce_sum3A_813 : i32 to vector<16xi32>
    %select_n3A_815 = arith.select %eq3A_809, %broadcast_in_dim3A_814, %broadcast_in_dim3A_792 : vector<16xi1>, vector<16xi32>
    %eq3A_816 = arith.constant 1 : i32
    %eq3A_817 = vector.broadcast %eq3A_816 : i32 to vector<16xi32>
    %eq3A_818 = arith.cmpi eq, %iota3A, %eq3A_817 : vector<16xi32>
    %reduce_sum3A_819 = arith.constant true
    %reduce_sum3A_820 = vector.broadcast %reduce_sum3A_819 : i1 to vector<16xi1>
    %reduce_sum3A_821 = tpu.scan <sum>, %scan3A_805#1 masked %reduce_sum3A_820 : vector<16xi32>, vector<16xi1> -> vector<16xi32>
    %reduce_sum3A_822 = vector.extract %reduce_sum3A_821[15] : i32 from vector<16xi32>
    %broadcast_in_dim3A_823 = vector.broadcast %reduce_sum3A_822 : i32 to vector<16xi32>
    %select_n3A_824 = arith.select %eq3A_818, %broadcast_in_dim3A_823, %select_n3A_815 : vector<16xi1>, vector<16xi32>
    %eq3A_825 = arith.constant 2 : i32
    %eq3A_826 = vector.broadcast %eq3A_825 : i32 to vector<16xi32>
    %eq3A_827 = arith.cmpi eq, %iota3A, %eq3A_826 : vector<16xi32>
    %reduce_sum3A_828 = arith.constant true
    %reduce_sum3A_829 = vector.broadcast %reduce_sum3A_828 : i1 to vector<16xi1>
    %reduce_sum3A_830 = tpu.scan <sum>, %scan3A_805#2 masked %reduce_sum3A_829 : vector<16xi32>, vector<16xi1> -> vector<16xi32>
    %reduce_sum3A_831 = vector.extract %reduce_sum3A_830[15] : i32 from vector<16xi32>
    %broadcast_in_dim3A_832 = vector.broadcast %reduce_sum3A_831 : i32 to vector<16xi32>
    %select_n3A_833 = arith.select %eq3A_827, %broadcast_in_dim3A_832, %select_n3A_824 : vector<16xi1>, vector<16xi32>
    %eq3A_834 = arith.constant 3 : i32
    %eq3A_835 = vector.broadcast %eq3A_834 : i32 to vector<16xi32>
    %eq3A_836 = arith.cmpi eq, %iota3A, %eq3A_835 : vector<16xi32>
    %reduce_sum3A_837 = arith.constant true
    %reduce_sum3A_838 = vector.broadcast %reduce_sum3A_837 : i1 to vector<16xi1>
    %reduce_sum3A_839 = tpu.scan <sum>, %scan3A_805#3 masked %reduce_sum3A_838 : vector<16xi32>, vector<16xi1> -> vector<16xi32>
    %reduce_sum3A_840 = vector.extract %reduce_sum3A_839[15] : i32 from vector<16xi32>
    %broadcast_in_dim3A_841 = vector.broadcast %reduce_sum3A_840 : i32 to vector<16xi32>
    %select_n3A_842 = arith.select %eq3A_836, %broadcast_in_dim3A_841, %select_n3A_833 : vector<16xi1>, vector<16xi32>
    %eq3A_843 = arith.constant 4 : i32
    %eq3A_844 = vector.broadcast %eq3A_843 : i32 to vector<16xi32>
    %eq3A_845 = arith.cmpi eq, %iota3A, %eq3A_844 : vector<16xi32>
    %reduce_sum3A_846 = arith.constant true
    %reduce_sum3A_847 = vector.broadcast %reduce_sum3A_846 : i1 to vector<16xi1>
    %reduce_sum3A_848 = tpu.scan <sum>, %scan3A_805#4 masked %reduce_sum3A_847 : vector<16xi32>, vector<16xi1> -> vector<16xi32>
    %reduce_sum3A_849 = vector.extract %reduce_sum3A_848[15] : i32 from vector<16xi32>
    %broadcast_in_dim3A_850 = vector.broadcast %reduce_sum3A_849 : i32 to vector<16xi32>
    %select_n3A_851 = arith.select %eq3A_845, %broadcast_in_dim3A_850, %select_n3A_842 : vector<16xi1>, vector<16xi32>
    %eq3A_852 = arith.constant 5 : i32
    %eq3A_853 = vector.broadcast %eq3A_852 : i32 to vector<16xi32>
    %eq3A_854 = arith.cmpi eq, %iota3A, %eq3A_853 : vector<16xi32>
    %reduce_sum3A_855 = arith.constant true
    %reduce_sum3A_856 = vector.broadcast %reduce_sum3A_855 : i1 to vector<16xi1>
    %reduce_sum3A_857 = tpu.scan <sum>, %scan3A_805#5 masked %reduce_sum3A_856 : vector<16xi32>, vector<16xi1> -> vector<16xi32>
    %reduce_sum3A_858 = vector.extract %reduce_sum3A_857[15] : i32 from vector<16xi32>
    %broadcast_in_dim3A_859 = vector.broadcast %reduce_sum3A_858 : i32 to vector<16xi32>
    %select_n3A_860 = arith.select %eq3A_854, %broadcast_in_dim3A_859, %select_n3A_851 : vector<16xi1>, vector<16xi32>
    %eq3A_861 = arith.constant 6 : i32
    %eq3A_862 = vector.broadcast %eq3A_861 : i32 to vector<16xi32>
    %eq3A_863 = arith.cmpi eq, %iota3A, %eq3A_862 : vector<16xi32>
    %reduce_sum3A_864 = arith.constant true
    %reduce_sum3A_865 = vector.broadcast %reduce_sum3A_864 : i1 to vector<16xi1>
    %reduce_sum3A_866 = tpu.scan <sum>, %scan3A_805#6 masked %reduce_sum3A_865 : vector<16xi32>, vector<16xi1> -> vector<16xi32>
    %reduce_sum3A_867 = vector.extract %reduce_sum3A_866[15] : i32 from vector<16xi32>
    %broadcast_in_dim3A_868 = vector.broadcast %reduce_sum3A_867 : i32 to vector<16xi32>
    %select_n3A_869 = arith.select %eq3A_863, %broadcast_in_dim3A_868, %select_n3A_860 : vector<16xi1>, vector<16xi32>
    %eq3A_870 = arith.constant 7 : i32
    %eq3A_871 = vector.broadcast %eq3A_870 : i32 to vector<16xi32>
    %eq3A_872 = arith.cmpi eq, %iota3A, %eq3A_871 : vector<16xi32>
    %reduce_sum3A_873 = arith.constant true
    %reduce_sum3A_874 = vector.broadcast %reduce_sum3A_873 : i1 to vector<16xi1>
    %reduce_sum3A_875 = tpu.scan <sum>, %scan3A_805#7 masked %reduce_sum3A_874 : vector<16xi32>, vector<16xi1> -> vector<16xi32>
    %reduce_sum3A_876 = vector.extract %reduce_sum3A_875[15] : i32 from vector<16xi32>
    %broadcast_in_dim3A_877 = vector.broadcast %reduce_sum3A_876 : i32 to vector<16xi32>
    %select_n3A_878 = arith.select %eq3A_872, %broadcast_in_dim3A_877, %select_n3A_869 : vector<16xi1>, vector<16xi32>
    %eq3A_879 = arith.constant 8 : i32
    %eq3A_880 = vector.broadcast %eq3A_879 : i32 to vector<16xi32>
    %eq3A_881 = arith.cmpi eq, %iota3A, %eq3A_880 : vector<16xi32>
    %reduce_sum3A_882 = arith.constant true
    %reduce_sum3A_883 = vector.broadcast %reduce_sum3A_882 : i1 to vector<16xi1>
    %reduce_sum3A_884 = tpu.scan <sum>, %scan3A_805#8 masked %reduce_sum3A_883 : vector<16xi32>, vector<16xi1> -> vector<16xi32>
    %reduce_sum3A_885 = vector.extract %reduce_sum3A_884[15] : i32 from vector<16xi32>
    %broadcast_in_dim3A_886 = vector.broadcast %reduce_sum3A_885 : i32 to vector<16xi32>
    %select_n3A_887 = arith.select %eq3A_881, %broadcast_in_dim3A_886, %select_n3A_878 : vector<16xi1>, vector<16xi32>
    %eq3A_888 = arith.constant 9 : i32
    %eq3A_889 = vector.broadcast %eq3A_888 : i32 to vector<16xi32>
    %eq3A_890 = arith.cmpi eq, %iota3A, %eq3A_889 : vector<16xi32>
    %reduce_sum3A_891 = arith.constant true
    %reduce_sum3A_892 = vector.broadcast %reduce_sum3A_891 : i1 to vector<16xi1>
    %reduce_sum3A_893 = tpu.scan <sum>, %scan3A_805#9 masked %reduce_sum3A_892 : vector<16xi32>, vector<16xi1> -> vector<16xi32>
    %reduce_sum3A_894 = vector.extract %reduce_sum3A_893[15] : i32 from vector<16xi32>
    %broadcast_in_dim3A_895 = vector.broadcast %reduce_sum3A_894 : i32 to vector<16xi32>
    %select_n3A_896 = arith.select %eq3A_890, %broadcast_in_dim3A_895, %select_n3A_887 : vector<16xi1>, vector<16xi32>
    %eq3A_897 = arith.constant 10 : i32
    %eq3A_898 = vector.broadcast %eq3A_897 : i32 to vector<16xi32>
    %eq3A_899 = arith.cmpi eq, %iota3A, %eq3A_898 : vector<16xi32>
    %reduce_sum3A_900 = arith.constant true
    %reduce_sum3A_901 = vector.broadcast %reduce_sum3A_900 : i1 to vector<16xi1>
    %reduce_sum3A_902 = tpu.scan <sum>, %scan3A_805#10 masked %reduce_sum3A_901 : vector<16xi32>, vector<16xi1> -> vector<16xi32>
    %reduce_sum3A_903 = vector.extract %reduce_sum3A_902[15] : i32 from vector<16xi32>
    %broadcast_in_dim3A_904 = vector.broadcast %reduce_sum3A_903 : i32 to vector<16xi32>
    %select_n3A_905 = arith.select %eq3A_899, %broadcast_in_dim3A_904, %select_n3A_896 : vector<16xi1>, vector<16xi32>
    %eq3A_906 = arith.constant 11 : i32
    %eq3A_907 = vector.broadcast %eq3A_906 : i32 to vector<16xi32>
    %eq3A_908 = arith.cmpi eq, %iota3A, %eq3A_907 : vector<16xi32>
    %reduce_sum3A_909 = arith.constant true
    %reduce_sum3A_910 = vector.broadcast %reduce_sum3A_909 : i1 to vector<16xi1>
    %reduce_sum3A_911 = tpu.scan <sum>, %scan3A_805#11 masked %reduce_sum3A_910 : vector<16xi32>, vector<16xi1> -> vector<16xi32>
    %reduce_sum3A_912 = vector.extract %reduce_sum3A_911[15] : i32 from vector<16xi32>
    %broadcast_in_dim3A_913 = vector.broadcast %reduce_sum3A_912 : i32 to vector<16xi32>
    %select_n3A_914 = arith.select %eq3A_908, %broadcast_in_dim3A_913, %select_n3A_905 : vector<16xi1>, vector<16xi32>
    %eq3A_915 = arith.constant 12 : i32
    %eq3A_916 = vector.broadcast %eq3A_915 : i32 to vector<16xi32>
    %eq3A_917 = arith.cmpi eq, %iota3A, %eq3A_916 : vector<16xi32>
    %reduce_sum3A_918 = arith.constant true
    %reduce_sum3A_919 = vector.broadcast %reduce_sum3A_918 : i1 to vector<16xi1>
    %reduce_sum3A_920 = tpu.scan <sum>, %scan3A_805#12 masked %reduce_sum3A_919 : vector<16xi32>, vector<16xi1> -> vector<16xi32>
    %reduce_sum3A_921 = vector.extract %reduce_sum3A_920[15] : i32 from vector<16xi32>
    %broadcast_in_dim3A_922 = vector.broadcast %reduce_sum3A_921 : i32 to vector<16xi32>
    %select_n3A_923 = arith.select %eq3A_917, %broadcast_in_dim3A_922, %select_n3A_914 : vector<16xi1>, vector<16xi32>
    %eq3A_924 = arith.constant 13 : i32
    %eq3A_925 = vector.broadcast %eq3A_924 : i32 to vector<16xi32>
    %eq3A_926 = arith.cmpi eq, %iota3A, %eq3A_925 : vector<16xi32>
    %reduce_sum3A_927 = arith.constant true
    %reduce_sum3A_928 = vector.broadcast %reduce_sum3A_927 : i1 to vector<16xi1>
    %reduce_sum3A_929 = tpu.scan <sum>, %scan3A_805#13 masked %reduce_sum3A_928 : vector<16xi32>, vector<16xi1> -> vector<16xi32>
    %reduce_sum3A_930 = vector.extract %reduce_sum3A_929[15] : i32 from vector<16xi32>
    %broadcast_in_dim3A_931 = vector.broadcast %reduce_sum3A_930 : i32 to vector<16xi32>
    %select_n3A_932 = arith.select %eq3A_926, %broadcast_in_dim3A_931, %select_n3A_923 : vector<16xi1>, vector<16xi32>
    %eq3A_933 = arith.constant 14 : i32
    %eq3A_934 = vector.broadcast %eq3A_933 : i32 to vector<16xi32>
    %eq3A_935 = arith.cmpi eq, %iota3A, %eq3A_934 : vector<16xi32>
    %reduce_sum3A_936 = arith.constant true
    %reduce_sum3A_937 = vector.broadcast %reduce_sum3A_936 : i1 to vector<16xi1>
    %reduce_sum3A_938 = tpu.scan <sum>, %scan3A_805#14 masked %reduce_sum3A_937 : vector<16xi32>, vector<16xi1> -> vector<16xi32>
    %reduce_sum3A_939 = vector.extract %reduce_sum3A_938[15] : i32 from vector<16xi32>
    %broadcast_in_dim3A_940 = vector.broadcast %reduce_sum3A_939 : i32 to vector<16xi32>
    %select_n3A_941 = arith.select %eq3A_935, %broadcast_in_dim3A_940, %select_n3A_932 : vector<16xi1>, vector<16xi32>
    %eq3A_942 = arith.constant 15 : i32
    %eq3A_943 = vector.broadcast %eq3A_942 : i32 to vector<16xi32>
    %eq3A_944 = arith.cmpi eq, %iota3A, %eq3A_943 : vector<16xi32>
    %reduce_sum3A_945 = arith.constant true
    %reduce_sum3A_946 = vector.broadcast %reduce_sum3A_945 : i1 to vector<16xi1>
    %reduce_sum3A_947 = tpu.scan <sum>, %scan3A_805#15 masked %reduce_sum3A_946 : vector<16xi32>, vector<16xi1> -> vector<16xi32>
    %reduce_sum3A_948 = vector.extract %reduce_sum3A_947[15] : i32 from vector<16xi32>
    %broadcast_in_dim3A_949 = vector.broadcast %reduce_sum3A_948 : i32 to vector<16xi32>
    %select_n3A_950 = arith.select %eq3A_944, %broadcast_in_dim3A_949, %select_n3A_941 : vector<16xi1>, vector<16xi32>
    %swap3A_951 = arith.constant 0 : index
    %swap3A_952 = tpu.vector_load %arg11[%swap3A_951] {strides = array<i32>} : memref<16xi32, #tpu.memory_space<vmem>>, vector<16xi32>,
    tpu.vector_store %arg11[%swap3A_951], %select_n3A_950 {strides = array<i32>} : memref<16xi32, #tpu.memory_space<vmem>>, vector<16xi32>,
    %mul3A_953 = arith.constant 16 : i32
    %mul3A_954 = arith.muli %arg1, %mul3A_953 : i32
    "tpu.region"() ({
      %run_scoped3A = tpu.sem_alloc : memref<!tpu.dma_semaphore, #tpu.memory_space<semaphore_mem>>
      %dma_start3A = tpu.memref_slice %arg15[%mul3A_954] : memref<256xi32, #tpu.memory_space<vmem_shared>> -> memref<16xi32, #tpu.memory_space<vmem_shared>>
      %dma_start3A_1048 = tpu.memref_slice %arg15[%mul3A_954] : memref<256xi32, #tpu.memory_space<vmem_shared>> -> memref<16xi32, #tpu.memory_space<vmem_shared>>
      tpu.enqueue_dma source(%arg11 : memref<16xi32, #tpu.memory_space<vmem>>) target(%dma_start3A_1048 : memref<16xi32, #tpu.memory_space<vmem_shared>>) target_semaphore(%run_scoped3A : memref<!tpu.dma_semaphore, #tpu.memory_space<semaphore_mem>>)
      %dma_wait3A = tpu.memref_slice %arg15[%mul3A_954] : memref<256xi32, #tpu.memory_space<vmem_shared>> -> memref<16xi32, #tpu.memory_space<vmem_shared>>
      %dma_wait3A_1049 = tpu.memref_slice %arg15[%mul3A_954] : memref<256xi32, #tpu.memory_space<vmem_shared>> -> memref<16xi32, #tpu.memory_space<vmem_shared>>
      tpu.wait_dma2 semaphore(%run_scoped3A : memref<!tpu.dma_semaphore, #tpu.memory_space<semaphore_mem>>) src(%arg11 : memref<16xi32, #tpu.memory_space<vmem>>) dst(%dma_wait3A_1049 : memref<16xi32, #tpu.memory_space<vmem_shared>>)
      tpu.yield
    }) : () -> ()
    %barrier3A_955 = arith.constant 0 : index
    tpu.barrier barrier_id(%barrier3A_955)
    "tpu.region"() ({
      %run_scoped3A = tpu.sem_alloc : memref<!tpu.dma_semaphore, #tpu.memory_space<semaphore_mem>>
      tpu.enqueue_dma source(%arg15 : memref<256xi32, #tpu.memory_space<vmem_shared>>) target(%arg12 : memref<256xi32, #tpu.memory_space<vmem>>) target_semaphore(%run_scoped3A : memref<!tpu.dma_semaphore, #tpu.memory_space<semaphore_mem>>)
      tpu.wait_dma2 semaphore(%run_scoped3A : memref<!tpu.dma_semaphore, #tpu.memory_space<semaphore_mem>>) src(%arg15 : memref<256xi32, #tpu.memory_space<vmem_shared>>) dst(%arg12 : memref<256xi32, #tpu.memory_space<vmem>>)
      tpu.yield
    }) : () -> ()
    %scan3A_956 = arith.constant 0 : i32
    %scan3A_957 = arith.constant 16 : i32
    %scan3A_958 = arith.addi %scan3A_956, %scan3A_957 : i32
    %scan3A_959 = arith.constant 1 : i32
    %scan3A_960 = scf.for %scan3A_1048 = %scan3A_956 to %scan3A_958 step %scan3A_959 iter_args(%scan3A_1049 = %broadcast_in_dim3A_792) -> (vector<16xi32>)  : i32 {
      %eq3A_1050 = vector.broadcast %scan3A_1048 : i32 to vector<16xi32>
      %eq3A_1051 = arith.cmpi eq, %iota3A, %eq3A_1050 : vector<16xi32>
      %mul3A_1052 = arith.constant 16 : i32
      %mul3A_1053 = arith.muli %scan3A_1048, %mul3A_1052 : i32
      %get3A_1054 = arith.index_cast %mul3A_1053 : i32 to index
      %get3A_1055 = tpu.vector_load %arg12[%get3A_1054] {strides = array<i32>} : memref<256xi32, #tpu.memory_space<vmem>>, vector<16xi32>,
      %reduce_sum3A_1056 = arith.constant true
      %reduce_sum3A_1057 = vector.broadcast %reduce_sum3A_1056 : i1 to vector<16xi1>
      %reduce_sum3A_1058 = tpu.scan <sum>, %get3A_1055 masked %reduce_sum3A_1057 : vector<16xi32>, vector<16xi1> -> vector<16xi32>
      %reduce_sum3A_1059 = vector.extract %reduce_sum3A_1058[15] : i32 from vector<16xi32>
      %broadcast_in_dim3A_1060 = vector.broadcast %reduce_sum3A_1059 : i32 to vector<16xi32>
      %select_n3A_1061 = arith.select %eq3A_1051, %broadcast_in_dim3A_1060, %scan3A_1049 : vector<16xi1>, vector<16xi32>
      scf.yield %select_n3A_1061 : vector<16xi32>
    }
    %scan3A_961 = arith.constant 16 : i32
    %rev3A_962 = arith.constant 15 : i32
    %rev3A_963 = vector.broadcast %rev3A_962 : i32 to vector<16xi32>
    %rev3A_964 = tpu.iota {dimensions = array<i32: 0>} : vector<16xi32>
    %rev3A_965 = arith.subi %rev3A_963, %rev3A_964 : vector<16xi32>
    %rev3A_966 = tpu.dynamic_gather %scan3A_960[%rev3A_965] in [0] : vector<16xi32>, vector<16xi32> -> vector<16xi32>
    %broadcast_in_dim3A_967 = arith.constant true
    %broadcast_in_dim3A_968 = vector.broadcast %broadcast_in_dim3A_967 : i1 to vector<16xi1>
    %masked_cumsum3A_969 = tpu.scan <sum>, %rev3A_966 masked %broadcast_in_dim3A_968 : vector<16xi32>, vector<16xi1> -> vector<16xi32>
    %ge3A_970 = vector.broadcast %sub3A_765 : i32 to vector<16xi32>
    %ge3A_971 = arith.cmpi sge, %masked_cumsum3A_969, %ge3A_970 : vector<16xi32>
    %all_reduce_ffs3A_972 = tpu.all_reduce %ge3A_971 {dim = 0 : i64, kind = #tpu.reduction_kind<find_first_set>} : vector<16xi1> -> vector<16xi32>
    %slice3A_973 = vector.extract_strided_slice %all_reduce_ffs3A_972 {offsets = [0], sizes = [1], strides = [1]} : vector<16xi32> to vector<1xi32>
    %squeeze3A_974 = vector.extract %slice3A_973[0] : i32 from vector<1xi32>
    %eq3A_975 = vector.broadcast %squeeze3A_974 : i32 to vector<16xi32>
    %eq3A_976 = arith.cmpi eq, %iota3A, %eq3A_975 : vector<16xi32>
    %jit3A_977 = arith.constant 0 : i32
    %broadcast_in_dim3A_978 = vector.broadcast %jit3A_977 : i32 to vector<16xi32>
    %select_n3A_979 = arith.select %eq3A_976, %masked_cumsum3A_969, %broadcast_in_dim3A_978 : vector<16xi1>, vector<16xi32>
    %reduce_sum3A_980 = arith.constant true
    %reduce_sum3A_981 = vector.broadcast %reduce_sum3A_980 : i1 to vector<16xi1>
    %reduce_sum3A_982 = tpu.scan <sum>, %select_n3A_979 masked %reduce_sum3A_981 : vector<16xi32>, vector<16xi1> -> vector<16xi32>
    %reduce_sum3A_983 = vector.extract %reduce_sum3A_982[15] : i32 from vector<16xi32>
    %jit3A_984 = arith.constant 0 : i32
    %broadcast_in_dim3A_985 = vector.broadcast %jit3A_984 : i32 to vector<16xi32>
    %select_n3A_986 = arith.select %eq3A_976, %rev3A_966, %broadcast_in_dim3A_985 : vector<16xi1>, vector<16xi32>
    %reduce_sum3A_987 = arith.constant true
    %reduce_sum3A_988 = vector.broadcast %reduce_sum3A_987 : i1 to vector<16xi1>
    %reduce_sum3A_989 = tpu.scan <sum>, %select_n3A_986 masked %reduce_sum3A_988 : vector<16xi32>, vector<16xi1> -> vector<16xi32>
    %reduce_sum3A_990 = vector.extract %reduce_sum3A_989[15] : i32 from vector<16xi32>
    %sub3A_991 = arith.constant 15 : i32
    %sub3A_992 = arith.subi %sub3A_991, %squeeze3A_974 : i32
    %sub3A_993 = arith.subi %reduce_sum3A_983, %reduce_sum3A_990 : i32
    %sub3A_994 = arith.subi %sub3A_765, %sub3A_993 : i32
    %mul3A_995 = arith.constant 16 : i32
    %mul3A_996 = arith.muli %sub3A_992, %mul3A_995 : i32
    %get3A_997 = arith.index_cast %mul3A_996 : i32 to index
    %get3A_998 = tpu.vector_load %arg12[%get3A_997] {strides = array<i32>} : memref<256xi32, #tpu.memory_space<vmem>>, vector<16xi32>,
    %rev3A_999 = arith.constant 15 : i32
    %rev3A_1000 = vector.broadcast %rev3A_999 : i32 to vector<16xi32>
    %rev3A_1001 = tpu.iota {dimensions = array<i32: 0>} : vector<16xi32>
    %rev3A_1002 = arith.subi %rev3A_1000, %rev3A_1001 : vector<16xi32>
    %rev3A_1003 = tpu.dynamic_gather %get3A_998[%rev3A_1002] in [0] : vector<16xi32>, vector<16xi32> -> vector<16xi32>
    %broadcast_in_dim3A_1004 = arith.constant true
    %broadcast_in_dim3A_1005 = vector.broadcast %broadcast_in_dim3A_1004 : i1 to vector<16xi1>
    %masked_cumsum3A_1006 = tpu.scan <sum>, %rev3A_1003 masked %broadcast_in_dim3A_1005 : vector<16xi32>, vector<16xi1> -> vector<16xi32>
    %ge3A_1007 = vector.broadcast %sub3A_994 : i32 to vector<16xi32>
    %ge3A_1008 = arith.cmpi sge, %masked_cumsum3A_1006, %ge3A_1007 : vector<16xi32>
    %all_reduce_ffs3A_1009 = tpu.all_reduce %ge3A_1008 {dim = 0 : i64, kind = #tpu.reduction_kind<find_first_set>} : vector<16xi1> -> vector<16xi32>
    %slice3A_1010 = vector.extract_strided_slice %all_reduce_ffs3A_1009 {offsets = [0], sizes = [1], strides = [1]} : vector<16xi32> to vector<1xi32>
    %squeeze3A_1011 = vector.extract %slice3A_1010[0] : i32 from vector<1xi32>
    %eq3A_1012 = vector.broadcast %squeeze3A_1011 : i32 to vector<16xi32>
    %eq3A_1013 = arith.cmpi eq, %iota3A, %eq3A_1012 : vector<16xi32>
    %jit3A_1014 = arith.constant 0 : i32
    %broadcast_in_dim3A_1015 = vector.broadcast %jit3A_1014 : i32 to vector<16xi32>
    %select_n3A_1016 = arith.select %eq3A_1013, %masked_cumsum3A_1006, %broadcast_in_dim3A_1015 : vector<16xi1>, vector<16xi32>
    %reduce_sum3A_1017 = arith.constant true
    %reduce_sum3A_1018 = vector.broadcast %reduce_sum3A_1017 : i1 to vector<16xi1>
    %reduce_sum3A_1019 = tpu.scan <sum>, %select_n3A_1016 masked %reduce_sum3A_1018 : vector<16xi32>, vector<16xi1> -> vector<16xi32>
    %reduce_sum3A_1020 = vector.extract %reduce_sum3A_1019[15] : i32 from vector<16xi32>
    %jit3A_1021 = arith.constant 0 : i32
    %broadcast_in_dim3A_1022 = vector.broadcast %jit3A_1021 : i32 to vector<16xi32>
    %select_n3A_1023 = arith.select %eq3A_1013, %rev3A_1003, %broadcast_in_dim3A_1022 : vector<16xi1>, vector<16xi32>
    %reduce_sum3A_1024 = arith.constant true
    %reduce_sum3A_1025 = vector.broadcast %reduce_sum3A_1024 : i1 to vector<16xi1>
    %reduce_sum3A_1026 = tpu.scan <sum>, %select_n3A_1023 masked %reduce_sum3A_1025 : vector<16xi32>, vector<16xi1> -> vector<16xi32>
    %reduce_sum3A_1027 = vector.extract %reduce_sum3A_1026[15] : i32 from vector<16xi32>
    %sub3A_1028 = arith.constant 15 : i32
    %sub3A_1029 = arith.subi %sub3A_1028, %squeeze3A_1011 : i32
    %sub3A_1030 = arith.subi %reduce_sum3A_1020, %reduce_sum3A_1027 : i32
    %sub3A_1031 = arith.subi %sub3A_994, %sub3A_1030 : i32
    %mul3A_1032 = arith.constant 16 : i32
    %mul3A_1033 = arith.muli %sub3A_992, %mul3A_1032 : i32
    %add3A_1034 = arith.addi %mul3A_1033, %sub3A_1029 : i32
    %or3A_1035 = arith.ori %or3A_790, %add3A_1034 : i32
    %mul3A_1036 = arith.constant 16 : i32
    %mul3A_1037 = arith.muli %add3A, %mul3A_1036 : i32
    "tpu.region"() ({
      %run_scoped3A = tpu.sem_alloc : memref<!tpu.dma_semaphore, #tpu.memory_space<semaphore_mem>>
      %dma_start3A = tpu.memref_slice %arg4[%mul3A_1037] : memref<512xi32, #tpu.memory_space<hbm>> -> memref<16xi32, #tpu.memory_space<hbm>>
      %dma_start3A_1048 = tpu.memref_slice %arg4[%mul3A_1037] : memref<512xi32, #tpu.memory_space<hbm>> -> memref<16xi32, #tpu.memory_space<hbm>>
      tpu.enqueue_dma source(%dma_start3A_1048 : memref<16xi32, #tpu.memory_space<hbm>>) target(%arg13 : memref<16xi32, #tpu.memory_space<vmem>>) target_semaphore(%run_scoped3A : memref<!tpu.dma_semaphore, #tpu.memory_space<semaphore_mem>>)
      %dma_wait3A = tpu.memref_slice %arg4[%mul3A_1037] : memref<512xi32, #tpu.memory_space<hbm>> -> memref<16xi32, #tpu.memory_space<hbm>>
      %dma_wait3A_1049 = tpu.memref_slice %arg4[%mul3A_1037] : memref<512xi32, #tpu.memory_space<hbm>> -> memref<16xi32, #tpu.memory_space<hbm>>
      tpu.wait_dma2 semaphore(%run_scoped3A : memref<!tpu.dma_semaphore, #tpu.memory_space<semaphore_mem>>) src(%dma_wait3A_1049 : memref<16xi32, #tpu.memory_space<hbm>>) dst(%arg13 : memref<16xi32, #tpu.memory_space<vmem>>)
      tpu.yield
    }) : () -> ()
    %get3A_1038 = arith.constant 0 : index
    %get3A_1039 = tpu.vector_load %arg13[%get3A_1038] {strides = array<i32>} : memref<16xi32, #tpu.memory_space<vmem>>, vector<16xi32>,
    %max3A = vector.broadcast %or3A_1035 : i32 to vector<16xi32>
    %max3A_1040 = arith.maxsi %get3A_1039, %max3A : vector<16xi32>
    %scan3A_1041 = arith.constant 0 : i32
    %scan3A_1042 = arith.constant 0 : i32
    %scan3A_1043 = arith.constant 4 : i32
    %scan3A_1044 = arith.addi %scan3A_1042, %scan3A_1043 : i32
    %scan3A_1045 = arith.constant 1 : i32
    %scan3A_1046 = scf.for %scan3A_1048 = %scan3A_1042 to %scan3A_1044 step %scan3A_1045 iter_args(%scan3A_1049 = %scan3A_1041) -> (i32)  : i32 {
      %mul3A_1050 = arith.constant 4 : i32
      %mul3A_1051 = arith.muli %add3A, %mul3A_1050 : i32
      %add3A_1052 = arith.addi %mul3A_1051, %scan3A_1048 : i32
      "tpu.region"() ({
        %run_scoped3A = tpu.sem_alloc : memref<!tpu.dma_semaphore, #tpu.memory_space<semaphore_mem>>
        %dma_start3A = arith.constant 0 : i32
        %dma_start3A_1073 = tpu.memref_slice %arg2[%add3A_1052, %dma_start3A] : memref<128x32768xf32, #tpu.memory_space<hbm>> -> memref<1x32768xf32, #tpu.memory_space<hbm>>
        %dma_start3A_1074 = tpu.memref_squeeze %dma_start3A_1073 : memref<1x32768xf32, #tpu.memory_space<hbm>> -> memref<32768xf32, #tpu.memory_space<hbm>>
        %dma_start3A_1075 = arith.constant 0 : i32
        %dma_start3A_1076 = tpu.memref_slice %arg2[%add3A_1052, %dma_start3A_1075] : memref<128x32768xf32, #tpu.memory_space<hbm>> -> memref<1x32768xf32, #tpu.memory_space<hbm>>
        %dma_start3A_1077 = tpu.memref_squeeze %dma_start3A_1076 : memref<1x32768xf32, #tpu.memory_space<hbm>> -> memref<32768xf32, #tpu.memory_space<hbm>>
        tpu.enqueue_dma source(%dma_start3A_1077 : memref<32768xf32, #tpu.memory_space<hbm>>) target(%arg7 : memref<32768xf32, #tpu.memory_space<vmem>>) target_semaphore(%run_scoped3A : memref<!tpu.dma_semaphore, #tpu.memory_space<semaphore_mem>>)
        %dma_wait3A = arith.constant 0 : i32
        %dma_wait3A_1078 = tpu.memref_slice %arg2[%add3A_1052, %dma_wait3A] : memref<128x32768xf32, #tpu.memory_space<hbm>> -> memref<1x32768xf32, #tpu.memory_space<hbm>>
        %dma_wait3A_1079 = tpu.memref_squeeze %dma_wait3A_1078 : memref<1x32768xf32, #tpu.memory_space<hbm>> -> memref<32768xf32, #tpu.memory_space<hbm>>
        %dma_wait3A_1080 = arith.constant 0 : i32
        %dma_wait3A_1081 = tpu.memref_slice %arg2[%add3A_1052, %dma_wait3A_1080] : memref<128x32768xf32, #tpu.memory_space<hbm>> -> memref<1x32768xf32, #tpu.memory_space<hbm>>
        %dma_wait3A_1082 = tpu.memref_squeeze %dma_wait3A_1081 : memref<1x32768xf32, #tpu.memory_space<hbm>> -> memref<32768xf32, #tpu.memory_space<hbm>>
        tpu.wait_dma2 semaphore(%run_scoped3A : memref<!tpu.dma_semaphore, #tpu.memory_space<semaphore_mem>>) src(%dma_wait3A_1082 : memref<32768xf32, #tpu.memory_space<hbm>>) dst(%arg7 : memref<32768xf32, #tpu.memory_space<vmem>>)
        tpu.yield
      }) : () -> ()
      %eq3A_1053 = vector.broadcast %scan3A_1048 : i32 to vector<16xi32>
      %eq3A_1054 = arith.cmpi eq, %iota3A, %eq3A_1053 : vector<16xi32>
      %jit3A_1055 = arith.constant -2147483648 : i32
      %broadcast_in_dim3A_1056 = vector.broadcast %jit3A_1055 : i32 to vector<16xi32>
      %select_n3A_1057 = arith.select %eq3A_1054, %max3A_1040, %broadcast_in_dim3A_1056 : vector<16xi1>, vector<16xi32>
      %reduce_max3A = arith.constant true
      %reduce_max3A_1058 = vector.broadcast %reduce_max3A : i1 to vector<16xi1>
      %reduce_max3A_1059 = arith.constant -2147483648 : i32
      %reduce_max3A_1060 = vector.broadcast %reduce_max3A_1059 : i32 to vector<16xi32>
      %reduce_max3A_1061 = arith.xori %select_n3A_1057, %reduce_max3A_1060 : vector<16xi32>
      %reduce_max3A_1062 = tpu.scan <max>, %reduce_max3A_1061 masked %reduce_max3A_1058 : vector<16xi32>, vector<16xi1> -> vector<16xi32>
      %reduce_max3A_1063 = arith.xori %reduce_max3A_1062, %reduce_max3A_1060 : vector<16xi32>
      %reduce_max3A_1064 = vector.extract %reduce_max3A_1063[15] : i32 from vector<16xi32>
      %scan3A_1065 = arith.constant 0 : i32
      %scan3A_1066 = arith.constant 0 : i32
      %scan3A_1067 = arith.constant 512 : i32
      %scan3A_1068 = arith.addi %scan3A_1066, %scan3A_1067 : i32
      %scan3A_1069 = arith.constant 1 : i32
      %scan3A_1070 = scf.for %scan3A_1073 = %scan3A_1066 to %scan3A_1068 step %scan3A_1069 iter_args(%scan3A_1074 = %scan3A_1065) -> (i32)  : i32 {
        %mul3A_1075 = arith.constant 4 : i32
        %mul3A_1076 = arith.muli %scan3A_1073, %mul3A_1075 : i32
        %add3A_1077 = arith.constant 0 : i32
        %add3A_1078 = arith.addi %mul3A_1076, %add3A_1077 : i32
        %mul3A_1079 = arith.constant 16 : i32
        %mul3A_1080 = arith.muli %add3A_1078, %mul3A_1079 : i32
        %get3A_1081 = arith.index_cast %mul3A_1080 : i32 to index
        %get3A_1082 = tpu.vector_load %arg7[%get3A_1081] {strides = array<i32>} : memref<32768xf32, #tpu.memory_space<vmem>>, vector<16xf32>,
        %bitcast_convert_type3A = tpu.bitcast %get3A_1082 : vector<16xf32> -> vector<16xi32>
        %shift_right_arithmetic3A_1083 = arith.constant 31 : i32
        %shift_right_arithmetic3A_1084 = vector.broadcast %shift_right_arithmetic3A_1083 : i32 to vector<16xi32>
        %shift_right_arithmetic3A_1085 = arith.shrsi %bitcast_convert_type3A, %shift_right_arithmetic3A_1084 : vector<16xi32>
        %and3A = arith.constant 2147483647 : i32
        %and3A_1086 = vector.broadcast %and3A : i32 to vector<16xi32>
        %and3A_1087 = arith.andi %shift_right_arithmetic3A_1085, %and3A_1086 : vector<16xi32>
        %xor3A = arith.xori %bitcast_convert_type3A, %and3A_1087 : vector<16xi32>
        %ge3A_1088 = vector.broadcast %reduce_max3A_1064 : i32 to vector<16xi32>
        %ge3A_1089 = arith.cmpi sge, %xor3A, %ge3A_1088 : vector<16xi32>
        %jit3A_1090 = arith.constant 0.000000e+00 : f32
        %broadcast_in_dim3A_1091 = vector.broadcast %jit3A_1090 : f32 to vector<16xf32>
        %select_n3A_1092 = arith.select %ge3A_1089, %get3A_1082, %broadcast_in_dim3A_1091 : vector<16xi1>, vector<16xf32>
        %swap3A_1093 = arith.index_cast %mul3A_1080 : i32 to index
        %swap3A_1094 = tpu.vector_load %arg7[%swap3A_1093] {strides = array<i32>} : memref<32768xf32, #tpu.memory_space<vmem>>, vector<16xf32>,
        tpu.vector_store %arg7[%swap3A_1093], %select_n3A_1092 {strides = array<i32>} : memref<32768xf32, #tpu.memory_space<vmem>>, vector<16xf32>,
        %mul3A_1095 = arith.constant 4 : i32
        %mul3A_1096 = arith.muli %scan3A_1073, %mul3A_1095 : i32
        %add3A_1097 = arith.constant 1 : i32
        %add3A_1098 = arith.addi %mul3A_1096, %add3A_1097 : i32
        %mul3A_1099 = arith.constant 16 : i32
        %mul3A_1100 = arith.muli %add3A_1098, %mul3A_1099 : i32
        %get3A_1101 = arith.index_cast %mul3A_1100 : i32 to index
        %get3A_1102 = tpu.vector_load %arg7[%get3A_1101] {strides = array<i32>} : memref<32768xf32, #tpu.memory_space<vmem>>, vector<16xf32>,
        %bitcast_convert_type3A_1103 = tpu.bitcast %get3A_1102 : vector<16xf32> -> vector<16xi32>
        %shift_right_arithmetic3A_1104 = arith.constant 31 : i32
        %shift_right_arithmetic3A_1105 = vector.broadcast %shift_right_arithmetic3A_1104 : i32 to vector<16xi32>
        %shift_right_arithmetic3A_1106 = arith.shrsi %bitcast_convert_type3A_1103, %shift_right_arithmetic3A_1105 : vector<16xi32>
        %and3A_1107 = arith.constant 2147483647 : i32
        %and3A_1108 = vector.broadcast %and3A_1107 : i32 to vector<16xi32>
        %and3A_1109 = arith.andi %shift_right_arithmetic3A_1106, %and3A_1108 : vector<16xi32>
        %xor3A_1110 = arith.xori %bitcast_convert_type3A_1103, %and3A_1109 : vector<16xi32>
        %ge3A_1111 = vector.broadcast %reduce_max3A_1064 : i32 to vector<16xi32>
        %ge3A_1112 = arith.cmpi sge, %xor3A_1110, %ge3A_1111 : vector<16xi32>
        %jit3A_1113 = arith.constant 0.000000e+00 : f32
        %broadcast_in_dim3A_1114 = vector.broadcast %jit3A_1113 : f32 to vector<16xf32>
        %select_n3A_1115 = arith.select %ge3A_1112, %get3A_1102, %broadcast_in_dim3A_1114 : vector<16xi1>, vector<16xf32>
        %swap3A_1116 = arith.index_cast %mul3A_1100 : i32 to index
        %swap3A_1117 = tpu.vector_load %arg7[%swap3A_1116] {strides = array<i32>} : memref<32768xf32, #tpu.memory_space<vmem>>, vector<16xf32>,
        tpu.vector_store %arg7[%swap3A_1116], %select_n3A_1115 {strides = array<i32>} : memref<32768xf32, #tpu.memory_space<vmem>>, vector<16xf32>,
        %mul3A_1118 = arith.constant 4 : i32
        %mul3A_1119 = arith.muli %scan3A_1073, %mul3A_1118 : i32
        %add3A_1120 = arith.constant 2 : i32
        %add3A_1121 = arith.addi %mul3A_1119, %add3A_1120 : i32
        %mul3A_1122 = arith.constant 16 : i32
        %mul3A_1123 = arith.muli %add3A_1121, %mul3A_1122 : i32
        %get3A_1124 = arith.index_cast %mul3A_1123 : i32 to index
        %get3A_1125 = tpu.vector_load %arg7[%get3A_1124] {strides = array<i32>} : memref<32768xf32, #tpu.memory_space<vmem>>, vector<16xf32>,
        %bitcast_convert_type3A_1126 = tpu.bitcast %get3A_1125 : vector<16xf32> -> vector<16xi32>
        %shift_right_arithmetic3A_1127 = arith.constant 31 : i32
        %shift_right_arithmetic3A_1128 = vector.broadcast %shift_right_arithmetic3A_1127 : i32 to vector<16xi32>
        %shift_right_arithmetic3A_1129 = arith.shrsi %bitcast_convert_type3A_1126, %shift_right_arithmetic3A_1128 : vector<16xi32>
        %and3A_1130 = arith.constant 2147483647 : i32
        %and3A_1131 = vector.broadcast %and3A_1130 : i32 to vector<16xi32>
        %and3A_1132 = arith.andi %shift_right_arithmetic3A_1129, %and3A_1131 : vector<16xi32>
        %xor3A_1133 = arith.xori %bitcast_convert_type3A_1126, %and3A_1132 : vector<16xi32>
        %ge3A_1134 = vector.broadcast %reduce_max3A_1064 : i32 to vector<16xi32>
        %ge3A_1135 = arith.cmpi sge, %xor3A_1133, %ge3A_1134 : vector<16xi32>
        %jit3A_1136 = arith.constant 0.000000e+00 : f32
        %broadcast_in_dim3A_1137 = vector.broadcast %jit3A_1136 : f32 to vector<16xf32>
        %select_n3A_1138 = arith.select %ge3A_1135, %get3A_1125, %broadcast_in_dim3A_1137 : vector<16xi1>, vector<16xf32>
        %swap3A_1139 = arith.index_cast %mul3A_1123 : i32 to index
        %swap3A_1140 = tpu.vector_load %arg7[%swap3A_1139] {strides = array<i32>} : memref<32768xf32, #tpu.memory_space<vmem>>, vector<16xf32>,
        tpu.vector_store %arg7[%swap3A_1139], %select_n3A_1138 {strides = array<i32>} : memref<32768xf32, #tpu.memory_space<vmem>>, vector<16xf32>,
        %mul3A_1141 = arith.constant 4 : i32
        %mul3A_1142 = arith.muli %scan3A_1073, %mul3A_1141 : i32
        %add3A_1143 = arith.constant 3 : i32
        %add3A_1144 = arith.addi %mul3A_1142, %add3A_1143 : i32
        %mul3A_1145 = arith.constant 16 : i32
        %mul3A_1146 = arith.muli %add3A_1144, %mul3A_1145 : i32
        %get3A_1147 = arith.index_cast %mul3A_1146 : i32 to index
        %get3A_1148 = tpu.vector_load %arg7[%get3A_1147] {strides = array<i32>} : memref<32768xf32, #tpu.memory_space<vmem>>, vector<16xf32>,
        %bitcast_convert_type3A_1149 = tpu.bitcast %get3A_1148 : vector<16xf32> -> vector<16xi32>
        %shift_right_arithmetic3A_1150 = arith.constant 31 : i32
        %shift_right_arithmetic3A_1151 = vector.broadcast %shift_right_arithmetic3A_1150 : i32 to vector<16xi32>
        %shift_right_arithmetic3A_1152 = arith.shrsi %bitcast_convert_type3A_1149, %shift_right_arithmetic3A_1151 : vector<16xi32>
        %and3A_1153 = arith.constant 2147483647 : i32
        %and3A_1154 = vector.broadcast %and3A_1153 : i32 to vector<16xi32>
        %and3A_1155 = arith.andi %shift_right_arithmetic3A_1152, %and3A_1154 : vector<16xi32>
        %xor3A_1156 = arith.xori %bitcast_convert_type3A_1149, %and3A_1155 : vector<16xi32>
        %ge3A_1157 = vector.broadcast %reduce_max3A_1064 : i32 to vector<16xi32>
        %ge3A_1158 = arith.cmpi sge, %xor3A_1156, %ge3A_1157 : vector<16xi32>
        %jit3A_1159 = arith.constant 0.000000e+00 : f32
        %broadcast_in_dim3A_1160 = vector.broadcast %jit3A_1159 : f32 to vector<16xf32>
        %select_n3A_1161 = arith.select %ge3A_1158, %get3A_1148, %broadcast_in_dim3A_1160 : vector<16xi1>, vector<16xf32>
        %swap3A_1162 = arith.index_cast %mul3A_1146 : i32 to index
        %swap3A_1163 = tpu.vector_load %arg7[%swap3A_1162] {strides = array<i32>} : memref<32768xf32, #tpu.memory_space<vmem>>, vector<16xf32>,
        tpu.vector_store %arg7[%swap3A_1162], %select_n3A_1161 {strides = array<i32>} : memref<32768xf32, #tpu.memory_space<vmem>>, vector<16xf32>,
        %scan3A_1164 = arith.constant 0 : i32
        scf.yield %scan3A_1164 : i32
      }
      %scan3A_1071 = arith.constant 512 : i32
      "tpu.region"() ({
        %run_scoped3A = tpu.sem_alloc : memref<!tpu.dma_semaphore, #tpu.memory_space<semaphore_mem>>
        %dma_start3A = arith.constant 0 : i32
        %dma_start3A_1073 = tpu.memref_slice %arg5[%add3A_1052, %dma_start3A] : memref<128x32768xf32, #tpu.memory_space<hbm>> -> memref<1x32768xf32, #tpu.memory_space<hbm>>
        %dma_start3A_1074 = tpu.memref_squeeze %dma_start3A_1073 : memref<1x32768xf32, #tpu.memory_space<hbm>> -> memref<32768xf32, #tpu.memory_space<hbm>>
        %dma_start3A_1075 = arith.constant 0 : i32
        %dma_start3A_1076 = tpu.memref_slice %arg5[%add3A_1052, %dma_start3A_1075] : memref<128x32768xf32, #tpu.memory_space<hbm>> -> memref<1x32768xf32, #tpu.memory_space<hbm>>
        %dma_start3A_1077 = tpu.memref_squeeze %dma_start3A_1076 : memref<1x32768xf32, #tpu.memory_space<hbm>> -> memref<32768xf32, #tpu.memory_space<hbm>>
        tpu.enqueue_dma source(%arg7 : memref<32768xf32, #tpu.memory_space<vmem>>) target(%dma_start3A_1077 : memref<32768xf32, #tpu.memory_space<hbm>>) target_semaphore(%run_scoped3A : memref<!tpu.dma_semaphore, #tpu.memory_space<semaphore_mem>>)
        %dma_wait3A = arith.constant 0 : i32
        %dma_wait3A_1078 = tpu.memref_slice %arg5[%add3A_1052, %dma_wait3A] : memref<128x32768xf32, #tpu.memory_space<hbm>> -> memref<1x32768xf32, #tpu.memory_space<hbm>>
        %dma_wait3A_1079 = tpu.memref_squeeze %dma_wait3A_1078 : memref<1x32768xf32, #tpu.memory_space<hbm>> -> memref<32768xf32, #tpu.memory_space<hbm>>
        %dma_wait3A_1080 = arith.constant 0 : i32
        %dma_wait3A_1081 = tpu.memref_slice %arg5[%add3A_1052, %dma_wait3A_1080] : memref<128x32768xf32, #tpu.memory_space<hbm>> -> memref<1x32768xf32, #tpu.memory_space<hbm>>
        %dma_wait3A_1082 = tpu.memref_squeeze %dma_wait3A_1081 : memref<1x32768xf32, #tpu.memory_space<hbm>> -> memref<32768xf32, #tpu.memory_space<hbm>>
        tpu.wait_dma2 semaphore(%run_scoped3A : memref<!tpu.dma_semaphore, #tpu.memory_space<semaphore_mem>>) src(%arg7 : memref<32768xf32, #tpu.memory_space<vmem>>) dst(%dma_wait3A_1082 : memref<32768xf32, #tpu.memory_space<hbm>>)
        tpu.yield
      }) : () -> ()
      %scan3A_1072 = arith.constant 0 : i32
      scf.yield %scan3A_1072 : i32
    }
    %scan3A_1047 = arith.constant 4 : i32
    return
  }
}

</mosaic_0001>

<sc_bundles>
// kernel: kernel.4.cloned.1.call-start
scs
__scs_entry_jumppad:
0x0: {  	(pc) =	sbr.rel $0x88, $3  }
0x1: {  	(tag) =	ssettag $0x0;
	lr =	simm.s32 $0x1  }
0x2: {  	[smem:$0x3FA0] =	sst lr;
	_ =	strace $0xD0000000  }
0x3: {  	_ = 	snop  }
0x4: {  	_ = 	snop  }
0x5: {  	_ = 	snop  }
0x6: {  	_ = 	snop  }
0x7: {  	_ = 	snop  }
__scs_overlays_trampoline_lowered:
0x8: {  	[smem:$0x3FAF] =	sst s0  }
0x9: {  	[smem:$0x3FB0] =	sst s1  }
0xa: {  	[smem:$0x3FB1] =	sst s2  }
0xb: {  	[smem:$0x3FB2] =	sst s3  }
0xc: {  	[smem:$0x3FB3] =	sst s4  }
0xd: {  	[smem:$0x3FB4] =	sst s5  }
0xe: {  	[smem:$0x3FB5] =	sst s6  }
0xf: {  	[smem:$0x3FB6] =	sst s7  }
0x10: {  	[smem:$0x3FB7] =	sst s8  }
0x11: {  	[smem:$0x3FB8] =	sst s9;
	s0 =	simm.s32 @!p0 $0x0  }
0x12: {  	s1 =	sld [smem:$0x3F9E];
	s0 =	simm.s32 @p0 $0x1  }
0x13: {  	[smem:$0x3FB9] =	sst s0;
	s0 =	simm.s32 @!p1 $0x0  }
0x14: {  	s2 =	sld [smem:$0x3F9D];
	s0 =	simm.s32 @p1 $0x1  }
0x15: {  	[smem:$0x3FBA] =	sst s0;
	s0 =	simm.s32 @!p2 $0x0  }
0x16: {  	s3 =	sld [smem:$0x3FDB];
	s0 =	simm.s32 @p2 $0x1  }
0x17: {  	s4 =	simm.s32 $0x1BF5;
	[smem:$0x3FBC] =	sst s0  }
0x18: {  	s0 =	sld [smem:$0x3F9F];
	_ =	swait.ge [sflag:s4], $0x0  }
0x19: {  	s7 =	sld [smem:$0x3FA0]  }
0x1a: {  	s8 =	sadd.s32 $0xFFFFE003, lr  }
0x1b: {  	s9 =	sadd.s32 $0xFFFFFEF7, lr;
	s5 =	simm.s32 $0xFFFFFFFF;
	p2 =	slt.u32 s8, $0xFFFFF086  }
0x1c: {  	p1 =	slt.u32 s9, $0xF7A;
	s5 =	simm.s32 @!p2 $0x0  }
0x1d: {  	s5 =	simm.s32 @p1 $0x1;
	p0 =	seq.s32 s7, s2  }
0x1e: {  	s7 =	smul.u32 @!p0 $0xF7A, s2;
	p2 =	seq.s32 @!p0 s5, $0x0  }
0x1f: {  	s9 =	smul.u32 $0xF7A, s1;
	s8 =	simm.s32 @!p0 $0x1BF5;
	p2 =	por !p2, p0  }
0x20: {  	[sflag:s8] =	ssyncset.s32 @!p0 $0xFFFFF086;
	s6 =	sadd.s32 @!p0 s3, s7;
	s7 =	simm.s32 @!p0 $0x108  }
0x21: {  	s3 =	sadd.s32 s3, s9;
	s6 =	sadd.s32 @!p0 $0x88, s6;
	s7 =	simm.s32 @p2 $0x1082  }
0x22: {  	[simem:s7], [sflag:s8] =	dma.local @!p0 [hbm:s6], $0xF7A  }
0x23: {  	s9 =	sor.u32 $0xD0000000, s2;
	s6 =	simm.s32 $0x108;
	_ =	swait.ge @!p0 [sflag:s8], $0x0  }
0x24: {  	s3 =	sadd.s32 $0x88, s3;
	s6 =	simm.s32 @!p1 $0x1082;
	[sflag:s4] =	ssyncset.s32 $0xFFFFF086  }
0x25: {  	[simem:s6], [sflag:s4] =	dma.local [hbm:s3], $0xF7A  }
0x26: {  	[smem:$0x3FA0] =	sst s1;
	(tag) =	ssettag s2;
	_ =	strace s9  }
0x27: {  	s1 =	sld [smem:$0x3FB0]  }
0x28: {  	s2 =	sld [smem:$0x3FB1]  }
0x29: {  	s4 =	sld [smem:$0x3FB3]  }
0x2a: {  	p0 =	seq.s32 s5, $0x0;
	s5 =	sld [smem:$0x3FB4]  }
0x2b: {  	s6 =	sld [smem:$0x3FB5]  }
0x2c: {  	s7 =	sld [smem:$0x3FB6]  }
0x2d: {  	s3 =	simm.s32 $0x108;
	s8 =	sld [smem:$0x3FB7]  }
0x2e: {  	s3 =	simm.s32 @!p0 $0x1082;
	s9 =	sld [smem:$0x3FB8]  }
0x2f: {  	lr =	sadd.s32 s0, s3;
	s0 =	sld [smem:$0x3FAF]  }
0x30: {  	s3 =	sld [smem:$0x3FB2]  }
0x31: {  	[smem:$0x3FBB] =	sst s10  }
0x32: {  	s10 =	sld [smem:$0x3FB9];
	_ =	sdelay $0x3  }
0x33: {  	p0 =	seq.s32 s10, $0x1;
	s10 =	sld [smem:$0x3FBB];
	_ =	sdelay $0x3  }
0x34: {  	[smem:$0x3FBB] =	sst s10  }
0x35: {  	s10 =	sld [smem:$0x3FBA];
	_ =	sdelay $0x3  }
0x36: {  	p1 =	seq.s32 s10, $0x1;
	s10 =	sld [smem:$0x3FBB];
	_ =	sdelay $0x3  }
0x37: {  	[smem:$0x3FBB] =	sst s10  }
0x38: {  	s10 =	sld [smem:$0x3FBC]  }
0x39: {  	_ = 	snop;
	(pc) =	sbr.ind lr, $3  }
0x3a: {  	_ = 	snop  }
0x3b: {  	_ = 	snop  }
0x3c: {  	p2 =	seq.s32 s10, $0x1;
	s10 =	sld [smem:$0x3FBB]  }
0x3d: {  	_ =	shalt  }
0x3e: {  	_ =	shalt  }
0x3f: {  	_ =	shalt  }
0x40: {  	_ =	shalt  }
0x41: {  	_ =	shalt  }
0x42: {  	_ =	shalt  }
0x43: {  	_ =	shalt  }
0x44: {  	_ =	shalt  }
0x45: {  	_ =	shalt  }
0x46: {  	_ =	shalt  }
0x47: {  	_ =	shalt  }
0x48: {  	_ =	shalt  }
0x49: {  	_ =	shalt  }
0x4a: {  	_ =	shalt  }
0x4b: {  	_ =	shalt  }
0x4c: {  	_ =	shalt  }
0x4d: {  	_ =	shalt  }
0x4e: {  	_ =	shalt  }
0x4f: {  	_ =	shalt  }
0x50: {  	_ =	shalt  }
0x51: {  	_ =	shalt  }
0x52: {  	_ =	shalt  }
0x53: {  	_ =	shalt  }
0x54: {  	_ =	shalt  }
0x55: {  	_ =	shalt  }
0x56: {  	_ =	shalt  }
0x57: {  	_ =	shalt  }
0x58: {  	_ =	shalt  }
0x59: {  	_ =	shalt  }
0x5a: {  	_ =	shalt  }
0x5b: {  	_ =	shalt  }
0x5c: {  	_ =	shalt  }
0x5d: {  	_ =	shalt  }
0x5e: {  	_ =	shalt  }
0x5f: {  	_ =	shalt  }
0x60: {  	_ =	shalt  }
0x61: {  	_ =	shalt  }
0x62: {  	_ =	shalt  }
0x63: {  	_ =	shalt  }
0x64: {  	_ =	shalt  }
0x65: {  	_ =	shalt  }
0x66: {  	_ =	shalt  }
0x67: {  	_ =	shalt  }
0x68: {  	_ =	shalt  }
0x69: {  	_ =	shalt  }
0x6a: {  	_ =	shalt  }
0x6b: {  	_ =	shalt  }
0x6c: {  	_ =	shalt  }
0x6d: {  	_ =	shalt  }
0x6e: {  	_ =	shalt  }
0x6f: {  	_ =	shalt  }
0x70: {  	_ =	shalt  }
0x71: {  	_ =	shalt  }
0x72: {  	_ =	shalt  }
0x73: {  	_ =	shalt  }
0x74: {  	_ =	shalt  }
0x75: {  	_ =	shalt  }
0x76: {  	_ =	shalt  }
0x77: {  	_ =	shalt  }
0x78: {  	_ =	shalt  }
0x79: {  	_ =	shalt  }
0x7a: {  	_ =	shalt  }
0x7b: {  	_ =	shalt  }
0x7c: {  	_ =	shalt  }
0x7d: {  	_ =	shalt  }
0x7e: {  	_ =	shalt  }
0x7f: {  	_ =	shalt  }
0x80: {  	_ =	shalt  }
0x81: {  	_ =	shalt  }
0x82: {  	_ =	shalt  }
0x83: {  	_ =	shalt  }
0x84: {  	_ =	shalt  }
0x85: {  	_ =	shalt  }
0x86: {  	_ =	shalt  }
0x87: {  	_ =	shalt  }
.Lfunc_end0:
.L_simem_size_0:
called_computation_lowered:
.L_overlay_start_0:
0x88: {  	s2 =	sld [smem:$0x3FD9]  }
0x89: {  	s3 =	sld [smem:$0x3FFE];
	_ =	sdelay $0x1  }
0x8a: {  	s1 =	srdreg.scid  }
0x8b: {  	s0 =	sand.u32 $0x1, s1  }
0x8c: {  	s17 =	sshll.u32 s0, $0xA;
	s2 =	sadd.s32 s3, s2  }
0x8d: {  	s2 =	sadd.s32 s2, s17  }
0x8e: {  	[smem:$0x3FC7] =	sst s2  }
0x8f: {  	_ = 	snop  }
0x90: {  	s2 =	sld [smem:$0x3FC9]  }
0x91: {  	s18 =	sld [smem:$0x3FD0];
	(tm) =	ssettm $0x1  }
0x92: {  	s4 =	sld [smem:$0x3FFB];
	_ =	sdelay $0x3  }
0x93: {  	_ =	strace s4  }
0x94: {  	s4 =	sld [smem:$0x3FFC];
	_ =	sdelay $0x3  }
0x95: {  	_ =	strace s4  }
0x96: {  	s4 =	sld [smem:$0x3FFD];
	_ =	sdelay $0x3  }
0x97: {  	_ =	strace s4  }
0x98: {  	_ =	strace $0x8FFFFFFF  }
0x99: {  	s19 =	sld [smem:$0x3FDB];
	_ =	sdelay $0x1  }
0x9a: {  	s5 =	simm.s32 $_scs_section_size  }
0x9b: {  	s6 =	simm.s32 $_size__tile_overlayer_lowered;
	s7 =	simm.s32 $_tile_overlayer_lowered  }
0x9c: {  	s22 =	simm.s32 $0x1BFF;
	s21 =	sshll.u32 s7, $0x1;
	s4 =	sadd.s32 s5, s19  }
0x9d: {  	s8 =	simm.s32 $0x0;
	s20 =	sshll.u32 s6, $0x1;
	s6 =	sadd.s32 s21, s4  }
0x9e: {  	[timem:s8], [sflag:s22] =	dma.local [hbm:s6], s20  }
0x9f: {  	_ =	swait.ge [sflag:s22], s20  }
0xa0: {  	s5 =	ssub.s32 $0x0, s20;
	[sflag:s22] =	ssyncset.done $0x0  }
0xa1: {  	[sflag:s22] =	ssyncadd.s32 s5;
	_ =	sdelay $0x1  }
0xa2: {  	s23 =	simm.s32 $0x1B8B  }
0xa3: {  	_ =	swait.ge [sflag:s23], $0x1  }
0xa4: {  	[sflag:s23] =	ssyncset.done $0x0  }
0xa5: {  	s25 =	simm.s32 $0x1B8E;
	s24 =	sld [smem:$0x3FFE];
	[sflag:s23] =	ssyncadd.s32 $0xFFFFFFFF  }
0xa6: {  	s26 =	simm.s32 $execute0_lowered;
	[smem:$0x3FD2] =	sst s25  }
0xa7: {  	s6 =	sshll.u32 s26, $0x1;
	_ =	strace $0x80000046;
	[dreg:$0x1] =	wrdreg $0xFFFFFFFF  }
0xa8: {  	s28 =	simm.s32 $_size_execute0_lowered;
	s4 =	sadd.s32 s4, s6;
	[dreg:$0x0] =	wrdreg $0x0  }
0xa9: {  	s6 =	sshll.u32 s28, $0x1;
	[dreg:$0x2] =	wrdreg s4  }
0xaa: {  	[dreg:$0x3] =	wrdreg s6  }
0xab: {  	[dreg:$0x4] =	wrdreg $0xC0  }
0xac: {  	_ =	task [dreg:s8], $0x5FFFF  }
0xad: {  	[dreg:$0x1] =	wrdreg $0xFFFFFFFF  }
0xae: {  	[dreg:$0x0] =	wrdreg $0x60  }
0xaf: {  	[dreg:$0x2] =	wrdreg s2  }
0xb0: {  	[dreg:$0x3] =	wrdreg s18  }
0xb1: {  	[dreg:$0x4] =	wrdreg s24  }
0xb2: {  	[dreg:$0x5] =	wrdreg $0x9  }
0xb3: {  	_ =	task.clear_ibuf [dreg:s8], $0x6FFFF;
	_ =	strace $0x90000046  }
0xb4: {  	s29 =	simm.s32 $0x9;
	_ =	strace $0x80000048  }
0xb5: {  	_ =	swait.ge [sflag:s29], $0x1  }
0xb6: {  	[sflag:s29] =	ssyncadd.s32 $0xFFFFFFFF  }
0xb7: {  	_ =	strace $0x90000048  }
0xb8: {  	_ =	sfence  }
0xb9: {  	s30 =	sld [smem:$0x0];
	_ =	sdelay $0x2  }
0xba: {  	s31 =	sshll.u32 s1, $0xD;
	s1 =	sshrl.u32 s1, $0x2  }
0xbb: {  	s3 =	sand.u32 $0x4000, s31;
	s1 =	sadd.s32 s1, s30  }
0xbc: {  	s0 =	sor.u32 s3, s0;
	s1 =	sshll.u32 s1, $0x11  }
0xbd: {  	s0 =	sor.u32 s1, s0  }
0xbe: {  	s0 =	sadd.s32 $0x8F2B, s0  }
0xbf: {  	[sflag:s0] =	ssyncadd.remote.s32 $0x1  }
0xc0: {  	_ =	sfence.sel $0xFFFF  }
0xc1: {  	[dreg:$0x0] =	wrdreg $0xFFFFFFFF;
	(pc) =	sbr.abs _section_cstart, $3  }
0xc2: {  	[dreg:$0x1] =	wrdreg $0xFFFFFFFF  }
0xc3: {  	_ =	task.clear_ibuf [dreg:s8], $0x2FFFF;
	_ =	strace $0x9FFFFFFF  }
0xc4: {  	(tm) =	ssettm $0x7FFFFFFF  }
0xc5: {  	_ =	shalt  }
tec
execute0_lowered:
.L_overlay_start_1:
0x0: {  	(tag) =	ssettag $0x1  }
0x1: {  	s1 =	rddreg [dreg:$0x0]  }
0x2: {  	s2 =	rddreg [dreg:$0x1]  }
0x3: {  	s0 =	rddreg [dreg:$0x2]  }
0x4: {  	s3 =	simm.s32 $0x0;
	s4 =	srdreg.scid;
	s30 =	stileid.u32  }
0x5: {  	s10 =	simm.s32 $0x80;
	s11 =	simm.s32 $0x400;
	s12 =	simm.s32 $0x1  }
0x6: {  	s13 =	simm.s32 $0x10000;
	s14 =	simm.s32 $0x16000;
	s15 =	simm.s32 $0x12000  }
0x7: {  	s17 =	simm.s32 $0x0;
	s18 =	simm.s32 $0x0;
	[smem:$0x7FF] =	sst s3  }
.Ltmp0:
0x8: {  	s4 =	sand.u32 $0x1, s4;
	s7 =	sshll.u32 s30, $0x2;
	(pc) =	sbr.rel .LBB2_1-.Ltmp0, $4  }
0x9: {  	v0 =	vlaneseq.u32;
	_ =	strace $0x80000047;
	s5 =	sshll.u32 s4, $0x1;
	s6 =	ssub.s32 $0x2, s4  }
0xa: {  	v5 =	vmul.u32 $0xFFFFFFFF, v0;
	s0 =	sadd.s32 s5, s0;
	s31 =	sshrl.u32 s6, $0x1;
	s5 =	sshll.u32 s4, $0x9  }
0xb: {  	v1 =	vimm.s32 $0x80000000;
	v2 =	vimm.s32 $0x1;
	s9 =	ssub.s32 s6, s31;
	s0 =	sadd.s32 s7, s0;
	s6 =	sshll.u32 s30, $0x12  }
0xc: {  	v3 =	vimm.s32 $0x0;
	v4 =	vor.u32 $0x1000, v0;
	v5 =	vadd.s32 $0xF, v5;
	s7 =	sshll.u32 s30, $0xE;
	s8 =	sadd.s32 $0xC00, s0;
	s9 =	smax.u32 s9, $0x1  }
.LBB2_49:
0xd: {  	s17 =	sadd.s32 $0x1, s17  }
0xe: {  	p0 =	sne.s32 s17, s9  }
.Ltmp1:
0xf: {  	[tilespmem:$0x16800] =	vst v6;
	s0 =	simm.s32 $0x0;
	s3 =	simm.s32 $0x16800;
	(pc) =	sbr.rel @!p0 .LBB2_50-.Ltmp1, $4  }
0x10: {  	[hbm4b:s8+s0] =	stream.linear.scatter [tilespmem:s3], [sflag:$0x1], $0x10, $0x38;
	[tilespmem:$0x16880] =	vst v63  }
0x11: {  	_ =	swait.ge [sflag:s12], $0x10  }
0x12: {  	[sflag:s12] =	ssyncset.done $0x0  }
0x13: {  	[sflag:s12] =	ssyncadd.s32 $0xFFFFFFF0  }
.LBB2_1:
0x14: {  	s0 =	simm.s32 $0x0  }
.LBB2_2:
0x15: {  	p0 =	sne.s32 s0, $0x7FC0  }
.Ltmp2:
0x16: {  	_ = 	snop;
	(pc) =	sbr.rel @p0 .LBB2_2-.Ltmp2, $3  }
0x17: {  	_ =	sdelay $0x1  }
0x18: {  	s4 =	sshra.s32 s0, $0x2;
	v6 =	vimm.s32 $0x0  }
0x19: {  	s0 =	sadd.s32 $0x40, s0;
	[tilespmem:s4+$0x10000] =	vst v6  }
.Ltmp3:
0x1a: {  	(pc) =	sbr.rel .LBB2_4-.Ltmp3, $2  }
0x1b: {  	_ =	sdelay $0x2  }
0x1c: {  	s21 =	simm.s32 $0xBF;
	s19 =	simm.s32 $0x0  }
.LBB2_42:
0x1d: {  	s0 =	simm.s32 $0x0;
	v11 =	vmov v8  }
.LBB2_47:
0x1e: {  	s0 =	sadd.s32 @p0 $0x10, s0  }
0x1f: {  	s24 =	smov.u32 @p0 s0  }
0x20: {  	v12 =	vor.u32 s24, v0  }
0x21: {  	vm1 =	vlt.s32 v8, $0x7F1;
	vm0 =	vlt.s32 v12, v7;
	v7 =	vand.u32 $0xFF, v9  }
0x22: {  	vm2 =	vge.s32 v7, v10;
	vm0 =	vmand vm0, vm1  }
0x23: {  	vm0 =	vmand vm0, vm2  }
0x24: {  	v7 =	vsel vm0, $0x1, v3  }
0x25: {  	(xrf0) =	vadd.scan.msk.s32 $0xffff, v7;
	_ =	sdelay $0x5  }
0x26: {  	v7, _, _ =	vpop (xrf0)  }
0x27: {  	v7 =	vadd.s32 v7, v11  }
0x28: {  	v7 =	vadd.s32 $0xFFFFFFFF, v7;
	_ =	sdelay $0x4  }
0x29: {  	[tilespmem:v7+s14+$0x0] =	vst.idx.msk vm0, v9  }
.LBB2_48:
0x2a: {  	s0 =	sadd.s32 s7, s20;
	v7 =	vmov s19;
	s19 =	sadd.s32 $0x1, s19  }
0x2b: {  	s0 =	sshrl.u32 s0, $0x3;
	p0 =	sne.s32 s19, $0x4  }
.Ltmp4:
0x2c: {  	s0 =	sadd.s32 s2, s0;
	(pc) =	sbr.rel @!p0 .LBB2_49-.Ltmp4, $4  }
0x2d: {  	[hbm4b:s0+s10] =	stream.strided.scatter [tilespmem:s14], [sflag:$0x1], $0x800, s11, s10, $0x38;
	[tilespmem:$0x16880] =	vst v63  }
0x2e: {  	_ =	swait.ge [sflag:s12], $0x800  }
0x2f: {  	s31 =	sor.u32 s22, s23;
	vm0 =	veq.s32 v7, v0;
	[sflag:s12] =	ssyncset.done $0x0  }
0x30: {  	v6 =	vsel vm0, s31, v6;
	[sflag:s12] =	ssyncadd.s32 $0xFFFFF800  }
.LBB2_4:
0x31: {  	s0 =	sshll.u32 s19, $0x7  }
0x32: {  	s20 =	sadd.s32 s5, s0  }
0x33: {  	s0 =	sadd.s32 s6, s20  }
0x34: {  	s0 =	sshrl.u32 s0, $0x3  }
0x35: {  	s0 =	sadd.s32 s1, s0  }
0x36: {  	[tilespmem:s18], [sflag:$0x1] =	stream.strided.gather [hbm4b:s0+s10], $0x8000, s11, s10, $0x38;
	[tilespmem:$0x16880] =	vst v63  }
0x37: {  	_ =	swait.ge [sflag:s12], $0x8000  }
0x38: {  	s22 =	smov.u32 s21;
	[sflag:s12] =	ssyncset.done $0x0  }
0x39: {  	s4 =	simm.s32 $0x0;
	s0 =	simm.s32 $0x40;
	[sflag:s12] =	ssyncadd.s32 $0xFFFF8000  }
.LBB2_5:
0x3a: {  	p0 =	sne.s32 s0, $0x1FC0;
	[tilespmem:s4+$0x16000] =	vst v1;
	s4 =	smov.u32 s0;
	s0 =	sadd.s32 $0x40, s0  }
.Ltmp5:
0x3b: {  	(pc) =	sbr.rel @p0 .LBB2_5-.Ltmp5, $2  }
0x3c: {  	_ =	sdelay $0x2  }
0x3d: {  	s4 =	sshra.s32 s4, $0x2  }
0x3e: {  	v10 =	vmov s22  }
0x3f: {  	[tilespmem:s4+$0x16000] =	vst v1;
	v9 =	vimm.s32 $0x0;
	s21 =	simm.s32 $0x0;
	s23 =	simm.s32 $0x0;
	v7 =	vimm.s32 $0x0;
	v8 =	vimm.s32 $0x0  }
.LBB2_7:
0x40: {  	s24 =	sshra.s32 s23, $0x2  }
0x41: {  	v11 =	vld [tilespmem:s24+$0x0];
	_ =	sdelay $0x4  }
0x42: {  	v12 =	vshra.s32 v11, $0x1F  }
0x43: {  	v12 =	vand.u32 $0x7FFFFFFF, v12  }
0x44: {  	v11 =	vxor.u32 v11, v12  }
0x45: {  	v12 =	vshrl.u32 v11, $0x18  }
0x46: {  	v13 =	vxor.u32 $0x80, v12  }
0x47: {  	vm1 =	vlt.s32 v8, $0x7F1;
	vm0 =	vgt.s32 v13, v10  }
0x48: {  	vm0 =	vmand vm1, vm0  }
0x49: {  	vm2 =	vlt.s32 v7, $0x3FF1;
	vm15 =	veq.s32 v13, v10;
	v14 =	vsel vm0, $0x1, v3  }
0x4a: {  	vm1 =	vmand vm2, vm15;
	(xrf0) =	vadd.scan.msk.s32 $0xffff, v14  }
0x4b: {  	v25 =	vsel vm1, $0x1, v3  }
0x4c: {  	(xrf0) =	vadd.scan.msk.s32 $0xffff, v25;
	_ =	sdelay $0x1  }
0x4d: {  	v12 =	vshll.u32 v12, $0x4  }
0x4e: {  	v12 =	vor.u32 v0, v12;
	v13 =	vshll.u32 v13, $0x4  }
0x4f: {  	v12 =	vand.u32 $0x7F, v12;
	v13 =	vand.u32 $0xF80, v13;
	v26, _, _ =	vpop (xrf0)  }
0x50: {  	v28 =	vshrl.u32 v11, $0xC;
	v12 =	vor.u32 v12, v13;
	v27 =	vadd.s32 v26, v8  }
0x51: {  	v14 =	vand.u32 $0xFF0, v28;
	v15, _, _ =	vpop (xrf0);
	v13 =	vadd.s32 $0xFFFFFFFF, v27  }
0x52: {  	v14 =	vor.u32 v4, v14;
	v15 =	vadd.s32 v15, v7  }
0x53: {  	v15 =	vadd.s32 $0xFFFFFFFF, v15  }
0x54: {  	[tilespmem:s24+$0x8000] =	vst v11  }
0x55: {  	[tilespmem:v12+s13+$0x0] =	vst.idx.add.s32.msk $0xffff, v2  }
0x56: {  	[tilespmem:v13+s14+$0x0] =	vst.idx.msk vm0, v11  }
0x57: {  	[tilespmem:v14+s13+$0x0] =	vst.idx.add.s32.msk vm1, v2  }
0x58: {  	[tilespmem:v15+s15+$0x0] =	vst.idx.msk vm1, v11  }
0x59: {  	v11 =	vld [tilespmem:s24+$0x10];
	_ =	sdelay $0x4  }
0x5a: {  	v29 =	vshra.s32 v11, $0x1F  }
0x5b: {  	v12 =	vand.u32 $0x7FFFFFFF, v29  }
0x5c: {  	v30 =	vmpcnt.ones.xlane vm0;
	v11 =	vxor.u32 v11, v12  }
0x5d: {  	v12 =	vshrl.u32 v11, $0x18  }
0x5e: {  	v31 =	vmpcnt.ones.xlane vm1;
	v8 =	vadd.s32 v8, v30;
	v32 =	vxor.u32 $0x80, v12  }
0x5f: {  	vm5 =	vlt.s32 v8, $0x7F1;
	vm4 =	vgt.s32 v32, v10  }
0x60: {  	v7 =	vadd.s32 v7, v31;
	vm0 =	vmand vm5, vm4  }
0x61: {  	vm7 =	vlt.s32 v7, $0x3FF1;
	vm6 =	veq.s32 v32, v10;
	v33 =	vsel vm0, $0x1, v3  }
0x62: {  	vm1 =	vmand vm7, vm6;
	(xrf0) =	vadd.scan.msk.s32 $0xffff, v33  }
0x63: {  	v34 =	vsel vm1, $0x1, v3  }
0x64: {  	(xrf0) =	vadd.scan.msk.s32 $0xffff, v34;
	_ =	sdelay $0x1  }
0x65: {  	v12 =	vshll.u32 v12, $0x4  }
0x66: {  	v12 =	vor.u32 v0, v12;
	v35 =	vshll.u32 v32, $0x4  }
0x67: {  	v12 =	vand.u32 $0x7F, v12;
	v13 =	vand.u32 $0xF80, v35;
	v36, _, _ =	vpop (xrf0)  }
0x68: {  	v38 =	vshrl.u32 v11, $0xC;
	v12 =	vor.u32 v12, v13;
	v37 =	vadd.s32 v36, v8  }
0x69: {  	v14 =	vand.u32 $0xFF0, v38;
	v39, _, _ =	vpop (xrf0);
	v13 =	vadd.s32 $0xFFFFFFFF, v37  }
0x6a: {  	v14 =	vor.u32 v4, v14;
	v15 =	vadd.s32 v39, v7  }
0x6b: {  	v15 =	vadd.s32 $0xFFFFFFFF, v15  }
0x6c: {  	[tilespmem:s24+$0x8010] =	vst v11  }
0x6d: {  	[tilespmem:v12+s13+$0x0] =	vst.idx.add.s32.msk $0xffff, v2  }
0x6e: {  	[tilespmem:v13+s14+$0x0] =	vst.idx.msk vm0, v11  }
0x6f: {  	[tilespmem:v14+s13+$0x0] =	vst.idx.add.s32.msk vm1, v2  }
0x70: {  	[tilespmem:v15+s15+$0x0] =	vst.idx.msk vm1, v11  }
0x71: {  	v11 =	vld [tilespmem:s24+$0x20];
	_ =	sdelay $0x4  }
0x72: {  	v40 =	vshra.s32 v11, $0x1F  }
0x73: {  	v12 =	vand.u32 $0x7FFFFFFF, v40  }
0x74: {  	v41 =	vmpcnt.ones.xlane vm0;
	v11 =	vxor.u32 v11, v12  }
0x75: {  	v12 =	vshrl.u32 v11, $0x18  }
0x76: {  	v42 =	vmpcnt.ones.xlane vm1;
	v8 =	vadd.s32 v8, v41;
	v43 =	vxor.u32 $0x80, v12  }
0x77: {  	vm9 =	vlt.s32 v8, $0x7F1;
	vm8 =	vgt.s32 v43, v10  }
0x78: {  	v7 =	vadd.s32 v7, v42;
	vm0 =	vmand vm9, vm8  }
0x79: {  	vm11 =	vlt.s32 v7, $0x3FF1;
	vm10 =	veq.s32 v43, v10;
	v44 =	vsel vm0, $0x1, v3  }
0x7a: {  	vm1 =	vmand vm11, vm10;
	(xrf0) =	vadd.scan.msk.s32 $0xffff, v44  }
0x7b: {  	v45 =	vsel vm1, $0x1, v3  }
0x7c: {  	(xrf0) =	vadd.scan.msk.s32 $0xffff, v45;
	_ =	sdelay $0x1  }
0x7d: {  	v12 =	vshll.u32 v12, $0x4  }
0x7e: {  	v12 =	vor.u32 v0, v12;
	v46 =	vshll.u32 v43, $0x4  }
0x7f: {  	v12 =	vand.u32 $0x7F, v12;
	v13 =	vand.u32 $0xF80, v46;
	v47, _, _ =	vpop (xrf0)  }
0x80: {  	v49 =	vshrl.u32 v11, $0xC;
	v12 =	vor.u32 v12, v13;
	v48 =	vadd.s32 v47, v8  }
0x81: {  	v14 =	vand.u32 $0xFF0, v49;
	v50, _, _ =	vpop (xrf0);
	v13 =	vadd.s32 $0xFFFFFFFF, v48  }
0x82: {  	v14 =	vor.u32 v4, v14;
	v15 =	vadd.s32 v50, v7  }
0x83: {  	v15 =	vadd.s32 $0xFFFFFFFF, v15  }
0x84: {  	[tilespmem:s24+$0x8020] =	vst v11  }
0x85: {  	[tilespmem:v12+s13+$0x0] =	vst.idx.add.s32.msk $0xffff, v2  }
0x86: {  	[tilespmem:v13+s14+$0x0] =	vst.idx.msk vm0, v11  }
0x87: {  	[tilespmem:v14+s13+$0x0] =	vst.idx.add.s32.msk vm1, v2  }
0x88: {  	[tilespmem:v15+s15+$0x0] =	vst.idx.msk vm1, v11  }
0x89: {  	v11 =	vld [tilespmem:s24+$0x30];
	_ =	sdelay $0x4  }
0x8a: {  	v51 =	vshra.s32 v11, $0x1F  }
0x8b: {  	v12 =	vand.u32 $0x7FFFFFFF, v51  }
0x8c: {  	v52 =	vmpcnt.ones.xlane vm0;
	v11 =	vxor.u32 v11, v12  }
0x8d: {  	v12 =	vshrl.u32 v11, $0x18  }
0x8e: {  	v53 =	vmpcnt.ones.xlane vm1;
	v8 =	vadd.s32 v8, v52;
	v54 =	vxor.u32 $0x80, v12  }
0x8f: {  	vm13 =	vlt.s32 v8, $0x7F1;
	vm12 =	vgt.s32 v54, v10  }
0x90: {  	v7 =	vadd.s32 v7, v53;
	vm0 =	vmand vm13, vm12  }
0x91: {  	vm15 =	vlt.s32 v7, $0x3FF1;
	vm14 =	veq.s32 v54, v10;
	v55 =	vsel vm0, $0x1, v3  }
0x92: {  	vm1 =	vmand vm15, vm14;
	(xrf0) =	vadd.scan.msk.s32 $0xffff, v55  }
0x93: {  	v56 =	vsel vm1, $0x1, v3  }
0x94: {  	(xrf0) =	vadd.scan.msk.s32 $0xffff, v56;
	_ =	sdelay $0x1  }
0x95: {  	v12 =	vshll.u32 v12, $0x4  }
0x96: {  	v12 =	vor.u32 v0, v12;
	v57 =	vshll.u32 v54, $0x4  }
0x97: {  	v12 =	vand.u32 $0x7F, v12;
	v13 =	vand.u32 $0xF80, v57;
	v58, _, _ =	vpop (xrf0)  }
0x98: {  	v60 =	vshrl.u32 v11, $0xC;
	v12 =	vor.u32 v12, v13;
	v59 =	vadd.s32 v58, v8  }
0x99: {  	v14 =	vand.u32 $0xFF0, v60;
	v61, _, _ =	vpop (xrf0);
	v13 =	vadd.s32 $0xFFFFFFFF, v59  }
0x9a: {  	v14 =	vor.u32 v4, v14;
	v15 =	vadd.s32 v61, v7  }
0x9b: {  	p0 =	sne.s32 s23, $0x1FF00;
	v15 =	vadd.s32 $0xFFFFFFFF, v15  }
.Ltmp6:
0x9c: {  	[tilespmem:s24+$0x8030] =	vst v11;
	(pc) =	sbr.rel @p0 .LBB2_7-.Ltmp6, $4  }
0x9d: {  	[tilespmem:v12+s13+$0x0] =	vst.idx.add.s32.msk $0xffff, v2  }
0x9e: {  	v62 =	vmpcnt.ones.xlane vm0;
	v63 =	vmpcnt.ones.xlane vm1;
	[tilespmem:v13+s14+$0x0] =	vst.idx.msk vm0, v11  }
0x9f: {  	[tilespmem:v14+s13+$0x0] =	vst.idx.add.s32.msk vm1, v2  }
0xa0: {  	s23 =	sadd.s32 $0x100, s23;
	v8 =	vadd.s32 v8, v62;
	v7 =	vadd.s32 v7, v63;
	[tilespmem:v15+s15+$0x0] =	vst.idx.msk vm1, v11  }
0xa1: {  	s0 =	simm.s32 $0x10080  }
0xa2: {  	v10 =	vld [tilespmem:s0+$0xFFFFFF80]  }
0xa3: {  	v11 =	vld [tilespmem:s0+$0xFFFFFF90]  }
0xa4: {  	v12 =	vld [tilespmem:s0+$0xFFFFFFA0]  }
0xa5: {  	v13 =	vld [tilespmem:s0+$0xFFFFFFB0]  }
0xa6: {  	v14 =	vld [tilespmem:s0+$0xFFFFFFC0]  }
0xa7: {  	v15 =	vld [tilespmem:s0+$0xFFFFFFD0]  }
0xa8: {  	v10 =	vadd.s32 v10, v11;
	v11 =	vld [tilespmem:s0+$0xFFFFFFE0]  }
0xa9: {  	v10 =	vadd.s32 v10, v12;
	v12 =	vld [tilespmem:s0+$0xFFFFFFF0]  }
0xaa: {  	v10 =	vadd.s32 v10, v13;
	v13 =	vld [tilespmem:s0+$0x0]  }
0xab: {  	v10 =	vadd.s32 v10, v14;
	v14 =	vld [tilespmem:s0+$0x10]  }
0xac: {  	v10 =	vadd.s32 v10, v15;
	v15 =	vld [tilespmem:s0+$0x20]  }
0xad: {  	v16 =	vld [tilespmem:s0+$0x30];
	v10 =	vadd.s32 v10, v11  }
0xae: {  	v17 =	vld [tilespmem:s0+$0x40];
	v10 =	vadd.s32 v10, v12  }
0xaf: {  	v11 =	vadd.s32 v10, v13;
	v10 =	vld [tilespmem:s0+$0x50]  }
0xb0: {  	v12 =	vadd.s32 v11, v14;
	v11 =	vld [tilespmem:s0+$0x60]  }
0xb1: {  	s24 =	simm.s32 $0x10180;
	v13 =	vadd.s32 v12, v15;
	v12 =	vld [tilespmem:s0+$0x70]  }
0xb2: {  	v14 =	vld [tilespmem:s24+$0xFFFFFF80];
	v13 =	vadd.s32 v13, v16  }
0xb3: {  	s23 =	simm.s32 $0x1;
	v15 =	vld [tilespmem:s24+$0xFFFFFF90];
	s0 =	simm.s32 $0x2;
	v13 =	vadd.s32 v13, v17  }
.LBB2_9:
0xb4: {  	p0 =	sne.s32 s0, $0xF;
	v16 =	vld [tilespmem:s24+$0xFFFFFFA0];
	v10 =	vadd.s32 v13, v10  }
0xb5: {  	v13 =	vld [tilespmem:s24+$0xFFFFFFB0];
	v10 =	vadd.s32 v10, v11  }
0xb6: {  	v11 =	vld [tilespmem:s24+$0xFFFFFFC0];
	v10 =	vadd.s32 v10, v12  }
0xb7: {  	v12 =	vld [tilespmem:s24+$0xFFFFFFD0];
	(xrf0) =	vadd.scan.msk.s32 $0xffff, v10  }
0xb8: {  	v10 =	vadd.s32 v14, v15;
	v14 =	vld [tilespmem:s24+$0xFFFFFFE0]  }
0xb9: {  	v10 =	vadd.s32 v10, v16;
	v15 =	vld [tilespmem:s24+$0xFFFFFFF0]  }
0xba: {  	v10 =	vadd.s32 v10, v13;
	v13 =	vld [tilespmem:s24+$0x0]  }
0xbb: {  	v10 =	vadd.s32 v10, v11;
	v11 =	vld [tilespmem:s24+$0x10]  }
0xbc: {  	v10 =	vadd.s32 v10, v12;
	v12 =	vld [tilespmem:s24+$0x20]  }
0xbd: {  	v10 =	vadd.s32 v10, v14;
	v16 =	vld [tilespmem:s24+$0x30];
	v14, _, _ =	vpop (xrf0)  }
0xbe: {  	v10 =	vadd.s32 v10, v15;
	v17 =	vld [tilespmem:s24+$0x40];
	v15 =	vmov s21;
	v14 =	vbroadcast v14, $0xF;
	s21 =	smov.u32 s23;
	s23 =	smov.u32 s0  }
.Ltmp7:
0xbf: {  	v13 =	vadd.s32 v10, v13;
	v10 =	vld [tilespmem:s24+$0x50];
	vm0 =	veq.s32 v15, v0;
	(pc) =	sbr.rel @p0 .LBB2_9-.Ltmp7, $4  }
0xc0: {  	v13 =	vadd.s32 v13, v11;
	v11 =	vld [tilespmem:s24+$0x60];
	v9 =	vsel vm0, v14, v9  }
0xc1: {  	v13 =	vadd.s32 v13, v12;
	v12 =	vld [tilespmem:s24+$0x70];
	s24 =	sadd.s32 $0x100, s24  }
0xc2: {  	v14 =	vld [tilespmem:s24+$0xFFFFFF80];
	v13 =	vadd.s32 v13, v16  }
0xc3: {  	s0 =	sadd.s32 $0x1, s0;
	v15 =	vld [tilespmem:s24+$0xFFFFFF90];
	v13 =	vadd.s32 v13, v17  }
0xc4: {  	v16 =	vld [tilespmem:s24+$0xFFFFFFA0]  }
0xc5: {  	v17 =	vld [tilespmem:s24+$0xFFFFFFB0]  }
0xc6: {  	v18 =	vld [tilespmem:s24+$0xFFFFFFC0]  }
0xc7: {  	v19 =	vld [tilespmem:s24+$0xFFFFFFD0]  }
0xc8: {  	v14 =	vadd.s32 v14, v15;
	v15 =	vld [tilespmem:s24+$0xFFFFFFE0]  }
0xc9: {  	v56 =	vld [tilespmem:s24+$0xFFFFFFF0];
	v14 =	vadd.s32 v14, v16  }
0xca: {  	v57 =	vld [tilespmem:s24+$0x0];
	v14 =	vadd.s32 v14, v17  }
0xcb: {  	v58 =	vld [tilespmem:s24+$0x10];
	v14 =	vadd.s32 v14, v18  }
0xcc: {  	v59 =	vld [tilespmem:s24+$0x20];
	v14 =	vadd.s32 v14, v19  }
0xcd: {  	v14 =	vadd.s32 v14, v15;
	v15 =	vld [tilespmem:s24+$0x30]  }
0xce: {  	v60 =	vld [tilespmem:s24+$0x40];
	v14 =	vadd.s32 v14, v56  }
0xcf: {  	v61 =	vld [tilespmem:s24+$0x50];
	v14 =	vadd.s32 v14, v57  }
0xd0: {  	v62 =	vld [tilespmem:s24+$0x60];
	v14 =	vadd.s32 v14, v58  }
0xd1: {  	v63 =	vld [tilespmem:s24+$0x70];
	v14 =	vadd.s32 v14, v59  }
0xd2: {  	v14 =	vadd.s32 v14, v15  }
0xd3: {  	v10 =	vadd.s32 v13, v10;
	v13 =	vadd.s32 v14, v60  }
0xd4: {  	v10 =	vadd.s32 v10, v11;
	v11 =	vadd.s32 v13, v61  }
0xd5: {  	v10 =	vadd.s32 v10, v12;
	v11 =	vadd.s32 v11, v62  }
0xd6: {  	(xrf0) =	vadd.scan.msk.s32 $0xffff, v10;
	v10 =	vadd.s32 v11, v63  }
0xd7: {  	(xrf0) =	vadd.scan.msk.s32 $0xffff, v10;
	_ =	sdelay $0x4  }
0xd8: {  	v10, _, _ =	vpop (xrf0)  }
0xd9: {  	v11 =	vmov s21;
	v10 =	vbroadcast v10, $0xF;
	v12, _, _ =	vpop (xrf0)  }
0xda: {  	vm0 =	veq.s32 v11, v0;
	v11 =	vmov s23;
	v12 =	vbroadcast v12, $0xF  }
0xdb: {  	vm14 =	veq.s32 v11, v0;
	v9 =	vsel vm0, v10, v9  }
0xdc: {  	v9 =	vsel vm14, v12, v9  }
0xdd: {  	v9 =	vperm.xlane v9, v5;
	_ =	sdelay $0x1  }
0xde: {  	(xrf0) =	vadd.scan.msk.s32 $0xffff, v9;
	_ =	sdelay $0x5  }
0xdf: {  	v10, _, _ =	vpop (xrf0)  }
0xe0: {  	vm15 =	vgt.s32 v10, $0x666  }
0xe1: {  	v11 =	vmctz.xlane vm15;
	_ =	sdelay $0x1  }
0xe2: {  	(v2sf) =	vpush v11, $0x0;
	_ =	sdelay $0xe  }
0xe3: {  	s0 =	spop (v2sf)  }
0xe4: {  	s21 =	ssub.s32 $0xF, s0  }
0xe5: {  	s0 =	sshll.u32 s21, $0xA  }
0xe6: {  	s4 =	sshra.s32 s0, $0x2;
	s0 =	simm.s32 $0x0  }
0xe7: {  	s24 =	sadd.s32 $0x10000, s4;
	s28 =	sand.u32 $0x80, s0  }
0xe8: {  	s29 =	sand.u32 $0x70, s0;
	s4 =	sadd.s32 s28, s24  }
0xe9: {  	s4 =	sadd.s32 s29, s4  }
0xea: {  	v13 =	vld [tilespmem:s4+$0x0];
	_ =	sdelay $0x1  }
0xeb: {  	s30 =	simm.s32 $0x10  }
0xec: {  	s31 =	sand.u32 $0x80, s30  }
0xed: {  	s23 =	sadd.s32 s31, s24;
	s4 =	sand.u32 $0x70, s30  }
0xee: {  	s4 =	sadd.s32 s4, s23;
	(xrf0) =	vadd.scan.msk.s32 $0xffff, v13  }
0xef: {  	v13 =	vld [tilespmem:s4+$0x0]  }
0xf0: {  	s25 =	simm.s32 $0x2;
	s26 =	simm.s32 $0x20;
	v12 =	vimm.s32 $0x0;
	s23 =	simm.s32 $0x1  }
.LBB2_11:
0xf1: {  	s4 =	sand.u32 $0x80, s26  }
0xf2: {  	p0 =	sne.s32 s25, $0xF;
	s28 =	smov.u32 s25;
	s25 =	sadd.s32 $0x1, s25  }
.Ltmp8:
0xf3: {  	s29 =	sand.u32 $0x70, s26;
	s4 =	sadd.s32 s4, s24;
	(pc) =	sbr.rel @p0 .LBB2_11-.Ltmp8, $4  }
0xf4: {  	s4 =	sadd.s32 s29, s4;
	(xrf0) =	vadd.scan.msk.s32 $0xffff, v13;
	v14, _, _ =	vpop (xrf0)  }
0xf5: {  	v15 =	vmov s0;
	s0 =	smov.u32 s23;
	s23 =	smov.u32 s28;
	v13 =	vld [tilespmem:s4+$0x0];
	v14 =	vbroadcast v14, $0xF  }
0xf6: {  	vm0 =	veq.s32 v15, v0  }
0xf7: {  	s26 =	sadd.s32 $0x10, s26;
	v12 =	vsel vm0, v14, v12  }
0xf8: {  	v11 =	vbroadcast v11, $0x0;
	_ =	sdelay $0x1  }
0xf9: {  	vm0 =	veq.s32 v11, v0  }
0xfa: {  	(xrf0) =	vadd.scan.msk.s32 $0xffff, v13;
	v10 =	vnsel vm0, $0x0, v10  }
0xfb: {  	v9 =	vnsel vm0, $0x0, v9;
	(xrf0) =	vadd.scan.msk.s32 $0xffff, v10  }
0xfc: {  	(xrf0) =	vadd.scan.msk.s32 $0xffff, v9;
	_ =	sdelay $0x2  }
0xfd: {  	v9, _, _ =	vpop (xrf0)  }
0xfe: {  	v10, _, _ =	vpop (xrf0)  }
0xff: {  	v11, _, _ =	vpop (xrf0)  }
0x100: {  	(v2sf) =	vpush v11, $0xF;
	v11, _, _ =	vpop (xrf0)  }
0x101: {  	(v2sf) =	vpush v11, $0xF;
	_ =	sdelay $0x4  }
0x102: {  	v9 =	vbroadcast v9, $0xF;
	v11 =	vmov s0  }
0x103: {  	v10 =	vbroadcast v10, $0xF;
	vm13 =	veq.s32 v11, v0;
	v11 =	vmov s23  }
0x104: {  	v9 =	vsel vm13, v9, v12;
	vm14 =	veq.s32 v11, v0  }
0x105: {  	v9 =	vsel vm14, v10, v9  }
0x106: {  	v9 =	vperm.xlane v9, v5;
	_ =	sdelay $0x1  }
0x107: {  	(xrf0) =	vadd.scan.msk.s32 $0xffff, v9;
	_ =	sdelay $0x2  }
0x108: {  	s31 =	spop (v2sf)  }
0x109: {  	s4 =	spop (v2sf)  }
0x10a: {  	s0 =	ssub.s32 s4, s31  }
0x10b: {  	v11, _, _ =	vpop (xrf0);
	s23 =	sadd.s32 $0x667, s0  }
0x10c: {  	vm15 =	vge.s32 v11, s23  }
0x10d: {  	s4 =	simm.s32 $0x40;
	s0 =	simm.s32 $0x0;
	v10 =	vmctz.xlane vm15  }
.LBB2_13:
0x10e: {  	p0 =	sne.s32 s4, $0x3FC0;
	[tilespmem:s0+$0x10000] =	vst v3;
	s0 =	smov.u32 s4;
	s4 =	sadd.s32 $0x40, s4  }
.Ltmp9:
0x10f: {  	(pc) =	sbr.rel @p0 .LBB2_13-.Ltmp9, $2  }
0x110: {  	_ =	sdelay $0x2  }
0x111: {  	s0 =	sshra.s32 s0, $0x2  }
0x112: {  	v12 =	vbroadcast v10, $0x0;
	_ =	sdelay $0x1  }
0x113: {  	vm0 =	veq.s32 v12, v0  }
0x114: {  	v11 =	vnsel vm0, $0x0, v11  }
0x115: {  	(v2sf) =	vpush v10, $0x0;
	v9 =	vnsel vm0, $0x0, v9;
	(xrf0) =	vadd.scan.msk.s32 $0xffff, v11  }
0x116: {  	(xrf0) =	vadd.scan.msk.s32 $0xffff, v9;
	_ =	sdelay $0x4  }
0x117: {  	v9, _, _ =	vpop (xrf0)  }
0x118: {  	(v2sf) =	vpush v9, $0xF;
	v9, _, _ =	vpop (xrf0)  }
0x119: {  	(v2sf) =	vpush v9, $0xF;
	_ =	sdelay $0x6  }
0x11a: {  	s21 =	sshll.u32 s21, $0x4;
	s4 =	spop (v2sf)  }
0x11b: {  	s24 =	ssub.s32 s21, s4  }
0x11c: {  	s21 =	sadd.s32 $0xF, s24  }
0x11d: {  	p0 =	seq.s32 s21, s22  }
.Ltmp10:
0x11e: {  	_ = 	snop;
	(pc) =	sbr.rel @p0 .LBB2_21-.Ltmp10, $3  }
0x11f: {  	_ =	sdelay $0x1  }
0x120: {  	s25 =	spop (v2sf)  }
0x121: {  	[tilespmem:s0+$0x10000] =	vst v3;
	s22 =	spop (v2sf)  }
0x122: {  	v9 =	vmov s21;
	s0 =	simm.s32 $0x0;
	s4 =	simm.s32 $0x40;
	s26 =	simm.s32 $0x0  }
.LBB2_16:
0x123: {  	p0 =	sne.s32 s4, $0x1FC0;
	[tilespmem:s26+$0x16000] =	vst v1;
	s26 =	smov.u32 s4;
	s4 =	sadd.s32 $0x40, s4  }
.Ltmp11:
0x124: {  	(pc) =	sbr.rel @p0 .LBB2_16-.Ltmp11, $2  }
0x125: {  	_ =	sdelay $0x2  }
0x126: {  	s26 =	sshra.s32 s26, $0x2  }
0x127: {  	[tilespmem:s26+$0x16000] =	vst v1  }
.LBB2_18:
0x128: {  	p0 =	sne.s32 s0, $0xFF0  }
.Ltmp12:
0x129: {  	_ = 	snop;
	(pc) =	sbr.rel @p0 .LBB2_18-.Ltmp12, $3  }
0x12a: {  	_ =	sdelay $0x1  }
0x12b: {  	s4 =	sand.u32 $0xFF0, s0;
	v7 =	vimm.s32 $0x0  }
0x12c: {  	s0 =	sadd.s32 $0x10, s0;
	[tilespmem:s4+$0x11000] =	vst v7  }
0x12d: {  	s26 =	simm.s32 $0x0;
	v8 =	vimm.s32 $0x0  }
.LBB2_20:
0x12e: {  	s28 =	sshra.s32 s26, $0x2  }
0x12f: {  	v10 =	vld [tilespmem:s28+$0x8000];
	_ =	sdelay $0x4  }
0x130: {  	v11 =	vshrl.u32 v10, $0x18  }
0x131: {  	v11 =	vxor.u32 $0x80, v11  }
0x132: {  	vm1 =	vlt.s32 v8, $0x7F1;
	vm0 =	vgt.s32 v11, v9  }
0x133: {  	vm0 =	vmand vm1, vm0  }
0x134: {  	vm2 =	vlt.s32 v7, $0x3FF1;
	vm15 =	veq.s32 v11, v9;
	v12 =	vsel vm0, $0x1, v3  }
0x135: {  	vm1 =	vmand vm2, vm15;
	(xrf0) =	vadd.scan.msk.s32 $0xffff, v12  }
0x136: {  	v11 =	vsel vm1, $0x1, v3  }
0x137: {  	(xrf0) =	vadd.scan.msk.s32 $0xffff, v11;
	_ =	sdelay $0x3  }
0x138: {  	v11, _, _ =	vpop (xrf0)  }
0x139: {  	v54 =	vshrl.u32 v10, $0xC;
	v11 =	vadd.s32 v11, v8  }
0x13a: {  	v12 =	vand.u32 $0xFF0, v54;
	v13, _, _ =	vpop (xrf0);
	v11 =	vadd.s32 $0xFFFFFFFF, v11  }
0x13b: {  	v12 =	vor.u32 v4, v12;
	v13 =	vadd.s32 v13, v7  }
0x13c: {  	v13 =	vadd.s32 $0xFFFFFFFF, v13;
	_ =	sdelay $0x2  }
0x13d: {  	[tilespmem:v11+s14+$0x0] =	vst.idx.msk vm0, v10  }
0x13e: {  	[tilespmem:v12+s13+$0x0] =	vst.idx.add.s32.msk vm1, v2  }
0x13f: {  	[tilespmem:v13+s15+$0x0] =	vst.idx.msk vm1, v10  }
0x140: {  	v10 =	vld [tilespmem:s28+$0x8010];
	_ =	sdelay $0x3  }
0x141: {  	v11 =	vmpcnt.ones.xlane vm0  }
0x142: {  	v55 =	vshrl.u32 v10, $0x18  }
0x143: {  	v8 =	vadd.s32 v8, v11;
	v11 =	vmpcnt.ones.xlane vm1;
	v12 =	vxor.u32 $0x80, v55  }
0x144: {  	vm5 =	vlt.s32 v8, $0x7F1;
	vm4 =	vgt.s32 v12, v9  }
0x145: {  	v7 =	vadd.s32 v7, v11;
	vm0 =	vmand vm5, vm4  }
0x146: {  	vm7 =	vlt.s32 v7, $0x3FF1;
	vm6 =	veq.s32 v12, v9;
	v11 =	vsel vm0, $0x1, v3  }
0x147: {  	vm1 =	vmand vm7, vm6;
	(xrf0) =	vadd.scan.msk.s32 $0xffff, v11  }
0x148: {  	v11 =	vsel vm1, $0x1, v3  }
0x149: {  	(xrf0) =	vadd.scan.msk.s32 $0xffff, v11;
	_ =	sdelay $0x3  }
0x14a: {  	v11, _, _ =	vpop (xrf0)  }
0x14b: {  	v56 =	vshrl.u32 v10, $0xC;
	v11 =	vadd.s32 v11, v8  }
0x14c: {  	v12 =	vand.u32 $0xFF0, v56;
	v57, _, _ =	vpop (xrf0);
	v11 =	vadd.s32 $0xFFFFFFFF, v11  }
0x14d: {  	v12 =	vor.u32 v4, v12;
	v13 =	vadd.s32 v57, v7  }
0x14e: {  	v13 =	vadd.s32 $0xFFFFFFFF, v13;
	_ =	sdelay $0x2  }
0x14f: {  	[tilespmem:v11+s14+$0x0] =	vst.idx.msk vm0, v10  }
0x150: {  	[tilespmem:v12+s13+$0x0] =	vst.idx.add.s32.msk vm1, v2  }
0x151: {  	[tilespmem:v13+s15+$0x0] =	vst.idx.msk vm1, v10  }
0x152: {  	v10 =	vld [tilespmem:s28+$0x8020];
	_ =	sdelay $0x3  }
0x153: {  	v11 =	vmpcnt.ones.xlane vm0  }
0x154: {  	v58 =	vshrl.u32 v10, $0x18  }
0x155: {  	v8 =	vadd.s32 v8, v11;
	v11 =	vmpcnt.ones.xlane vm1;
	v12 =	vxor.u32 $0x80, v58  }
0x156: {  	vm9 =	vlt.s32 v8, $0x7F1;
	vm8 =	vgt.s32 v12, v9  }
0x157: {  	v7 =	vadd.s32 v7, v11;
	vm0 =	vmand vm9, vm8  }
0x158: {  	vm11 =	vlt.s32 v7, $0x3FF1;
	vm10 =	veq.s32 v12, v9;
	v11 =	vsel vm0, $0x1, v3  }
0x159: {  	vm1 =	vmand vm11, vm10;
	(xrf0) =	vadd.scan.msk.s32 $0xffff, v11  }
0x15a: {  	v11 =	vsel vm1, $0x1, v3  }
0x15b: {  	(xrf0) =	vadd.scan.msk.s32 $0xffff, v11;
	_ =	sdelay $0x3  }
0x15c: {  	v11, _, _ =	vpop (xrf0)  }
0x15d: {  	v59 =	vshrl.u32 v10, $0xC;
	v11 =	vadd.s32 v11, v8  }
0x15e: {  	v12 =	vand.u32 $0xFF0, v59;
	v60, _, _ =	vpop (xrf0);
	v11 =	vadd.s32 $0xFFFFFFFF, v11  }
0x15f: {  	v12 =	vor.u32 v4, v12;
	v13 =	vadd.s32 v60, v7  }
0x160: {  	v13 =	vadd.s32 $0xFFFFFFFF, v13;
	_ =	sdelay $0x2  }
0x161: {  	[tilespmem:v11+s14+$0x0] =	vst.idx.msk vm0, v10  }
0x162: {  	[tilespmem:v12+s13+$0x0] =	vst.idx.add.s32.msk vm1, v2  }
0x163: {  	[tilespmem:v13+s15+$0x0] =	vst.idx.msk vm1, v10  }
0x164: {  	v10 =	vld [tilespmem:s28+$0x8030];
	_ =	sdelay $0x3  }
0x165: {  	v11 =	vmpcnt.ones.xlane vm0  }
0x166: {  	v61 =	vshrl.u32 v10, $0x18  }
0x167: {  	v8 =	vadd.s32 v8, v11;
	v11 =	vmpcnt.ones.xlane vm1;
	v12 =	vxor.u32 $0x80, v61  }
0x168: {  	vm13 =	vlt.s32 v8, $0x7F1;
	vm12 =	vgt.s32 v12, v9  }
0x169: {  	v7 =	vadd.s32 v7, v11;
	vm0 =	vmand vm13, vm12  }
0x16a: {  	vm15 =	vlt.s32 v7, $0x3FF1;
	vm14 =	veq.s32 v12, v9;
	v11 =	vsel vm0, $0x1, v3  }
0x16b: {  	vm1 =	vmand vm15, vm14;
	(xrf0) =	vadd.scan.msk.s32 $0xffff, v11  }
0x16c: {  	v11 =	vsel vm1, $0x1, v3  }
0x16d: {  	(xrf0) =	vadd.scan.msk.s32 $0xffff, v11;
	_ =	sdelay $0x3  }
0x16e: {  	v11, _, _ =	vpop (xrf0)  }
0x16f: {  	v62 =	vshrl.u32 v10, $0xC;
	v11 =	vadd.s32 v11, v8  }
0x170: {  	v12 =	vand.u32 $0xFF0, v62;
	v63, _, _ =	vpop (xrf0);
	v11 =	vadd.s32 $0xFFFFFFFF, v11  }
0x171: {  	v12 =	vor.u32 v4, v12;
	v13 =	vadd.s32 v63, v7  }
0x172: {  	p0 =	sne.s32 s26, $0x1FF00;
	v13 =	vadd.s32 $0xFFFFFFFF, v13  }
.Ltmp13:
0x173: {  	_ = 	snop;
	(pc) =	sbr.rel @p0 .LBB2_20-.Ltmp13, $4  }
0x174: {  	_ = 	snop  }
0x175: {  	v14 =	vmpcnt.ones.xlane vm1;
	[tilespmem:v11+s14+$0x0] =	vst.idx.msk vm0, v10;
	v11 =	vmpcnt.ones.xlane vm0  }
0x176: {  	[tilespmem:v12+s13+$0x0] =	vst.idx.add.s32.msk vm1, v2  }
0x177: {  	s26 =	sadd.s32 $0x100, s26;
	v7 =	vadd.s32 v7, v14;
	v8 =	vadd.s32 v8, v11;
	[tilespmem:v13+s15+$0x0] =	vst.idx.msk vm1, v10  }
.LBB2_21:
.Ltmp14:
0x178: {  	(pc) =	sbr.rel .LBB2_22-.Ltmp14, $3  }
0x179: {  	_ =	sdelay $0x1  }
0x17a: {  	s0 =	ssub.s32 s23, s25;
	s4 =	sshll.u32 s24, $0x18  }
0x17b: {  	s24 =	simm.s32 $0x1;
	s23 =	sadd.s32 s22, s0;
	s22 =	sadd.s32 $0x8F000000, s4  }
.LBB2_29:
0x17c: {  	v7 =	vimm.s32 $0x0  }
.LBB2_33:
0x17d: {  	p0 =	sne.s32 s24, $0x3  }
.Ltmp15:
0x17e: {  	_ = 	snop;
	(pc) =	sbr.rel @!p0 .LBB2_34-.Ltmp15, $3  }
0x17f: {  	_ =	sdelay $0x1  }
0x180: {  	s0 =	ssub.s32 s23, s26;
	s3 =	sshll.u32 s29, s28  }
0x181: {  	s24 =	simm.s32 $0x2;
	s23 =	sadd.s32 s25, s0;
	s22 =	sor.u32 s22, s3  }
.LBB2_22:
0x182: {  	s0 =	sand.u32 $0x1, s24  }
0x183: {  	s0 =	sshll.u32 s0, $0xC  }
0x184: {  	s0 =	sor.u32 $0x10080, s0  }
0x185: {  	v9 =	vld [tilespmem:s0+$0xFFFFFF80]  }
0x186: {  	v10 =	vld [tilespmem:s0+$0xFFFFFF90]  }
0x187: {  	v11 =	vld [tilespmem:s0+$0xFFFFFFA0]  }
0x188: {  	v12 =	vld [tilespmem:s0+$0xFFFFFFB0]  }
0x189: {  	v13 =	vld [tilespmem:s0+$0xFFFFFFC0]  }
0x18a: {  	v14 =	vld [tilespmem:s0+$0xFFFFFFD0]  }
0x18b: {  	v9 =	vadd.s32 v9, v10;
	v10 =	vld [tilespmem:s0+$0xFFFFFFE0]  }
0x18c: {  	v9 =	vadd.s32 v9, v11;
	v11 =	vld [tilespmem:s0+$0xFFFFFFF0]  }
0x18d: {  	v9 =	vadd.s32 v9, v12;
	v12 =	vld [tilespmem:s0+$0x0]  }
0x18e: {  	v9 =	vadd.s32 v9, v13;
	v13 =	vld [tilespmem:s0+$0x10]  }
0x18f: {  	v9 =	vadd.s32 v9, v14;
	v14 =	vld [tilespmem:s0+$0x20]  }
0x190: {  	v15 =	vld [tilespmem:s0+$0x30];
	v9 =	vadd.s32 v9, v10  }
0x191: {  	v16 =	vld [tilespmem:s0+$0x40];
	v9 =	vadd.s32 v9, v11  }
0x192: {  	v10 =	vld [tilespmem:s0+$0x50];
	v9 =	vadd.s32 v9, v12  }
0x193: {  	v11 =	vld [tilespmem:s0+$0x60];
	v9 =	vadd.s32 v9, v13  }
0x194: {  	s29 =	sadd.s32 $0x100, s0;
	v12 =	vld [tilespmem:s0+$0x70];
	v9 =	vadd.s32 v9, v14  }
0x195: {  	s25 =	sshll.u32 s24, $0xC;
	v13 =	vld [tilespmem:s29+$0xFFFFFF80];
	v14 =	vadd.s32 v9, v15  }
0x196: {  	s28 =	simm.s32 $0x0;
	s26 =	simm.s32 $0x1;
	s0 =	simm.s32 $0x2;
	v9 =	vimm.s32 $0x0;
	v15 =	vld [tilespmem:s29+$0xFFFFFF90];
	v14 =	vadd.s32 v14, v16  }
.LBB2_23:
0x197: {  	p0 =	sne.s32 s0, $0xF;
	v16 =	vld [tilespmem:s29+$0xFFFFFFA0];
	v10 =	vadd.s32 v14, v10  }
0x198: {  	v14 =	vld [tilespmem:s29+$0xFFFFFFB0];
	v10 =	vadd.s32 v10, v11  }
0x199: {  	v11 =	vld [tilespmem:s29+$0xFFFFFFC0];
	v10 =	vadd.s32 v10, v12  }
0x19a: {  	v12 =	vld [tilespmem:s29+$0xFFFFFFD0];
	(xrf0) =	vadd.scan.msk.s32 $0xffff, v10  }
0x19b: {  	v10 =	vadd.s32 v13, v15;
	v13 =	vld [tilespmem:s29+$0xFFFFFFE0]  }
0x19c: {  	v10 =	vadd.s32 v10, v16;
	v15 =	vld [tilespmem:s29+$0xFFFFFFF0]  }
0x19d: {  	v10 =	vadd.s32 v10, v14;
	v14 =	vld [tilespmem:s29+$0x0]  }
0x19e: {  	v10 =	vadd.s32 v10, v11;
	v11 =	vld [tilespmem:s29+$0x10]  }
0x19f: {  	v10 =	vadd.s32 v10, v12;
	v12 =	vld [tilespmem:s29+$0x20]  }
0x1a0: {  	v10 =	vadd.s32 v10, v13;
	v16 =	vld [tilespmem:s29+$0x30];
	v13, _, _ =	vpop (xrf0)  }
0x1a1: {  	v10 =	vadd.s32 v10, v15;
	v17 =	vld [tilespmem:s29+$0x40];
	v15 =	vmov s28;
	v13 =	vbroadcast v13, $0xF;
	s28 =	smov.u32 s26;
	s26 =	smov.u32 s0  }
.Ltmp16:
0x1a2: {  	v14 =	vadd.s32 v10, v14;
	v10 =	vld [tilespmem:s29+$0x50];
	vm0 =	veq.s32 v15, v0;
	(pc) =	sbr.rel @p0 .LBB2_23-.Ltmp16, $4  }
0x1a3: {  	v14 =	vadd.s32 v14, v11;
	v11 =	vld [tilespmem:s29+$0x60];
	v9 =	vsel vm0, v13, v9  }
0x1a4: {  	v14 =	vadd.s32 v14, v12;
	v12 =	vld [tilespmem:s29+$0x70];
	s29 =	sadd.s32 $0x100, s29  }
0x1a5: {  	v13 =	vld [tilespmem:s29+$0xFFFFFF80];
	v14 =	vadd.s32 v14, v16  }
0x1a6: {  	s0 =	sadd.s32 $0x1, s0;
	v15 =	vld [tilespmem:s29+$0xFFFFFF90];
	v14 =	vadd.s32 v14, v17  }
0x1a7: {  	v16 =	vld [tilespmem:s29+$0xFFFFFFA0]  }
0x1a8: {  	v17 =	vld [tilespmem:s29+$0xFFFFFFB0]  }
0x1a9: {  	v18 =	vld [tilespmem:s29+$0xFFFFFFC0]  }
0x1aa: {  	v19 =	vld [tilespmem:s29+$0xFFFFFFD0]  }
0x1ab: {  	v13 =	vadd.s32 v13, v15;
	v15 =	vld [tilespmem:s29+$0xFFFFFFE0]  }
0x1ac: {  	v56 =	vld [tilespmem:s29+$0xFFFFFFF0];
	v13 =	vadd.s32 v13, v16  }
0x1ad: {  	v57 =	vld [tilespmem:s29+$0x0];
	v13 =	vadd.s32 v13, v17  }
0x1ae: {  	v58 =	vld [tilespmem:s29+$0x10];
	v13 =	vadd.s32 v13, v18  }
0x1af: {  	v59 =	vld [tilespmem:s29+$0x20];
	v13 =	vadd.s32 v13, v19  }
0x1b0: {  	v13 =	vadd.s32 v13, v15;
	v15 =	vld [tilespmem:s29+$0x30]  }
0x1b1: {  	v60 =	vld [tilespmem:s29+$0x40];
	v13 =	vadd.s32 v13, v56  }
0x1b2: {  	v61 =	vld [tilespmem:s29+$0x50];
	v13 =	vadd.s32 v13, v57  }
0x1b3: {  	v62 =	vld [tilespmem:s29+$0x60];
	v13 =	vadd.s32 v13, v58  }
0x1b4: {  	v63 =	vld [tilespmem:s29+$0x70];
	v13 =	vadd.s32 v13, v59  }
0x1b5: {  	v13 =	vadd.s32 v13, v15  }
0x1b6: {  	v10 =	vadd.s32 v14, v10;
	v13 =	vadd.s32 v13, v60  }
0x1b7: {  	v10 =	vadd.s32 v10, v11;
	v11 =	vadd.s32 v13, v61  }
0x1b8: {  	v10 =	vadd.s32 v10, v12;
	v11 =	vadd.s32 v11, v62  }
0x1b9: {  	(xrf0) =	vadd.scan.msk.s32 $0xffff, v10;
	v10 =	vadd.s32 v11, v63  }
0x1ba: {  	(xrf0) =	vadd.scan.msk.s32 $0xffff, v10;
	_ =	sdelay $0x4  }
0x1bb: {  	v10, _, _ =	vpop (xrf0)  }
0x1bc: {  	v11 =	vmov s28;
	v10 =	vbroadcast v10, $0xF;
	v12, _, _ =	vpop (xrf0)  }
0x1bd: {  	vm0 =	veq.s32 v11, v0;
	v11 =	vmov s26;
	v12 =	vbroadcast v12, $0xF  }
0x1be: {  	vm14 =	veq.s32 v11, v0;
	v9 =	vsel vm0, v10, v9  }
0x1bf: {  	v9 =	vsel vm14, v12, v9  }
0x1c0: {  	v9 =	vperm.xlane v9, v5;
	_ =	sdelay $0x1  }
0x1c1: {  	(xrf0) =	vadd.scan.msk.s32 $0xffff, v9;
	_ =	sdelay $0x5  }
0x1c2: {  	v10, _, _ =	vpop (xrf0)  }
0x1c3: {  	vm15 =	vge.s32 v10, s23  }
0x1c4: {  	v11 =	vmctz.xlane vm15;
	_ =	sdelay $0x1  }
0x1c5: {  	(v2sf) =	vpush v11, $0x0;
	_ =	sdelay $0xe  }
0x1c6: {  	s0 =	spop (v2sf)  }
0x1c7: {  	s28 =	ssub.s32 $0xF, s0  }
0x1c8: {  	s0 =	sshll.u32 s28, $0xA  }
0x1c9: {  	s4 =	sand.u32 $0x1000, s25;
	s0 =	sshra.s32 s0, $0x2  }
0x1ca: {  	s4 =	sadd.s32 s0, s4;
	s0 =	simm.s32 $0x0  }
0x1cb: {  	s29 =	sadd.s32 $0x10000, s4;
	s3 =	sand.u32 $0x80, s0  }
0x1cc: {  	s16 =	sand.u32 $0x70, s0;
	s4 =	sadd.s32 s3, s29  }
0x1cd: {  	s4 =	sadd.s32 s16, s4  }
0x1ce: {  	v13 =	vld [tilespmem:s4+$0x0];
	_ =	sdelay $0x1  }
0x1cf: {  	s3 =	simm.s32 $0x10  }
0x1d0: {  	s16 =	sand.u32 $0x80, s3  }
0x1d1: {  	s4 =	sand.u32 $0x70, s3;
	s26 =	sadd.s32 s16, s29  }
0x1d2: {  	s4 =	sadd.s32 s4, s26;
	(xrf0) =	vadd.scan.msk.s32 $0xffff, v13  }
0x1d3: {  	v13 =	vld [tilespmem:s4+$0x0]  }
0x1d4: {  	s30 =	simm.s32 $0x2;
	s31 =	simm.s32 $0x20;
	v12 =	vimm.s32 $0x0;
	s26 =	simm.s32 $0x1  }
.LBB2_25:
0x1d5: {  	s4 =	sand.u32 $0x80, s31  }
0x1d6: {  	p0 =	sne.s32 s30, $0xF;
	s16 =	smov.u32 s30;
	s30 =	sadd.s32 $0x1, s30  }
.Ltmp17:
0x1d7: {  	s3 =	sand.u32 $0x70, s31;
	s4 =	sadd.s32 s4, s29;
	(pc) =	sbr.rel @p0 .LBB2_25-.Ltmp17, $4  }
0x1d8: {  	s3 =	sadd.s32 s3, s4;
	(xrf0) =	vadd.scan.msk.s32 $0xffff, v13;
	v14, _, _ =	vpop (xrf0)  }
0x1d9: {  	v15 =	vmov s0;
	s0 =	smov.u32 s26;
	s26 =	smov.u32 s16;
	v13 =	vld [tilespmem:s3+$0x0];
	v14 =	vbroadcast v14, $0xF  }
0x1da: {  	vm0 =	veq.s32 v15, v0  }
0x1db: {  	s31 =	sadd.s32 $0x10, s31;
	v12 =	vsel vm0, v14, v12  }
0x1dc: {  	v11 =	vbroadcast v11, $0x0;
	_ =	sdelay $0x1  }
0x1dd: {  	vm0 =	veq.s32 v11, v0  }
0x1de: {  	(xrf0) =	vadd.scan.msk.s32 $0xffff, v13;
	v10 =	vnsel vm0, $0x0, v10  }
0x1df: {  	v9 =	vnsel vm0, $0x0, v9;
	(xrf0) =	vadd.scan.msk.s32 $0xffff, v10  }
0x1e0: {  	(xrf0) =	vadd.scan.msk.s32 $0xffff, v9;
	_ =	sdelay $0x2  }
0x1e1: {  	v9, _, _ =	vpop (xrf0)  }
0x1e2: {  	v10, _, _ =	vpop (xrf0)  }
0x1e3: {  	v11, _, _ =	vpop (xrf0)  }
0x1e4: {  	(v2sf) =	vpush v11, $0xF;
	v11, _, _ =	vpop (xrf0)  }
0x1e5: {  	(v2sf) =	vpush v11, $0xF;
	_ =	sdelay $0x4  }
0x1e6: {  	v9 =	vbroadcast v9, $0xF;
	v11 =	vmov s0  }
0x1e7: {  	v10 =	vbroadcast v10, $0xF;
	vm13 =	veq.s32 v11, v0;
	v11 =	vmov s26  }
0x1e8: {  	v9 =	vsel vm13, v9, v12;
	vm14 =	veq.s32 v11, v0  }
0x1e9: {  	v9 =	vsel vm14, v10, v9  }
0x1ea: {  	v9 =	vperm.xlane v9, v5;
	_ =	sdelay $0x1  }
0x1eb: {  	(xrf0) =	vadd.scan.msk.s32 $0xffff, v9;
	_ =	sdelay $0x2  }
0x1ec: {  	s26 =	spop (v2sf)  }
0x1ed: {  	s3 =	spop (v2sf)  }
0x1ee: {  	s0 =	ssub.s32 s3, s26  }
0x1ef: {  	s30 =	simm.s32 $0x0;
	s31 =	sadd.s32 $0x0, s25;
	v10, _, _ =	vpop (xrf0);
	s23 =	sadd.s32 s23, s0  }
0x1f0: {  	s4 =	sand.u32 $0x70, s30;
	s3 =	sand.u32 $0x1F80, s31;
	vm15 =	vge.s32 v10, s23  }
0x1f1: {  	s0 =	simm.s32 $0x10;
	s29 =	sor.u32 s4, s3;
	v11 =	vmctz.xlane vm15  }
.LBB2_27:
0x1f2: {  	p0 =	sne.s32 s0, $0xFF0;
	[tilespmem:s29+$0x10000] =	vst v3;
	s3 =	smov.u32 s0;
	s0 =	sadd.s32 $0x10, s0  }
.Ltmp18:
0x1f3: {  	(pc) =	sbr.rel @p0 .LBB2_27-.Ltmp18, $4  }
0x1f4: {  	_ = 	snop  }
0x1f5: {  	s4 =	sadd.s32 s3, s25  }
0x1f6: {  	s3 =	sand.u32 $0x70, s3;
	s4 =	sand.u32 $0x1F80, s4  }
0x1f7: {  	s29 =	sor.u32 s3, s4  }
0x1f8: {  	v12 =	vbroadcast v11, $0x0;
	_ =	sdelay $0x1  }
0x1f9: {  	vm0 =	veq.s32 v12, v0  }
0x1fa: {  	v10 =	vnsel vm0, $0x0, v10  }
0x1fb: {  	v9 =	vnsel vm0, $0x0, v9;
	(xrf0) =	vadd.scan.msk.s32 $0xffff, v10  }
0x1fc: {  	(xrf0) =	vadd.scan.msk.s32 $0xffff, v9;
	_ =	sdelay $0x4  }
0x1fd: {  	(v2sf) =	vpush v11, $0x0;
	v9, _, _ =	vpop (xrf0)  }
0x1fe: {  	(v2sf) =	vpush v9, $0xF;
	v9, _, _ =	vpop (xrf0)  }
0x1ff: {  	(v2sf) =	vpush v9, $0xF  }
0x200: {  	(v2sf) =	vpush v7, $0x0;
	_ =	sdelay $0xb  }
0x201: {  	s3 =	spop (v2sf)  }
0x202: {  	s26 =	spop (v2sf)  }
0x203: {  	s25 =	spop (v2sf)  }
0x204: {  	s0 =	spop (v2sf)  }
0x205: {  	s0 =	sadd.s32 $0xF, s0  }
0x206: {  	s0 =	sshra.s32 s0, $0x4  }
0x207: {  	p0 =	slt.s32 s0, $0x1  }
.Ltmp19:
0x208: {  	_ = 	snop;
	(pc) =	sbr.rel @p0 .LBB2_29-.Ltmp19, $4  }
0x209: {  	_ = 	snop  }
0x20a: {  	s4 =	sshll.u32 s28, $0x4  }
0x20b: {  	s3 =	ssub.s32 s4, s3;
	s4 =	sshll.u32 s24, $0x3  }
0x20c: {  	[tilespmem:s29+$0x10000] =	vst v3;
	v9 =	vimm.s32 $0x0;
	s24 =	sadd.s32 $0x1, s24;
	s28 =	ssub.s32 $0x18, s4;
	s29 =	sadd.s32 $0xF, s3  }
0x20d: {  	s30 =	simm.s32 $0x12000  }
0x20e: {  	v12 =	vld [tilespmem:s30+$0x0];
	_ =	sdelay $0x3  }
0x20f: {  	v10 =	vmov s28;
	s31 =	simm.s32 $0x0  }
0x210: {  	v11 =	vmov s29;
	v13 =	vor.u32 s31, v0;
	v14 =	vshra.s32 v12, v10  }
0x211: {  	vm1 =	vlt.s32 v8, $0x7F1;
	vm0 =	vlt.s32 v13, v7;
	v13 =	vand.u32 $0xFF, v14  }
0x212: {  	vm1 =	vmand vm1, vm0;
	vm2 =	vgt.s32 v13, v11  }
0x213: {  	vm1 =	vmand vm1, vm2  }
0x214: {  	v14 =	vsel vm1, $0x1, v3  }
0x215: {  	(xrf0) =	vadd.scan.msk.s32 $0xffff, v14  }
0x216: {  	vm2 =	veq.s32 v13, v11  }
0x217: {  	vm0 =	vmand vm0, vm2  }
0x218: {  	v16 =	vsel vm0, $0x1, v3;
	_ =	sdelay $0x2  }
0x219: {  	s3 =	ssub.s32 $0x10, s4;
	(xrf0) =	vadd.scan.msk.s32 $0xffff, v16;
	v16, _, _ =	vpop (xrf0)  }
0x21a: {  	v13 =	vmov s3;
	v16 =	vadd.s32 v16, v8  }
0x21b: {  	s16 =	sshll.u32 s24, $0xC;
	v15 =	vshra.s32 v12, v13;
	v16 =	vadd.s32 $0xFFFFFFFF, v16  }
0x21c: {  	s3 =	sand.u32 $0x1000, s16;
	v15 =	vshll.u32 v15, $0x4  }
0x21d: {  	v14 =	vmov s3;
	v17 =	vand.u32 $0xF80, v15;
	v15 =	vor.u32 v0, v15  }
0x21e: {  	v17 =	vor.u32 v14, v17;
	v15 =	vand.u32 $0x7F, v15  }
0x21f: {  	v17 =	vor.u32 v15, v17;
	v15 =	vimm.s32 $0x0;
	v20, _, _ =	vpop (xrf0)  }
0x220: {  	p0 =	sne.s32 s0, $0x1;
	[tilespmem:v16+s14+$0x0] =	vst.idx.msk vm1, v12;
	v16 =	vadd.s32 v20, v15  }
.Ltmp20:
0x221: {  	v16 =	vadd.s32 $0xFFFFFFFF, v16;
	(pc) =	sbr.rel @!p0 .LBB2_32-.Ltmp20, $3  }
0x222: {  	_ = 	snop  }
0x223: {  	v19 =	vmpcnt.ones.xlane vm1;
	v18 =	vmpcnt.ones.xlane vm0;
	_ =	sdelay $0x1  }
0x224: {  	s0 =	sadd.s32 $0xFFFFFFFF, s0;
	v8 =	vadd.s32 v8, v19;
	v15 =	vadd.s32 v15, v18;
	[tilespmem:v17+s13+$0x0] =	vst.idx.add.s32.msk vm0, v2  }
.LBB2_31:
0x225: {  	p0 =	sne.s32 s0, $0x1;
	[tilespmem:v16+s15+$0x0] =	vst.idx.msk vm0, v12;
	s30 =	sadd.s32 $0x10, s30;
	s31 =	sadd.s32 $0x10, s31;
	v16 =	vmov v15;
	v17 =	vmov v8  }
0x226: {  	s0 =	sadd.s32 $0xFFFFFFFF, s0;
	v12 =	vld [tilespmem:s30+$0x0];
	_ =	sdelay $0x4  }
0x227: {  	v18 =	vor.u32 s31, v0;
	v19 =	vshra.s32 v12, v10;
	v20 =	vshra.s32 v12, v13  }
0x228: {  	vm1 =	vlt.s32 v8, $0x7F1;
	vm0 =	vlt.s32 v18, v7;
	v18 =	vand.u32 $0xFF, v19  }
0x229: {  	vm1 =	vmand vm1, vm0;
	vm2 =	vgt.s32 v18, v11;
	vm3 =	veq.s32 v18, v11  }
0x22a: {  	v18 =	vshll.u32 v20, $0x4;
	vm1 =	vmand vm1, vm2  }
0x22b: {  	v20 =	vand.u32 $0xF80, v18;
	v18 =	vor.u32 v0, v18;
	v19 =	vsel vm1, $0x1, v3  }
0x22c: {  	vm0 =	vmand vm0, vm3;
	v20 =	vor.u32 v14, v20;
	v18 =	vand.u32 $0x7F, v18;
	(xrf0) =	vadd.scan.msk.s32 $0xffff, v19  }
0x22d: {  	v18 =	vor.u32 v18, v20;
	v19 =	vsel vm0, $0x1, v3;
	v20 =	vmpcnt.ones.xlane vm0  }
0x22e: {  	v21 =	vmpcnt.ones.xlane vm1;
	(xrf0) =	vadd.scan.msk.s32 $0xffff, v19  }
0x22f: {  	v15 =	vadd.s32 v15, v20  }
0x230: {  	v8 =	vadd.s32 v8, v21;
	_ =	sdelay $0x1  }
0x231: {  	v19, _, _ =	vpop (xrf0)  }
0x232: {  	v17 =	vadd.s32 v19, v17  }
0x233: {  	v17 =	vadd.s32 $0xFFFFFFFF, v17;
	v19, _, _ =	vpop (xrf0)  }
0x234: {  	v16 =	vadd.s32 v19, v16  }
.Ltmp21:
0x235: {  	v16 =	vadd.s32 $0xFFFFFFFF, v16;
	(pc) =	sbr.rel @p0 .LBB2_31-.Ltmp21, $3  }
0x236: {  	_ =	sdelay $0x1  }
0x237: {  	[tilespmem:v17+s14+$0x0] =	vst.idx.msk vm1, v12  }
0x238: {  	[tilespmem:v18+s13+$0x0] =	vst.idx.add.s32.msk vm0, v2  }
.LBB2_32:
0x239: {  	_ = 	snop  }
.Ltmp22:
0x23a: {  	_ = 	snop;
	(pc) =	sbr.rel .LBB2_33-.Ltmp22, $2  }
0x23b: {  	_ =	sdelay $0x2  }
0x23c: {  	[tilespmem:v16+s15+$0x0] =	vst.idx.msk vm0, v12;
	v7 =	vmov v15  }
.LBB2_34:
0x23d: {  	s0 =	simm.s32 $0x110F0  }
0x23e: {  	v10 =	vld [tilespmem:s0+$0xFFFFFF10]  }
0x23f: {  	v11 =	vld [tilespmem:s0+$0xFFFFFF20]  }
0x240: {  	v12 =	vld [tilespmem:s0+$0xFFFFFF30]  }
0x241: {  	v13 =	vld [tilespmem:s0+$0xFFFFFF40]  }
0x242: {  	v14 =	vld [tilespmem:s0+$0xFFFFFF50]  }
0x243: {  	v15 =	vld [tilespmem:s0+$0xFFFFFF60]  }
0x244: {  	v10 =	vadd.s32 v10, v11;
	v11 =	vld [tilespmem:s0+$0xFFFFFF70]  }
0x245: {  	v10 =	vadd.s32 v10, v12;
	v12 =	vld [tilespmem:s0+$0xFFFFFF80]  }
0x246: {  	v10 =	vadd.s32 v10, v13;
	v13 =	vld [tilespmem:s0+$0xFFFFFF90]  }
0x247: {  	v10 =	vadd.s32 v10, v14;
	v14 =	vld [tilespmem:s0+$0xFFFFFFA0]  }
0x248: {  	v10 =	vadd.s32 v10, v15;
	v15 =	vld [tilespmem:s0+$0xFFFFFFB0]  }
0x249: {  	v16 =	vld [tilespmem:s0+$0xFFFFFFC0];
	v10 =	vadd.s32 v10, v11  }
0x24a: {  	v17 =	vld [tilespmem:s0+$0xFFFFFFD0];
	v10 =	vadd.s32 v10, v12  }
0x24b: {  	v11 =	vadd.s32 v10, v13;
	v10 =	vld [tilespmem:s0+$0xFFFFFFE0]  }
0x24c: {  	v12 =	vadd.s32 v11, v14;
	v11 =	vld [tilespmem:s0+$0xFFFFFFF0]  }
0x24d: {  	s26 =	simm.s32 $0x111F0;
	v14 =	vadd.s32 v12, v15;
	v12 =	vld [tilespmem:s0+$0x0]  }
0x24e: {  	v13 =	vld [tilespmem:s26+$0xFFFFFF10];
	v14 =	vadd.s32 v14, v16  }
0x24f: {  	s25 =	simm.s32 $0x0;
	s24 =	simm.s32 $0x1;
	v15 =	vld [tilespmem:s26+$0xFFFFFF20];
	s0 =	simm.s32 $0x2;
	v14 =	vadd.s32 v14, v17  }
.LBB2_35:
0x250: {  	p0 =	sne.s32 s0, $0xF;
	v16 =	vld [tilespmem:s26+$0xFFFFFF30];
	v10 =	vadd.s32 v14, v10  }
0x251: {  	v14 =	vld [tilespmem:s26+$0xFFFFFF40];
	v10 =	vadd.s32 v10, v11  }
0x252: {  	v11 =	vld [tilespmem:s26+$0xFFFFFF50];
	v10 =	vadd.s32 v10, v12  }
0x253: {  	v12 =	vld [tilespmem:s26+$0xFFFFFF60];
	(xrf0) =	vadd.scan.msk.s32 $0xffff, v10  }
0x254: {  	v10 =	vadd.s32 v13, v15;
	v13 =	vld [tilespmem:s26+$0xFFFFFF70]  }
0x255: {  	v10 =	vadd.s32 v10, v16;
	v15 =	vld [tilespmem:s26+$0xFFFFFF80]  }
0x256: {  	v10 =	vadd.s32 v10, v14;
	v14 =	vld [tilespmem:s26+$0xFFFFFF90]  }
0x257: {  	v10 =	vadd.s32 v10, v11;
	v11 =	vld [tilespmem:s26+$0xFFFFFFA0]  }
0x258: {  	v10 =	vadd.s32 v10, v12;
	v12 =	vld [tilespmem:s26+$0xFFFFFFB0]  }
0x259: {  	v10 =	vadd.s32 v10, v13;
	v16 =	vld [tilespmem:s26+$0xFFFFFFC0];
	v13, _, _ =	vpop (xrf0)  }
0x25a: {  	v10 =	vadd.s32 v10, v15;
	v17 =	vld [tilespmem:s26+$0xFFFFFFD0];
	v15 =	vmov s25;
	v13 =	vbroadcast v13, $0xF;
	s25 =	smov.u32 s24;
	s24 =	smov.u32 s0  }
.Ltmp23:
0x25b: {  	v14 =	vadd.s32 v10, v14;
	v10 =	vld [tilespmem:s26+$0xFFFFFFE0];
	vm0 =	veq.s32 v15, v0;
	(pc) =	sbr.rel @p0 .LBB2_35-.Ltmp23, $4  }
0x25c: {  	v14 =	vadd.s32 v14, v11;
	v11 =	vld [tilespmem:s26+$0xFFFFFFF0];
	v9 =	vsel vm0, v13, v9  }
0x25d: {  	v14 =	vadd.s32 v14, v12;
	v12 =	vld [tilespmem:s26+$0x0];
	s26 =	sadd.s32 $0x100, s26  }
0x25e: {  	v13 =	vld [tilespmem:s26+$0xFFFFFF10];
	v14 =	vadd.s32 v14, v16  }
0x25f: {  	s0 =	sadd.s32 $0x1, s0;
	v15 =	vld [tilespmem:s26+$0xFFFFFF20];
	v14 =	vadd.s32 v14, v17  }
0x260: {  	v16 =	vld [tilespmem:s26+$0xFFFFFF30]  }
0x261: {  	v17 =	vld [tilespmem:s26+$0xFFFFFF40]  }
0x262: {  	v18 =	vld [tilespmem:s26+$0xFFFFFF50]  }
0x263: {  	v19 =	vld [tilespmem:s26+$0xFFFFFF60]  }
0x264: {  	v13 =	vadd.s32 v13, v15;
	v15 =	vld [tilespmem:s26+$0xFFFFFF70]  }
0x265: {  	v56 =	vld [tilespmem:s26+$0xFFFFFF80];
	v13 =	vadd.s32 v13, v16  }
0x266: {  	v57 =	vld [tilespmem:s26+$0xFFFFFF90];
	v13 =	vadd.s32 v13, v17  }
0x267: {  	v58 =	vld [tilespmem:s26+$0xFFFFFFA0];
	v13 =	vadd.s32 v13, v18  }
0x268: {  	v59 =	vld [tilespmem:s26+$0xFFFFFFB0];
	v13 =	vadd.s32 v13, v19  }
0x269: {  	v13 =	vadd.s32 v13, v15;
	v15 =	vld [tilespmem:s26+$0xFFFFFFC0]  }
0x26a: {  	v60 =	vld [tilespmem:s26+$0xFFFFFFD0];
	v13 =	vadd.s32 v13, v56  }
0x26b: {  	v61 =	vld [tilespmem:s26+$0xFFFFFFE0];
	v13 =	vadd.s32 v13, v57  }
0x26c: {  	v62 =	vld [tilespmem:s26+$0xFFFFFFF0];
	v13 =	vadd.s32 v13, v58  }
0x26d: {  	v63 =	vld [tilespmem:s26+$0x0];
	v13 =	vadd.s32 v13, v59  }
0x26e: {  	v13 =	vadd.s32 v13, v15  }
0x26f: {  	v10 =	vadd.s32 v14, v10;
	v13 =	vadd.s32 v13, v60  }
0x270: {  	v10 =	vadd.s32 v10, v11;
	v11 =	vadd.s32 v13, v61  }
0x271: {  	v10 =	vadd.s32 v10, v12;
	v11 =	vadd.s32 v11, v62  }
0x272: {  	(xrf0) =	vadd.scan.msk.s32 $0xffff, v10;
	v10 =	vadd.s32 v11, v63  }
0x273: {  	(xrf0) =	vadd.scan.msk.s32 $0xffff, v10;
	_ =	sdelay $0x4  }
0x274: {  	v10, _, _ =	vpop (xrf0)  }
0x275: {  	v11 =	vmov s25;
	v10 =	vbroadcast v10, $0xF;
	v12, _, _ =	vpop (xrf0)  }
0x276: {  	vm0 =	veq.s32 v11, v0;
	v11 =	vmov s24;
	v12 =	vbroadcast v12, $0xF  }
0x277: {  	vm14 =	veq.s32 v11, v0;
	v9 =	vsel vm0, v10, v9  }
0x278: {  	v9 =	vsel vm14, v12, v9  }
0x279: {  	v9 =	vperm.xlane v9, v5;
	_ =	sdelay $0x1  }
0x27a: {  	(xrf0) =	vadd.scan.msk.s32 $0xffff, v9;
	_ =	sdelay $0x5  }
0x27b: {  	v10, _, _ =	vpop (xrf0)  }
0x27c: {  	vm15 =	vge.s32 v10, s23  }
0x27d: {  	v11 =	vmctz.xlane vm15;
	_ =	sdelay $0x1  }
0x27e: {  	(v2sf) =	vpush v11, $0x0;
	_ =	sdelay $0xe  }
0x27f: {  	s0 =	spop (v2sf)  }
0x280: {  	s24 =	ssub.s32 $0xF, s0  }
0x281: {  	s0 =	sshll.u32 s24, $0xA  }
0x282: {  	s3 =	sshra.s32 s0, $0x2;
	s0 =	simm.s32 $0x0  }
0x283: {  	s26 =	sadd.s32 $0x11000, s3;
	s25 =	sand.u32 $0x80, s0  }
0x284: {  	s4 =	sand.u32 $0x70, s0;
	s3 =	sadd.s32 s25, s26  }
0x285: {  	s3 =	sadd.s32 s4, s3  }
0x286: {  	v13 =	vld [tilespmem:s3+$0x0];
	_ =	sdelay $0x1  }
0x287: {  	s30 =	simm.s32 $0x10  }
0x288: {  	s31 =	sand.u32 $0x80, s30  }
0x289: {  	s4 =	sadd.s32 s31, s26;
	s3 =	sand.u32 $0x70, s30  }
0x28a: {  	s3 =	sadd.s32 s3, s4;
	(xrf0) =	vadd.scan.msk.s32 $0xffff, v13  }
0x28b: {  	v13 =	vld [tilespmem:s3+$0x0]  }
0x28c: {  	s28 =	simm.s32 $0x2;
	s29 =	simm.s32 $0x20;
	v12 =	vimm.s32 $0x0;
	s25 =	simm.s32 $0x1  }
.LBB2_37:
0x28d: {  	s3 =	sand.u32 $0x80, s29  }
0x28e: {  	p0 =	sne.s32 s28, $0xF;
	s4 =	smov.u32 s28;
	s28 =	sadd.s32 $0x1, s28  }
.Ltmp24:
0x28f: {  	s16 =	sand.u32 $0x70, s29;
	s3 =	sadd.s32 s3, s26;
	(pc) =	sbr.rel @p0 .LBB2_37-.Ltmp24, $4  }
0x290: {  	s3 =	sadd.s32 s16, s3;
	(xrf0) =	vadd.scan.msk.s32 $0xffff, v13;
	v14, _, _ =	vpop (xrf0)  }
0x291: {  	v15 =	vmov s0;
	s0 =	smov.u32 s25;
	s25 =	smov.u32 s4;
	v13 =	vld [tilespmem:s3+$0x0];
	v14 =	vbroadcast v14, $0xF  }
0x292: {  	vm0 =	veq.s32 v15, v0  }
0x293: {  	s29 =	sadd.s32 $0x10, s29;
	v12 =	vsel vm0, v14, v12  }
0x294: {  	v11 =	vbroadcast v11, $0x0;
	_ =	sdelay $0x1  }
0x295: {  	vm0 =	veq.s32 v11, v0  }
0x296: {  	(xrf0) =	vadd.scan.msk.s32 $0xffff, v13;
	v10 =	vnsel vm0, $0x0, v10  }
0x297: {  	v9 =	vnsel vm0, $0x0, v9;
	(xrf0) =	vadd.scan.msk.s32 $0xffff, v10  }
0x298: {  	(xrf0) =	vadd.scan.msk.s32 $0xffff, v9;
	_ =	sdelay $0x2  }
0x299: {  	v9, _, _ =	vpop (xrf0)  }
0x29a: {  	v10, _, _ =	vpop (xrf0)  }
0x29b: {  	v11, _, _ =	vpop (xrf0)  }
0x29c: {  	(v2sf) =	vpush v11, $0xF;
	v11, _, _ =	vpop (xrf0)  }
0x29d: {  	(v2sf) =	vpush v11, $0xF;
	_ =	sdelay $0x3  }
0x29e: {  	v9 =	vbroadcast v9, $0xF;
	v11 =	vmov s0  }
0x29f: {  	v10 =	vbroadcast v10, $0xF;
	vm13 =	veq.s32 v11, v0;
	v11 =	vmov s25  }
0x2a0: {  	v9 =	vsel vm13, v9, v12;
	vm14 =	veq.s32 v11, v0  }
0x2a1: {  	v9 =	vsel vm14, v10, v9  }
0x2a2: {  	v9 =	vperm.xlane v9, v5;
	_ =	sdelay $0x1  }
0x2a3: {  	(xrf0) =	vadd.scan.msk.s32 $0xffff, v9;
	_ =	sdelay $0x3  }
0x2a4: {  	s30 =	spop (v2sf)  }
0x2a5: {  	s3 =	spop (v2sf);
	s0 =	ssub.s32 s23, s30  }
0x2a6: {  	v9, _, _ =	vpop (xrf0);
	s0 =	sadd.s32 s3, s0  }
0x2a7: {  	s31 =	simm.s32 $0x0;
	vm15 =	vge.s32 v9, s0  }
0x2a8: {  	s4 =	simm.s32 $0x10;
	s0 =	sand.u32 $0xFF0, s31;
	v9 =	vmctz.xlane vm15  }
.LBB2_39:
0x2a9: {  	p0 =	sne.s32 s4, $0xFF0;
	[tilespmem:s0+$0x11000] =	vst v3;
	s0 =	smov.u32 s4;
	s4 =	sadd.s32 $0x10, s4  }
.Ltmp25:
0x2aa: {  	(pc) =	sbr.rel @p0 .LBB2_39-.Ltmp25, $2  }
0x2ab: {  	_ =	sdelay $0x2  }
0x2ac: {  	s0 =	sand.u32 $0xFF0, s0  }
0x2ad: {  	(v2sf) =	vpush v9, $0x0  }
0x2ae: {  	(v2sf) =	vpush v7, $0x0;
	_ =	sdelay $0xd  }
0x2af: {  	s3 =	spop (v2sf)  }
0x2b0: {  	s4 =	spop (v2sf)  }
0x2b1: {  	s4 =	sadd.s32 $0xF, s4  }
0x2b2: {  	s4 =	sshra.s32 s4, $0x4  }
0x2b3: {  	p0 =	slt.s32 s4, $0x1  }
.Ltmp26:
0x2b4: {  	_ = 	snop;
	(pc) =	sbr.rel @p0 .LBB2_48-.Ltmp26, $4  }
0x2b5: {  	_ = 	snop  }
0x2b6: {  	s16 =	sshll.u32 s24, $0x4  }
0x2b7: {  	s3 =	ssub.s32 s16, s3  }
0x2b8: {  	[tilespmem:s0+$0x11000] =	vst v3;
	s23 =	sadd.s32 $0xF, s3  }
0x2b9: {  	p1 =	sne.s32 s4, $0x1  }
.Ltmp27:
0x2ba: {  	_ = 	snop;
	(pc) =	sbr.rel @!p1 .LBB2_42-.Ltmp27, $4  }
0x2bb: {  	_ = 	snop  }
0x2bc: {  	s0 =	simm.s32 $0x12000  }
0x2bd: {  	v9 =	vld [tilespmem:s0+$0x0]  }
0x2be: {  	v10 =	vmov s23;
	s24 =	simm.s32 $0x0;
	p0 =	por $0x0, $0x0;
	s0 =	sadd.s32 $0xFFFFFFFF, s4  }
0x2bf: {  	_ =	sdelay $0x1  }
0x2c0: {  	v11 =	vor.u32 s24, v0  }
0x2c1: {  	vm1 =	vlt.s32 v8, $0x7F1;
	vm0 =	vlt.s32 v11, v7;
	v11 =	vand.u32 $0xFF, v9  }
0x2c2: {  	vm0 =	vmand vm0, vm1;
	vm2 =	vge.s32 v11, v10  }
0x2c3: {  	vm0 =	vmand vm0, vm2  }
0x2c4: {  	v11 =	vsel vm0, $0x1, v3  }
0x2c5: {  	(xrf0) =	vadd.scan.msk.s32 $0xffff, v11;
	_ =	sdelay $0x5  }
0x2c6: {  	v11, _, _ =	vpop (xrf0)  }
0x2c7: {  	v11 =	vadd.s32 v11, v8  }
0x2c8: {  	v11 =	vadd.s32 $0xFFFFFFFF, v11;
	_ =	sdelay $0x1  }
0x2c9: {  	p1 =	sne.s32 s0, $0x1  }
.Ltmp28:
0x2ca: {  	_ = 	snop;
	(pc) =	sbr.rel @!p1 .LBB2_44-.Ltmp28, $4  }
0x2cb: {  	v12 =	vmpcnt.ones.xlane vm0  }
0x2cc: {  	s25 =	simm.s32 $0x12010;
	[tilespmem:v11+s14+$0x0] =	vst.idx.msk vm0, v9  }
0x2cd: {  	v12 =	vadd.s32 v8, v12;
	v9 =	vld [tilespmem:s25+$0x0]  }
0x2ce: {  	s26 =	sadd.s32 $0xFFFFFFFF, s0;
	p0 =	por $0x1, $0x1;
	s0 =	simm.s32 $0x0;
	v11 =	vmov v12  }
.LBB2_45:
0x2cf: {  	p1 =	sne.s32 s26, $0x1;
	_ =	sdelay $0x1  }
0x2d0: {  	s0 =	sadd.s32 $0x10, s0  }
0x2d1: {  	v8 =	vor.u32 s0, v0  }
0x2d2: {  	vm1 =	vlt.s32 v12, $0x7F1;
	vm0 =	vlt.s32 v8, v7;
	v8 =	vand.u32 $0xFF, v9  }
0x2d3: {  	vm0 =	vmand vm0, vm1;
	vm2 =	vge.s32 v8, v10  }
0x2d4: {  	vm0 =	vmand vm0, vm2  }
0x2d5: {  	v8 =	vsel vm0, $0x1, v3;
	v13 =	vmpcnt.ones.xlane vm0  }
0x2d6: {  	(xrf0) =	vadd.scan.msk.s32 $0xffff, v8  }
0x2d7: {  	v12 =	vadd.s32 v12, v13;
	_ =	sdelay $0x4  }
0x2d8: {  	v8, _, _ =	vpop (xrf0)  }
0x2d9: {  	v8 =	vadd.s32 v8, v11;
	v11 =	vmov v12  }
0x2da: {  	v8 =	vadd.s32 $0xFFFFFFFF, v8;
	_ =	sdelay $0x1  }
.Ltmp29:
0x2db: {  	(pc) =	sbr.rel @p1 .LBB2_45-.Ltmp29, $3  }
0x2dc: {  	_ =	sdelay $0x1  }
0x2dd: {  	s25 =	sadd.s32 $0x10, s25;
	[tilespmem:v8+s14+$0x0] =	vst.idx.msk vm0, v9  }
0x2de: {  	s26 =	sadd.s32 $0xFFFFFFFF, s26;
	v9 =	vld [tilespmem:s25+$0x0]  }
.Ltmp30:
0x2df: {  	(pc) =	sbr.rel .LBB2_47-.Ltmp30, $2  }
0x2e0: {  	_ =	sdelay $0x2  }
0x2e1: {  	v8 =	vmov v12  }
.LBB2_44:
.Ltmp31:
0x2e2: {  	(pc) =	sbr.rel .LBB2_47-.Ltmp31, $2  }
0x2e3: {  	_ =	sdelay $0x2  }
0x2e4: {  	s0 =	simm.s32 $0x0;
	v8 =	vmov v12;
	v11 =	vmov v12  }
.LBB2_50:
0x2e5: {  	_ =	sfence.sel $0x180000  }
0x2e6: {  	[bflag:$0x0] =	sbarrier.arrive $0xFFFF  }
0x2e7: {  	_ =	strace $0x90000047  }
0x2e8: {  	s0 =	stileid.u32;
	[bflag:$0x2] =	sbarrier.arrive $0xFFFF  }
0x2e9: {  	p0 =	sne.s32 s0, $0x0;
	s0 =	rddreg [dreg:$0x3]  }
0x2ea: {  	s0 =	sadd.s32 @!p0 $0x100000, s0  }
0x2eb: {  	[sflag:s0] =	ssyncadd.tile.s32 @!p0 $0x1;
	_ =	shalt  }
.Lfunc_end2:
_tile_overlayer_lowered:
.L_overlay_start_2:
0x2ec: {  	(tag) =	ssettag $0x2  }
0x2ed: {  	s0 =	rddreg [dreg:$0x0];
	s2 =	stileid.u32  }
0x2ee: {  	s1 =	rddreg [dreg:$0x1];
	p0 =	sne.s32 s2, $0x0  }
0x2ef: {  	s3 =	rddreg [dreg:$0x2];
	[bflag:$0x3] =	sbarrier.arrive $0xFFFF;
	s2 =	simm.s32 @!p0 $0x1C01  }
0x2f0: {  	[timem:s3], [sflag:s2] =	dma.local @!p0 [hbm:s0], s1  }
0x2f1: {  	s0 =	simm.s32 @!p0 $0x1  }
0x2f2: {  	_ =	swait.ge @!p0 [sflag:s0], s1  }
0x2f3: {  	s1 =	ssub.s32 @!p0 $0x0, s1;
	[sflag:s0] =	ssyncset.done @!p0 $0x0  }
0x2f4: {  	[sflag:s0] =	ssyncadd.s32 @!p0 s1  }
0x2f5: {  	[bflag:$0x3] =	sbarrier.arrive $0xFFFF  }
0x2f6: {  	_ =	shalt  }

// kernel: kernel.7.cloned.1.call-start
scs
__scs_entry_jumppad:
0x0: {  	(pc) =	sbr.rel $0x88, $3  }
0x1: {  	(tag) =	ssettag $0x0;
	lr =	simm.s32 $0x1  }
0x2: {  	[smem:$0x3FA0] =	sst lr;
	_ =	strace $0xD0000000  }
0x3: {  	_ = 	snop  }
0x4: {  	_ = 	snop  }
0x5: {  	_ = 	snop  }
0x6: {  	_ = 	snop  }
0x7: {  	_ = 	snop  }
__scs_overlays_trampoline_lowered:
0x8: {  	[smem:$0x3FAF] =	sst s0  }
0x9: {  	[smem:$0x3FB0] =	sst s1  }
0xa: {  	[smem:$0x3FB1] =	sst s2  }
0xb: {  	[smem:$0x3FB2] =	sst s3  }
0xc: {  	[smem:$0x3FB3] =	sst s4  }
0xd: {  	[smem:$0x3FB4] =	sst s5  }
0xe: {  	[smem:$0x3FB5] =	sst s6  }
0xf: {  	[smem:$0x3FB6] =	sst s7  }
0x10: {  	[smem:$0x3FB7] =	sst s8  }
0x11: {  	[smem:$0x3FB8] =	sst s9;
	s0 =	simm.s32 @!p0 $0x0  }
0x12: {  	s1 =	sld [smem:$0x3F9E];
	s0 =	simm.s32 @p0 $0x1  }
0x13: {  	[smem:$0x3FB9] =	sst s0;
	s0 =	simm.s32 @!p1 $0x0  }
0x14: {  	s2 =	sld [smem:$0x3F9D];
	s0 =	simm.s32 @p1 $0x1  }
0x15: {  	[smem:$0x3FBA] =	sst s0;
	s0 =	simm.s32 @!p2 $0x0  }
0x16: {  	s3 =	sld [smem:$0x3FDB];
	s0 =	simm.s32 @p2 $0x1  }
0x17: {  	s4 =	simm.s32 $0x1BF5;
	[smem:$0x3FBC] =	sst s0  }
0x18: {  	s0 =	sld [smem:$0x3F9F];
	_ =	swait.ge [sflag:s4], $0x0  }
0x19: {  	s7 =	sld [smem:$0x3FA0]  }
0x1a: {  	s8 =	sadd.s32 $0xFFFFE003, lr  }
0x1b: {  	s9 =	sadd.s32 $0xFFFFFEF7, lr;
	s5 =	simm.s32 $0xFFFFFFFF;
	p2 =	slt.u32 s8, $0xFFFFF086  }
0x1c: {  	p1 =	slt.u32 s9, $0xF7A;
	s5 =	simm.s32 @!p2 $0x0  }
0x1d: {  	s5 =	simm.s32 @p1 $0x1;
	p0 =	seq.s32 s7, s2  }
0x1e: {  	s7 =	smul.u32 @!p0 $0xF7A, s2;
	p2 =	seq.s32 @!p0 s5, $0x0  }
0x1f: {  	s9 =	smul.u32 $0xF7A, s1;
	s8 =	simm.s32 @!p0 $0x1BF5;
	p2 =	por !p2, p0  }
0x20: {  	[sflag:s8] =	ssyncset.s32 @!p0 $0xFFFFF086;
	s6 =	sadd.s32 @!p0 s3, s7;
	s7 =	simm.s32 @!p0 $0x108  }
0x21: {  	s3 =	sadd.s32 s3, s9;
	s6 =	sadd.s32 @!p0 $0x88, s6;
	s7 =	simm.s32 @p2 $0x1082  }
0x22: {  	[simem:s7], [sflag:s8] =	dma.local @!p0 [hbm:s6], $0xF7A  }
0x23: {  	s9 =	sor.u32 $0xD0000000, s2;
	s6 =	simm.s32 $0x108;
	_ =	swait.ge @!p0 [sflag:s8], $0x0  }
0x24: {  	s3 =	sadd.s32 $0x88, s3;
	s6 =	simm.s32 @!p1 $0x1082;
	[sflag:s4] =	ssyncset.s32 $0xFFFFF086  }
0x25: {  	[simem:s6], [sflag:s4] =	dma.local [hbm:s3], $0xF7A  }
0x26: {  	[smem:$0x3FA0] =	sst s1;
	(tag) =	ssettag s2;
	_ =	strace s9  }
0x27: {  	s1 =	sld [smem:$0x3FB0]  }
0x28: {  	s2 =	sld [smem:$0x3FB1]  }
0x29: {  	s4 =	sld [smem:$0x3FB3]  }
0x2a: {  	p0 =	seq.s32 s5, $0x0;
	s5 =	sld [smem:$0x3FB4]  }
0x2b: {  	s6 =	sld [smem:$0x3FB5]  }
0x2c: {  	s7 =	sld [smem:$0x3FB6]  }
0x2d: {  	s3 =	simm.s32 $0x108;
	s8 =	sld [smem:$0x3FB7]  }
0x2e: {  	s3 =	simm.s32 @!p0 $0x1082;
	s9 =	sld [smem:$0x3FB8]  }
0x2f: {  	lr =	sadd.s32 s0, s3;
	s0 =	sld [smem:$0x3FAF]  }
0x30: {  	s3 =	sld [smem:$0x3FB2]  }
0x31: {  	[smem:$0x3FBB] =	sst s10  }
0x32: {  	s10 =	sld [smem:$0x3FB9];
	_ =	sdelay $0x3  }
0x33: {  	p0 =	seq.s32 s10, $0x1;
	s10 =	sld [smem:$0x3FBB];
	_ =	sdelay $0x3  }
0x34: {  	[smem:$0x3FBB] =	sst s10  }
0x35: {  	s10 =	sld [smem:$0x3FBA];
	_ =	sdelay $0x3  }
0x36: {  	p1 =	seq.s32 s10, $0x1;
	s10 =	sld [smem:$0x3FBB];
	_ =	sdelay $0x3  }
0x37: {  	[smem:$0x3FBB] =	sst s10  }
0x38: {  	s10 =	sld [smem:$0x3FBC]  }
0x39: {  	_ = 	snop;
	(pc) =	sbr.ind lr, $3  }
0x3a: {  	_ = 	snop  }
0x3b: {  	_ = 	snop  }
0x3c: {  	p2 =	seq.s32 s10, $0x1;
	s10 =	sld [smem:$0x3FBB]  }
0x3d: {  	_ =	shalt  }
0x3e: {  	_ =	shalt  }
0x3f: {  	_ =	shalt  }
0x40: {  	_ =	shalt  }
0x41: {  	_ =	shalt  }
0x42: {  	_ =	shalt  }
0x43: {  	_ =	shalt  }
0x44: {  	_ =	shalt  }
0x45: {  	_ =	shalt  }
0x46: {  	_ =	shalt  }
0x47: {  	_ =	shalt  }
0x48: {  	_ =	shalt  }
0x49: {  	_ =	shalt  }
0x4a: {  	_ =	shalt  }
0x4b: {  	_ =	shalt  }
0x4c: {  	_ =	shalt  }
0x4d: {  	_ =	shalt  }
0x4e: {  	_ =	shalt  }
0x4f: {  	_ =	shalt  }
0x50: {  	_ =	shalt  }
0x51: {  	_ =	shalt  }
0x52: {  	_ =	shalt  }
0x53: {  	_ =	shalt  }
0x54: {  	_ =	shalt  }
0x55: {  	_ =	shalt  }
0x56: {  	_ =	shalt  }
0x57: {  	_ =	shalt  }
0x58: {  	_ =	shalt  }
0x59: {  	_ =	shalt  }
0x5a: {  	_ =	shalt  }
0x5b: {  	_ =	shalt  }
0x5c: {  	_ =	shalt  }
0x5d: {  	_ =	shalt  }
0x5e: {  	_ =	shalt  }
0x5f: {  	_ =	shalt  }
0x60: {  	_ =	shalt  }
0x61: {  	_ =	shalt  }
0x62: {  	_ =	shalt  }
0x63: {  	_ =	shalt  }
0x64: {  	_ =	shalt  }
0x65: {  	_ =	shalt  }
0x66: {  	_ =	shalt  }
0x67: {  	_ =	shalt  }
0x68: {  	_ =	shalt  }
0x69: {  	_ =	shalt  }
0x6a: {  	_ =	shalt  }
0x6b: {  	_ =	shalt  }
0x6c: {  	_ =	shalt  }
0x6d: {  	_ =	shalt  }
0x6e: {  	_ =	shalt  }
0x6f: {  	_ =	shalt  }
0x70: {  	_ =	shalt  }
0x71: {  	_ =	shalt  }
0x72: {  	_ =	shalt  }
0x73: {  	_ =	shalt  }
0x74: {  	_ =	shalt  }
0x75: {  	_ =	shalt  }
0x76: {  	_ =	shalt  }
0x77: {  	_ =	shalt  }
0x78: {  	_ =	shalt  }
0x79: {  	_ =	shalt  }
0x7a: {  	_ =	shalt  }
0x7b: {  	_ =	shalt  }
0x7c: {  	_ =	shalt  }
0x7d: {  	_ =	shalt  }
0x7e: {  	_ =	shalt  }
0x7f: {  	_ =	shalt  }
0x80: {  	_ =	shalt  }
0x81: {  	_ =	shalt  }
0x82: {  	_ =	shalt  }
0x83: {  	_ =	shalt  }
0x84: {  	_ =	shalt  }
0x85: {  	_ =	shalt  }
0x86: {  	_ =	shalt  }
0x87: {  	_ =	shalt  }
.Lfunc_end0:
.L_simem_size_0:
called_computation.1_lowered:
.L_overlay_start_0:
0x88: {  	s2 =	sld [smem:$0x3FD9]  }
0x89: {  	s3 =	sld [smem:$0x3FFE];
	_ =	sdelay $0x1  }
0x8a: {  	s1 =	srdreg.scid  }
0x8b: {  	s0 =	sand.u32 $0x1, s1  }
0x8c: {  	s17 =	sshll.u32 s0, $0xA;
	s2 =	sadd.s32 s3, s2  }
0x8d: {  	s2 =	sadd.s32 s2, s17  }
0x8e: {  	[smem:$0x3FC7] =	sst s2  }
0x8f: {  	_ = 	snop  }
0x90: {  	s2 =	sld [smem:$0x3FC9]  }
0x91: {  	s18 =	sld [smem:$0x3FD0];
	(tm) =	ssettm $0x1  }
0x92: {  	s4 =	sld [smem:$0x3FFB];
	_ =	sdelay $0x3  }
0x93: {  	_ =	strace s4  }
0x94: {  	s4 =	sld [smem:$0x3FFC];
	_ =	sdelay $0x3  }
0x95: {  	_ =	strace s4  }
0x96: {  	s4 =	sld [smem:$0x3FFD];
	_ =	sdelay $0x3  }
0x97: {  	_ =	strace s4  }
0x98: {  	_ =	strace $0x8FFFFFFF  }
0x99: {  	s19 =	sld [smem:$0x3FDB];
	_ =	sdelay $0x1  }
0x9a: {  	s5 =	simm.s32 $_scs_section_size  }
0x9b: {  	s6 =	simm.s32 $_size__tile_overlayer_lowered;
	s7 =	simm.s32 $_tile_overlayer_lowered  }
0x9c: {  	s22 =	simm.s32 $0x1BFF;
	s21 =	sshll.u32 s7, $0x1;
	s4 =	sadd.s32 s5, s19  }
0x9d: {  	s8 =	simm.s32 $0x0;
	s20 =	sshll.u32 s6, $0x1;
	s6 =	sadd.s32 s21, s4  }
0x9e: {  	[timem:s8], [sflag:s22] =	dma.local [hbm:s6], s20  }
0x9f: {  	_ =	swait.ge [sflag:s22], s20  }
0xa0: {  	s5 =	ssub.s32 $0x0, s20;
	[sflag:s22] =	ssyncset.done $0x0  }
0xa1: {  	[sflag:s22] =	ssyncadd.s32 s5;
	_ =	sdelay $0x1  }
0xa2: {  	s23 =	simm.s32 $0x1B8B  }
0xa3: {  	_ =	swait.ge [sflag:s23], $0x1  }
0xa4: {  	[sflag:s23] =	ssyncset.done $0x0  }
0xa5: {  	s25 =	simm.s32 $0x1B8E;
	s24 =	sld [smem:$0x3FFE];
	[sflag:s23] =	ssyncadd.s32 $0xFFFFFFFF  }
0xa6: {  	s26 =	simm.s32 $execute0_lowered;
	[smem:$0x3FD2] =	sst s25  }
0xa7: {  	s6 =	sshll.u32 s26, $0x1;
	_ =	strace $0x80000049;
	[dreg:$0x1] =	wrdreg $0xFFFFFFFF  }
0xa8: {  	s28 =	simm.s32 $_size_execute0_lowered;
	s4 =	sadd.s32 s4, s6;
	[dreg:$0x0] =	wrdreg $0x0  }
0xa9: {  	s6 =	sshll.u32 s28, $0x1;
	[dreg:$0x2] =	wrdreg s4  }
0xaa: {  	[dreg:$0x3] =	wrdreg s6  }
0xab: {  	[dreg:$0x4] =	wrdreg $0xC0  }
0xac: {  	_ =	task [dreg:s8], $0x5FFFF  }
0xad: {  	[dreg:$0x1] =	wrdreg $0xFFFFFFFF  }
0xae: {  	[dreg:$0x0] =	wrdreg $0x60  }
0xaf: {  	[dreg:$0x2] =	wrdreg s2  }
0xb0: {  	[dreg:$0x3] =	wrdreg s24  }
0xb1: {  	[dreg:$0x4] =	wrdreg s18  }
0xb2: {  	[dreg:$0x5] =	wrdreg $0x113000  }
0xb3: {  	[dreg:$0x6] =	wrdreg $0x123000  }
0xb4: {  	[dreg:$0x7] =	wrdreg $0x9  }
0xb5: {  	_ =	task.clear_ibuf [dreg:s8], $0x8FFFF;
	_ =	strace $0x90000049  }
0xb6: {  	s29 =	simm.s32 $0x9;
	_ =	strace $0x8000004B  }
0xb7: {  	_ =	swait.ge [sflag:s29], $0x1  }
0xb8: {  	[sflag:s29] =	ssyncadd.s32 $0xFFFFFFFF  }
0xb9: {  	_ =	strace $0x9000004B  }
0xba: {  	_ =	sfence  }
0xbb: {  	s30 =	sld [smem:$0x0];
	_ =	sdelay $0x2  }
0xbc: {  	s31 =	sshll.u32 s1, $0xD;
	s1 =	sshrl.u32 s1, $0x2  }
0xbd: {  	s3 =	sand.u32 $0x4000, s31;
	s1 =	sadd.s32 s1, s30  }
0xbe: {  	s0 =	sor.u32 s3, s0;
	s1 =	sshll.u32 s1, $0x11  }
0xbf: {  	s0 =	sor.u32 s1, s0  }
0xc0: {  	s0 =	sadd.s32 $0x8F2B, s0  }
0xc1: {  	[sflag:s0] =	ssyncadd.remote.s32 $0x1  }
0xc2: {  	_ =	sfence.sel $0xFFFF  }
0xc3: {  	[dreg:$0x0] =	wrdreg $0xFFFFFFFF;
	(pc) =	sbr.abs _section_cstart, $3  }
0xc4: {  	[dreg:$0x1] =	wrdreg $0xFFFFFFFF  }
0xc5: {  	_ =	task.clear_ibuf [dreg:s8], $0x2FFFF;
	_ =	strace $0x9FFFFFFF  }
0xc6: {  	(tm) =	ssettm $0x7FFFFFFF  }
0xc7: {  	_ =	shalt  }
tec
execute0_lowered:
.L_overlay_start_1:
0x0: {  	(tag) =	ssettag $0x1  }
0x1: {  	s1 =	rddreg [dreg:$0x0]  }
0x2: {  	s0 =	rddreg [dreg:$0x1]  }
0x3: {  	s2 =	rddreg [dreg:$0x2]  }
0x4: {  	s8 =	rddreg [dreg:$0x3]  }
0x5: {  	s4 =	rddreg [dreg:$0x4]  }
0x6: {  	s5 =	simm.s32 $0x0;
	s3 =	stileid.u32;
	s6 =	srdreg.scid  }
0x7: {  	s14 =	simm.s32 $0xC000;
	s15 =	simm.s32 $0x80;
	s16 =	simm.s32 $0x400  }
0x8: {  	s17 =	simm.s32 $0x11000;
	s18 =	simm.s32 $0x11100;
	s19 =	simm.s32 $0xD000  }
0x9: {  	s20 =	simm.s32 $0x11280;
	s21 =	simm.s32 $0x4000;
	[smem:$0x7FF] =	sst s5  }
0xa: {  	v0 =	vlaneseq.u32;
	s9 =	sshll.u32 s3, $0xB;
	s10 =	sand.u32 $0x1, s6;
	s11 =	sshll.u32 s3, $0xC  }
0xb: {  	v1 =	vimm.s32 $0x0;
	v3 =	vimm.s32 $0x1;
	vm0 =	vmmov $0x1;
	s13 =	sshll.u32 s3, $0x7;
	s28 =	sshll.u32 s3, $0x4;
	s29 =	sshll.u32 s3, $0x2  }
0xc: {  	v4 =	vimm.s32 $0x0;
	vm2 =	vmmov $0x7;
	vm3 =	vmmov $0xf;
	s30 =	sshll.u32 s3, $0xF;
	_ =	strace $0x8000004A;
	s24 =	sadd.s32 s9, s0  }
0xd: {  	vm4 =	vmmov $0x1f;
	vm5 =	vmmov $0x3f;
	v4 =	vsel vm0, $0xFFFFFFFF, v4;
	s7 =	sshll.u32 s10, $0x1;
	s25 =	ssub.s32 $0x2, s10;
	s11 =	sand.u32 $0x8000, s11  }
0xe: {  	vm6 =	vmmov $0x7f;
	vm0 =	vmmov $0x3;
	s26 =	sand.u32 $0x380, s13;
	[tilespmem:$0x1FFE0] =	vst v4;
	v4 =	vimm.s32 $0x0;
	s31 =	sshll.u32 s10, $0x6;
	s13 =	simm.s32 $0x1  }
0xf: {  	vm7 =	vmmov $0xff;
	vm8 =	vmmov $0x1ff;
	s0 =	sadd.s32 s7, s0;
	s12 =	sshrl.u32 s25, $0x1;
	s11 =	sadd.s32 s11, s8;
	v4 =	vsel vm0, $0xFFFFFFFF, v4  }
0x10: {  	vm9 =	vmmov $0x3ff;
	vm10 =	vmmov $0x7ff;
	s6 =	sadd.s32 $0xE00, s24;
	s8 =	sadd.s32 s9, s8;
	s9 =	sadd.s32 s28, s4;
	[tilespmem:$0x1FFF0] =	vst v4;
	v4 =	vmul.u32 $0xFFFFFFFF, v0  }
0x11: {  	vm11 =	vmmov $0xfff;
	vm12 =	vmmov $0x1fff;
	vm13 =	vmmov $0x3fff;
	s12 =	ssub.s32 s25, s12;
	s7 =	sadd.s32 s26, s11;
	s0 =	sadd.s32 s29, s0  }
0x12: {  	vm14 =	vmmov $0x7fff;
	v2 =	vor.u32 $0x800, v0;
	s11 =	sor.u32 s30, s31;
	s10 =	sadd.s32 $0xC00, s0;
	s12 =	smax.u32 s12, $0x1;
	v4 =	vadd.s32 $0xF, v4  }
.LBB2_1:
0x13: {  	s0 =	simm.s32 $0x40;
	s22 =	simm.s32 $0x0  }
.LBB2_2:
0x14: {  	p0 =	sne.s32 s0, $0x3FC0;
	[tilespmem:s22+$0xC000] =	vst v1;
	s22 =	smov.u32 s0;
	s0 =	sadd.s32 $0x40, s0  }
.Ltmp0:
0x15: {  	(pc) =	sbr.rel @p0 .LBB2_2-.Ltmp0, $2  }
0x16: {  	_ =	sdelay $0x2  }
0x17: {  	s22 =	sshra.s32 s22, $0x2  }
0x18: {  	[tilespmem:s22+$0xC000] =	vst v1;
	s0 =	simm.s32 $0x0  }
0x19: {  	[tilespmem:s0], [sflag:$0x1] =	stream.linear.gather [hbm4b:s6+s0], $0x4000, $0x38;
	[tilespmem:$0x12310] =	vst v63  }
0x1a: {  	_ =	swait.ge [sflag:s13], $0x4000  }
0x1b: {  	[sflag:s13] =	ssyncset.done $0x0  }
0x1c: {  	[sflag:s13] =	ssyncadd.s32 $0xFFFFC000  }
.LBB2_4:
0x1d: {  	s22 =	sshra.s32 s0, $0x2  }
0x1e: {  	v5 =	vld [tilespmem:s22+$0x0];
	_ =	sdelay $0x4  }
0x1f: {  	v5 =	vshrl.u32 v5, $0x14  }
0x20: {  	v5 =	vand.u32 $0xFF0, v5  }
0x21: {  	v5 =	vxor.u32 v2, v5;
	_ =	sdelay $0x4  }
0x22: {  	[tilespmem:v5+s14+$0x0] =	vst.idx.add.s32.msk $0xffff, v3  }
0x23: {  	v5 =	vld [tilespmem:s22+$0x10];
	_ =	sdelay $0x4  }
0x24: {  	v5 =	vshrl.u32 v5, $0x14  }
0x25: {  	v5 =	vand.u32 $0xFF0, v5  }
0x26: {  	v5 =	vxor.u32 v2, v5;
	_ =	sdelay $0x4  }
0x27: {  	[tilespmem:v5+s14+$0x0] =	vst.idx.add.s32.msk $0xffff, v3  }
0x28: {  	v5 =	vld [tilespmem:s22+$0x20];
	_ =	sdelay $0x4  }
0x29: {  	v5 =	vshrl.u32 v5, $0x14  }
0x2a: {  	v5 =	vand.u32 $0xFF0, v5  }
0x2b: {  	v5 =	vxor.u32 v2, v5;
	_ =	sdelay $0x4  }
0x2c: {  	[tilespmem:v5+s14+$0x0] =	vst.idx.add.s32.msk $0xffff, v3  }
0x2d: {  	v5 =	vld [tilespmem:s22+$0x30];
	_ =	sdelay $0x4  }
0x2e: {  	v5 =	vshrl.u32 v5, $0x14  }
0x2f: {  	v5 =	vand.u32 $0xFF0, v5  }
0x30: {  	p0 =	sne.s32 s0, $0xFF00;
	v5 =	vxor.u32 v2, v5  }
.Ltmp1:
0x31: {  	_ = 	snop;
	(pc) =	sbr.rel @p0 .LBB2_4-.Ltmp1, $2  }
0x32: {  	_ =	sdelay $0x2  }
0x33: {  	s0 =	sadd.s32 $0x100, s0;
	[tilespmem:v5+s14+$0x0] =	vst.idx.add.s32.msk $0xffff, v3  }
0x34: {  	[spmem:s7] =	stream.strided.scatter [tilespmem:s14], [sflag:$0x1], $0x1000, s16, s15, $0x38;
	[tilespmem:$0x12310] =	vst v63  }
0x35: {  	_ =	swait.ge [sflag:s13], $0x1000  }
0x36: {  	[sflag:s13] =	ssyncset.done $0x0  }
0x37: {  	s0 =	simm.s32 $0x40;
	s23 =	simm.s32 $0x0;
	[sflag:s13] =	ssyncadd.s32 $0xFFFFF000  }
.LBB2_6:
0x38: {  	p0 =	sne.s32 s0, $0x3FC0;
	[tilespmem:s23+$0xC000] =	vst v1;
	s22 =	smov.u32 s0;
	s0 =	sadd.s32 $0x40, s0  }
.Ltmp2:
0x39: {  	(pc) =	sbr.rel @p0 .LBB2_6-.Ltmp2, $2  }
0x3a: {  	_ =	sdelay $0x2  }
0x3b: {  	s23 =	sshra.s32 s22, $0x2  }
0x3c: {  	s22 =	simm.s32 $0x0  }
0x3d: {  	s0 =	sand.u32 $0x8000, s22  }
0x3e: {  	[tilespmem:s23+$0xC000] =	vst v1;
	s31 =	sand.u32 $0x380, s22;
	s0 =	sadd.s32 s0, s8  }
0x3f: {  	[bflag:$0x0] =	sbarrier.arrive $0xFFFF;
	s0 =	sadd.s32 s31, s0  }
0x40: {  	[tilespmem:s17], [sflag:$0x1] =	stream.strided.gather [spmem:s0], $0x100, s16, s15, $0x38;
	[tilespmem:$0x12310] =	vst v63  }
0x41: {  	_ =	swait.ge [sflag:s13], $0x100  }
0x42: {  	[sflag:s13] =	ssyncset.done $0x0  }
0x43: {  	v5 =	vimm.s32 $0x0;
	[sflag:s13] =	ssyncadd.s32 $0xFFFFFF00  }
0x44: {  	v9 =	vimm.s32 $0x0;
	v6 =	vimm.s32 $0x0;
	v7 =	vimm.s32 $0x0;
	v13 =	vld [tilespmem:$0x110F0]  }
0x45: {  	v8 =	vimm.s32 $0x0;
	v10 =	vimm.s32 $0x0;
	v11 =	vimm.s32 $0x0;
	v23 =	vld [tilespmem:$0x110B0]  }
0x46: {  	v12 =	vimm.s32 $0x0;
	v14 =	vimm.s32 $0x0;
	v15 =	vimm.s32 $0x0;
	v18 =	vld [tilespmem:$0x110E0]  }
0x47: {  	v16 =	vimm.s32 $0x0;
	v17 =	vimm.s32 $0x0;
	v19 =	vimm.s32 $0x0;
	v21 =	vld [tilespmem:$0x110D0]  }
0x48: {  	s23 =	simm.s32 $0x1000;
	v20 =	vimm.s32 $0x0;
	v22 =	vimm.s32 $0x0;
	v24 =	vimm.s32 $0x0;
	v25 =	vld [tilespmem:$0x110C0]  }
.LBB2_8:
0x49: {  	p0 =	sne.s32 s23, $0xF000  }
0x4a: {  	v26 =	vld [tilespmem:$0x110A0];
	v5 =	vadd.s32 v5, v13;
	s22 =	sadd.s32 $0x80, s22;
	s0 =	smov.u32 s23;
	s23 =	sadd.s32 $0x1000, s23  }
0x4b: {  	v13 =	vld [tilespmem:$0x11090];
	v9 =	vadd.s32 v9, v23  }
0x4c: {  	v23 =	vld [tilespmem:$0x11080];
	v6 =	vadd.s32 v6, v18  }
0x4d: {  	v18 =	vld [tilespmem:$0x11070];
	v7 =	vadd.s32 v7, v21  }
0x4e: {  	v21 =	vld [tilespmem:$0x11060];
	v8 =	vadd.s32 v8, v25  }
0x4f: {  	v25 =	vld [tilespmem:$0x11050];
	v10 =	vadd.s32 v10, v26  }
0x50: {  	v26 =	vld [tilespmem:$0x11040];
	v11 =	vadd.s32 v11, v13  }
0x51: {  	v13 =	vld [tilespmem:$0x11030];
	v12 =	vadd.s32 v12, v23  }
0x52: {  	s0 =	sand.u32 $0x8000, s0;
	v23 =	vld [tilespmem:$0x11020];
	v14 =	vadd.s32 v14, v18  }
0x53: {  	s24 =	sand.u32 $0x380, s22;
	s0 =	sadd.s32 s0, s8;
	v18 =	vld [tilespmem:$0x11010];
	v15 =	vadd.s32 v15, v21  }
0x54: {  	s0 =	sadd.s32 s24, s0;
	v21 =	vld [tilespmem:$0x11000];
	v16 =	vadd.s32 v16, v25  }
0x55: {  	[tilespmem:s17], [sflag:$0x1] =	stream.strided.gather [spmem:s0], $0x100, s16, s15, $0x38;
	v17 =	vadd.s32 v17, v26;
	[tilespmem:$0x12310] =	vst v63  }
0x56: {  	_ =	swait.ge [sflag:s13], $0x100;
	v19 =	vadd.s32 v19, v13  }
0x57: {  	[sflag:s13] =	ssyncset.done $0x0;
	v20 =	vadd.s32 v20, v23  }
0x58: {  	[sflag:s13] =	ssyncadd.s32 $0xFFFFFF00;
	v22 =	vadd.s32 v22, v18  }
.Ltmp3:
0x59: {  	v13 =	vld [tilespmem:$0x110F0];
	v24 =	vadd.s32 v24, v21;
	(pc) =	sbr.rel @p0 .LBB2_8-.Ltmp3, $4  }
0x5a: {  	v23 =	vld [tilespmem:$0x110B0]  }
0x5b: {  	v18 =	vld [tilespmem:$0x110E0]  }
0x5c: {  	v21 =	vld [tilespmem:$0x110D0]  }
0x5d: {  	v25 =	vld [tilespmem:$0x110C0]  }
0x5e: {  	v26 =	vld [tilespmem:$0x11000]  }
0x5f: {  	v27 =	vld [tilespmem:$0x11010]  }
0x60: {  	v28 =	vld [tilespmem:$0x11020]  }
0x61: {  	v29 =	vld [tilespmem:$0x11030]  }
0x62: {  	v30 =	vld [tilespmem:$0x11040]  }
0x63: {  	v36 =	vld [tilespmem:$0x11050];
	v24 =	vadd.s32 v24, v26  }
0x64: {  	v37 =	vld [tilespmem:$0x11060];
	v22 =	vadd.s32 v22, v27;
	(xrf0) =	vadd.scan.msk.s32 $0xffff, v24  }
0x65: {  	v38 =	vld [tilespmem:$0x11070];
	v20 =	vadd.s32 v20, v28;
	(xrf0) =	vadd.scan.msk.s32 $0xffff, v22  }
0x66: {  	v39 =	vld [tilespmem:$0x11080];
	v19 =	vadd.s32 v19, v29;
	(xrf0) =	vadd.scan.msk.s32 $0xffff, v20  }
0x67: {  	v40 =	vld [tilespmem:$0x11090];
	v17 =	vadd.s32 v17, v30;
	(xrf0) =	vadd.scan.msk.s32 $0xffff, v19  }
0x68: {  	v41 =	vld [tilespmem:$0x110A0];
	v16 =	vadd.s32 v16, v36;
	(xrf0) =	vadd.scan.msk.s32 $0xffff, v17  }
0x69: {  	v48 =	vld [tilespmem:$0x1FFE0];
	v15 =	vadd.s32 v15, v37;
	(xrf0) =	vadd.scan.msk.s32 $0xffff, v16  }
0x6a: {  	v51 =	vld [tilespmem:$0x1FFF0];
	v14 =	vadd.s32 v14, v38;
	v42, _, _ =	vpop (xrf0);
	(xrf0) =	vadd.scan.msk.s32 $0xffff, v15  }
0x6b: {  	v12 =	vadd.s32 v12, v39;
	v43, _, _ =	vpop (xrf0);
	(xrf0) =	vadd.scan.msk.s32 $0xffff, v14  }
0x6c: {  	v9 =	vadd.s32 v9, v23;
	v11 =	vadd.s32 v11, v40;
	v45, _, _ =	vpop (xrf0);
	(xrf0) =	vadd.scan.msk.s32 $0xffff, v12  }
0x6d: {  	v10 =	vadd.s32 v10, v41;
	v44 =	vbroadcast v42, $0xF;
	v15 =	vbroadcast v43, $0xF;
	v47, _, _ =	vpop (xrf0);
	(xrf0) =	vadd.scan.msk.s32 $0xffff, v11  }
0x6e: {  	v6 =	vadd.s32 v6, v18;
	vm0 =	vnez.u8 v48;
	v46 =	vbroadcast v45, $0xF;
	v50, _, _ =	vpop (xrf0);
	(xrf0) =	vadd.scan.msk.s32 $0xffff, v10  }
0x6f: {  	v11 =	vsel vm0, v44, v15;
	v49 =	vbroadcast v47, $0xF;
	vm0 =	vnez.u8 v51;
	v53, _, _ =	vpop (xrf0)  }
0x70: {  	v8 =	vadd.s32 v8, v25;
	v10 =	vsel vm0, v11, v46;
	v52 =	vbroadcast v50, $0xF;
	(xrf0) =	vadd.scan.msk.s32 $0xffff, v9;
	v56, _, _ =	vpop (xrf0)  }
0x71: {  	v7 =	vadd.s32 v7, v21;
	v54 =	vsel vm2, v10, v49;
	v55 =	vbroadcast v53, $0xF;
	(xrf0) =	vadd.scan.msk.s32 $0xffff, v8;
	v58, _, _ =	vpop (xrf0)  }
0x72: {  	v8 =	vsel vm3, v54, v52;
	v57 =	vbroadcast v56, $0xF;
	(xrf0) =	vadd.scan.msk.s32 $0xffff, v7;
	v59, _, _ =	vpop (xrf0)  }
0x73: {  	v7 =	vsel vm4, v8, v55;
	v8 =	vbroadcast v58, $0xF;
	(xrf0) =	vadd.scan.msk.s32 $0xffff, v6;
	v6, _, _ =	vpop (xrf0)  }
0x74: {  	v5 =	vadd.s32 v5, v13;
	v7 =	vsel vm5, v7, v57;
	v60 =	vbroadcast v59, $0xF;
	v61, _, _ =	vpop (xrf0)  }
0x75: {  	v7 =	vsel vm6, v7, v8;
	v6 =	vbroadcast v6, $0xF;
	v8 =	vbroadcast v61, $0xF  }
0x76: {  	v7 =	vsel vm7, v7, v60;
	v62, _, _ =	vpop (xrf0)  }
0x77: {  	(xrf0) =	vadd.scan.msk.s32 $0xffff, v5;
	v5, _, _ =	vpop (xrf0);
	v6 =	vsel vm8, v7, v6;
	v7 =	vbroadcast v62, $0xF  }
0x78: {  	v63, _, _ =	vpop (xrf0);
	v6 =	vsel vm9, v6, v8;
	v5 =	vbroadcast v5, $0xF  }
0x79: {  	v6 =	vsel vm10, v6, v7;
	v8, _, _ =	vpop (xrf0)  }
0x7a: {  	v5 =	vsel vm11, v6, v5;
	v6 =	vbroadcast v8, $0xF  }
0x7b: {  	v7 =	vbroadcast v63, $0xF;
	_ =	sdelay $0x1  }
0x7c: {  	v5 =	vsel vm12, v5, v7  }
0x7d: {  	v5 =	vsel vm13, v5, v6;
	v6, _, _ =	vpop (xrf0)  }
0x7e: {  	v5 =	vsel vm14, v5, v6  }
0x7f: {  	[tilespmem:$0x11100] =	vst v5  }
0x80: {  	[spmem:s9] =	stream.linear.scatter [tilespmem:s18], [sflag:$0x1], $0x10, $0x38;
	[tilespmem:$0x12310] =	vst v63  }
0x81: {  	_ =	swait.ge [sflag:s13], $0x10  }
0x82: {  	[sflag:s13] =	ssyncset.done $0x0  }
0x83: {  	[sflag:s13] =	ssyncadd.s32 $0xFFFFFFF0  }
0x84: {  	s0 =	simm.s32 $0x11180;
	[bflag:$0x0] =	sbarrier.arrive $0xFFFF  }
0x85: {  	[tilespmem:s0], [sflag:$0x1] =	stream.linear.gather [spmem:s4], $0x100, $0x38;
	[tilespmem:$0x12310] =	vst v63  }
0x86: {  	_ =	swait.ge [sflag:s13], $0x100  }
0x87: {  	[sflag:s13] =	ssyncset.done $0x0  }
0x88: {  	[sflag:s13] =	ssyncadd.s32 $0xFFFFFF00  }
0x89: {  	v5 =	vld [tilespmem:s0+$0x0];
	_ =	sdelay $0x4  }
0x8a: {  	s31 =	simm.s32 $0x11190;
	(xrf0) =	vadd.scan.msk.s32 $0xffff, v5  }
0x8b: {  	v6 =	vld [tilespmem:s31+$0x0];
	_ =	sdelay $0x3  }
0x8c: {  	s22 =	simm.s32 $0x0  }
0x8d: {  	s23 =	simm.s32 $0x2;
	s24 =	simm.s32 $0x111A0;
	s0 =	simm.s32 $0x1;
	v5 =	vimm.s32 $0x0;
	(xrf0) =	vadd.scan.msk.s32 $0xffff, v6;
	v6, _, _ =	vpop (xrf0)  }
.LBB2_10:
0x8e: {  	p0 =	sne.s32 s23, $0xF  }
0x8f: {  	v7 =	vld [tilespmem:s24+$0x0];
	v8 =	vmov s22;
	v6 =	vbroadcast v6, $0xF;
	s22 =	smov.u32 s0;
	s0 =	smov.u32 s23;
	s23 =	sadd.s32 $0x1, s23  }
.Ltmp4:
0x90: {  	vm15 =	veq.s32 v8, v0;
	(pc) =	sbr.rel @p0 .LBB2_10-.Ltmp4, $2  }
0x91: {  	v5 =	vsel vm15, v6, v5;
	_ =	sdelay $0x2  }
0x92: {  	s24 =	sadd.s32 $0x10, s24;
	(xrf0) =	vadd.scan.msk.s32 $0xffff, v7;
	v6, _, _ =	vpop (xrf0)  }
0x93: {  	_ =	sdelay $0x4  }
0x94: {  	v7 =	vmov s22;
	v6 =	vbroadcast v6, $0xF;
	v8, _, _ =	vpop (xrf0)  }
0x95: {  	vm15 =	veq.s32 v7, v0;
	v7 =	vmov s0;
	v8 =	vbroadcast v8, $0xF  }
0x96: {  	v5 =	vsel vm15, v6, v5;
	vm15 =	veq.s32 v7, v0  }
0x97: {  	v5 =	vsel vm15, v8, v5  }
0x98: {  	v5 =	vperm.xlane v5, v4;
	_ =	sdelay $0x1  }
0x99: {  	(xrf0) =	vadd.scan.msk.s32 $0xffff, v5;
	_ =	sdelay $0x5  }
0x9a: {  	v6, _, _ =	vpop (xrf0)  }
0x9b: {  	vm15 =	vgt.s32 v6, $0x199BF  }
0x9c: {  	v7 =	vmctz.xlane vm15;
	_ =	sdelay $0x1  }
0x9d: {  	(v2sf) =	vpush v7, $0x0;
	_ =	sdelay $0x1  }
0x9e: {  	v7 =	vbroadcast v7, $0x0;
	_ =	sdelay $0x1  }
0x9f: {  	vm15 =	veq.s32 v7, v0  }
0xa0: {  	v6 =	vnsel vm15, $0x0, v6  }
0xa1: {  	v5 =	vnsel vm15, $0x0, v5;
	(xrf0) =	vadd.scan.msk.s32 $0xffff, v6  }
0xa2: {  	(xrf0) =	vadd.scan.msk.s32 $0xffff, v5;
	_ =	sdelay $0x4  }
0xa3: {  	v5, _, _ =	vpop (xrf0)  }
0xa4: {  	(v2sf) =	vpush v5, $0xF;
	v5, _, _ =	vpop (xrf0)  }
0xa5: {  	(v2sf) =	vpush v5, $0xF  }
0xa6: {  	s28 =	spop (v2sf)  }
0xa7: {  	s0 =	sshll.u32 s28, $0x4  }
0xa8: {  	s29 =	ssub.s32 $0x11270, s0  }
0xa9: {  	v5 =	vld [tilespmem:s29+$0x0];
	_ =	sdelay $0x4  }
0xaa: {  	v5 =	vperm.xlane v5, v4;
	_ =	sdelay $0x1  }
0xab: {  	(xrf0) =	vadd.scan.msk.s32 $0xffff, v5;
	_ =	sdelay $0x2  }
0xac: {  	s30 =	spop (v2sf)  }
0xad: {  	s23 =	spop (v2sf)  }
0xae: {  	s22 =	ssub.s32 s23, s30  }
0xaf: {  	s22 =	sadd.s32 $0x199C0, s22;
	v7, _, _ =	vpop (xrf0)  }
0xb0: {  	vm15 =	vge.s32 v7, s22  }
0xb1: {  	v8 =	vmctz.xlane vm15;
	_ =	sdelay $0x1  }
0xb2: {  	(v2sf) =	vpush v8, $0x0;
	_ =	sdelay $0xe  }
0xb3: {  	s31 =	spop (v2sf)  }
0xb4: {  	s0 =	sadd.s32 s31, s0  }
0xb5: {  	s24 =	ssub.s32 $0xFF, s0  }
0xb6: {  	v6 =	vimm.s32 $0x0;
	s23 =	ssub.s32 $0xF0, s0;
	v9 =	vmov s24;
	s24 =	simm.s32 $0x0  }
.LBB2_12:
0xb7: {  	s0 =	sshra.s32 s24, $0x2  }
0xb8: {  	v10 =	vld [tilespmem:s0+$0x0];
	_ =	sdelay $0x4  }
0xb9: {  	v11 =	vshrl.u32 v10, $0x18  }
0xba: {  	v11 =	vxor.u32 v9, v11  }
0xbb: {  	vm0 =	vlt.s32 v6, $0x3FF1;
	vm15 =	veq.s32 v11, $0x80  }
0xbc: {  	vm0 =	vmand vm0, vm15  }
0xbd: {  	v11 =	vsel vm0, $0x1, v1  }
0xbe: {  	(xrf0) =	vadd.scan.msk.s32 $0xffff, v11;
	_ =	sdelay $0x4  }
0xbf: {  	v11 =	vshrl.u32 v10, $0xC  }
0xc0: {  	v11 =	vand.u32 $0xFF0, v11;
	v12, _, _ =	vpop (xrf0)  }
0xc1: {  	v11 =	vor.u32 v0, v11;
	v12 =	vadd.s32 v12, v6  }
0xc2: {  	v12 =	vadd.s32 $0xFFFFFFFF, v12;
	_ =	sdelay $0x3  }
0xc3: {  	[tilespmem:v11+s14+$0x0] =	vst.idx.add.s32.msk vm0, v3  }
0xc4: {  	[tilespmem:v12+s19+$0x0] =	vst.idx.msk vm0, v10  }
0xc5: {  	v10 =	vld [tilespmem:s0+$0x10];
	_ =	sdelay $0x3  }
0xc6: {  	v11 =	vmpcnt.ones.xlane vm0  }
0xc7: {  	v58 =	vshrl.u32 v10, $0x18  }
0xc8: {  	v6 =	vadd.s32 v6, v11;
	v11 =	vxor.u32 v9, v58  }
0xc9: {  	vm15 =	vlt.s32 v6, $0x3FF1;
	vm0 =	veq.s32 v11, $0x80  }
0xca: {  	vm0 =	vmand vm15, vm0  }
0xcb: {  	v11 =	vsel vm0, $0x1, v1  }
0xcc: {  	(xrf0) =	vadd.scan.msk.s32 $0xffff, v11;
	_ =	sdelay $0x4  }
0xcd: {  	v11 =	vshrl.u32 v10, $0xC  }
0xce: {  	v11 =	vand.u32 $0xFF0, v11;
	v59, _, _ =	vpop (xrf0)  }
0xcf: {  	v11 =	vor.u32 v0, v11;
	v12 =	vadd.s32 v59, v6  }
0xd0: {  	v12 =	vadd.s32 $0xFFFFFFFF, v12;
	_ =	sdelay $0x3  }
0xd1: {  	[tilespmem:v11+s14+$0x0] =	vst.idx.add.s32.msk vm0, v3  }
0xd2: {  	[tilespmem:v12+s19+$0x0] =	vst.idx.msk vm0, v10  }
0xd3: {  	v10 =	vld [tilespmem:s0+$0x20];
	_ =	sdelay $0x3  }
0xd4: {  	v11 =	vmpcnt.ones.xlane vm0  }
0xd5: {  	v60 =	vshrl.u32 v10, $0x18  }
0xd6: {  	v6 =	vadd.s32 v6, v11;
	v11 =	vxor.u32 v9, v60  }
0xd7: {  	vm15 =	vlt.s32 v6, $0x3FF1;
	vm0 =	veq.s32 v11, $0x80  }
0xd8: {  	vm0 =	vmand vm15, vm0  }
0xd9: {  	v11 =	vsel vm0, $0x1, v1  }
0xda: {  	(xrf0) =	vadd.scan.msk.s32 $0xffff, v11;
	_ =	sdelay $0x4  }
0xdb: {  	v11 =	vshrl.u32 v10, $0xC  }
0xdc: {  	v11 =	vand.u32 $0xFF0, v11;
	v61, _, _ =	vpop (xrf0)  }
0xdd: {  	v11 =	vor.u32 v0, v11;
	v12 =	vadd.s32 v61, v6  }
0xde: {  	v12 =	vadd.s32 $0xFFFFFFFF, v12;
	_ =	sdelay $0x3  }
0xdf: {  	[tilespmem:v11+s14+$0x0] =	vst.idx.add.s32.msk vm0, v3  }
0xe0: {  	[tilespmem:v12+s19+$0x0] =	vst.idx.msk vm0, v10  }
0xe1: {  	v10 =	vld [tilespmem:s0+$0x30];
	_ =	sdelay $0x3  }
0xe2: {  	v11 =	vmpcnt.ones.xlane vm0  }
0xe3: {  	v62 =	vshrl.u32 v10, $0x18  }
0xe4: {  	v6 =	vadd.s32 v6, v11;
	v11 =	vxor.u32 v9, v62  }
0xe5: {  	vm15 =	vlt.s32 v6, $0x3FF1;
	vm0 =	veq.s32 v11, $0x80  }
0xe6: {  	vm0 =	vmand vm15, vm0  }
0xe7: {  	v11 =	vsel vm0, $0x1, v1  }
0xe8: {  	(xrf0) =	vadd.scan.msk.s32 $0xffff, v11;
	_ =	sdelay $0x4  }
0xe9: {  	v11 =	vshrl.u32 v10, $0xC  }
0xea: {  	v11 =	vand.u32 $0xFF0, v11;
	v63, _, _ =	vpop (xrf0)  }
0xeb: {  	v11 =	vor.u32 v0, v11;
	v12 =	vadd.s32 v63, v6  }
0xec: {  	p0 =	sne.s32 s24, $0xFF00;
	v12 =	vadd.s32 $0xFFFFFFFF, v12  }
.Ltmp5:
0xed: {  	_ = 	snop;
	(pc) =	sbr.rel @p0 .LBB2_12-.Ltmp5, $4  }
0xee: {  	_ = 	snop  }
0xef: {  	v13 =	vmpcnt.ones.xlane vm0  }
0xf0: {  	[tilespmem:v11+s14+$0x0] =	vst.idx.add.s32.msk vm0, v3  }
0xf1: {  	s24 =	sadd.s32 $0x100, s24;
	v6 =	vadd.s32 v6, v13;
	[tilespmem:v12+s19+$0x0] =	vst.idx.msk vm0, v10  }
0xf2: {  	[spmem:s7] =	stream.strided.scatter [tilespmem:s14], [sflag:$0x1], $0x1000, s16, s15, $0x38;
	[tilespmem:$0x12310] =	vst v63  }
0xf3: {  	_ =	swait.ge [sflag:s13], $0x1000  }
0xf4: {  	[sflag:s13] =	ssyncset.done $0x0  }
0xf5: {  	s0 =	simm.s32 $0x40;
	s25 =	simm.s32 $0x0;
	[sflag:s13] =	ssyncadd.s32 $0xFFFFF000  }
.LBB2_14:
0xf6: {  	p0 =	sne.s32 s0, $0x3FC0;
	[tilespmem:s25+$0xC000] =	vst v1;
	s24 =	smov.u32 s0;
	s0 =	sadd.s32 $0x40, s0  }
.Ltmp6:
0xf7: {  	(pc) =	sbr.rel @p0 .LBB2_14-.Ltmp6, $2  }
0xf8: {  	_ =	sdelay $0x2  }
0xf9: {  	s25 =	sshra.s32 s24, $0x2  }
0xfa: {  	s24 =	simm.s32 $0x0  }
0xfb: {  	s0 =	sand.u32 $0x8000, s24  }
0xfc: {  	[tilespmem:s25+$0xC000] =	vst v1;
	s31 =	sand.u32 $0x380, s24;
	s0 =	sadd.s32 s0, s8  }
0xfd: {  	[bflag:$0x0] =	sbarrier.arrive $0xFFFF;
	s0 =	sadd.s32 s31, s0  }
0xfe: {  	[tilespmem:s17], [sflag:$0x1] =	stream.strided.gather [spmem:s0], $0x100, s16, s15, $0x38;
	[tilespmem:$0x12310] =	vst v63  }
0xff: {  	_ =	swait.ge [sflag:s13], $0x100  }
0x100: {  	[sflag:s13] =	ssyncset.done $0x0  }
0x101: {  	v9 =	vimm.s32 $0x0;
	[sflag:s13] =	ssyncadd.s32 $0xFFFFFF00  }
0x102: {  	v13 =	vimm.s32 $0x0;
	v10 =	vimm.s32 $0x0;
	v11 =	vimm.s32 $0x0;
	v17 =	vld [tilespmem:$0x110F0]  }
0x103: {  	v12 =	vimm.s32 $0x0;
	v14 =	vimm.s32 $0x0;
	v15 =	vimm.s32 $0x0;
	v27 =	vld [tilespmem:$0x110B0]  }
0x104: {  	v16 =	vimm.s32 $0x0;
	v18 =	vimm.s32 $0x0;
	v19 =	vimm.s32 $0x0;
	v22 =	vld [tilespmem:$0x110E0]  }
0x105: {  	v20 =	vimm.s32 $0x0;
	v21 =	vimm.s32 $0x0;
	v23 =	vimm.s32 $0x0;
	v25 =	vld [tilespmem:$0x110D0]  }
0x106: {  	s25 =	simm.s32 $0x1000;
	v24 =	vimm.s32 $0x0;
	v26 =	vimm.s32 $0x0;
	v28 =	vimm.s32 $0x0;
	v29 =	vld [tilespmem:$0x110C0]  }
.LBB2_16:
0x107: {  	p0 =	sne.s32 s25, $0xF000  }
0x108: {  	v30 =	vld [tilespmem:$0x110A0];
	v9 =	vadd.s32 v9, v17;
	s24 =	sadd.s32 $0x80, s24;
	s0 =	smov.u32 s25;
	s25 =	sadd.s32 $0x1000, s25  }
0x109: {  	v17 =	vld [tilespmem:$0x11090];
	v13 =	vadd.s32 v13, v27  }
0x10a: {  	v27 =	vld [tilespmem:$0x11080];
	v10 =	vadd.s32 v10, v22  }
0x10b: {  	v22 =	vld [tilespmem:$0x11070];
	v11 =	vadd.s32 v11, v25  }
0x10c: {  	v25 =	vld [tilespmem:$0x11060];
	v12 =	vadd.s32 v12, v29  }
0x10d: {  	v29 =	vld [tilespmem:$0x11050];
	v14 =	vadd.s32 v14, v30  }
0x10e: {  	v30 =	vld [tilespmem:$0x11040];
	v15 =	vadd.s32 v15, v17  }
0x10f: {  	v17 =	vld [tilespmem:$0x11030];
	v16 =	vadd.s32 v16, v27  }
0x110: {  	s0 =	sand.u32 $0x8000, s0;
	v27 =	vld [tilespmem:$0x11020];
	v18 =	vadd.s32 v18, v22  }
0x111: {  	s26 =	sand.u32 $0x380, s24;
	s0 =	sadd.s32 s0, s8;
	v22 =	vld [tilespmem:$0x11010];
	v19 =	vadd.s32 v19, v25  }
0x112: {  	s0 =	sadd.s32 s26, s0;
	v25 =	vld [tilespmem:$0x11000];
	v20 =	vadd.s32 v20, v29  }
0x113: {  	[tilespmem:s17], [sflag:$0x1] =	stream.strided.gather [spmem:s0], $0x100, s16, s15, $0x38;
	v21 =	vadd.s32 v21, v30;
	[tilespmem:$0x12310] =	vst v63  }
0x114: {  	_ =	swait.ge [sflag:s13], $0x100;
	v23 =	vadd.s32 v23, v17  }
0x115: {  	[sflag:s13] =	ssyncset.done $0x0;
	v24 =	vadd.s32 v24, v27  }
0x116: {  	[sflag:s13] =	ssyncadd.s32 $0xFFFFFF00;
	v26 =	vadd.s32 v26, v22  }
.Ltmp7:
0x117: {  	v17 =	vld [tilespmem:$0x110F0];
	v28 =	vadd.s32 v28, v25;
	(pc) =	sbr.rel @p0 .LBB2_16-.Ltmp7, $4  }
0x118: {  	v27 =	vld [tilespmem:$0x110B0]  }
0x119: {  	v22 =	vld [tilespmem:$0x110E0]  }
0x11a: {  	v25 =	vld [tilespmem:$0x110D0]  }
0x11b: {  	v29 =	vld [tilespmem:$0x110C0]  }
0x11c: {  	v30 =	vld [tilespmem:$0x11000]  }
0x11d: {  	v31 =	vld [tilespmem:$0x11010]  }
0x11e: {  	v32 =	vld [tilespmem:$0x11020]  }
0x11f: {  	v33 =	vld [tilespmem:$0x11030]  }
0x120: {  	v34 =	vld [tilespmem:$0x11040]  }
0x121: {  	v61 =	vld [tilespmem:$0x11050]  }
0x122: {  	v62 =	vld [tilespmem:$0x11060];
	v28 =	vadd.s32 v28, v30  }
0x123: {  	v63 =	vld [tilespmem:$0x11070];
	v26 =	vadd.s32 v26, v31;
	(xrf0) =	vadd.scan.msk.s32 $0xffff, v28  }
0x124: {  	v35 =	vld [tilespmem:$0x11080];
	v24 =	vadd.s32 v24, v32;
	(xrf0) =	vadd.scan.msk.s32 $0xffff, v26  }
0x125: {  	v36 =	vld [tilespmem:$0x11090];
	v23 =	vadd.s32 v23, v33;
	(xrf0) =	vadd.scan.msk.s32 $0xffff, v24  }
0x126: {  	v37 =	vld [tilespmem:$0x110A0];
	v21 =	vadd.s32 v21, v34;
	(xrf0) =	vadd.scan.msk.s32 $0xffff, v23  }
0x127: {  	v44 =	vld [tilespmem:$0x1FFE0];
	v20 =	vadd.s32 v20, v61;
	(xrf0) =	vadd.scan.msk.s32 $0xffff, v21  }
0x128: {  	v47 =	vld [tilespmem:$0x1FFF0];
	v19 =	vadd.s32 v19, v62;
	(xrf0) =	vadd.scan.msk.s32 $0xffff, v20  }
0x129: {  	v18 =	vadd.s32 v18, v63;
	v38, _, _ =	vpop (xrf0);
	(xrf0) =	vadd.scan.msk.s32 $0xffff, v19  }
0x12a: {  	v13 =	vadd.s32 v13, v27;
	v10 =	vadd.s32 v10, v22;
	v16 =	vadd.s32 v16, v35;
	v39, _, _ =	vpop (xrf0);
	(xrf0) =	vadd.scan.msk.s32 $0xffff, v18  }
0x12b: {  	v15 =	vadd.s32 v15, v36;
	v40 =	vbroadcast v38, $0xF;
	v19 =	vbroadcast v39, $0xF;
	v41, _, _ =	vpop (xrf0);
	(xrf0) =	vadd.scan.msk.s32 $0xffff, v16  }
0x12c: {  	v14 =	vadd.s32 v14, v37;
	vm0 =	vnez.u8 v44;
	v42 =	vbroadcast v41, $0xF;
	v43, _, _ =	vpop (xrf0);
	(xrf0) =	vadd.scan.msk.s32 $0xffff, v15  }
0x12d: {  	v15 =	vsel vm0, v40, v19;
	v45 =	vbroadcast v43, $0xF;
	v46, _, _ =	vpop (xrf0);
	(xrf0) =	vadd.scan.msk.s32 $0xffff, v14;
	vm0 =	vnez.u8 v47  }
0x12e: {  	v12 =	vadd.s32 v12, v29;
	v14 =	vsel vm0, v15, v42;
	v48 =	vbroadcast v46, $0xF;
	v49, _, _ =	vpop (xrf0);
	(xrf0) =	vadd.scan.msk.s32 $0xffff, v13  }
0x12f: {  	v11 =	vadd.s32 v11, v25;
	v50 =	vsel vm2, v14, v45;
	v51 =	vbroadcast v49, $0xF;
	v52, _, _ =	vpop (xrf0);
	(xrf0) =	vadd.scan.msk.s32 $0xffff, v12  }
0x130: {  	v53 =	vsel vm3, v50, v48;
	v54 =	vbroadcast v52, $0xF;
	v55, _, _ =	vpop (xrf0);
	(xrf0) =	vadd.scan.msk.s32 $0xffff, v11  }
0x131: {  	v11 =	vsel vm4, v53, v51;
	v56 =	vbroadcast v55, $0xF;
	v57, _, _ =	vpop (xrf0);
	(xrf0) =	vadd.scan.msk.s32 $0xffff, v10  }
0x132: {  	v9 =	vadd.s32 v9, v17;
	v10, _, _ =	vpop (xrf0);
	v11 =	vsel vm5, v11, v54;
	v58 =	vbroadcast v57, $0xF  }
0x133: {  	v59, _, _ =	vpop (xrf0);
	v11 =	vsel vm6, v11, v56;
	v10 =	vbroadcast v10, $0xF  }
0x134: {  	v11 =	vsel vm7, v11, v58;
	v60 =	vbroadcast v59, $0xF;
	v61, _, _ =	vpop (xrf0)  }
0x135: {  	(xrf0) =	vadd.scan.msk.s32 $0xffff, v9;
	v9, _, _ =	vpop (xrf0);
	v10 =	vsel vm8, v11, v10;
	v11 =	vbroadcast v61, $0xF  }
0x136: {  	v62, _, _ =	vpop (xrf0);
	v10 =	vsel vm9, v10, v60;
	v9 =	vbroadcast v9, $0xF  }
0x137: {  	v10 =	vsel vm10, v10, v11;
	v63, _, _ =	vpop (xrf0)  }
0x138: {  	v9 =	vsel vm11, v10, v9;
	v10 =	vbroadcast v63, $0xF  }
0x139: {  	v11 =	vbroadcast v62, $0xF;
	_ =	sdelay $0x1  }
0x13a: {  	v9 =	vsel vm12, v9, v11  }
0x13b: {  	v9 =	vsel vm13, v9, v10;
	v10, _, _ =	vpop (xrf0)  }
0x13c: {  	v9 =	vsel vm14, v9, v10  }
0x13d: {  	[tilespmem:$0x11100] =	vst v9  }
0x13e: {  	[spmem:s9] =	stream.linear.scatter [tilespmem:s18], [sflag:$0x1], $0x10, $0x38;
	[tilespmem:$0x12310] =	vst v63  }
0x13f: {  	_ =	swait.ge [sflag:s13], $0x10  }
0x140: {  	[sflag:s13] =	ssyncset.done $0x0  }
0x141: {  	[sflag:s13] =	ssyncadd.s32 $0xFFFFFFF0  }
0x142: {  	s0 =	simm.s32 $0x11180;
	[bflag:$0x0] =	sbarrier.arrive $0xFFFF  }
0x143: {  	[tilespmem:s0], [sflag:$0x1] =	stream.linear.gather [spmem:s4], $0x100, $0x38;
	[tilespmem:$0x12310] =	vst v63  }
0x144: {  	_ =	swait.ge [sflag:s13], $0x100  }
0x145: {  	[sflag:s13] =	ssyncset.done $0x0  }
0x146: {  	[sflag:s13] =	ssyncadd.s32 $0xFFFFFF00  }
0x147: {  	v9 =	vld [tilespmem:s0+$0x0];
	_ =	sdelay $0x4  }
0x148: {  	s31 =	simm.s32 $0x11190;
	(xrf0) =	vadd.scan.msk.s32 $0xffff, v9  }
0x149: {  	v10 =	vld [tilespmem:s31+$0x0];
	_ =	sdelay $0x3  }
0x14a: {  	s24 =	simm.s32 $0x0  }
0x14b: {  	s25 =	simm.s32 $0x2;
	s26 =	simm.s32 $0x111A0;
	s0 =	simm.s32 $0x1;
	v9 =	vimm.s32 $0x0;
	(xrf0) =	vadd.scan.msk.s32 $0xffff, v10;
	v10, _, _ =	vpop (xrf0)  }
.LBB2_18:
0x14c: {  	p0 =	sne.s32 s25, $0xF  }
0x14d: {  	v11 =	vld [tilespmem:s26+$0x0];
	v12 =	vmov s24;
	v10 =	vbroadcast v10, $0xF;
	s24 =	smov.u32 s0;
	s0 =	smov.u32 s25;
	s25 =	sadd.s32 $0x1, s25  }
.Ltmp8:
0x14e: {  	vm0 =	veq.s32 v12, v0;
	(pc) =	sbr.rel @p0 .LBB2_18-.Ltmp8, $2  }
0x14f: {  	v9 =	vsel vm0, v10, v9;
	_ =	sdelay $0x2  }
0x150: {  	s26 =	sadd.s32 $0x10, s26;
	(xrf0) =	vadd.scan.msk.s32 $0xffff, v11;
	v10, _, _ =	vpop (xrf0)  }
0x151: {  	v8 =	vbroadcast v8, $0x0;
	_ =	sdelay $0x1  }
0x152: {  	vm0 =	veq.s32 v8, v0  }
0x153: {  	v7 =	vnsel vm0, $0x0, v7  }
0x154: {  	v5 =	vnsel vm0, $0x0, v5;
	(xrf0) =	vadd.scan.msk.s32 $0xffff, v7  }
0x155: {  	(xrf0) =	vadd.scan.msk.s32 $0xffff, v5;
	_ =	sdelay $0x3  }
0x156: {  	v5, _, _ =	vpop (xrf0)  }
0x157: {  	v7, _, _ =	vpop (xrf0)  }
0x158: {  	(v2sf) =	vpush v7, $0xF;
	v7, _, _ =	vpop (xrf0)  }
0x159: {  	(v2sf) =	vpush v7, $0xF;
	_ =	sdelay $0x4  }
0x15a: {  	v8 =	vbroadcast v10, $0xF;
	v7 =	vmov s24  }
0x15b: {  	v5 =	vbroadcast v5, $0xF;
	vm0 =	veq.s32 v7, v0;
	v7 =	vmov s0  }
0x15c: {  	v8 =	vsel vm0, v8, v9;
	vm0 =	veq.s32 v7, v0  }
0x15d: {  	v5 =	vsel vm0, v5, v8  }
0x15e: {  	v5 =	vperm.xlane v5, v4;
	_ =	sdelay $0x1  }
0x15f: {  	(xrf0) =	vadd.scan.msk.s32 $0xffff, v5;
	_ =	sdelay $0x2  }
0x160: {  	s25 =	spop (v2sf)  }
0x161: {  	s26 =	spop (v2sf)  }
0x162: {  	s0 =	ssub.s32 s26, s25  }
0x163: {  	v7, _, _ =	vpop (xrf0);
	s0 =	sadd.s32 s22, s0  }
0x164: {  	vm0 =	vge.s32 v7, s0  }
0x165: {  	v8 =	vmctz.xlane vm0;
	_ =	sdelay $0x1  }
0x166: {  	(v2sf) =	vpush v8, $0x0;
	_ =	sdelay $0x1  }
0x167: {  	v8 =	vbroadcast v8, $0x0;
	_ =	sdelay $0x1  }
0x168: {  	vm0 =	veq.s32 v8, v0  }
0x169: {  	v7 =	vnsel vm0, $0x0, v7  }
0x16a: {  	v5 =	vnsel vm0, $0x0, v5;
	(xrf0) =	vadd.scan.msk.s32 $0xffff, v7  }
0x16b: {  	(xrf0) =	vadd.scan.msk.s32 $0xffff, v5;
	_ =	sdelay $0x4  }
0x16c: {  	v5, _, _ =	vpop (xrf0)  }
0x16d: {  	(v2sf) =	vpush v5, $0xF;
	v5, _, _ =	vpop (xrf0)  }
0x16e: {  	(v2sf) =	vpush v5, $0xF  }
0x16f: {  	s28 =	spop (v2sf)  }
0x170: {  	s22 =	sshll.u32 s28, $0x4  }
0x171: {  	s29 =	ssub.s32 $0x11270, s22  }
0x172: {  	v5 =	vld [tilespmem:s29+$0x0];
	_ =	sdelay $0x4  }
0x173: {  	v5 =	vperm.xlane v5, v4;
	_ =	sdelay $0x1  }
0x174: {  	(xrf0) =	vadd.scan.msk.s32 $0xffff, v5;
	_ =	sdelay $0x2  }
0x175: {  	s30 =	spop (v2sf)  }
0x176: {  	s25 =	spop (v2sf)  }
0x177: {  	s24 =	ssub.s32 s25, s30  }
0x178: {  	s24 =	sadd.s32 s0, s24;
	v7, _, _ =	vpop (xrf0)  }
0x179: {  	vm0 =	vge.s32 v7, s24  }
0x17a: {  	v8 =	vmctz.xlane vm0;
	_ =	sdelay $0x1  }
0x17b: {  	v63 =	vbroadcast v8, $0x0;
	_ =	sdelay $0x1  }
0x17c: {  	vm0 =	veq.s32 v63, v0  }
0x17d: {  	v7 =	vnsel vm0, $0x0, v7  }
0x17e: {  	v5 =	vnsel vm0, $0x0, v5;
	(xrf0) =	vadd.scan.msk.s32 $0xffff, v7  }
0x17f: {  	(xrf0) =	vadd.scan.msk.s32 $0xffff, v5;
	_ =	sdelay $0x4  }
0x180: {  	(v2sf) =	vpush v8, $0x0;
	v5, _, _ =	vpop (xrf0)  }
0x181: {  	(v2sf) =	vpush v5, $0xF;
	v5, _, _ =	vpop (xrf0)  }
0x182: {  	(v2sf) =	vpush v5, $0xF  }
0x183: {  	(v2sf) =	vpush v6, $0x0;
	_ =	sdelay $0xb  }
0x184: {  	s28 =	spop (v2sf)  }
0x185: {  	s25 =	spop (v2sf)  }
0x186: {  	s26 =	spop (v2sf)  }
0x187: {  	s31 =	spop (v2sf)  }
0x188: {  	s0 =	sadd.s32 $0xF, s31  }
0x189: {  	s0 =	sshra.s32 s0, $0x4  }
0x18a: {  	p0 =	slt.s32 s0, $0x1  }
.Ltmp9:
0x18b: {  	_ = 	snop;
	(pc) =	sbr.rel @p0 .LBB2_27-.Ltmp9, $3  }
0x18c: {  	_ =	sdelay $0x1  }
0x18d: {  	s22 =	sadd.s32 s28, s22  }
0x18e: {  	v5 =	vimm.s32 $0x0;
	s22 =	ssub.s32 $0xFF, s22  }
0x18f: {  	p1 =	sne.s32 s0, $0x1  }
.Ltmp10:
0x190: {  	_ = 	snop;
	(pc) =	sbr.rel @!p1 .LBB2_21-.Ltmp10, $3  }
0x191: {  	_ =	sdelay $0x1  }
0x192: {  	s29 =	simm.s32 $0xD000  }
0x193: {  	v8 =	vmov s22;
	s28 =	simm.s32 $0x0;
	s0 =	sadd.s32 $0xFFFFFFFF, s0;
	p0 =	por $0x0, $0x0;
	v7 =	vld [tilespmem:s29+$0x0]  }
0x194: {  	_ =	sdelay $0x3  }
0x195: {  	v9 =	vor.u32 s28, v0;
	v10 =	vshrl.u32 v7, $0x10  }
0x196: {  	vm15 =	vlt.s32 v5, $0x3FF1;
	vm0 =	vlt.s32 v9, v6;
	v9 =	vand.u32 $0xFF, v10  }
0x197: {  	vm0 =	vmand vm0, vm15;
	vm1 =	veq.s32 v9, v8  }
0x198: {  	vm0 =	vmand vm0, vm1  }
0x199: {  	v9 =	vsel vm0, $0x1, v1  }
0x19a: {  	(xrf0) =	vadd.scan.msk.s32 $0xffff, v9;
	_ =	sdelay $0x4  }
0x19b: {  	v9 =	vshrl.u32 v7, $0x4  }
0x19c: {  	v9 =	vand.u32 $0xFF0, v9;
	v10, _, _ =	vpop (xrf0)  }
0x19d: {  	v9 =	vor.u32 v0, v9;
	v10 =	vadd.s32 v10, v5  }
0x19e: {  	v11 =	vadd.s32 $0xFFFFFFFF, v10  }
0x19f: {  	p1 =	sne.s32 s0, $0x1  }
.Ltmp11:
0x1a0: {  	_ = 	snop;
	(pc) =	sbr.rel @!p1 .LBB2_23-.Ltmp11, $4  }
0x1a1: {  	v10 =	vmpcnt.ones.xlane vm0  }
0x1a2: {  	[tilespmem:v9+s14+$0x0] =	vst.idx.add.s32.msk vm0, v3  }
0x1a3: {  	s30 =	simm.s32 $0xD010;
	v10 =	vadd.s32 v5, v10;
	[tilespmem:v11+s19+$0x0] =	vst.idx.msk vm0, v7  }
0x1a4: {  	s31 =	sadd.s32 $0xFFFFFFFF, s0;
	p0 =	por $0x1, $0x1;
	s29 =	simm.s32 $0x0;
	v9 =	vmov v10;
	v7 =	vld [tilespmem:s30+$0x0]  }
.LBB2_24:
0x1a5: {  	p1 =	sne.s32 s31, $0x1;
	_ =	sdelay $0x2  }
0x1a6: {  	s29 =	sadd.s32 $0x10, s29  }
0x1a7: {  	v5 =	vor.u32 s29, v0;
	v11 =	vshrl.u32 v7, $0x10;
	v12 =	vshrl.u32 v7, $0x4  }
0x1a8: {  	vm1 =	vlt.s32 v10, $0x3FF1;
	vm0 =	vlt.s32 v5, v6;
	v5 =	vand.u32 $0xFF, v11  }
0x1a9: {  	vm0 =	vmand vm0, vm1;
	vm15 =	veq.s32 v5, v8  }
0x1aa: {  	v5 =	vand.u32 $0xFF0, v12;
	vm0 =	vmand vm0, vm15  }
0x1ab: {  	v5 =	vor.u32 v0, v5;
	v11 =	vsel vm0, $0x1, v1;
	v12 =	vmpcnt.ones.xlane vm0  }
0x1ac: {  	(xrf0) =	vadd.scan.msk.s32 $0xffff, v11  }
0x1ad: {  	v10 =	vadd.s32 v10, v12;
	_ =	sdelay $0x2  }
0x1ae: {  	[tilespmem:v5+s14+$0x0] =	vst.idx.add.s32.msk vm0, v3;
	_ =	sdelay $0x1  }
0x1af: {  	v5, _, _ =	vpop (xrf0)  }
0x1b0: {  	v5 =	vadd.s32 v5, v9;
	v9 =	vmov v10  }
0x1b1: {  	v5 =	vadd.s32 $0xFFFFFFFF, v5;
	_ =	sdelay $0x1  }
.Ltmp12:
0x1b2: {  	(pc) =	sbr.rel @p1 .LBB2_24-.Ltmp12, $3  }
0x1b3: {  	_ =	sdelay $0x1  }
0x1b4: {  	s30 =	sadd.s32 $0x10, s30;
	[tilespmem:v5+s19+$0x0] =	vst.idx.msk vm0, v7  }
0x1b5: {  	s31 =	sadd.s32 $0xFFFFFFFF, s31;
	v7 =	vld [tilespmem:s30+$0x0]  }
0x1b6: {  	v5 =	vmov v10  }
.LBB2_26:
0x1b7: {  	_ = 	snop  }
0x1b8: {  	s0 =	sadd.s32 @p0 $0x10, s29  }
0x1b9: {  	s28 =	smov.u32 @p0 s0  }
0x1ba: {  	v10 =	vor.u32 s28, v0;
	v11 =	vshrl.u32 v7, $0x10  }
0x1bb: {  	vm1 =	vlt.s32 v5, $0x3FF1;
	vm0 =	vlt.s32 v10, v6;
	v6 =	vand.u32 $0xFF, v11  }
0x1bc: {  	vm0 =	vmand vm0, vm1;
	vm15 =	veq.s32 v6, v8  }
0x1bd: {  	vm0 =	vmand vm0, vm15  }
0x1be: {  	v6 =	vsel vm0, $0x1, v1  }
0x1bf: {  	(xrf0) =	vadd.scan.msk.s32 $0xffff, v6;
	_ =	sdelay $0x4  }
0x1c0: {  	v6 =	vshrl.u32 v7, $0x4  }
0x1c1: {  	v6 =	vand.u32 $0xFF0, v6;
	v62, _, _ =	vpop (xrf0)  }
0x1c2: {  	v6 =	vor.u32 v0, v6;
	v8 =	vadd.s32 v62, v9  }
0x1c3: {  	v8 =	vadd.s32 $0xFFFFFFFF, v8;
	_ =	sdelay $0x2  }
0x1c4: {  	v63 =	vmpcnt.ones.xlane vm0  }
0x1c5: {  	[tilespmem:v6+s14+$0x0] =	vst.idx.add.s32.msk vm0, v3  }
0x1c6: {  	v5 =	vadd.s32 v5, v63;
	[tilespmem:v8+s19+$0x0] =	vst.idx.msk vm0, v7  }
.LBB2_27:
0x1c7: {  	[spmem:s7] =	stream.strided.scatter [tilespmem:s14], [sflag:$0x1], $0x1000, s16, s15, $0x38;
	[tilespmem:$0x12310] =	vst v63  }
0x1c8: {  	s0 =	sshll.u32 s23, $0x18;
	s25 =	ssub.s32 s26, s25;
	_ =	swait.ge [sflag:s13], $0x1000  }
0x1c9: {  	s26 =	simm.s32 $0x0;
	s23 =	sadd.s32 $0x8F000000, s0;
	[sflag:s13] =	ssyncset.done $0x0  }
0x1ca: {  	s24 =	sadd.s32 s24, s25;
	s0 =	simm.s32 $0x40;
	[sflag:s13] =	ssyncadd.s32 $0xFFFFF000  }
.LBB2_28:
0x1cb: {  	p0 =	sne.s32 s0, $0x3FC0;
	[tilespmem:s26+$0xC000] =	vst v1;
	s25 =	smov.u32 s0;
	s0 =	sadd.s32 $0x40, s0  }
.Ltmp13:
0x1cc: {  	(pc) =	sbr.rel @p0 .LBB2_28-.Ltmp13, $2  }
0x1cd: {  	_ =	sdelay $0x2  }
0x1ce: {  	s26 =	sshra.s32 s25, $0x2  }
0x1cf: {  	s25 =	simm.s32 $0x0  }
0x1d0: {  	s0 =	sand.u32 $0x8000, s25  }
0x1d1: {  	[tilespmem:s26+$0xC000] =	vst v1;
	s31 =	sand.u32 $0x380, s25;
	s0 =	sadd.s32 s0, s8  }
0x1d2: {  	[bflag:$0x0] =	sbarrier.arrive $0xFFFF;
	s0 =	sadd.s32 s31, s0  }
0x1d3: {  	[tilespmem:s17], [sflag:$0x1] =	stream.strided.gather [spmem:s0], $0x100, s16, s15, $0x38;
	[tilespmem:$0x12310] =	vst v63  }
0x1d4: {  	_ =	swait.ge [sflag:s13], $0x100  }
0x1d5: {  	[sflag:s13] =	ssyncset.done $0x0  }
0x1d6: {  	v6 =	vimm.s32 $0x0;
	[sflag:s13] =	ssyncadd.s32 $0xFFFFFF00  }
0x1d7: {  	v10 =	vimm.s32 $0x0;
	v7 =	vimm.s32 $0x0;
	v8 =	vimm.s32 $0x0;
	v14 =	vld [tilespmem:$0x110F0]  }
0x1d8: {  	v9 =	vimm.s32 $0x0;
	v11 =	vimm.s32 $0x0;
	v12 =	vimm.s32 $0x0;
	v24 =	vld [tilespmem:$0x110B0]  }
0x1d9: {  	v13 =	vimm.s32 $0x0;
	v15 =	vimm.s32 $0x0;
	v16 =	vimm.s32 $0x0;
	v19 =	vld [tilespmem:$0x110E0]  }
0x1da: {  	v17 =	vimm.s32 $0x0;
	v18 =	vimm.s32 $0x0;
	v20 =	vimm.s32 $0x0;
	v22 =	vld [tilespmem:$0x110D0]  }
0x1db: {  	s26 =	simm.s32 $0x1000;
	v21 =	vimm.s32 $0x0;
	v23 =	vimm.s32 $0x0;
	v25 =	vimm.s32 $0x0;
	v26 =	vld [tilespmem:$0x110C0]  }
.LBB2_30:
0x1dc: {  	p0 =	sne.s32 s26, $0xF000  }
0x1dd: {  	v27 =	vld [tilespmem:$0x110A0];
	v6 =	vadd.s32 v6, v14;
	s25 =	sadd.s32 $0x80, s25;
	s0 =	smov.u32 s26;
	s26 =	sadd.s32 $0x1000, s26  }
0x1de: {  	v14 =	vld [tilespmem:$0x11090];
	v10 =	vadd.s32 v10, v24  }
0x1df: {  	v24 =	vld [tilespmem:$0x11080];
	v7 =	vadd.s32 v7, v19  }
0x1e0: {  	v19 =	vld [tilespmem:$0x11070];
	v8 =	vadd.s32 v8, v22  }
0x1e1: {  	v22 =	vld [tilespmem:$0x11060];
	v9 =	vadd.s32 v9, v26  }
0x1e2: {  	v26 =	vld [tilespmem:$0x11050];
	v11 =	vadd.s32 v11, v27  }
0x1e3: {  	v27 =	vld [tilespmem:$0x11040];
	v12 =	vadd.s32 v12, v14  }
0x1e4: {  	v14 =	vld [tilespmem:$0x11030];
	v13 =	vadd.s32 v13, v24  }
0x1e5: {  	s0 =	sand.u32 $0x8000, s0;
	v24 =	vld [tilespmem:$0x11020];
	v15 =	vadd.s32 v15, v19  }
0x1e6: {  	s28 =	sand.u32 $0x380, s25;
	s0 =	sadd.s32 s0, s8;
	v19 =	vld [tilespmem:$0x11010];
	v16 =	vadd.s32 v16, v22  }
0x1e7: {  	s0 =	sadd.s32 s28, s0;
	v22 =	vld [tilespmem:$0x11000];
	v17 =	vadd.s32 v17, v26  }
0x1e8: {  	[tilespmem:s17], [sflag:$0x1] =	stream.strided.gather [spmem:s0], $0x100, s16, s15, $0x38;
	v18 =	vadd.s32 v18, v27;
	[tilespmem:$0x12310] =	vst v63  }
0x1e9: {  	_ =	swait.ge [sflag:s13], $0x100;
	v20 =	vadd.s32 v20, v14  }
0x1ea: {  	[sflag:s13] =	ssyncset.done $0x0;
	v21 =	vadd.s32 v21, v24  }
0x1eb: {  	[sflag:s13] =	ssyncadd.s32 $0xFFFFFF00;
	v23 =	vadd.s32 v23, v19  }
.Ltmp14:
0x1ec: {  	v14 =	vld [tilespmem:$0x110F0];
	v25 =	vadd.s32 v25, v22;
	(pc) =	sbr.rel @p0 .LBB2_30-.Ltmp14, $4  }
0x1ed: {  	v24 =	vld [tilespmem:$0x110B0]  }
0x1ee: {  	v19 =	vld [tilespmem:$0x110E0]  }
0x1ef: {  	v22 =	vld [tilespmem:$0x110D0]  }
0x1f0: {  	v26 =	vld [tilespmem:$0x110C0]  }
0x1f1: {  	v27 =	vld [tilespmem:$0x11000]  }
0x1f2: {  	v28 =	vld [tilespmem:$0x11010]  }
0x1f3: {  	v29 =	vld [tilespmem:$0x11020]  }
0x1f4: {  	v30 =	vld [tilespmem:$0x11030]  }
0x1f5: {  	v31 =	vld [tilespmem:$0x11040]  }
0x1f6: {  	v32 =	vld [tilespmem:$0x11050]  }
0x1f7: {  	v33 =	vld [tilespmem:$0x11060];
	v25 =	vadd.s32 v25, v27  }
0x1f8: {  	v34 =	vld [tilespmem:$0x11070];
	v23 =	vadd.s32 v23, v28;
	(xrf0) =	vadd.scan.msk.s32 $0xffff, v25  }
0x1f9: {  	v35 =	vld [tilespmem:$0x11080];
	v21 =	vadd.s32 v21, v29;
	(xrf0) =	vadd.scan.msk.s32 $0xffff, v23  }
0x1fa: {  	v36 =	vld [tilespmem:$0x11090];
	v20 =	vadd.s32 v20, v30;
	(xrf0) =	vadd.scan.msk.s32 $0xffff, v21  }
0x1fb: {  	v37 =	vld [tilespmem:$0x110A0];
	v18 =	vadd.s32 v18, v31;
	(xrf0) =	vadd.scan.msk.s32 $0xffff, v20  }
0x1fc: {  	v44 =	vld [tilespmem:$0x1FFE0];
	v17 =	vadd.s32 v17, v32;
	(xrf0) =	vadd.scan.msk.s32 $0xffff, v18  }
0x1fd: {  	v47 =	vld [tilespmem:$0x1FFF0];
	v16 =	vadd.s32 v16, v33;
	(xrf0) =	vadd.scan.msk.s32 $0xffff, v17  }
0x1fe: {  	v15 =	vadd.s32 v15, v34;
	v38, _, _ =	vpop (xrf0);
	(xrf0) =	vadd.scan.msk.s32 $0xffff, v16  }
0x1ff: {  	v10 =	vadd.s32 v10, v24;
	v7 =	vadd.s32 v7, v19;
	v13 =	vadd.s32 v13, v35;
	v39, _, _ =	vpop (xrf0);
	(xrf0) =	vadd.scan.msk.s32 $0xffff, v15  }
0x200: {  	v12 =	vadd.s32 v12, v36;
	v40 =	vbroadcast v38, $0xF;
	v16 =	vbroadcast v39, $0xF;
	v41, _, _ =	vpop (xrf0);
	(xrf0) =	vadd.scan.msk.s32 $0xffff, v13  }
0x201: {  	v11 =	vadd.s32 v11, v37;
	vm0 =	vnez.u8 v44;
	v42 =	vbroadcast v41, $0xF;
	v43, _, _ =	vpop (xrf0);
	(xrf0) =	vadd.scan.msk.s32 $0xffff, v12  }
0x202: {  	v12 =	vsel vm0, v40, v16;
	v45 =	vbroadcast v43, $0xF;
	v46, _, _ =	vpop (xrf0);
	(xrf0) =	vadd.scan.msk.s32 $0xffff, v11;
	vm0 =	vnez.u8 v47  }
0x203: {  	v9 =	vadd.s32 v9, v26;
	v11 =	vsel vm0, v12, v42;
	v48 =	vbroadcast v46, $0xF;
	v49, _, _ =	vpop (xrf0);
	(xrf0) =	vadd.scan.msk.s32 $0xffff, v10  }
0x204: {  	v8 =	vadd.s32 v8, v22;
	v50 =	vsel vm2, v11, v45;
	v51 =	vbroadcast v49, $0xF;
	v52, _, _ =	vpop (xrf0);
	(xrf0) =	vadd.scan.msk.s32 $0xffff, v9  }
0x205: {  	v53 =	vsel vm3, v50, v48;
	v54 =	vbroadcast v52, $0xF;
	v55, _, _ =	vpop (xrf0);
	(xrf0) =	vadd.scan.msk.s32 $0xffff, v8  }
0x206: {  	v8 =	vsel vm4, v53, v51;
	v56 =	vbroadcast v55, $0xF;
	v57, _, _ =	vpop (xrf0);
	(xrf0) =	vadd.scan.msk.s32 $0xffff, v7  }
0x207: {  	v6 =	vadd.s32 v6, v14;
	v7, _, _ =	vpop (xrf0);
	v8 =	vsel vm5, v8, v54;
	v58 =	vbroadcast v57, $0xF  }
0x208: {  	v59, _, _ =	vpop (xrf0);
	v8 =	vsel vm6, v8, v56;
	v7 =	vbroadcast v7, $0xF  }
0x209: {  	v8 =	vsel vm7, v8, v58;
	v60 =	vbroadcast v59, $0xF;
	v61, _, _ =	vpop (xrf0)  }
0x20a: {  	(xrf0) =	vadd.scan.msk.s32 $0xffff, v6;
	v6, _, _ =	vpop (xrf0);
	v7 =	vsel vm8, v8, v7;
	v8 =	vbroadcast v61, $0xF  }
0x20b: {  	v62, _, _ =	vpop (xrf0);
	v7 =	vsel vm9, v7, v60;
	v6 =	vbroadcast v6, $0xF  }
0x20c: {  	v7 =	vsel vm10, v7, v8;
	v63, _, _ =	vpop (xrf0)  }
0x20d: {  	v6 =	vsel vm11, v7, v6;
	v7 =	vbroadcast v63, $0xF  }
0x20e: {  	v8 =	vbroadcast v62, $0xF;
	_ =	sdelay $0x1  }
0x20f: {  	v6 =	vsel vm12, v6, v8  }
0x210: {  	v6 =	vsel vm13, v6, v7;
	v7, _, _ =	vpop (xrf0)  }
0x211: {  	v6 =	vsel vm14, v6, v7  }
0x212: {  	[tilespmem:$0x11100] =	vst v6  }
0x213: {  	[spmem:s9] =	stream.linear.scatter [tilespmem:s18], [sflag:$0x1], $0x10, $0x38;
	[tilespmem:$0x12310] =	vst v63  }
0x214: {  	_ =	swait.ge [sflag:s13], $0x10  }
0x215: {  	[sflag:s13] =	ssyncset.done $0x0  }
0x216: {  	[sflag:s13] =	ssyncadd.s32 $0xFFFFFFF0  }
0x217: {  	s0 =	simm.s32 $0x11180;
	[bflag:$0x0] =	sbarrier.arrive $0xFFFF  }
0x218: {  	[tilespmem:s0], [sflag:$0x1] =	stream.linear.gather [spmem:s4], $0x100, $0x38;
	[tilespmem:$0x12310] =	vst v63  }
0x219: {  	_ =	swait.ge [sflag:s13], $0x100  }
0x21a: {  	[sflag:s13] =	ssyncset.done $0x0  }
0x21b: {  	[sflag:s13] =	ssyncadd.s32 $0xFFFFFF00  }
0x21c: {  	v6 =	vld [tilespmem:s0+$0x0];
	_ =	sdelay $0x4  }
0x21d: {  	s31 =	simm.s32 $0x11190;
	(xrf0) =	vadd.scan.msk.s32 $0xffff, v6  }
0x21e: {  	v7 =	vld [tilespmem:s31+$0x0];
	_ =	sdelay $0x3  }
0x21f: {  	s25 =	simm.s32 $0x0  }
0x220: {  	s26 =	simm.s32 $0x2;
	s28 =	simm.s32 $0x111A0;
	s0 =	simm.s32 $0x1;
	v6 =	vimm.s32 $0x0;
	(xrf0) =	vadd.scan.msk.s32 $0xffff, v7;
	v7, _, _ =	vpop (xrf0)  }
.LBB2_32:
0x221: {  	p0 =	sne.s32 s26, $0xF  }
0x222: {  	v8 =	vld [tilespmem:s28+$0x0];
	v9 =	vmov s25;
	v7 =	vbroadcast v7, $0xF;
	s25 =	smov.u32 s0;
	s0 =	smov.u32 s26;
	s26 =	sadd.s32 $0x1, s26  }
.Ltmp15:
0x223: {  	vm0 =	veq.s32 v9, v0;
	(pc) =	sbr.rel @p0 .LBB2_32-.Ltmp15, $2  }
0x224: {  	v6 =	vsel vm0, v7, v6;
	_ =	sdelay $0x2  }
0x225: {  	s28 =	sadd.s32 $0x10, s28;
	(xrf0) =	vadd.scan.msk.s32 $0xffff, v8;
	v7, _, _ =	vpop (xrf0)  }
0x226: {  	_ =	sdelay $0x4  }
0x227: {  	v8 =	vmov s25;
	v7 =	vbroadcast v7, $0xF;
	v9, _, _ =	vpop (xrf0)  }
0x228: {  	v60 =	vmov s0;
	vm0 =	veq.s32 v8, v0;
	v9 =	vbroadcast v9, $0xF  }
0x229: {  	v6 =	vsel vm0, v7, v6;
	vm0 =	veq.s32 v60, v0  }
0x22a: {  	v6 =	vsel vm0, v9, v6  }
0x22b: {  	v6 =	vperm.xlane v6, v4;
	_ =	sdelay $0x1  }
0x22c: {  	(xrf0) =	vadd.scan.msk.s32 $0xffff, v6;
	_ =	sdelay $0x5  }
0x22d: {  	v7, _, _ =	vpop (xrf0)  }
0x22e: {  	vm0 =	vge.s32 v7, s24  }
0x22f: {  	v61 =	vmctz.xlane vm0;
	_ =	sdelay $0x1  }
0x230: {  	(v2sf) =	vpush v61, $0x0;
	_ =	sdelay $0x1  }
0x231: {  	v8 =	vbroadcast v61, $0x0;
	_ =	sdelay $0x1  }
0x232: {  	vm0 =	veq.s32 v8, v0  }
0x233: {  	v7 =	vnsel vm0, $0x0, v7  }
0x234: {  	v6 =	vnsel vm0, $0x0, v6;
	(xrf0) =	vadd.scan.msk.s32 $0xffff, v7  }
0x235: {  	(xrf0) =	vadd.scan.msk.s32 $0xffff, v6;
	_ =	sdelay $0x4  }
0x236: {  	v6, _, _ =	vpop (xrf0)  }
0x237: {  	(v2sf) =	vpush v6, $0xF;
	v6, _, _ =	vpop (xrf0)  }
0x238: {  	(v2sf) =	vpush v6, $0xF  }
0x239: {  	s31 =	spop (v2sf)  }
0x23a: {  	s29 =	sshll.u32 s31, $0x4  }
0x23b: {  	s0 =	ssub.s32 $0x11270, s29  }
0x23c: {  	v6 =	vld [tilespmem:s0+$0x0];
	_ =	sdelay $0x4  }
0x23d: {  	v6 =	vperm.xlane v6, v4;
	_ =	sdelay $0x1  }
0x23e: {  	(xrf0) =	vadd.scan.msk.s32 $0xffff, v6;
	_ =	sdelay $0x2  }
0x23f: {  	s25 =	spop (v2sf)  }
0x240: {  	s26 =	spop (v2sf)  }
0x241: {  	s0 =	ssub.s32 s26, s25  }
0x242: {  	s25 =	sadd.s32 s24, s0;
	v7, _, _ =	vpop (xrf0)  }
0x243: {  	vm0 =	vge.s32 v7, s25  }
0x244: {  	v62 =	vmctz.xlane vm0;
	_ =	sdelay $0x1  }
0x245: {  	v63 =	vbroadcast v62, $0x0;
	_ =	sdelay $0x1  }
0x246: {  	vm0 =	veq.s32 v63, v0  }
0x247: {  	v7 =	vnsel vm0, $0x0, v7  }
0x248: {  	v6 =	vnsel vm0, $0x0, v6;
	(xrf0) =	vadd.scan.msk.s32 $0xffff, v7  }
0x249: {  	(xrf0) =	vadd.scan.msk.s32 $0xffff, v6;
	_ =	sdelay $0x4  }
0x24a: {  	(v2sf) =	vpush v62, $0x0;
	v6, _, _ =	vpop (xrf0)  }
0x24b: {  	(v2sf) =	vpush v6, $0xF;
	v6, _, _ =	vpop (xrf0)  }
0x24c: {  	(v2sf) =	vpush v6, $0xF  }
0x24d: {  	(v2sf) =	vpush v5, $0x0;
	_ =	sdelay $0xb  }
0x24e: {  	s30 =	spop (v2sf)  }
0x24f: {  	s26 =	spop (v2sf)  }
0x250: {  	s28 =	spop (v2sf)  }
0x251: {  	s31 =	spop (v2sf)  }
0x252: {  	s0 =	sadd.s32 $0xF, s31  }
0x253: {  	s0 =	sshra.s32 s0, $0x4  }
0x254: {  	p0 =	slt.s32 s0, $0x1  }
.Ltmp16:
0x255: {  	_ = 	snop;
	(pc) =	sbr.rel @p0 .LBB2_41-.Ltmp16, $3  }
0x256: {  	_ =	sdelay $0x1  }
0x257: {  	s24 =	sadd.s32 s30, s29  }
0x258: {  	s24 =	ssub.s32 $0xFF, s24  }
0x259: {  	p1 =	sne.s32 s0, $0x1  }
.Ltmp17:
0x25a: {  	_ = 	snop;
	(pc) =	sbr.rel @!p1 .LBB2_35-.Ltmp17, $3  }
0x25b: {  	_ =	sdelay $0x1  }
0x25c: {  	s30 =	simm.s32 $0xD000  }
0x25d: {  	v10 =	vimm.s32 $0x0;
	v7 =	vmov s24;
	s29 =	simm.s32 $0x0;
	s0 =	sadd.s32 $0xFFFFFFFF, s0;
	p0 =	por $0x0, $0x0;
	v6 =	vld [tilespmem:s30+$0x0]  }
0x25e: {  	_ =	sdelay $0x3  }
0x25f: {  	v8 =	vor.u32 s29, v0;
	v9 =	vshrl.u32 v6, $0x8  }
0x260: {  	vm1 =	vlt.s32 v10, $0x3FF1;
	vm0 =	vlt.s32 v8, v5;
	v8 =	vand.u32 $0xFF, v9  }
0x261: {  	vm0 =	vmand vm0, vm1;
	vm15 =	veq.s32 v8, v7  }
0x262: {  	vm0 =	vmand vm0, vm15  }
0x263: {  	v8 =	vsel vm0, $0x1, v1  }
0x264: {  	(xrf0) =	vadd.scan.msk.s32 $0xffff, v8;
	_ =	sdelay $0x4  }
0x265: {  	v8 =	vshll.u32 v6, $0x4  }
0x266: {  	v8 =	vor.u32 v0, v8;
	v9, _, _ =	vpop (xrf0)  }
0x267: {  	v8 =	vand.u32 $0xFFF, v8;
	v9 =	vadd.s32 v9, v10  }
0x268: {  	v11 =	vadd.s32 $0xFFFFFFFF, v9  }
0x269: {  	p1 =	sne.s32 s0, $0x1  }
.Ltmp18:
0x26a: {  	_ = 	snop;
	(pc) =	sbr.rel @!p1 .LBB2_37-.Ltmp18, $4  }
0x26b: {  	v9 =	vmpcnt.ones.xlane vm0  }
0x26c: {  	[tilespmem:v8+s14+$0x0] =	vst.idx.add.s32.msk vm0, v3  }
0x26d: {  	s31 =	simm.s32 $0xD010;
	v9 =	vadd.s32 v10, v9;
	[tilespmem:v11+s19+$0x0] =	vst.idx.msk vm0, v6  }
0x26e: {  	s0 =	sadd.s32 $0xFFFFFFFF, s0;
	p0 =	por $0x1, $0x1;
	s30 =	simm.s32 $0x0;
	v8 =	vmov v9;
	v6 =	vld [tilespmem:s31+$0x0]  }
.LBB2_38:
0x26f: {  	p1 =	sne.s32 s0, $0x1;
	_ =	sdelay $0x2  }
0x270: {  	s30 =	sadd.s32 $0x10, s30  }
0x271: {  	v10 =	vor.u32 s30, v0;
	v11 =	vshrl.u32 v6, $0x8;
	v12 =	vshll.u32 v6, $0x4  }
0x272: {  	vm1 =	vlt.s32 v9, $0x3FF1;
	vm0 =	vlt.s32 v10, v5;
	v10 =	vand.u32 $0xFF, v11  }
0x273: {  	vm0 =	vmand vm0, vm1;
	vm15 =	veq.s32 v10, v7  }
0x274: {  	v10 =	vor.u32 v0, v12;
	vm0 =	vmand vm0, vm15  }
0x275: {  	v10 =	vand.u32 $0xFFF, v10;
	v11 =	vsel vm0, $0x1, v1;
	v12 =	vmpcnt.ones.xlane vm0  }
0x276: {  	(xrf0) =	vadd.scan.msk.s32 $0xffff, v11  }
0x277: {  	v9 =	vadd.s32 v9, v12;
	_ =	sdelay $0x2  }
0x278: {  	[tilespmem:v10+s14+$0x0] =	vst.idx.add.s32.msk vm0, v3;
	_ =	sdelay $0x1  }
0x279: {  	v10, _, _ =	vpop (xrf0)  }
0x27a: {  	v10 =	vadd.s32 v10, v8;
	v8 =	vmov v9  }
0x27b: {  	v10 =	vadd.s32 $0xFFFFFFFF, v10;
	_ =	sdelay $0x1  }
.Ltmp19:
0x27c: {  	(pc) =	sbr.rel @p1 .LBB2_38-.Ltmp19, $3  }
0x27d: {  	_ =	sdelay $0x1  }
0x27e: {  	s31 =	sadd.s32 $0x10, s31;
	[tilespmem:v10+s19+$0x0] =	vst.idx.msk vm0, v6  }
0x27f: {  	s0 =	sadd.s32 $0xFFFFFFFF, s0;
	v6 =	vld [tilespmem:s31+$0x0]  }
0x280: {  	v10 =	vmov v9  }
.LBB2_40:
0x281: {  	_ = 	snop  }
0x282: {  	s0 =	sadd.s32 @p0 $0x10, s30  }
0x283: {  	s29 =	smov.u32 @p0 s0  }
0x284: {  	v9 =	vor.u32 s29, v0;
	v11 =	vshrl.u32 v6, $0x8  }
0x285: {  	vm1 =	vlt.s32 v10, $0x3FF1;
	vm0 =	vlt.s32 v9, v5;
	v5 =	vand.u32 $0xFF, v11  }
0x286: {  	vm0 =	vmand vm0, vm1;
	vm15 =	veq.s32 v5, v7  }
0x287: {  	vm0 =	vmand vm0, vm15  }
0x288: {  	v5 =	vsel vm0, $0x1, v1  }
0x289: {  	(xrf0) =	vadd.scan.msk.s32 $0xffff, v5;
	_ =	sdelay $0x4  }
0x28a: {  	v5 =	vshll.u32 v6, $0x4  }
0x28b: {  	v5 =	vor.u32 v0, v5;
	v7, _, _ =	vpop (xrf0)  }
0x28c: {  	v5 =	vand.u32 $0xFFF, v5;
	v7 =	vadd.s32 v7, v8  }
0x28d: {  	v7 =	vadd.s32 $0xFFFFFFFF, v7;
	_ =	sdelay $0x3  }
0x28e: {  	[tilespmem:v5+s14+$0x0] =	vst.idx.add.s32.msk vm0, v3  }
0x28f: {  	[tilespmem:v7+s19+$0x0] =	vst.idx.msk vm0, v6  }
.LBB2_41:
0x290: {  	[spmem:s7] =	stream.strided.scatter [tilespmem:s14], [sflag:$0x1], $0x1000, s16, s15, $0x38;
	[tilespmem:$0x12310] =	vst v63  }
0x291: {  	s0 =	sshll.u32 s22, $0x10;
	s26 =	ssub.s32 s28, s26;
	_ =	swait.ge [sflag:s13], $0x1000  }
0x292: {  	s22 =	sor.u32 s23, s0;
	s23 =	sadd.s32 s25, s26;
	[sflag:s13] =	ssyncset.done $0x0  }
0x293: {  	s0 =	simm.s32 $0x40;
	s26 =	simm.s32 $0x0;
	[sflag:s13] =	ssyncadd.s32 $0xFFFFF000  }
.LBB2_42:
0x294: {  	p0 =	sne.s32 s0, $0x3FC0;
	[tilespmem:s26+$0xC000] =	vst v1;
	s25 =	smov.u32 s0;
	s0 =	sadd.s32 $0x40, s0  }
.Ltmp20:
0x295: {  	(pc) =	sbr.rel @p0 .LBB2_42-.Ltmp20, $2  }
0x296: {  	_ =	sdelay $0x2  }
0x297: {  	s26 =	sshra.s32 s25, $0x2  }
0x298: {  	s25 =	simm.s32 $0x0  }
0x299: {  	s0 =	sand.u32 $0x8000, s25  }
0x29a: {  	[tilespmem:s26+$0xC000] =	vst v1;
	s31 =	sand.u32 $0x380, s25;
	s0 =	sadd.s32 s0, s8  }
0x29b: {  	[bflag:$0x0] =	sbarrier.arrive $0xFFFF;
	s0 =	sadd.s32 s31, s0  }
0x29c: {  	[tilespmem:s17], [sflag:$0x1] =	stream.strided.gather [spmem:s0], $0x100, s16, s15, $0x38;
	[tilespmem:$0x12310] =	vst v63  }
0x29d: {  	_ =	swait.ge [sflag:s13], $0x100  }
0x29e: {  	[sflag:s13] =	ssyncset.done $0x0  }
0x29f: {  	v5 =	vimm.s32 $0x0;
	[sflag:s13] =	ssyncadd.s32 $0xFFFFFF00  }
0x2a0: {  	v9 =	vimm.s32 $0x0;
	v6 =	vimm.s32 $0x0;
	v7 =	vimm.s32 $0x0;
	v13 =	vld [tilespmem:$0x110F0]  }
0x2a1: {  	v8 =	vimm.s32 $0x0;
	v10 =	vimm.s32 $0x0;
	v11 =	vimm.s32 $0x0;
	v23 =	vld [tilespmem:$0x110B0]  }
0x2a2: {  	v12 =	vimm.s32 $0x0;
	v14 =	vimm.s32 $0x0;
	v15 =	vimm.s32 $0x0;
	v18 =	vld [tilespmem:$0x110E0]  }
0x2a3: {  	v16 =	vimm.s32 $0x0;
	v17 =	vimm.s32 $0x0;
	v19 =	vimm.s32 $0x0;
	v21 =	vld [tilespmem:$0x110D0]  }
0x2a4: {  	s26 =	simm.s32 $0x1000;
	v20 =	vimm.s32 $0x0;
	v22 =	vimm.s32 $0x0;
	v24 =	vimm.s32 $0x0;
	v25 =	vld [tilespmem:$0x110C0]  }
.LBB2_44:
0x2a5: {  	p0 =	sne.s32 s26, $0xF000  }
0x2a6: {  	v26 =	vld [tilespmem:$0x110A0];
	v5 =	vadd.s32 v5, v13;
	s25 =	sadd.s32 $0x80, s25;
	s0 =	smov.u32 s26;
	s26 =	sadd.s32 $0x1000, s26  }
0x2a7: {  	v13 =	vld [tilespmem:$0x11090];
	v9 =	vadd.s32 v9, v23  }
0x2a8: {  	v23 =	vld [tilespmem:$0x11080];
	v6 =	vadd.s32 v6, v18  }
0x2a9: {  	v18 =	vld [tilespmem:$0x11070];
	v7 =	vadd.s32 v7, v21  }
0x2aa: {  	v21 =	vld [tilespmem:$0x11060];
	v8 =	vadd.s32 v8, v25  }
0x2ab: {  	v25 =	vld [tilespmem:$0x11050];
	v10 =	vadd.s32 v10, v26  }
0x2ac: {  	v26 =	vld [tilespmem:$0x11040];
	v11 =	vadd.s32 v11, v13  }
0x2ad: {  	v13 =	vld [tilespmem:$0x11030];
	v12 =	vadd.s32 v12, v23  }
0x2ae: {  	s0 =	sand.u32 $0x8000, s0;
	v23 =	vld [tilespmem:$0x11020];
	v14 =	vadd.s32 v14, v18  }
0x2af: {  	s28 =	sand.u32 $0x380, s25;
	s0 =	sadd.s32 s0, s8;
	v18 =	vld [tilespmem:$0x11010];
	v15 =	vadd.s32 v15, v21  }
0x2b0: {  	s0 =	sadd.s32 s28, s0;
	v21 =	vld [tilespmem:$0x11000];
	v16 =	vadd.s32 v16, v25  }
0x2b1: {  	[tilespmem:s17], [sflag:$0x1] =	stream.strided.gather [spmem:s0], $0x100, s16, s15, $0x38;
	v17 =	vadd.s32 v17, v26;
	[tilespmem:$0x12310] =	vst v63  }
0x2b2: {  	_ =	swait.ge [sflag:s13], $0x100;
	v19 =	vadd.s32 v19, v13  }
0x2b3: {  	[sflag:s13] =	ssyncset.done $0x0;
	v20 =	vadd.s32 v20, v23  }
0x2b4: {  	[sflag:s13] =	ssyncadd.s32 $0xFFFFFF00;
	v22 =	vadd.s32 v22, v18  }
.Ltmp21:
0x2b5: {  	v13 =	vld [tilespmem:$0x110F0];
	v24 =	vadd.s32 v24, v21;
	(pc) =	sbr.rel @p0 .LBB2_44-.Ltmp21, $4  }
0x2b6: {  	v23 =	vld [tilespmem:$0x110B0]  }
0x2b7: {  	v18 =	vld [tilespmem:$0x110E0]  }
0x2b8: {  	v21 =	vld [tilespmem:$0x110D0]  }
0x2b9: {  	v25 =	vld [tilespmem:$0x110C0]  }
0x2ba: {  	v26 =	vld [tilespmem:$0x11000]  }
0x2bb: {  	v27 =	vld [tilespmem:$0x11010]  }
0x2bc: {  	v28 =	vld [tilespmem:$0x11020]  }
0x2bd: {  	v29 =	vld [tilespmem:$0x11030]  }
0x2be: {  	v30 =	vld [tilespmem:$0x11040]  }
0x2bf: {  	v36 =	vld [tilespmem:$0x11050];
	v24 =	vadd.s32 v24, v26  }
0x2c0: {  	v37 =	vld [tilespmem:$0x11060];
	v22 =	vadd.s32 v22, v27;
	(xrf0) =	vadd.scan.msk.s32 $0xffff, v24  }
0x2c1: {  	v38 =	vld [tilespmem:$0x11070];
	v20 =	vadd.s32 v20, v28;
	(xrf0) =	vadd.scan.msk.s32 $0xffff, v22  }
0x2c2: {  	v39 =	vld [tilespmem:$0x11080];
	v19 =	vadd.s32 v19, v29;
	(xrf0) =	vadd.scan.msk.s32 $0xffff, v20  }
0x2c3: {  	v40 =	vld [tilespmem:$0x11090];
	v17 =	vadd.s32 v17, v30;
	(xrf0) =	vadd.scan.msk.s32 $0xffff, v19  }
0x2c4: {  	v41 =	vld [tilespmem:$0x110A0];
	v16 =	vadd.s32 v16, v36;
	(xrf0) =	vadd.scan.msk.s32 $0xffff, v17  }
0x2c5: {  	v48 =	vld [tilespmem:$0x1FFE0];
	v15 =	vadd.s32 v15, v37;
	(xrf0) =	vadd.scan.msk.s32 $0xffff, v16  }
0x2c6: {  	v51 =	vld [tilespmem:$0x1FFF0];
	v14 =	vadd.s32 v14, v38;
	v42, _, _ =	vpop (xrf0);
	(xrf0) =	vadd.scan.msk.s32 $0xffff, v15  }
0x2c7: {  	v12 =	vadd.s32 v12, v39;
	v43, _, _ =	vpop (xrf0);
	(xrf0) =	vadd.scan.msk.s32 $0xffff, v14  }
0x2c8: {  	v9 =	vadd.s32 v9, v23;
	v11 =	vadd.s32 v11, v40;
	v45, _, _ =	vpop (xrf0);
	(xrf0) =	vadd.scan.msk.s32 $0xffff, v12  }
0x2c9: {  	v10 =	vadd.s32 v10, v41;
	v44 =	vbroadcast v42, $0xF;
	v15 =	vbroadcast v43, $0xF;
	v47, _, _ =	vpop (xrf0);
	(xrf0) =	vadd.scan.msk.s32 $0xffff, v11  }
0x2ca: {  	v6 =	vadd.s32 v6, v18;
	vm0 =	vnez.u8 v48;
	v46 =	vbroadcast v45, $0xF;
	v50, _, _ =	vpop (xrf0);
	(xrf0) =	vadd.scan.msk.s32 $0xffff, v10  }
0x2cb: {  	v11 =	vsel vm0, v44, v15;
	v49 =	vbroadcast v47, $0xF;
	vm0 =	vnez.u8 v51;
	v53, _, _ =	vpop (xrf0)  }
0x2cc: {  	v8 =	vadd.s32 v8, v25;
	v10 =	vsel vm0, v11, v46;
	v52 =	vbroadcast v50, $0xF;
	(xrf0) =	vadd.scan.msk.s32 $0xffff, v9;
	v56, _, _ =	vpop (xrf0)  }
0x2cd: {  	v7 =	vadd.s32 v7, v21;
	v54 =	vsel vm2, v10, v49;
	v55 =	vbroadcast v53, $0xF;
	(xrf0) =	vadd.scan.msk.s32 $0xffff, v8;
	v58, _, _ =	vpop (xrf0)  }
0x2ce: {  	v8 =	vsel vm3, v54, v52;
	v57 =	vbroadcast v56, $0xF;
	(xrf0) =	vadd.scan.msk.s32 $0xffff, v7;
	v59, _, _ =	vpop (xrf0)  }
0x2cf: {  	v7 =	vsel vm4, v8, v55;
	v8 =	vbroadcast v58, $0xF;
	(xrf0) =	vadd.scan.msk.s32 $0xffff, v6;
	v6, _, _ =	vpop (xrf0)  }
0x2d0: {  	v5 =	vadd.s32 v5, v13;
	v7 =	vsel vm5, v7, v57;
	v60 =	vbroadcast v59, $0xF;
	v61, _, _ =	vpop (xrf0)  }
0x2d1: {  	v7 =	vsel vm6, v7, v8;
	v6 =	vbroadcast v6, $0xF;
	v8 =	vbroadcast v61, $0xF  }
0x2d2: {  	v7 =	vsel vm7, v7, v60;
	v62, _, _ =	vpop (xrf0)  }
0x2d3: {  	(xrf0) =	vadd.scan.msk.s32 $0xffff, v5;
	v5, _, _ =	vpop (xrf0);
	v6 =	vsel vm8, v7, v6;
	v7 =	vbroadcast v62, $0xF  }
0x2d4: {  	v63, _, _ =	vpop (xrf0);
	v6 =	vsel vm9, v6, v8;
	v5 =	vbroadcast v5, $0xF  }
0x2d5: {  	v6 =	vsel vm10, v6, v7;
	v8, _, _ =	vpop (xrf0)  }
0x2d6: {  	v5 =	vsel vm11, v6, v5;
	v6 =	vbroadcast v8, $0xF  }
0x2d7: {  	v7 =	vbroadcast v63, $0xF;
	_ =	sdelay $0x1  }
0x2d8: {  	v5 =	vsel vm12, v5, v7  }
0x2d9: {  	v5 =	vsel vm13, v5, v6;
	v6, _, _ =	vpop (xrf0)  }
0x2da: {  	v5 =	vsel vm14, v5, v6  }
0x2db: {  	[tilespmem:$0x11100] =	vst v5  }
0x2dc: {  	[spmem:s9] =	stream.linear.scatter [tilespmem:s18], [sflag:$0x1], $0x10, $0x38;
	[tilespmem:$0x12310] =	vst v63  }
0x2dd: {  	_ =	swait.ge [sflag:s13], $0x10  }
0x2de: {  	[sflag:s13] =	ssyncset.done $0x0  }
0x2df: {  	[sflag:s13] =	ssyncadd.s32 $0xFFFFFFF0  }
0x2e0: {  	s0 =	simm.s32 $0x11180;
	[bflag:$0x0] =	sbarrier.arrive $0xFFFF  }
0x2e1: {  	[tilespmem:s0], [sflag:$0x1] =	stream.linear.gather [spmem:s4], $0x100, $0x38;
	[tilespmem:$0x12310] =	vst v63  }
0x2e2: {  	_ =	swait.ge [sflag:s13], $0x100  }
0x2e3: {  	[sflag:s13] =	ssyncset.done $0x0  }
0x2e4: {  	[sflag:s13] =	ssyncadd.s32 $0xFFFFFF00  }
0x2e5: {  	v5 =	vld [tilespmem:s0+$0x0];
	_ =	sdelay $0x4  }
0x2e6: {  	s31 =	simm.s32 $0x11190;
	(xrf0) =	vadd.scan.msk.s32 $0xffff, v5  }
0x2e7: {  	v6 =	vld [tilespmem:s31+$0x0];
	_ =	sdelay $0x3  }
0x2e8: {  	s25 =	simm.s32 $0x0  }
0x2e9: {  	s26 =	simm.s32 $0x2;
	s28 =	simm.s32 $0x111A0;
	s0 =	simm.s32 $0x1;
	v5 =	vimm.s32 $0x0;
	(xrf0) =	vadd.scan.msk.s32 $0xffff, v6;
	v6, _, _ =	vpop (xrf0)  }
.LBB2_46:
0x2ea: {  	p0 =	sne.s32 s26, $0xF  }
0x2eb: {  	v7 =	vld [tilespmem:s28+$0x0];
	v8 =	vmov s25;
	v6 =	vbroadcast v6, $0xF;
	s25 =	smov.u32 s0;
	s0 =	smov.u32 s26;
	s26 =	sadd.s32 $0x1, s26  }
.Ltmp22:
0x2ec: {  	vm0 =	veq.s32 v8, v0;
	(pc) =	sbr.rel @p0 .LBB2_46-.Ltmp22, $2  }
0x2ed: {  	v5 =	vsel vm0, v6, v5;
	_ =	sdelay $0x2  }
0x2ee: {  	s28 =	sadd.s32 $0x10, s28;
	(xrf0) =	vadd.scan.msk.s32 $0xffff, v7;
	v6, _, _ =	vpop (xrf0)  }
0x2ef: {  	_ =	sdelay $0x4  }
0x2f0: {  	v7 =	vmov s25;
	v6 =	vbroadcast v6, $0xF;
	v8, _, _ =	vpop (xrf0)  }
0x2f1: {  	vm0 =	veq.s32 v7, v0;
	v7 =	vmov s0;
	v8 =	vbroadcast v8, $0xF  }
0x2f2: {  	v5 =	vsel vm0, v6, v5;
	vm0 =	veq.s32 v7, v0  }
0x2f3: {  	v5 =	vsel vm0, v8, v5  }
0x2f4: {  	v5 =	vperm.xlane v5, v4;
	_ =	sdelay $0x1  }
0x2f5: {  	(xrf0) =	vadd.scan.msk.s32 $0xffff, v5;
	_ =	sdelay $0x5  }
0x2f6: {  	v6, _, _ =	vpop (xrf0)  }
0x2f7: {  	vm0 =	vge.s32 v6, s23  }
0x2f8: {  	v7 =	vmctz.xlane vm0;
	_ =	sdelay $0x1  }
0x2f9: {  	(v2sf) =	vpush v7, $0x0;
	_ =	sdelay $0x2  }
0x2fa: {  	v7 =	vbroadcast v7, $0x0;
	_ =	sdelay $0x1  }
0x2fb: {  	vm0 =	veq.s32 v7, v0  }
0x2fc: {  	v6 =	vnsel vm0, $0x0, v6  }
0x2fd: {  	v5 =	vnsel vm0, $0x0, v5;
	(xrf0) =	vadd.scan.msk.s32 $0xffff, v6  }
0x2fe: {  	(xrf0) =	vadd.scan.msk.s32 $0xffff, v5;
	_ =	sdelay $0x4  }
0x2ff: {  	v5, _, _ =	vpop (xrf0)  }
0x300: {  	(v2sf) =	vpush v5, $0xF;
	v5, _, _ =	vpop (xrf0)  }
0x301: {  	s25 =	spop (v2sf);
	(v2sf) =	vpush v5, $0xF  }
0x302: {  	s0 =	sshll.u32 s25, $0x4  }
0x303: {  	s26 =	ssub.s32 $0x11270, s0  }
0x304: {  	v5 =	vld [tilespmem:s26+$0x0];
	_ =	sdelay $0x4  }
0x305: {  	v5 =	vperm.xlane v5, v4;
	_ =	sdelay $0x1  }
0x306: {  	(xrf0) =	vadd.scan.msk.s32 $0xffff, v5;
	_ =	sdelay $0x3  }
0x307: {  	s28 =	spop (v2sf)  }
0x308: {  	s29 =	ssub.s32 s23, s28;
	s30 =	spop (v2sf)  }
0x309: {  	s23 =	sadd.s32 s30, s29;
	v5, _, _ =	vpop (xrf0)  }
0x30a: {  	vm0 =	vge.s32 v5, s23  }
0x30b: {  	v5 =	vmctz.xlane vm0;
	_ =	sdelay $0x1  }
0x30c: {  	(v2sf) =	vpush v5, $0x0;
	_ =	sdelay $0xc  }
0x30d: {  	s23 =	simm.s32 $0x0  }
0x30e: {  	[tilespmem:s20], [sflag:$0x1] =	stream.linear.gather [hbm4b:s10+s23], $0x10, $0x38;
	[tilespmem:$0x12310] =	vst v63  }
0x30f: {  	s31 =	spop (v2sf)  }
0x310: {  	_ =	swait.ge [sflag:s13], $0x10  }
0x311: {  	[sflag:s13] =	ssyncset.done $0x0  }
0x312: {  	[sflag:s13] =	ssyncadd.s32 $0xFFFFFFF0  }
0x313: {  	v5 =	vld [tilespmem:$0x11280];
	_ =	sdelay $0x1  }
0x314: {  	s24 =	sshll.u32 s24, $0x8;
	s0 =	sadd.s32 s31, s0  }
0x315: {  	s22 =	sor.u32 s24, s22;
	s0 =	ssub.s32 $0xFF, s0  }
0x316: {  	s0 =	sor.u32 s0, s22  }
0x317: {  	vm0 =	vgt.s32 v5, s0  }
0x318: {  	v5 =	vnsel vm0, s0, v5  }
0x319: {  	v5 =	vxor.u32 $0x80000000, v5  }
.LBB2_48:
0x31a: {  	s0 =	sshll.u32 s23, $0x4  }
0x31b: {  	s22 =	sadd.s32 s11, s0  }
0x31c: {  	v6 =	vmov s23;
	s0 =	sadd.s32 s1, s22  }
0x31d: {  	vm0 =	veq.s32 v6, v0;
	[tilespmem:s21], [sflag:$0x1] =	stream.strided.gather [hbm4b:s0+s15], $0x8000, s16, s15, $0x38;
	[tilespmem:$0x12310] =	vst v63  }
0x31e: {  	v6 =	vnsel vm0, $0x0, v5;
	_ =	swait.ge [sflag:s13], $0x8000  }
0x31f: {  	(xrf0) =	vmax.scan.msk.u32 $0xffff, v6;
	_ =	sdelay $0x5  }
0x320: {  	v6, _, _ =	vpop (xrf0)  }
0x321: {  	(v2sf) =	vpush v6, $0xF;
	_ =	sdelay $0x7  }
0x322: {  	[sflag:s13] =	ssyncset.done $0x0  }
0x323: {  	s24 =	simm.s32 $0x0;
	[sflag:s13] =	ssyncadd.s32 $0xFFFF8000  }
0x324: {  	v11 =	vld [tilespmem:s24+$0x4030];
	_ =	sdelay $0x2  }
0x325: {  	v9 =	vld [tilespmem:s24+$0x4020]  }
0x326: {  	v7 =	vld [tilespmem:s24+$0x4000]  }
0x327: {  	v8 =	vshra.s32 v11, $0x1F;
	s31 =	spop (v2sf)  }
0x328: {  	v8 =	vand.u32 $0x7FFFFFFF, v8;
	s0 =	sxor.u32 $0x80000000, s31  }
0x329: {  	v8 =	vxor.u32 v11, v8;
	v6 =	vmov s0  }
0x32a: {  	v10 =	vshra.s32 v9, $0x1F;
	vm0 =	vlt.s32 v8, v6;
	v8 =	vld [tilespmem:s24+$0x4010]  }
0x32b: {  	v12 =	vshra.s32 v7, $0x1F;
	v10 =	vand.u32 $0x7FFFFFFF, v10  }
0x32c: {  	v12 =	vand.u32 $0x7FFFFFFF, v12;
	v13 =	vxor.u32 v9, v10  }
0x32d: {  	s25 =	simm.s32 $0x100;
	v10 =	vxor.u32 v7, v12;
	s0 =	simm.s32 $0x200;
	vm15 =	vlt.s32 v13, v6;
	v11 =	vsel vm0, $0x0, v11  }
.LBB2_49:
0x32e: {  	p0 =	sne.s32 s0, $0x1FF00  }
0x32f: {  	s26 =	sshra.s32 s25, $0x2;
	vm0 =	vlt.s32 v10, v6;
	v10 =	vshra.s32 v8, $0x1F;
	v9 =	vsel vm15, $0x0, v9;
	[tilespmem:s24+$0x4030] =	vst v11;
	s25 =	smov.u32 s0;
	s0 =	sadd.s32 $0x100, s0  }
0x330: {  	v11 =	vld [tilespmem:s26+$0x4030];
	v7 =	vsel vm0, $0x0, v7;
	v10 =	vand.u32 $0x7FFFFFFF, v10;
	[tilespmem:s24+$0x4020] =	vst v9  }
0x331: {  	v9 =	vld [tilespmem:s26+$0x4020];
	[tilespmem:s24+$0x4000] =	vst v7;
	v10 =	vxor.u32 v8, v10  }
0x332: {  	v7 =	vld [tilespmem:s26+$0x4000];
	vm0 =	vlt.s32 v10, v6  }
0x333: {  	v8 =	vsel vm0, $0x0, v8  }
0x334: {  	[tilespmem:s24+$0x4010] =	vst v8;
	s24 =	smov.u32 s26  }
.Ltmp23:
0x335: {  	v8 =	vld [tilespmem:s24+$0x4010];
	v10 =	vshra.s32 v11, $0x1F;
	(pc) =	sbr.rel @p0 .LBB2_49-.Ltmp23, $4  }
0x336: {  	v12 =	vshra.s32 v9, $0x1F;
	v10 =	vand.u32 $0x7FFFFFFF, v10  }
0x337: {  	v13 =	vshra.s32 v7, $0x1F;
	v12 =	vand.u32 $0x7FFFFFFF, v12;
	v10 =	vxor.u32 v11, v10  }
0x338: {  	v13 =	vand.u32 $0x7FFFFFFF, v13;
	v12 =	vxor.u32 v9, v12;
	vm0 =	vlt.s32 v10, v6  }
0x339: {  	v10 =	vxor.u32 v7, v13;
	vm15 =	vlt.s32 v12, v6;
	v11 =	vsel vm0, $0x0, v11  }
0x33a: {  	v55 =	vshra.s32 v8, $0x1F  }
0x33b: {  	s0 =	sshra.s32 s25, $0x2;
	[tilespmem:s24+$0x4030] =	vst v11;
	v9 =	vsel vm15, $0x0, v9;
	vm0 =	vlt.s32 v10, v6;
	v56 =	vand.u32 $0x7FFFFFFF, v55  }
0x33c: {  	v12 =	vld [tilespmem:s0+$0x4030];
	[tilespmem:s24+$0x4020] =	vst v9;
	v7 =	vsel vm0, $0x0, v7;
	v10 =	vxor.u32 v8, v56  }
0x33d: {  	v9 =	vld [tilespmem:s0+$0x4020];
	[tilespmem:s24+$0x4000] =	vst v7;
	vm0 =	vlt.s32 v10, v6  }
0x33e: {  	v7 =	vld [tilespmem:s0+$0x4000];
	v57 =	vsel vm0, $0x0, v8  }
0x33f: {  	[tilespmem:s24+$0x4010] =	vst v57  }
0x340: {  	v8 =	vld [tilespmem:s0+$0x4010]  }
0x341: {  	v58 =	vshra.s32 v12, $0x1F  }
0x342: {  	v10 =	vand.u32 $0x7FFFFFFF, v58  }
0x343: {  	v59 =	vshra.s32 v9, $0x1F;
	v13 =	vshra.s32 v7, $0x1F;
	v10 =	vxor.u32 v12, v10  }
0x344: {  	v11 =	vand.u32 $0x7FFFFFFF, v59;
	v13 =	vand.u32 $0x7FFFFFFF, v13;
	vm0 =	vlt.s32 v10, v6  }
0x345: {  	v60 =	vxor.u32 v9, v11;
	v61 =	vsel vm0, $0x0, v12;
	v62 =	vshra.s32 v8, $0x1F  }
0x346: {  	v13 =	vxor.u32 v7, v13;
	vm0 =	vlt.s32 v60, v6;
	v63 =	vand.u32 $0x7FFFFFFF, v62  }
0x347: {  	vm1 =	vlt.s32 v13, v6;
	v9 =	vsel vm0, $0x0, v9;
	[tilespmem:s0+$0x4030] =	vst v61;
	v10 =	vxor.u32 v8, v63  }
0x348: {  	s23 =	sadd.s32 $0x1, s23;
	v7 =	vsel vm1, $0x0, v7;
	[tilespmem:s0+$0x4020] =	vst v9;
	vm0 =	vlt.s32 v10, v6  }
0x349: {  	p0 =	sne.s32 s23, $0x4;
	[tilespmem:s0+$0x4000] =	vst v7;
	v6 =	vsel vm0, $0x0, v8  }
.Ltmp24:
0x34a: {  	s31 =	sadd.s32 s2, s22;
	[tilespmem:s0+$0x4010] =	vst v6;
	(pc) =	sbr.rel @p0 .LBB2_48-.Ltmp24, $4  }
0x34b: {  	[hbm4b:s31+s15] =	stream.strided.scatter [tilespmem:s21], [sflag:$0x1], $0x8000, s16, s15, $0x38;
	[tilespmem:$0x12310] =	vst v63  }
0x34c: {  	_ =	swait.ge [sflag:s13], $0x8000  }
0x34d: {  	[sflag:s13] =	ssyncset.done $0x0  }
0x34e: {  	[sflag:s13] =	ssyncadd.s32 $0xFFFF8000  }
0x34f: {  	s5 =	sadd.s32 $0x1, s5  }
0x350: {  	p0 =	sne.s32 s5, s12  }
.Ltmp25:
0x351: {  	_ = 	snop;
	(pc) =	sbr.rel @p0 .LBB2_1-.Ltmp25, $4  }
.Ltmp26:
0x352: {  	_ = 	snop;
	(pc) =	sbr.rel @!p0 .LBB2_52-.Ltmp26, $4  }
0x353: {  	_ = 	snop  }
0x354: {  	_ = 	snop  }
0x355: {  	_ = 	snop  }
0x356: {  	_ = 	snop  }
.LBB2_21:
.Ltmp27:
0x357: {  	(pc) =	sbr.rel .LBB2_26-.Ltmp27, $2  }
0x358: {  	_ =	sdelay $0x2  }
0x359: {  	s29 =	simm.s32 $0x0;
	v9 =	vimm.s32 $0x0  }
.LBB2_35:
.Ltmp28:
0x35a: {  	(pc) =	sbr.rel .LBB2_40-.Ltmp28, $2  }
0x35b: {  	_ =	sdelay $0x2  }
0x35c: {  	s30 =	simm.s32 $0x0;
	v8 =	vimm.s32 $0x0  }
.LBB2_23:
.Ltmp29:
0x35d: {  	(pc) =	sbr.rel .LBB2_26-.Ltmp29, $2  }
0x35e: {  	_ =	sdelay $0x2  }
0x35f: {  	s29 =	simm.s32 $0x0;
	v5 =	vmov v10;
	v9 =	vmov v10  }
.LBB2_37:
.Ltmp30:
0x360: {  	(pc) =	sbr.rel .LBB2_40-.Ltmp30, $2  }
0x361: {  	_ =	sdelay $0x2  }
0x362: {  	s30 =	simm.s32 $0x0;
	v10 =	vmov v9;
	v8 =	vmov v9  }
.LBB2_52:
0x363: {  	_ =	sfence.sel $0x180000  }
0x364: {  	[bflag:$0x0] =	sbarrier.arrive $0xFFFF  }
0x365: {  	_ =	strace $0x9000004A  }
0x366: {  	[bflag:$0x2] =	sbarrier.arrive $0xFFFF  }
0x367: {  	p0 =	sne.s32 s3, $0x0;
	s0 =	rddreg [dreg:$0x5]  }
0x368: {  	s0 =	sadd.s32 @!p0 $0x100000, s0  }
0x369: {  	[sflag:s0] =	ssyncadd.tile.s32 @!p0 $0x1;
	_ =	shalt  }
.Lfunc_end2:
_tile_overlayer_lowered:
.L_overlay_start_2:
0x36a: {  	(tag) =	ssettag $0x2  }
0x36b: {  	s0 =	rddreg [dreg:$0x0];
	s2 =	stileid.u32  }
0x36c: {  	s1 =	rddreg [dreg:$0x1];
	p0 =	sne.s32 s2, $0x0  }
0x36d: {  	s3 =	rddreg [dreg:$0x2];
	[bflag:$0x3] =	sbarrier.arrive $0xFFFF;
	s2 =	simm.s32 @!p0 $0x1C01  }
0x36e: {  	[timem:s3], [sflag:s2] =	dma.local @!p0 [hbm:s0], s1  }
0x36f: {  	s0 =	simm.s32 @!p0 $0x1  }
0x370: {  	_ =	swait.ge @!p0 [sflag:s0], s1  }
0x371: {  	s1 =	ssub.s32 @!p0 $0x0, s1;
	[sflag:s0] =	ssyncset.done @!p0 $0x0  }
0x372: {  	[sflag:s0] =	ssyncadd.s32 @!p0 s1  }
0x373: {  	[bflag:$0x3] =	sbarrier.arrive $0xFFFF  }
0x374: {  	_ =	shalt  }

</sc_bundles>
